<compile_context>
chip_gen: v7x
topology: tpu7x:2x2x1
jax: 0.10.2.dev20260603
libtpu: 0.0.44.dev20260713+nightly
codegen_flags: <defaults>
</compile_context>

<pallas_src>
import functools

import jax
import jax.numpy as jnp
from jax import lax
from jax.experimental import pallas as pl
from jax.experimental.pallas import tpu as pltpu
from jax.experimental.pallas import tpu_sc as plsc

N = 10000
D = 128
C = 64
E = 320000

NC = 2
NS = 16
NW = NC * NS
CHUNK = 128
NCHUNK = 80
NSUB = 1
SUB = CHUNK // NSUB
EPT = CHUNK * NCHUNK
EPAD = EPT * NW
SHIFT = 14
MASK = (1 << SHIFT) - 1
ACC_ROWS_PER_TILE = 632
NPAD = NS * ACC_ROWS_PER_TILE
ZCHUNKS = ACC_ROWS_PER_TILE // CHUNK
ZREM = ACC_ROWS_PER_TILE - ZCHUNKS * CHUNK
LANES = 16

_mesh = plsc.VectorSubcoreMesh(core_axis_name="c", subcore_axis_name="s")


def _zero_acc_slice(zeros2d, zbuf, acc, s):
    pltpu.sync_copy(zeros2d, zbuf)
    zbase = s * ACC_ROWS_PER_TILE
    for t in range(ZCHUNKS):
        pltpu.sync_copy(zbuf, acc.at[pl.ds(zbase + t * CHUNK, CHUNK)])
    pltpu.sync_copy(zbuf.at[pl.ds(0, ZREM)],
                    acc.at[pl.ds(zbase + ZCHUNKS * CHUNK, ZREM)])


PGCH = NCHUNK // 2


@functools.partial(
    pl.kernel,
    out_type=jax.ShapeDtypeStruct((NC, NPAD, D), jnp.float32),
    mesh=_mesh,
    scratch_types=[
        pltpu.VMEM((PGCH, CHUNK), jnp.int32),
        pltpu.VMEM((PGCH, CHUNK), jnp.int32),
        pltpu.VMEM((CHUNK, D), jnp.float32),
        pltpu.VMEM((CHUNK, D), jnp.float32),
        pltpu.SemaphoreType.DMA,
        pltpu.SemaphoreType.DMA,
        pltpu.VMEM_SHARED((NPAD, D), jnp.float32),
    ],
)
def _sc_prop(hws, src_t, dst_t, zeros2d, out, srcp, dstp, buf0, buf1,
             sem0, sem1, acc):
    c = lax.axis_index("c")
    s = lax.axis_index("s")
    wid = c * NS + s
    _zero_acc_slice(zeros2d, buf0, acc, s)
    plsc.subcore_barrier()

    def gissue(j, buf, sem):
        pltpu.async_copy(hws.at[srcp.at[j]], buf, sem)

    def gwait(j, buf, sem):
        pltpu.make_async_copy(hws.at[srcp.at[j]], buf, sem).wait()

    for pg in range(2):
        pltpu.sync_copy(src_t.at[wid].at[pl.ds(pg * PGCH, PGCH)], srcp)
        pltpu.sync_copy(dst_t.at[wid].at[pl.ds(pg * PGCH, PGCH)], dstp)
        gissue(0, buf0, sem0)
        gissue(1, buf1, sem1)

        def body(i, carry):
            j = 2 * i
            gwait(j, buf0, sem0)
            pltpu.sync_copy(buf0, acc.at[dstp.at[j]], add=True)
            gissue(j + 2, buf0, sem0)
            gwait(j + 1, buf1, sem1)
            pltpu.sync_copy(buf1, acc.at[dstp.at[j + 1]], add=True)
            gissue(j + 3, buf1, sem1)
            return carry

        lax.fori_loop(0, PGCH // 2 - 1, body, 0)
        gwait(PGCH - 2, buf0, sem0)
        pltpu.sync_copy(buf0, acc.at[dstp.at[PGCH - 2]], add=True)
        gwait(PGCH - 1, buf1, sem1)
        pltpu.sync_copy(buf1, acc.at[dstp.at[PGCH - 1]], add=True)

    plsc.subcore_barrier()
    zbase = s * ACC_ROWS_PER_TILE
    pltpu.sync_copy(acc.at[pl.ds(zbase, ACC_ROWS_PER_TILE)],
                    out.at[c].at[pl.ds(zbase, ACC_ROWS_PER_TILE)])


@functools.partial(
    pl.kernel,
    out_type=jax.ShapeDtypeStruct((NC, NPAD, D), jnp.float32),
    mesh=_mesh,
    scratch_types=[
        pltpu.VMEM((NCHUNK, CHUNK), jnp.int32),
        pltpu.VMEM((CHUNK, D), jnp.float32),
        pltpu.VMEM((CHUNK, D), jnp.float32),
        pltpu.VMEM_SHARED((NPAD, D), jnp.float32),
    ],
)
def _sc_degree(dst_t, zeros2d, ones2d, out, dst_v, zbuf, ones_v, acc):
    c = lax.axis_index("c")
    s = lax.axis_index("s")
    wid = c * NS + s
    pltpu.sync_copy(dst_t.at[wid], dst_v)
    pltpu.sync_copy(ones2d, ones_v)
    _zero_acc_slice(zeros2d, zbuf, acc, s)
    plsc.subcore_barrier()

    def body(j, carry):
        pltpu.sync_copy(ones_v, acc.at[dst_v.at[j]], add=True)
        return carry

    lax.fori_loop(0, NCHUNK, body, 0)
    plsc.subcore_barrier()
    zbase = s * ACC_ROWS_PER_TILE
    pltpu.sync_copy(acc.at[pl.ds(zbase, ACC_ROWS_PER_TILE)],
                    out.at[c].at[pl.ds(zbase, ACC_ROWS_PER_TILE)])



BLK = 1000
GRID = N // BLK


def _row(shape):
    return pl.BlockSpec(shape, lambda i: (i, 0))


def _full(shape):
    return pl.BlockSpec(shape, lambda i: tuple(0 for _ in shape))


def _tc_init_body(x_ref, win_ref, w0_ref, wc0_ref, bc_ref, out_ref, hw_ref):
    xb = x_ref[...]
    rep0 = jnp.dot(xb, win_ref[...], preferred_element_type=jnp.float32)
    out_ref[...] = jnp.dot(rep0, wc0_ref[...], preferred_element_type=jnp.float32) + bc_ref[...]
    hw_ref[...] = jnp.dot(xb, w0_ref[...], preferred_element_type=jnp.float32)


_tc_init = pl.pallas_call(
    _tc_init_body,
    grid=(GRID,),
    in_specs=[_row((BLK, D)), _full((D, D)), _full((D, D)),
              _full((D, C)), _full((1, C))],
    out_specs=[_row((BLK, C)), _row((BLK, D))],
    out_shape=[jax.ShapeDtypeStruct((N, C), jnp.float32),
               jax.ShapeDtypeStruct((N, D), jnp.float32)],
)


def _tc_scale_body(hw_ref, deg_ref, hws_ref):
    hws_ref[...] = hw_ref[...] * lax.rsqrt(deg_ref[...])


_tc_scale = pl.pallas_call(
    _tc_scale_body,
    grid=(GRID,),
    in_specs=[_row((BLK, D)), _row((BLK, 1))],
    out_specs=_row((BLK, D)),
    out_shape=jax.ShapeDtypeStruct((N, D), jnp.float32),
)


def _tc_step_body(p_ref, hw_ref, deg_ref, b_ref, w_ref, wc_ref, oprev_ref,
                  out_ref, hwo_ref, hwso_ref):
    dinv = lax.rsqrt(deg_ref[...])
    agg = dinv * (p_ref[0] + p_ref[1]) + (dinv * dinv) * hw_ref[...]
    h = jnp.maximum(agg + b_ref[...], 0.0)
    out_ref[...] = oprev_ref[...] + jnp.dot(h, wc_ref[...], preferred_element_type=jnp.float32)
    hw = jnp.dot(h, w_ref[...], preferred_element_type=jnp.float32)
    hwo_ref[...] = hw
    hwso_ref[...] = hw * dinv


_tc_step = pl.pallas_call(
    _tc_step_body,
    grid=(GRID,),
    in_specs=[pl.BlockSpec((NC, BLK, D), lambda i: (0, i, 0)),
              _row((BLK, D)), _row((BLK, 1)), _full((1, D)), _full((D, D)),
              _full((D, C)), _row((BLK, C))],
    out_specs=[_row((BLK, C)), _row((BLK, D)), _row((BLK, D))],
    out_shape=[jax.ShapeDtypeStruct((N, C), jnp.float32),
               jax.ShapeDtypeStruct((N, D), jnp.float32),
               jax.ShapeDtypeStruct((N, D), jnp.float32)],
)


def _tc_final_body(p_ref, hw_ref, deg_ref, b_ref, wc_ref, oprev_ref, out_ref):
    dinv = lax.rsqrt(deg_ref[...])
    agg = dinv * (p_ref[0] + p_ref[1]) + (dinv * dinv) * hw_ref[...]
    h = jnp.maximum(agg + b_ref[...], 0.0)
    out_ref[...] = oprev_ref[...] + jnp.dot(h, wc_ref[...], preferred_element_type=jnp.float32)


_tc_final = pl.pallas_call(
    _tc_final_body,
    grid=(GRID,),
    in_specs=[pl.BlockSpec((NC, BLK, D), lambda i: (0, i, 0)),
              _row((BLK, D)), _row((BLK, 1)), _full((1, D)),
              _full((D, C)), _row((BLK, C))],
    out_specs=_row((BLK, C)),
    out_shape=jax.ShapeDtypeStruct((N, C), jnp.float32),
)


def kernel(x, edge_index, W_in, W0, b0, W1, b1, W2, b2, W3, b3, Wc, bc):
    pad = EPAD - E
    src = jnp.concatenate([edge_index[0], jnp.zeros((pad,), jnp.int32)])
    dst = jnp.concatenate([edge_index[1], jnp.full((pad,), N, jnp.int32)])
    src_t = src.reshape(NW, NCHUNK, CHUNK)
    dst_t = dst.reshape(NW, NCHUNK, CHUNK)
    zeros2d = jnp.zeros((CHUNK, D), jnp.float32)
    ones2d = jnp.ones((CHUNK, D), jnp.float32)

    degp = _sc_degree(dst_t, zeros2d, ones2d)
    deg = (degp[0, :N, 0] + degp[1, :N, 0] + 1.0).reshape(N, 1)

    out, hw = _tc_init(x, W_in, W0, Wc[0:D], bc.reshape(1, C))
    hws = _tc_scale(hw, deg)
    for i, (W_next, b) in enumerate(((W1, b0), (W2, b1), (W3, b2))):
        p = _sc_prop(hws, src_t, dst_t, zeros2d)
        out, hw, hws = _tc_step(p, hw, deg, b.reshape(1, D), W_next,
                                Wc[(i + 1) * D:(i + 2) * D], out)
    p = _sc_prop(hws, src_t, dst_t, zeros2d)
    out = _tc_final(p, hw, deg, b3.reshape(1, D), Wc[4 * D:5 * D], out)
    return out

# --- scband reference (transcript-rebuilt; emitter-appended) ---
"""Pipeline reference for scband-jknet-10694468567473 (READ-ONLY COPY).

The authoritative reference and input builder live on the scoring server;
editing this copy changes nothing except your own understanding.
"""

import jax, jax.numpy as jnp
import numpy as np

N = 10000
E = 320000
D = 128
H = 128
C = 64


def setup_inputs(seed: int = 0) -> dict:
    key = jax.random.key(seed)
    ks = jax.random.split(key, 14)
    x = jax.random.normal(ks[0], (N, D), dtype=jnp.float32)
    edge_index = jax.random.randint(ks[1], (2, E), 0, N, dtype=jnp.int32)
    s = 0.05
    W_in = jax.random.normal(ks[2], (D, H), dtype=jnp.float32) * s
    W0 = jax.random.normal(ks[3], (D, H), dtype=jnp.float32) * s
    b0 = jax.random.normal(ks[4], (H,), dtype=jnp.float32) * s
    W1 = jax.random.normal(ks[5], (H, H), dtype=jnp.float32) * s
    b1 = jax.random.normal(ks[6], (H,), dtype=jnp.float32) * s
    W2 = jax.random.normal(ks[7], (H, H), dtype=jnp.float32) * s
    b2 = jax.random.normal(ks[8], (H,), dtype=jnp.float32) * s
    W3 = jax.random.normal(ks[9], (H, H), dtype=jnp.float32) * s
    b3 = jax.random.normal(ks[10], (H,), dtype=jnp.float32) * s
    Wc = jax.random.normal(ks[11], (H * 5, C), dtype=jnp.float32) * s
    bc = jax.random.normal(ks[12], (C,), dtype=jnp.float32) * s
    return {"x": x, "edge_index": edge_index, "W_in": W_in, "W0": W0, "b0": b0,
            "W1": W1, "b1": b1, "W2": W2, "b2": b2, "W3": W3, "b3": b3,
            "Wc": Wc, "bc": bc}


def _gcn(h, src, dst, norm, W, b, n_nodes):
    hw = h @ W
    msg = hw[src] * norm[:, None]
    out = jnp.zeros((n_nodes, W.shape[1]), h.dtype).at[dst].add(msg)
    return out + b


def reference(x, edge_index, W_in, W0, b0, W1, b1, W2, b2, W3, b3, Wc, bc):
    n_nodes = x.shape[0]
    loop = jnp.arange(n_nodes, dtype=edge_index.dtype)
    src = jnp.concatenate([edge_index[0], loop])
    dst = jnp.concatenate([edge_index[1], loop])
    # symmetric GCN normalization with self-loops
    deg = jnp.zeros((n_nodes,), x.dtype).at[dst].add(1.0)
    dinv = jnp.where(deg > 0, 1.0 / jnp.sqrt(deg), 0.0)
    norm = dinv[src] * dinv[dst]
    reps = [x @ W_in]
    h = x
    for W, b in ((W0, b0), (W1, b1), (W2, b2), (W3, b3)):
        h = _gcn(h, src, dst, norm, W, b, n_nodes)
        h = jax.nn.relu(h)
        # dropout p=0.0 -> no-op
        reps.append(h)
    h = jnp.concatenate(reps, axis=-1)  # JumpingKnowledge 'cat'
    return h @ Wc + bc

if __name__ == "__main__":
    import jax
    _d = setup_inputs()
    print(jax.jit(kernel)(*tuple(_d.values())))

</pallas_src>

<mosaic_0001>
#map = affine_map<(d0, d1) -> (0, 0, 0)>
#map1 = affine_map<(d0, d1) -> (0, 0)>
module attributes {stable_mosaic.version = 14 : i64} {
  func.func @_sc_degree(%arg0: i32, %arg1: i32, %arg2: memref<32x80x128xi32, #tpu.memory_space<hbm>>, %arg3: memref<128x128xf32, #tpu.memory_space<hbm>>, %arg4: memref<128x128xf32, #tpu.memory_space<hbm>>, %arg5: memref<2x10112x128xf32, #tpu.memory_space<hbm>>, %arg6: memref<80x128xi32, #tpu.memory_space<vmem>>, %arg7: memref<128x128xf32, #tpu.memory_space<vmem>>, %arg8: memref<128x128xf32, #tpu.memory_space<vmem>>, %arg9: memref<10112x128xf32, #tpu.memory_space<vmem_shared>>) attributes {dimension_semantics = [#tpu.dimension_semantics<core_parallel>, #tpu.dimension_semantics<subcore_parallel>], iteration_bounds = array<i64: 2, 16>, scalar_prefetch = 0 : i64, scratch_operands = 4 : i64, tpu.core_type = #tpu.core_type<sc_vector_subcore>, window_params = [{transform_indices = #map}, {transform_indices = #map1}, {transform_indices = #map1}, {transform_indices = #map}]} {
    %mul3A = arith.constant 16 : i32
    %mul3A_0 = arith.muli %arg0, %mul3A : i32
    %add3A = arith.addi %mul3A_0, %arg1 : i32
    "tpu.region"() ({
      %run_scoped3A = tpu.sem_alloc : memref<!tpu.dma_semaphore, #tpu.memory_space<semaphore_mem>>
      %dma_start3A = arith.constant 0 : i32
      %dma_start3A_21 = arith.constant 0 : i32
      %dma_start3A_22 = tpu.memref_slice %arg2[%add3A, %dma_start3A, %dma_start3A_21] : memref<32x80x128xi32, #tpu.memory_space<hbm>> -> memref<1x80x128xi32, #tpu.memory_space<hbm>>
      %dma_start3A_23 = tpu.memref_squeeze %dma_start3A_22 : memref<1x80x128xi32, #tpu.memory_space<hbm>> -> memref<80x128xi32, #tpu.memory_space<hbm>>
      %dma_start3A_24 = arith.constant 0 : i32
      %dma_start3A_25 = arith.constant 0 : i32
      %dma_start3A_26 = tpu.memref_slice %arg2[%add3A, %dma_start3A_24, %dma_start3A_25] : memref<32x80x128xi32, #tpu.memory_space<hbm>> -> memref<1x80x128xi32, #tpu.memory_space<hbm>>
      %dma_start3A_27 = tpu.memref_squeeze %dma_start3A_26 : memref<1x80x128xi32, #tpu.memory_space<hbm>> -> memref<80x128xi32, #tpu.memory_space<hbm>>
      tpu.enqueue_dma source(%dma_start3A_27 : memref<80x128xi32, #tpu.memory_space<hbm>>) target(%arg6 : memref<80x128xi32, #tpu.memory_space<vmem>>) target_semaphore(%run_scoped3A : memref<!tpu.dma_semaphore, #tpu.memory_space<semaphore_mem>>)
      %dma_wait3A = arith.constant 0 : i32
      %dma_wait3A_28 = arith.constant 0 : i32
      %dma_wait3A_29 = tpu.memref_slice %arg2[%add3A, %dma_wait3A, %dma_wait3A_28] : memref<32x80x128xi32, #tpu.memory_space<hbm>> -> memref<1x80x128xi32, #tpu.memory_space<hbm>>
      %dma_wait3A_30 = tpu.memref_squeeze %dma_wait3A_29 : memref<1x80x128xi32, #tpu.memory_space<hbm>> -> memref<80x128xi32, #tpu.memory_space<hbm>>
      %dma_wait3A_31 = arith.constant 0 : i32
      %dma_wait3A_32 = arith.constant 0 : i32
      %dma_wait3A_33 = tpu.memref_slice %arg2[%add3A, %dma_wait3A_31, %dma_wait3A_32] : memref<32x80x128xi32, #tpu.memory_space<hbm>> -> memref<1x80x128xi32, #tpu.memory_space<hbm>>
      %dma_wait3A_34 = tpu.memref_squeeze %dma_wait3A_33 : memref<1x80x128xi32, #tpu.memory_space<hbm>> -> memref<80x128xi32, #tpu.memory_space<hbm>>
      tpu.wait_dma2 semaphore(%run_scoped3A : memref<!tpu.dma_semaphore, #tpu.memory_space<semaphore_mem>>) src(%dma_wait3A_34 : memref<80x128xi32, #tpu.memory_space<hbm>>) dst(%arg6 : memref<80x128xi32, #tpu.memory_space<vmem>>)
      tpu.yield
    }) : () -> ()
    "tpu.region"() ({
      %run_scoped3A = tpu.sem_alloc : memref<!tpu.dma_semaphore, #tpu.memory_space<semaphore_mem>>
      tpu.enqueue_dma source(%arg4 : memref<128x128xf32, #tpu.memory_space<hbm>>) target(%arg8 : memref<128x128xf32, #tpu.memory_space<vmem>>) target_semaphore(%run_scoped3A : memref<!tpu.dma_semaphore, #tpu.memory_space<semaphore_mem>>)
      tpu.wait_dma2 semaphore(%run_scoped3A : memref<!tpu.dma_semaphore, #tpu.memory_space<semaphore_mem>>) src(%arg4 : memref<128x128xf32, #tpu.memory_space<hbm>>) dst(%arg8 : memref<128x128xf32, #tpu.memory_space<vmem>>)
      tpu.yield
    }) : () -> ()
    "tpu.region"() ({
      %run_scoped3A = tpu.sem_alloc : memref<!tpu.dma_semaphore, #tpu.memory_space<semaphore_mem>>
      tpu.enqueue_dma source(%arg3 : memref<128x128xf32, #tpu.memory_space<hbm>>) target(%arg7 : memref<128x128xf32, #tpu.memory_space<vmem>>) target_semaphore(%run_scoped3A : memref<!tpu.dma_semaphore, #tpu.memory_space<semaphore_mem>>)
      tpu.wait_dma2 semaphore(%run_scoped3A : memref<!tpu.dma_semaphore, #tpu.memory_space<semaphore_mem>>) src(%arg3 : memref<128x128xf32, #tpu.memory_space<hbm>>) dst(%arg7 : memref<128x128xf32, #tpu.memory_space<vmem>>)
      tpu.yield
    }) : () -> ()
    %mul3A_1 = arith.constant 632 : i32
    %mul3A_2 = arith.muli %arg1, %mul3A_1 : i32
    %add3A_3 = arith.constant 0 : i32
    %add3A_4 = arith.addi %mul3A_2, %add3A_3 : i32
    "tpu.region"() ({
      %run_scoped3A = tpu.sem_alloc : memref<!tpu.dma_semaphore, #tpu.memory_space<semaphore_mem>>
      %dma_start3A = arith.constant 0 : i32
      %dma_start3A_21 = tpu.memref_slice %arg9[%add3A_4, %dma_start3A] : memref<10112x128xf32, #tpu.memory_space<vmem_shared>> -> memref<128x128xf32, #tpu.memory_space<vmem_shared>>
      %dma_start3A_22 = arith.constant 0 : i32
      %dma_start3A_23 = tpu.memref_slice %arg9[%add3A_4, %dma_start3A_22] : memref<10112x128xf32, #tpu.memory_space<vmem_shared>> -> memref<128x128xf32, #tpu.memory_space<vmem_shared>>
      tpu.enqueue_dma source(%arg7 : memref<128x128xf32, #tpu.memory_space<vmem>>) target(%dma_start3A_23 : memref<128x128xf32, #tpu.memory_space<vmem_shared>>) target_semaphore(%run_scoped3A : memref<!tpu.dma_semaphore, #tpu.memory_space<semaphore_mem>>)
      %dma_wait3A = arith.constant 0 : i32
      %dma_wait3A_24 = tpu.memref_slice %arg9[%add3A_4, %dma_wait3A] : memref<10112x128xf32, #tpu.memory_space<vmem_shared>> -> memref<128x128xf32, #tpu.memory_space<vmem_shared>>
      %dma_wait3A_25 = arith.constant 0 : i32
      %dma_wait3A_26 = tpu.memref_slice %arg9[%add3A_4, %dma_wait3A_25] : memref<10112x128xf32, #tpu.memory_space<vmem_shared>> -> memref<128x128xf32, #tpu.memory_space<vmem_shared>>
      tpu.wait_dma2 semaphore(%run_scoped3A : memref<!tpu.dma_semaphore, #tpu.memory_space<semaphore_mem>>) src(%arg7 : memref<128x128xf32, #tpu.memory_space<vmem>>) dst(%dma_wait3A_26 : memref<128x128xf32, #tpu.memory_space<vmem_shared>>)
      tpu.yield
    }) : () -> ()
    %add3A_5 = arith.constant 128 : i32
    %add3A_6 = arith.addi %mul3A_2, %add3A_5 : i32
    "tpu.region"() ({
      %run_scoped3A = tpu.sem_alloc : memref<!tpu.dma_semaphore, #tpu.memory_space<semaphore_mem>>
      %dma_start3A = arith.constant 0 : i32
      %dma_start3A_21 = tpu.memref_slice %arg9[%add3A_6, %dma_start3A] : memref<10112x128xf32, #tpu.memory_space<vmem_shared>> -> memref<128x128xf32, #tpu.memory_space<vmem_shared>>
      %dma_start3A_22 = arith.constant 0 : i32
      %dma_start3A_23 = tpu.memref_slice %arg9[%add3A_6, %dma_start3A_22] : memref<10112x128xf32, #tpu.memory_space<vmem_shared>> -> memref<128x128xf32, #tpu.memory_space<vmem_shared>>
      tpu.enqueue_dma source(%arg7 : memref<128x128xf32, #tpu.memory_space<vmem>>) target(%dma_start3A_23 : memref<128x128xf32, #tpu.memory_space<vmem_shared>>) target_semaphore(%run_scoped3A : memref<!tpu.dma_semaphore, #tpu.memory_space<semaphore_mem>>)
      %dma_wait3A = arith.constant 0 : i32
      %dma_wait3A_24 = tpu.memref_slice %arg9[%add3A_6, %dma_wait3A] : memref<10112x128xf32, #tpu.memory_space<vmem_shared>> -> memref<128x128xf32, #tpu.memory_space<vmem_shared>>
      %dma_wait3A_25 = arith.constant 0 : i32
      %dma_wait3A_26 = tpu.memref_slice %arg9[%add3A_6, %dma_wait3A_25] : memref<10112x128xf32, #tpu.memory_space<vmem_shared>> -> memref<128x128xf32, #tpu.memory_space<vmem_shared>>
      tpu.wait_dma2 semaphore(%run_scoped3A : memref<!tpu.dma_semaphore, #tpu.memory_space<semaphore_mem>>) src(%arg7 : memref<128x128xf32, #tpu.memory_space<vmem>>) dst(%dma_wait3A_26 : memref<128x128xf32, #tpu.memory_space<vmem_shared>>)
      tpu.yield
    }) : () -> ()
    %add3A_7 = arith.constant 256 : i32
    %add3A_8 = arith.addi %mul3A_2, %add3A_7 : i32
    "tpu.region"() ({
      %run_scoped3A = tpu.sem_alloc : memref<!tpu.dma_semaphore, #tpu.memory_space<semaphore_mem>>
      %dma_start3A = arith.constant 0 : i32
      %dma_start3A_21 = tpu.memref_slice %arg9[%add3A_8, %dma_start3A] : memref<10112x128xf32, #tpu.memory_space<vmem_shared>> -> memref<128x128xf32, #tpu.memory_space<vmem_shared>>
      %dma_start3A_22 = arith.constant 0 : i32
      %dma_start3A_23 = tpu.memref_slice %arg9[%add3A_8, %dma_start3A_22] : memref<10112x128xf32, #tpu.memory_space<vmem_shared>> -> memref<128x128xf32, #tpu.memory_space<vmem_shared>>
      tpu.enqueue_dma source(%arg7 : memref<128x128xf32, #tpu.memory_space<vmem>>) target(%dma_start3A_23 : memref<128x128xf32, #tpu.memory_space<vmem_shared>>) target_semaphore(%run_scoped3A : memref<!tpu.dma_semaphore, #tpu.memory_space<semaphore_mem>>)
      %dma_wait3A = arith.constant 0 : i32
      %dma_wait3A_24 = tpu.memref_slice %arg9[%add3A_8, %dma_wait3A] : memref<10112x128xf32, #tpu.memory_space<vmem_shared>> -> memref<128x128xf32, #tpu.memory_space<vmem_shared>>
      %dma_wait3A_25 = arith.constant 0 : i32
      %dma_wait3A_26 = tpu.memref_slice %arg9[%add3A_8, %dma_wait3A_25] : memref<10112x128xf32, #tpu.memory_space<vmem_shared>> -> memref<128x128xf32, #tpu.memory_space<vmem_shared>>
      tpu.wait_dma2 semaphore(%run_scoped3A : memref<!tpu.dma_semaphore, #tpu.memory_space<semaphore_mem>>) src(%arg7 : memref<128x128xf32, #tpu.memory_space<vmem>>) dst(%dma_wait3A_26 : memref<128x128xf32, #tpu.memory_space<vmem_shared>>)
      tpu.yield
    }) : () -> ()
    %add3A_9 = arith.constant 384 : i32
    %add3A_10 = arith.addi %mul3A_2, %add3A_9 : i32
    "tpu.region"() ({
      %run_scoped3A = tpu.sem_alloc : memref<!tpu.dma_semaphore, #tpu.memory_space<semaphore_mem>>
      %dma_start3A = arith.constant 0 : i32
      %dma_start3A_21 = tpu.memref_slice %arg9[%add3A_10, %dma_start3A] : memref<10112x128xf32, #tpu.memory_space<vmem_shared>> -> memref<128x128xf32, #tpu.memory_space<vmem_shared>>
      %dma_start3A_22 = arith.constant 0 : i32
      %dma_start3A_23 = tpu.memref_slice %arg9[%add3A_10, %dma_start3A_22] : memref<10112x128xf32, #tpu.memory_space<vmem_shared>> -> memref<128x128xf32, #tpu.memory_space<vmem_shared>>
      tpu.enqueue_dma source(%arg7 : memref<128x128xf32, #tpu.memory_space<vmem>>) target(%dma_start3A_23 : memref<128x128xf32, #tpu.memory_space<vmem_shared>>) target_semaphore(%run_scoped3A : memref<!tpu.dma_semaphore, #tpu.memory_space<semaphore_mem>>)
      %dma_wait3A = arith.constant 0 : i32
      %dma_wait3A_24 = tpu.memref_slice %arg9[%add3A_10, %dma_wait3A] : memref<10112x128xf32, #tpu.memory_space<vmem_shared>> -> memref<128x128xf32, #tpu.memory_space<vmem_shared>>
      %dma_wait3A_25 = arith.constant 0 : i32
      %dma_wait3A_26 = tpu.memref_slice %arg9[%add3A_10, %dma_wait3A_25] : memref<10112x128xf32, #tpu.memory_space<vmem_shared>> -> memref<128x128xf32, #tpu.memory_space<vmem_shared>>
      tpu.wait_dma2 semaphore(%run_scoped3A : memref<!tpu.dma_semaphore, #tpu.memory_space<semaphore_mem>>) src(%arg7 : memref<128x128xf32, #tpu.memory_space<vmem>>) dst(%dma_wait3A_26 : memref<128x128xf32, #tpu.memory_space<vmem_shared>>)
      tpu.yield
    }) : () -> ()
    %add3A_11 = arith.constant 512 : i32
    %add3A_12 = arith.addi %mul3A_2, %add3A_11 : i32
    "tpu.region"() ({
      %run_scoped3A = tpu.sem_alloc : memref<!tpu.dma_semaphore, #tpu.memory_space<semaphore_mem>>
      %dma_start3A = arith.constant 0 : i32
      %dma_start3A_21 = arith.constant 0 : i32
      %dma_start3A_22 = tpu.memref_slice %arg7[%dma_start3A, %dma_start3A_21] : memref<128x128xf32, #tpu.memory_space<vmem>> -> memref<120x128xf32, #tpu.memory_space<vmem>>
      %dma_start3A_23 = arith.constant 0 : i32
      %dma_start3A_24 = tpu.memref_slice %arg9[%add3A_12, %dma_start3A_23] : memref<10112x128xf32, #tpu.memory_space<vmem_shared>> -> memref<120x128xf32, #tpu.memory_space<vmem_shared>>
      %dma_start3A_25 = arith.constant 0 : i32
      %dma_start3A_26 = tpu.memref_slice %arg9[%add3A_12, %dma_start3A_25] : memref<10112x128xf32, #tpu.memory_space<vmem_shared>> -> memref<120x128xf32, #tpu.memory_space<vmem_shared>>
      %dma_start3A_27 = arith.constant 0 : i32
      %dma_start3A_28 = arith.constant 0 : i32
      %dma_start3A_29 = tpu.memref_slice %arg7[%dma_start3A_27, %dma_start3A_28] : memref<128x128xf32, #tpu.memory_space<vmem>> -> memref<120x128xf32, #tpu.memory_space<vmem>>
      tpu.enqueue_dma source(%dma_start3A_29 : memref<120x128xf32, #tpu.memory_space<vmem>>) target(%dma_start3A_26 : memref<120x128xf32, #tpu.memory_space<vmem_shared>>) target_semaphore(%run_scoped3A : memref<!tpu.dma_semaphore, #tpu.memory_space<semaphore_mem>>)
      %dma_wait3A = arith.constant 0 : i32
      %dma_wait3A_30 = arith.constant 0 : i32
      %dma_wait3A_31 = tpu.memref_slice %arg7[%dma_wait3A, %dma_wait3A_30] : memref<128x128xf32, #tpu.memory_space<vmem>> -> memref<120x128xf32, #tpu.memory_space<vmem>>
      %dma_wait3A_32 = arith.constant 0 : i32
      %dma_wait3A_33 = tpu.memref_slice %arg9[%add3A_12, %dma_wait3A_32] : memref<10112x128xf32, #tpu.memory_space<vmem_shared>> -> memref<120x128xf32, #tpu.memory_space<vmem_shared>>
      %dma_wait3A_34 = arith.constant 0 : i32
      %dma_wait3A_35 = tpu.memref_slice %arg9[%add3A_12, %dma_wait3A_34] : memref<10112x128xf32, #tpu.memory_space<vmem_shared>> -> memref<120x128xf32, #tpu.memory_space<vmem_shared>>
      %dma_wait3A_36 = arith.constant 0 : i32
      %dma_wait3A_37 = arith.constant 0 : i32
      %dma_wait3A_38 = tpu.memref_slice %arg7[%dma_wait3A_36, %dma_wait3A_37] : memref<128x128xf32, #tpu.memory_space<vmem>> -> memref<120x128xf32, #tpu.memory_space<vmem>>
      tpu.wait_dma2 semaphore(%run_scoped3A : memref<!tpu.dma_semaphore, #tpu.memory_space<semaphore_mem>>) src(%dma_wait3A_38 : memref<120x128xf32, #tpu.memory_space<vmem>>) dst(%dma_wait3A_35 : memref<120x128xf32, #tpu.memory_space<vmem_shared>>)
      tpu.yield
    }) : () -> ()
    %barrier3A = arith.constant 0 : index
    tpu.barrier barrier_id(%barrier3A)
    %scan3A = arith.constant 0 : i32
    %scan3A_13 = arith.constant 0 : i32
    %scan3A_14 = arith.constant 80 : i32
    %scan3A_15 = arith.addi %scan3A_13, %scan3A_14 : i32
    %scan3A_16 = arith.constant 1 : i32
    scf.for %scan3A_21 = %scan3A_13 to %scan3A_15 step %scan3A_16  : i32 {
      "tpu.region"() ({
        %run_scoped3A = tpu.sem_alloc : memref<!tpu.dma_semaphore, #tpu.memory_space<semaphore_mem>>
        %dma_start3A = arith.constant 0 : i32
        %dma_start3A_22 = tpu.memref_slice %arg6[%scan3A_21, %dma_start3A] : memref<80x128xi32, #tpu.memory_space<vmem>> -> memref<1x128xi32, #tpu.memory_space<vmem>>
        %dma_start3A_23 = tpu.memref_squeeze %dma_start3A_22 : memref<1x128xi32, #tpu.memory_space<vmem>> -> memref<128xi32, #tpu.memory_space<vmem>>
        %dma_start3A_24 = arith.constant 0 : i32
        %dma_start3A_25 = arith.constant 0 : i32
        %dma_start3A_26 = tpu.memref_slice %arg9[%dma_start3A_24, %dma_start3A_25] : memref<10112x128xf32, #tpu.memory_space<vmem_shared>> -> memref<10112x128xf32, #tpu.memory_space<vmem_shared>>
        tpu.enqueue_indirect_dma source(%arg8 : memref<128x128xf32, #tpu.memory_space<vmem>>) target(%dma_start3A_26 : memref<10112x128xf32, #tpu.memory_space<vmem_shared>>) offsets(%dma_start3A_23 : memref<128xi32, #tpu.memory_space<vmem>>) semaphore(%run_scoped3A : memref<!tpu.dma_semaphore, #tpu.memory_space<semaphore_mem>>) {add = true}
        %dma_wait3A = arith.constant 0 : i32
        %dma_wait3A_27 = tpu.memref_slice %arg6[%scan3A_21, %dma_wait3A] : memref<80x128xi32, #tpu.memory_space<vmem>> -> memref<1x128xi32, #tpu.memory_space<vmem>>
        %dma_wait3A_28 = tpu.memref_squeeze %dma_wait3A_27 : memref<1x128xi32, #tpu.memory_space<vmem>> -> memref<128xi32, #tpu.memory_space<vmem>>
        %dma_wait3A_29 = arith.constant 0 : i32
        %dma_wait3A_30 = arith.constant 0 : i32
        %dma_wait3A_31 = tpu.memref_slice %arg9[%dma_wait3A_29, %dma_wait3A_30] : memref<10112x128xf32, #tpu.memory_space<vmem_shared>> -> memref<10112x128xf32, #tpu.memory_space<vmem_shared>>
        tpu.wait_indirect_dma semaphore(%run_scoped3A : memref<!tpu.dma_semaphore, #tpu.memory_space<semaphore_mem>>) src(%arg8 : memref<128x128xf32, #tpu.memory_space<vmem>>) dst(%dma_wait3A_31 : memref<10112x128xf32, #tpu.memory_space<vmem_shared>>)
        tpu.yield
      }) : () -> ()
    }
    %scan3A_17 = arith.constant 80 : i32
    %barrier3A_18 = arith.constant 0 : index
    tpu.barrier barrier_id(%barrier3A_18)
    %mul3A_19 = arith.constant 632 : i32
    %mul3A_20 = arith.muli %arg1, %mul3A_19 : i32
    "tpu.region"() ({
      %run_scoped3A = tpu.sem_alloc : memref<!tpu.dma_semaphore, #tpu.memory_space<semaphore_mem>>
      %dma_start3A = arith.constant 0 : i32
      %dma_start3A_21 = arith.constant 0 : i32
      %dma_start3A_22 = tpu.memref_slice %arg5[%arg0, %dma_start3A, %dma_start3A_21] : memref<2x10112x128xf32, #tpu.memory_space<hbm>> -> memref<1x10112x128xf32, #tpu.memory_space<hbm>>
      %dma_start3A_23 = tpu.memref_squeeze %dma_start3A_22 : memref<1x10112x128xf32, #tpu.memory_space<hbm>> -> memref<10112x128xf32, #tpu.memory_space<hbm>>
      %dma_start3A_24 = arith.constant 0 : i32
      %dma_start3A_25 = tpu.memref_slice %dma_start3A_23[%mul3A_20, %dma_start3A_24] : memref<10112x128xf32, #tpu.memory_space<hbm>> -> memref<632x128xf32, #tpu.memory_space<hbm>>
      %dma_start3A_26 = arith.constant 0 : i32
      %dma_start3A_27 = tpu.memref_slice %arg9[%mul3A_20, %dma_start3A_26] : memref<10112x128xf32, #tpu.memory_space<vmem_shared>> -> memref<632x128xf32, #tpu.memory_space<vmem_shared>>
      tpu.enqueue_dma source(%dma_start3A_27 : memref<632x128xf32, #tpu.memory_space<vmem_shared>>) target(%dma_start3A_25 : memref<632x128xf32, #tpu.memory_space<hbm>>) target_semaphore(%run_scoped3A : memref<!tpu.dma_semaphore, #tpu.memory_space<semaphore_mem>>)
      %dma_wait3A = arith.constant 0 : i32
      %dma_wait3A_28 = arith.constant 0 : i32
      %dma_wait3A_29 = tpu.memref_slice %arg5[%arg0, %dma_wait3A, %dma_wait3A_28] : memref<2x10112x128xf32, #tpu.memory_space<hbm>> -> memref<1x10112x128xf32, #tpu.memory_space<hbm>>
      %dma_wait3A_30 = tpu.memref_squeeze %dma_wait3A_29 : memref<1x10112x128xf32, #tpu.memory_space<hbm>> -> memref<10112x128xf32, #tpu.memory_space<hbm>>
      %dma_wait3A_31 = arith.constant 0 : i32
      %dma_wait3A_32 = tpu.memref_slice %dma_wait3A_30[%mul3A_20, %dma_wait3A_31] : memref<10112x128xf32, #tpu.memory_space<hbm>> -> memref<632x128xf32, #tpu.memory_space<hbm>>
      %dma_wait3A_33 = arith.constant 0 : i32
      %dma_wait3A_34 = tpu.memref_slice %arg9[%mul3A_20, %dma_wait3A_33] : memref<10112x128xf32, #tpu.memory_space<vmem_shared>> -> memref<632x128xf32, #tpu.memory_space<vmem_shared>>
      tpu.wait_dma2 semaphore(%run_scoped3A : memref<!tpu.dma_semaphore, #tpu.memory_space<semaphore_mem>>) src(%dma_wait3A_34 : memref<632x128xf32, #tpu.memory_space<vmem_shared>>) dst(%dma_wait3A_32 : memref<632x128xf32, #tpu.memory_space<hbm>>)
      tpu.yield
    }) : () -> ()
    return
  }
}

#map = affine_map<(d0, d1) -> (0, 0)>
#map1 = affine_map<(d0, d1) -> (0, 0, 0)>
module attributes {stable_mosaic.version = 14 : i64} {
  func.func @_sc_prop(%arg0: i32, %arg1: i32, %arg2: memref<10000x128xf32, #tpu.memory_space<hbm>>, %arg3: memref<32x80x128xi32, #tpu.memory_space<hbm>>, %arg4: memref<32x80x128xi32, #tpu.memory_space<hbm>>, %arg5: memref<128x128xf32, #tpu.memory_space<hbm>>, %arg6: memref<2x10112x128xf32, #tpu.memory_space<hbm>>, %arg7: memref<40x128xi32, #tpu.memory_space<vmem>>, %arg8: memref<40x128xi32, #tpu.memory_space<vmem>>, %arg9: memref<128x128xf32, #tpu.memory_space<vmem>>, %arg10: memref<128x128xf32, #tpu.memory_space<vmem>>, %arg11: memref<!tpu.dma_semaphore, #tpu.memory_space<semaphore_mem>>, %arg12: memref<!tpu.dma_semaphore, #tpu.memory_space<semaphore_mem>>, %arg13: memref<10112x128xf32, #tpu.memory_space<vmem_shared>>) attributes {dimension_semantics = [#tpu.dimension_semantics<core_parallel>, #tpu.dimension_semantics<subcore_parallel>], iteration_bounds = array<i64: 2, 16>, scalar_prefetch = 0 : i64, scratch_operands = 7 : i64, tpu.core_type = #tpu.core_type<sc_vector_subcore>, window_params = [{transform_indices = #map}, {transform_indices = #map1}, {transform_indices = #map1}, {transform_indices = #map}, {transform_indices = #map1}]} {
    %mul3A = arith.constant 16 : i32
    %mul3A_0 = arith.muli %arg0, %mul3A : i32
    %add3A = arith.addi %mul3A_0, %arg1 : i32
    "tpu.region"() ({
      %run_scoped3A_84 = tpu.sem_alloc : memref<!tpu.dma_semaphore, #tpu.memory_space<semaphore_mem>>
      tpu.enqueue_dma source(%arg5 : memref<128x128xf32, #tpu.memory_space<hbm>>) target(%arg9 : memref<128x128xf32, #tpu.memory_space<vmem>>) target_semaphore(%run_scoped3A_84 : memref<!tpu.dma_semaphore, #tpu.memory_space<semaphore_mem>>)
      tpu.wait_dma2 semaphore(%run_scoped3A_84 : memref<!tpu.dma_semaphore, #tpu.memory_space<semaphore_mem>>) src(%arg5 : memref<128x128xf32, #tpu.memory_space<hbm>>) dst(%arg9 : memref<128x128xf32, #tpu.memory_space<vmem>>)
      tpu.yield
    }) : () -> ()
    %mul3A_1 = arith.constant 632 : i32
    %mul3A_2 = arith.muli %arg1, %mul3A_1 : i32
    %add3A_3 = arith.constant 0 : i32
    %add3A_4 = arith.addi %mul3A_2, %add3A_3 : i32
    "tpu.region"() ({
      %run_scoped3A_84 = tpu.sem_alloc : memref<!tpu.dma_semaphore, #tpu.memory_space<semaphore_mem>>
      %dma_start3A_85 = arith.constant 0 : i32
      %dma_start3A_86 = tpu.memref_slice %arg13[%add3A_4, %dma_start3A_85] : memref<10112x128xf32, #tpu.memory_space<vmem_shared>> -> memref<128x128xf32, #tpu.memory_space<vmem_shared>>
      %dma_start3A_87 = arith.constant 0 : i32
      %dma_start3A_88 = tpu.memref_slice %arg13[%add3A_4, %dma_start3A_87] : memref<10112x128xf32, #tpu.memory_space<vmem_shared>> -> memref<128x128xf32, #tpu.memory_space<vmem_shared>>
      tpu.enqueue_dma source(%arg9 : memref<128x128xf32, #tpu.memory_space<vmem>>) target(%dma_start3A_88 : memref<128x128xf32, #tpu.memory_space<vmem_shared>>) target_semaphore(%run_scoped3A_84 : memref<!tpu.dma_semaphore, #tpu.memory_space<semaphore_mem>>)
      %dma_wait3A_89 = arith.constant 0 : i32
      %dma_wait3A_90 = tpu.memref_slice %arg13[%add3A_4, %dma_wait3A_89] : memref<10112x128xf32, #tpu.memory_space<vmem_shared>> -> memref<128x128xf32, #tpu.memory_space<vmem_shared>>
      %dma_wait3A_91 = arith.constant 0 : i32
      %dma_wait3A_92 = tpu.memref_slice %arg13[%add3A_4, %dma_wait3A_91] : memref<10112x128xf32, #tpu.memory_space<vmem_shared>> -> memref<128x128xf32, #tpu.memory_space<vmem_shared>>
      tpu.wait_dma2 semaphore(%run_scoped3A_84 : memref<!tpu.dma_semaphore, #tpu.memory_space<semaphore_mem>>) src(%arg9 : memref<128x128xf32, #tpu.memory_space<vmem>>) dst(%dma_wait3A_92 : memref<128x128xf32, #tpu.memory_space<vmem_shared>>)
      tpu.yield
    }) : () -> ()
    %add3A_5 = arith.constant 128 : i32
    %add3A_6 = arith.addi %mul3A_2, %add3A_5 : i32
    "tpu.region"() ({
      %run_scoped3A_84 = tpu.sem_alloc : memref<!tpu.dma_semaphore, #tpu.memory_space<semaphore_mem>>
      %dma_start3A_85 = arith.constant 0 : i32
      %dma_start3A_86 = tpu.memref_slice %arg13[%add3A_6, %dma_start3A_85] : memref<10112x128xf32, #tpu.memory_space<vmem_shared>> -> memref<128x128xf32, #tpu.memory_space<vmem_shared>>
      %dma_start3A_87 = arith.constant 0 : i32
      %dma_start3A_88 = tpu.memref_slice %arg13[%add3A_6, %dma_start3A_87] : memref<10112x128xf32, #tpu.memory_space<vmem_shared>> -> memref<128x128xf32, #tpu.memory_space<vmem_shared>>
      tpu.enqueue_dma source(%arg9 : memref<128x128xf32, #tpu.memory_space<vmem>>) target(%dma_start3A_88 : memref<128x128xf32, #tpu.memory_space<vmem_shared>>) target_semaphore(%run_scoped3A_84 : memref<!tpu.dma_semaphore, #tpu.memory_space<semaphore_mem>>)
      %dma_wait3A_89 = arith.constant 0 : i32
      %dma_wait3A_90 = tpu.memref_slice %arg13[%add3A_6, %dma_wait3A_89] : memref<10112x128xf32, #tpu.memory_space<vmem_shared>> -> memref<128x128xf32, #tpu.memory_space<vmem_shared>>
      %dma_wait3A_91 = arith.constant 0 : i32
      %dma_wait3A_92 = tpu.memref_slice %arg13[%add3A_6, %dma_wait3A_91] : memref<10112x128xf32, #tpu.memory_space<vmem_shared>> -> memref<128x128xf32, #tpu.memory_space<vmem_shared>>
      tpu.wait_dma2 semaphore(%run_scoped3A_84 : memref<!tpu.dma_semaphore, #tpu.memory_space<semaphore_mem>>) src(%arg9 : memref<128x128xf32, #tpu.memory_space<vmem>>) dst(%dma_wait3A_92 : memref<128x128xf32, #tpu.memory_space<vmem_shared>>)
      tpu.yield
    }) : () -> ()
    %add3A_7 = arith.constant 256 : i32
    %add3A_8 = arith.addi %mul3A_2, %add3A_7 : i32
    "tpu.region"() ({
      %run_scoped3A_84 = tpu.sem_alloc : memref<!tpu.dma_semaphore, #tpu.memory_space<semaphore_mem>>
      %dma_start3A_85 = arith.constant 0 : i32
      %dma_start3A_86 = tpu.memref_slice %arg13[%add3A_8, %dma_start3A_85] : memref<10112x128xf32, #tpu.memory_space<vmem_shared>> -> memref<128x128xf32, #tpu.memory_space<vmem_shared>>
      %dma_start3A_87 = arith.constant 0 : i32
      %dma_start3A_88 = tpu.memref_slice %arg13[%add3A_8, %dma_start3A_87] : memref<10112x128xf32, #tpu.memory_space<vmem_shared>> -> memref<128x128xf32, #tpu.memory_space<vmem_shared>>
      tpu.enqueue_dma source(%arg9 : memref<128x128xf32, #tpu.memory_space<vmem>>) target(%dma_start3A_88 : memref<128x128xf32, #tpu.memory_space<vmem_shared>>) target_semaphore(%run_scoped3A_84 : memref<!tpu.dma_semaphore, #tpu.memory_space<semaphore_mem>>)
      %dma_wait3A_89 = arith.constant 0 : i32
      %dma_wait3A_90 = tpu.memref_slice %arg13[%add3A_8, %dma_wait3A_89] : memref<10112x128xf32, #tpu.memory_space<vmem_shared>> -> memref<128x128xf32, #tpu.memory_space<vmem_shared>>
      %dma_wait3A_91 = arith.constant 0 : i32
      %dma_wait3A_92 = tpu.memref_slice %arg13[%add3A_8, %dma_wait3A_91] : memref<10112x128xf32, #tpu.memory_space<vmem_shared>> -> memref<128x128xf32, #tpu.memory_space<vmem_shared>>
      tpu.wait_dma2 semaphore(%run_scoped3A_84 : memref<!tpu.dma_semaphore, #tpu.memory_space<semaphore_mem>>) src(%arg9 : memref<128x128xf32, #tpu.memory_space<vmem>>) dst(%dma_wait3A_92 : memref<128x128xf32, #tpu.memory_space<vmem_shared>>)
      tpu.yield
    }) : () -> ()
    %add3A_9 = arith.constant 384 : i32
    %add3A_10 = arith.addi %mul3A_2, %add3A_9 : i32
    "tpu.region"() ({
      %run_scoped3A_84 = tpu.sem_alloc : memref<!tpu.dma_semaphore, #tpu.memory_space<semaphore_mem>>
      %dma_start3A_85 = arith.constant 0 : i32
      %dma_start3A_86 = tpu.memref_slice %arg13[%add3A_10, %dma_start3A_85] : memref<10112x128xf32, #tpu.memory_space<vmem_shared>> -> memref<128x128xf32, #tpu.memory_space<vmem_shared>>
      %dma_start3A_87 = arith.constant 0 : i32
      %dma_start3A_88 = tpu.memref_slice %arg13[%add3A_10, %dma_start3A_87] : memref<10112x128xf32, #tpu.memory_space<vmem_shared>> -> memref<128x128xf32, #tpu.memory_space<vmem_shared>>
      tpu.enqueue_dma source(%arg9 : memref<128x128xf32, #tpu.memory_space<vmem>>) target(%dma_start3A_88 : memref<128x128xf32, #tpu.memory_space<vmem_shared>>) target_semaphore(%run_scoped3A_84 : memref<!tpu.dma_semaphore, #tpu.memory_space<semaphore_mem>>)
      %dma_wait3A_89 = arith.constant 0 : i32
      %dma_wait3A_90 = tpu.memref_slice %arg13[%add3A_10, %dma_wait3A_89] : memref<10112x128xf32, #tpu.memory_space<vmem_shared>> -> memref<128x128xf32, #tpu.memory_space<vmem_shared>>
      %dma_wait3A_91 = arith.constant 0 : i32
      %dma_wait3A_92 = tpu.memref_slice %arg13[%add3A_10, %dma_wait3A_91] : memref<10112x128xf32, #tpu.memory_space<vmem_shared>> -> memref<128x128xf32, #tpu.memory_space<vmem_shared>>
      tpu.wait_dma2 semaphore(%run_scoped3A_84 : memref<!tpu.dma_semaphore, #tpu.memory_space<semaphore_mem>>) src(%arg9 : memref<128x128xf32, #tpu.memory_space<vmem>>) dst(%dma_wait3A_92 : memref<128x128xf32, #tpu.memory_space<vmem_shared>>)
      tpu.yield
    }) : () -> ()
    %add3A_11 = arith.constant 512 : i32
    %add3A_12 = arith.addi %mul3A_2, %add3A_11 : i32
    "tpu.region"() ({
      %run_scoped3A_84 = tpu.sem_alloc : memref<!tpu.dma_semaphore, #tpu.memory_space<semaphore_mem>>
      %dma_start3A_85 = arith.constant 0 : i32
      %dma_start3A_86 = arith.constant 0 : i32
      %dma_start3A_87 = tpu.memref_slice %arg9[%dma_start3A_85, %dma_start3A_86] : memref<128x128xf32, #tpu.memory_space<vmem>> -> memref<120x128xf32, #tpu.memory_space<vmem>>
      %dma_start3A_88 = arith.constant 0 : i32
      %dma_start3A_89 = tpu.memref_slice %arg13[%add3A_12, %dma_start3A_88] : memref<10112x128xf32, #tpu.memory_space<vmem_shared>> -> memref<120x128xf32, #tpu.memory_space<vmem_shared>>
      %dma_start3A_90 = arith.constant 0 : i32
      %dma_start3A_91 = tpu.memref_slice %arg13[%add3A_12, %dma_start3A_90] : memref<10112x128xf32, #tpu.memory_space<vmem_shared>> -> memref<120x128xf32, #tpu.memory_space<vmem_shared>>
      %dma_start3A_92 = arith.constant 0 : i32
      %dma_start3A_93 = arith.constant 0 : i32
      %dma_start3A_94 = tpu.memref_slice %arg9[%dma_start3A_92, %dma_start3A_93] : memref<128x128xf32, #tpu.memory_space<vmem>> -> memref<120x128xf32, #tpu.memory_space<vmem>>
      tpu.enqueue_dma source(%dma_start3A_94 : memref<120x128xf32, #tpu.memory_space<vmem>>) target(%dma_start3A_91 : memref<120x128xf32, #tpu.memory_space<vmem_shared>>) target_semaphore(%run_scoped3A_84 : memref<!tpu.dma_semaphore, #tpu.memory_space<semaphore_mem>>)
      %dma_wait3A_95 = arith.constant 0 : i32
      %dma_wait3A_96 = arith.constant 0 : i32
      %dma_wait3A_97 = tpu.memref_slice %arg9[%dma_wait3A_95, %dma_wait3A_96] : memref<128x128xf32, #tpu.memory_space<vmem>> -> memref<120x128xf32, #tpu.memory_space<vmem>>
      %dma_wait3A_98 = arith.constant 0 : i32
      %dma_wait3A_99 = tpu.memref_slice %arg13[%add3A_12, %dma_wait3A_98] : memref<10112x128xf32, #tpu.memory_space<vmem_shared>> -> memref<120x128xf32, #tpu.memory_space<vmem_shared>>
      %dma_wait3A_100 = arith.constant 0 : i32
      %dma_wait3A_101 = tpu.memref_slice %arg13[%add3A_12, %dma_wait3A_100] : memref<10112x128xf32, #tpu.memory_space<vmem_shared>> -> memref<120x128xf32, #tpu.memory_space<vmem_shared>>
      %dma_wait3A_102 = arith.constant 0 : i32
      %dma_wait3A_103 = arith.constant 0 : i32
      %dma_wait3A_104 = tpu.memref_slice %arg9[%dma_wait3A_102, %dma_wait3A_103] : memref<128x128xf32, #tpu.memory_space<vmem>> -> memref<120x128xf32, #tpu.memory_space<vmem>>
      tpu.wait_dma2 semaphore(%run_scoped3A_84 : memref<!tpu.dma_semaphore, #tpu.memory_space<semaphore_mem>>) src(%dma_wait3A_104 : memref<120x128xf32, #tpu.memory_space<vmem>>) dst(%dma_wait3A_101 : memref<120x128xf32, #tpu.memory_space<vmem_shared>>)
      tpu.yield
    }) : () -> ()
    %barrier3A = arith.constant 0 : index
    tpu.barrier barrier_id(%barrier3A)
    "tpu.region"() ({
      %run_scoped3A_84 = tpu.sem_alloc : memref<!tpu.dma_semaphore, #tpu.memory_space<semaphore_mem>>
      %dma_start3A_85 = arith.constant 0 : i32
      %dma_start3A_86 = arith.constant 0 : i32
      %dma_start3A_87 = tpu.memref_slice %arg3[%add3A, %dma_start3A_85, %dma_start3A_86] : memref<32x80x128xi32, #tpu.memory_space<hbm>> -> memref<1x80x128xi32, #tpu.memory_space<hbm>>
      %dma_start3A_88 = tpu.memref_squeeze %dma_start3A_87 : memref<1x80x128xi32, #tpu.memory_space<hbm>> -> memref<80x128xi32, #tpu.memory_space<hbm>>
      %dma_start3A_89 = arith.constant 0 : i32
      %dma_start3A_90 = arith.constant 0 : i32
      %dma_start3A_91 = tpu.memref_slice %dma_start3A_88[%dma_start3A_89, %dma_start3A_90] : memref<80x128xi32, #tpu.memory_space<hbm>> -> memref<40x128xi32, #tpu.memory_space<hbm>>
      %dma_start3A_92 = arith.constant 0 : i32
      %dma_start3A_93 = arith.constant 0 : i32
      %dma_start3A_94 = tpu.memref_slice %arg3[%add3A, %dma_start3A_92, %dma_start3A_93] : memref<32x80x128xi32, #tpu.memory_space<hbm>> -> memref<1x80x128xi32, #tpu.memory_space<hbm>>
      %dma_start3A_95 = tpu.memref_squeeze %dma_start3A_94 : memref<1x80x128xi32, #tpu.memory_space<hbm>> -> memref<80x128xi32, #tpu.memory_space<hbm>>
      %dma_start3A_96 = arith.constant 0 : i32
      %dma_start3A_97 = arith.constant 0 : i32
      %dma_start3A_98 = tpu.memref_slice %dma_start3A_95[%dma_start3A_96, %dma_start3A_97] : memref<80x128xi32, #tpu.memory_space<hbm>> -> memref<40x128xi32, #tpu.memory_space<hbm>>
      tpu.enqueue_dma source(%dma_start3A_98 : memref<40x128xi32, #tpu.memory_space<hbm>>) target(%arg7 : memref<40x128xi32, #tpu.memory_space<vmem>>) target_semaphore(%run_scoped3A_84 : memref<!tpu.dma_semaphore, #tpu.memory_space<semaphore_mem>>)
      %dma_wait3A_99 = arith.constant 0 : i32
      %dma_wait3A_100 = arith.constant 0 : i32
      %dma_wait3A_101 = tpu.memref_slice %arg3[%add3A, %dma_wait3A_99, %dma_wait3A_100] : memref<32x80x128xi32, #tpu.memory_space<hbm>> -> memref<1x80x128xi32, #tpu.memory_space<hbm>>
      %dma_wait3A_102 = tpu.memref_squeeze %dma_wait3A_101 : memref<1x80x128xi32, #tpu.memory_space<hbm>> -> memref<80x128xi32, #tpu.memory_space<hbm>>
      %dma_wait3A_103 = arith.constant 0 : i32
      %dma_wait3A_104 = arith.constant 0 : i32
      %dma_wait3A_105 = tpu.memref_slice %dma_wait3A_102[%dma_wait3A_103, %dma_wait3A_104] : memref<80x128xi32, #tpu.memory_space<hbm>> -> memref<40x128xi32, #tpu.memory_space<hbm>>
      %dma_wait3A_106 = arith.constant 0 : i32
      %dma_wait3A_107 = arith.constant 0 : i32
      %dma_wait3A_108 = tpu.memref_slice %arg3[%add3A, %dma_wait3A_106, %dma_wait3A_107] : memref<32x80x128xi32, #tpu.memory_space<hbm>> -> memref<1x80x128xi32, #tpu.memory_space<hbm>>
      %dma_wait3A_109 = tpu.memref_squeeze %dma_wait3A_108 : memref<1x80x128xi32, #tpu.memory_space<hbm>> -> memref<80x128xi32, #tpu.memory_space<hbm>>
      %dma_wait3A_110 = arith.constant 0 : i32
      %dma_wait3A_111 = arith.constant 0 : i32
      %dma_wait3A_112 = tpu.memref_slice %dma_wait3A_109[%dma_wait3A_110, %dma_wait3A_111] : memref<80x128xi32, #tpu.memory_space<hbm>> -> memref<40x128xi32, #tpu.memory_space<hbm>>
      tpu.wait_dma2 semaphore(%run_scoped3A_84 : memref<!tpu.dma_semaphore, #tpu.memory_space<semaphore_mem>>) src(%dma_wait3A_112 : memref<40x128xi32, #tpu.memory_space<hbm>>) dst(%arg7 : memref<40x128xi32, #tpu.memory_space<vmem>>)
      tpu.yield
    }) : () -> ()
    "tpu.region"() ({
      %run_scoped3A_84 = tpu.sem_alloc : memref<!tpu.dma_semaphore, #tpu.memory_space<semaphore_mem>>
      %dma_start3A_85 = arith.constant 0 : i32
      %dma_start3A_86 = arith.constant 0 : i32
      %dma_start3A_87 = tpu.memref_slice %arg4[%add3A, %dma_start3A_85, %dma_start3A_86] : memref<32x80x128xi32, #tpu.memory_space<hbm>> -> memref<1x80x128xi32, #tpu.memory_space<hbm>>
      %dma_start3A_88 = tpu.memref_squeeze %dma_start3A_87 : memref<1x80x128xi32, #tpu.memory_space<hbm>> -> memref<80x128xi32, #tpu.memory_space<hbm>>
      %dma_start3A_89 = arith.constant 0 : i32
      %dma_start3A_90 = arith.constant 0 : i32
      %dma_start3A_91 = tpu.memref_slice %dma_start3A_88[%dma_start3A_89, %dma_start3A_90] : memref<80x128xi32, #tpu.memory_space<hbm>> -> memref<40x128xi32, #tpu.memory_space<hbm>>
      %dma_start3A_92 = arith.constant 0 : i32
      %dma_start3A_93 = arith.constant 0 : i32
      %dma_start3A_94 = tpu.memref_slice %arg4[%add3A, %dma_start3A_92, %dma_start3A_93] : memref<32x80x128xi32, #tpu.memory_space<hbm>> -> memref<1x80x128xi32, #tpu.memory_space<hbm>>
      %dma_start3A_95 = tpu.memref_squeeze %dma_start3A_94 : memref<1x80x128xi32, #tpu.memory_space<hbm>> -> memref<80x128xi32, #tpu.memory_space<hbm>>
      %dma_start3A_96 = arith.constant 0 : i32
      %dma_start3A_97 = arith.constant 0 : i32
      %dma_start3A_98 = tpu.memref_slice %dma_start3A_95[%dma_start3A_96, %dma_start3A_97] : memref<80x128xi32, #tpu.memory_space<hbm>> -> memref<40x128xi32, #tpu.memory_space<hbm>>
      tpu.enqueue_dma source(%dma_start3A_98 : memref<40x128xi32, #tpu.memory_space<hbm>>) target(%arg8 : memref<40x128xi32, #tpu.memory_space<vmem>>) target_semaphore(%run_scoped3A_84 : memref<!tpu.dma_semaphore, #tpu.memory_space<semaphore_mem>>)
      %dma_wait3A_99 = arith.constant 0 : i32
      %dma_wait3A_100 = arith.constant 0 : i32
      %dma_wait3A_101 = tpu.memref_slice %arg4[%add3A, %dma_wait3A_99, %dma_wait3A_100] : memref<32x80x128xi32, #tpu.memory_space<hbm>> -> memref<1x80x128xi32, #tpu.memory_space<hbm>>
      %dma_wait3A_102 = tpu.memref_squeeze %dma_wait3A_101 : memref<1x80x128xi32, #tpu.memory_space<hbm>> -> memref<80x128xi32, #tpu.memory_space<hbm>>
      %dma_wait3A_103 = arith.constant 0 : i32
      %dma_wait3A_104 = arith.constant 0 : i32
      %dma_wait3A_105 = tpu.memref_slice %dma_wait3A_102[%dma_wait3A_103, %dma_wait3A_104] : memref<80x128xi32, #tpu.memory_space<hbm>> -> memref<40x128xi32, #tpu.memory_space<hbm>>
      %dma_wait3A_106 = arith.constant 0 : i32
      %dma_wait3A_107 = arith.constant 0 : i32
      %dma_wait3A_108 = tpu.memref_slice %arg4[%add3A, %dma_wait3A_106, %dma_wait3A_107] : memref<32x80x128xi32, #tpu.memory_space<hbm>> -> memref<1x80x128xi32, #tpu.memory_space<hbm>>
      %dma_wait3A_109 = tpu.memref_squeeze %dma_wait3A_108 : memref<1x80x128xi32, #tpu.memory_space<hbm>> -> memref<80x128xi32, #tpu.memory_space<hbm>>
      %dma_wait3A_110 = arith.constant 0 : i32
      %dma_wait3A_111 = arith.constant 0 : i32
      %dma_wait3A_112 = tpu.memref_slice %dma_wait3A_109[%dma_wait3A_110, %dma_wait3A_111] : memref<80x128xi32, #tpu.memory_space<hbm>> -> memref<40x128xi32, #tpu.memory_space<hbm>>
      tpu.wait_dma2 semaphore(%run_scoped3A_84 : memref<!tpu.dma_semaphore, #tpu.memory_space<semaphore_mem>>) src(%dma_wait3A_112 : memref<40x128xi32, #tpu.memory_space<hbm>>) dst(%arg8 : memref<40x128xi32, #tpu.memory_space<vmem>>)
      tpu.yield
    }) : () -> ()
    %dma_start3A = arith.constant 0 : i32
    %dma_start3A_13 = arith.constant 0 : i32
    %dma_start3A_14 = tpu.memref_slice %arg7[%dma_start3A, %dma_start3A_13] : memref<40x128xi32, #tpu.memory_space<vmem>> -> memref<1x128xi32, #tpu.memory_space<vmem>>
    %dma_start3A_15 = tpu.memref_squeeze %dma_start3A_14 : memref<1x128xi32, #tpu.memory_space<vmem>> -> memref<128xi32, #tpu.memory_space<vmem>>
    %dma_start3A_16 = arith.constant 0 : i32
    %dma_start3A_17 = arith.constant 0 : i32
    %dma_start3A_18 = tpu.memref_slice %arg2[%dma_start3A_16, %dma_start3A_17] : memref<10000x128xf32, #tpu.memory_space<hbm>> -> memref<10000x128xf32, #tpu.memory_space<hbm>>
    tpu.enqueue_indirect_dma source(%dma_start3A_18 : memref<10000x128xf32, #tpu.memory_space<hbm>>) target(%arg9 : memref<128x128xf32, #tpu.memory_space<vmem>>) offsets(%dma_start3A_15 : memref<128xi32, #tpu.memory_space<vmem>>) semaphore(%arg11 : memref<!tpu.dma_semaphore, #tpu.memory_space<semaphore_mem>>)
    %dma_start3A_19 = arith.constant 1 : i32
    %dma_start3A_20 = arith.constant 0 : i32
    %dma_start3A_21 = tpu.memref_slice %arg7[%dma_start3A_19, %dma_start3A_20] : memref<40x128xi32, #tpu.memory_space<vmem>> -> memref<1x128xi32, #tpu.memory_space<vmem>>
    %dma_start3A_22 = tpu.memref_squeeze %dma_start3A_21 : memref<1x128xi32, #tpu.memory_space<vmem>> -> memref<128xi32, #tpu.memory_space<vmem>>
    %dma_start3A_23 = arith.constant 0 : i32
    %dma_start3A_24 = arith.constant 0 : i32
    %dma_start3A_25 = tpu.memref_slice %arg2[%dma_start3A_23, %dma_start3A_24] : memref<10000x128xf32, #tpu.memory_space<hbm>> -> memref<10000x128xf32, #tpu.memory_space<hbm>>
    tpu.enqueue_indirect_dma source(%dma_start3A_25 : memref<10000x128xf32, #tpu.memory_space<hbm>>) target(%arg10 : memref<128x128xf32, #tpu.memory_space<vmem>>) offsets(%dma_start3A_22 : memref<128xi32, #tpu.memory_space<vmem>>) semaphore(%arg12 : memref<!tpu.dma_semaphore, #tpu.memory_space<semaphore_mem>>)
    %scan3A = arith.constant 0 : i32
    %scan3A_26 = arith.constant 0 : i32
    %scan3A_27 = arith.constant 19 : i32
    %scan3A_28 = arith.addi %scan3A_26, %scan3A_27 : i32
    %scan3A_29 = arith.constant 1 : i32
    scf.for %scan3A_84 = %scan3A_26 to %scan3A_28 step %scan3A_29  : i32 {
      %mul3A_85 = arith.constant 2 : i32
      %mul3A_86 = arith.muli %mul3A_85, %scan3A_84 : i32
      %dma_wait3A_87 = arith.constant 0 : i32
      %dma_wait3A_88 = tpu.memref_slice %arg7[%mul3A_86, %dma_wait3A_87] : memref<40x128xi32, #tpu.memory_space<vmem>> -> memref<1x128xi32, #tpu.memory_space<vmem>>
      %dma_wait3A_89 = tpu.memref_squeeze %dma_wait3A_88 : memref<1x128xi32, #tpu.memory_space<vmem>> -> memref<128xi32, #tpu.memory_space<vmem>>
      %dma_wait3A_90 = arith.constant 0 : i32
      %dma_wait3A_91 = arith.constant 0 : i32
      %dma_wait3A_92 = tpu.memref_slice %arg2[%dma_wait3A_90, %dma_wait3A_91] : memref<10000x128xf32, #tpu.memory_space<hbm>> -> memref<10000x128xf32, #tpu.memory_space<hbm>>
      tpu.wait_indirect_dma semaphore(%arg11 : memref<!tpu.dma_semaphore, #tpu.memory_space<semaphore_mem>>) src(%dma_wait3A_92 : memref<10000x128xf32, #tpu.memory_space<hbm>>) dst(%arg9 : memref<128x128xf32, #tpu.memory_space<vmem>>)
      "tpu.region"() ({
        %run_scoped3A_119 = tpu.sem_alloc : memref<!tpu.dma_semaphore, #tpu.memory_space<semaphore_mem>>
        %dma_start3A_120 = arith.constant 0 : i32
        %dma_start3A_121 = tpu.memref_slice %arg8[%mul3A_86, %dma_start3A_120] : memref<40x128xi32, #tpu.memory_space<vmem>> -> memref<1x128xi32, #tpu.memory_space<vmem>>
        %dma_start3A_122 = tpu.memref_squeeze %dma_start3A_121 : memref<1x128xi32, #tpu.memory_space<vmem>> -> memref<128xi32, #tpu.memory_space<vmem>>
        %dma_start3A_123 = arith.constant 0 : i32
        %dma_start3A_124 = arith.constant 0 : i32
        %dma_start3A_125 = tpu.memref_slice %arg13[%dma_start3A_123, %dma_start3A_124] : memref<10112x128xf32, #tpu.memory_space<vmem_shared>> -> memref<10112x128xf32, #tpu.memory_space<vmem_shared>>
        tpu.enqueue_indirect_dma source(%arg9 : memref<128x128xf32, #tpu.memory_space<vmem>>) target(%dma_start3A_125 : memref<10112x128xf32, #tpu.memory_space<vmem_shared>>) offsets(%dma_start3A_122 : memref<128xi32, #tpu.memory_space<vmem>>) semaphore(%run_scoped3A_119 : memref<!tpu.dma_semaphore, #tpu.memory_space<semaphore_mem>>) {add = true}
        %dma_wait3A_126 = arith.constant 0 : i32
        %dma_wait3A_127 = tpu.memref_slice %arg8[%mul3A_86, %dma_wait3A_126] : memref<40x128xi32, #tpu.memory_space<vmem>> -> memref<1x128xi32, #tpu.memory_space<vmem>>
        %dma_wait3A_128 = tpu.memref_squeeze %dma_wait3A_127 : memref<1x128xi32, #tpu.memory_space<vmem>> -> memref<128xi32, #tpu.memory_space<vmem>>
        %dma_wait3A_129 = arith.constant 0 : i32
        %dma_wait3A_130 = arith.constant 0 : i32
        %dma_wait3A_131 = tpu.memref_slice %arg13[%dma_wait3A_129, %dma_wait3A_130] : memref<10112x128xf32, #tpu.memory_space<vmem_shared>> -> memref<10112x128xf32, #tpu.memory_space<vmem_shared>>
        tpu.wait_indirect_dma semaphore(%run_scoped3A_119 : memref<!tpu.dma_semaphore, #tpu.memory_space<semaphore_mem>>) src(%arg9 : memref<128x128xf32, #tpu.memory_space<vmem>>) dst(%dma_wait3A_131 : memref<10112x128xf32, #tpu.memory_space<vmem_shared>>)
        tpu.yield
      }) : () -> ()
      %add3A_93 = arith.constant 2 : i32
      %add3A_94 = arith.addi %mul3A_86, %add3A_93 : i32
      %dma_start3A_95 = arith.constant 0 : i32
      %dma_start3A_96 = tpu.memref_slice %arg7[%add3A_94, %dma_start3A_95] : memref<40x128xi32, #tpu.memory_space<vmem>> -> memref<1x128xi32, #tpu.memory_space<vmem>>
      %dma_start3A_97 = tpu.memref_squeeze %dma_start3A_96 : memref<1x128xi32, #tpu.memory_space<vmem>> -> memref<128xi32, #tpu.memory_space<vmem>>
      %dma_start3A_98 = arith.constant 0 : i32
      %dma_start3A_99 = arith.constant 0 : i32
      %dma_start3A_100 = tpu.memref_slice %arg2[%dma_start3A_98, %dma_start3A_99] : memref<10000x128xf32, #tpu.memory_space<hbm>> -> memref<10000x128xf32, #tpu.memory_space<hbm>>
      tpu.enqueue_indirect_dma source(%dma_start3A_100 : memref<10000x128xf32, #tpu.memory_space<hbm>>) target(%arg9 : memref<128x128xf32, #tpu.memory_space<vmem>>) offsets(%dma_start3A_97 : memref<128xi32, #tpu.memory_space<vmem>>) semaphore(%arg11 : memref<!tpu.dma_semaphore, #tpu.memory_space<semaphore_mem>>)
      %add3A_101 = arith.constant 1 : i32
      %add3A_102 = arith.addi %mul3A_86, %add3A_101 : i32
      %dma_wait3A_103 = arith.constant 0 : i32
      %dma_wait3A_104 = tpu.memref_slice %arg7[%add3A_102, %dma_wait3A_103] : memref<40x128xi32, #tpu.memory_space<vmem>> -> memref<1x128xi32, #tpu.memory_space<vmem>>
      %dma_wait3A_105 = tpu.memref_squeeze %dma_wait3A_104 : memref<1x128xi32, #tpu.memory_space<vmem>> -> memref<128xi32, #tpu.memory_space<vmem>>
      %dma_wait3A_106 = arith.constant 0 : i32
      %dma_wait3A_107 = arith.constant 0 : i32
      %dma_wait3A_108 = tpu.memref_slice %arg2[%dma_wait3A_106, %dma_wait3A_107] : memref<10000x128xf32, #tpu.memory_space<hbm>> -> memref<10000x128xf32, #tpu.memory_space<hbm>>
      tpu.wait_indirect_dma semaphore(%arg12 : memref<!tpu.dma_semaphore, #tpu.memory_space<semaphore_mem>>) src(%dma_wait3A_108 : memref<10000x128xf32, #tpu.memory_space<hbm>>) dst(%arg10 : memref<128x128xf32, #tpu.memory_space<vmem>>)
      %add3A_109 = arith.constant 1 : i32
      %add3A_110 = arith.addi %mul3A_86, %add3A_109 : i32
      "tpu.region"() ({
        %run_scoped3A_119 = tpu.sem_alloc : memref<!tpu.dma_semaphore, #tpu.memory_space<semaphore_mem>>
        %dma_start3A_120 = arith.constant 0 : i32
        %dma_start3A_121 = tpu.memref_slice %arg8[%add3A_110, %dma_start3A_120] : memref<40x128xi32, #tpu.memory_space<vmem>> -> memref<1x128xi32, #tpu.memory_space<vmem>>
        %dma_start3A_122 = tpu.memref_squeeze %dma_start3A_121 : memref<1x128xi32, #tpu.memory_space<vmem>> -> memref<128xi32, #tpu.memory_space<vmem>>
        %dma_start3A_123 = arith.constant 0 : i32
        %dma_start3A_124 = arith.constant 0 : i32
        %dma_start3A_125 = tpu.memref_slice %arg13[%dma_start3A_123, %dma_start3A_124] : memref<10112x128xf32, #tpu.memory_space<vmem_shared>> -> memref<10112x128xf32, #tpu.memory_space<vmem_shared>>
        tpu.enqueue_indirect_dma source(%arg10 : memref<128x128xf32, #tpu.memory_space<vmem>>) target(%dma_start3A_125 : memref<10112x128xf32, #tpu.memory_space<vmem_shared>>) offsets(%dma_start3A_122 : memref<128xi32, #tpu.memory_space<vmem>>) semaphore(%run_scoped3A_119 : memref<!tpu.dma_semaphore, #tpu.memory_space<semaphore_mem>>) {add = true}
        %dma_wait3A_126 = arith.constant 0 : i32
        %dma_wait3A_127 = tpu.memref_slice %arg8[%add3A_110, %dma_wait3A_126] : memref<40x128xi32, #tpu.memory_space<vmem>> -> memref<1x128xi32, #tpu.memory_space<vmem>>
        %dma_wait3A_128 = tpu.memref_squeeze %dma_wait3A_127 : memref<1x128xi32, #tpu.memory_space<vmem>> -> memref<128xi32, #tpu.memory_space<vmem>>
        %dma_wait3A_129 = arith.constant 0 : i32
        %dma_wait3A_130 = arith.constant 0 : i32
        %dma_wait3A_131 = tpu.memref_slice %arg13[%dma_wait3A_129, %dma_wait3A_130] : memref<10112x128xf32, #tpu.memory_space<vmem_shared>> -> memref<10112x128xf32, #tpu.memory_space<vmem_shared>>
        tpu.wait_indirect_dma semaphore(%run_scoped3A_119 : memref<!tpu.dma_semaphore, #tpu.memory_space<semaphore_mem>>) src(%arg10 : memref<128x128xf32, #tpu.memory_space<vmem>>) dst(%dma_wait3A_131 : memref<10112x128xf32, #tpu.memory_space<vmem_shared>>)
        tpu.yield
      }) : () -> ()
      %add3A_111 = arith.constant 3 : i32
      %add3A_112 = arith.addi %mul3A_86, %add3A_111 : i32
      %dma_start3A_113 = arith.constant 0 : i32
      %dma_start3A_114 = tpu.memref_slice %arg7[%add3A_112, %dma_start3A_113] : memref<40x128xi32, #tpu.memory_space<vmem>> -> memref<1x128xi32, #tpu.memory_space<vmem>>
      %dma_start3A_115 = tpu.memref_squeeze %dma_start3A_114 : memref<1x128xi32, #tpu.memory_space<vmem>> -> memref<128xi32, #tpu.memory_space<vmem>>
      %dma_start3A_116 = arith.constant 0 : i32
      %dma_start3A_117 = arith.constant 0 : i32
      %dma_start3A_118 = tpu.memref_slice %arg2[%dma_start3A_116, %dma_start3A_117] : memref<10000x128xf32, #tpu.memory_space<hbm>> -> memref<10000x128xf32, #tpu.memory_space<hbm>>
      tpu.enqueue_indirect_dma source(%dma_start3A_118 : memref<10000x128xf32, #tpu.memory_space<hbm>>) target(%arg10 : memref<128x128xf32, #tpu.memory_space<vmem>>) offsets(%dma_start3A_115 : memref<128xi32, #tpu.memory_space<vmem>>) semaphore(%arg12 : memref<!tpu.dma_semaphore, #tpu.memory_space<semaphore_mem>>)
    }
    %scan3A_30 = arith.constant 19 : i32
    %dma_wait3A = arith.constant 38 : i32
    %dma_wait3A_31 = arith.constant 0 : i32
    %dma_wait3A_32 = tpu.memref_slice %arg7[%dma_wait3A, %dma_wait3A_31] : memref<40x128xi32, #tpu.memory_space<vmem>> -> memref<1x128xi32, #tpu.memory_space<vmem>>
    %dma_wait3A_33 = tpu.memref_squeeze %dma_wait3A_32 : memref<1x128xi32, #tpu.memory_space<vmem>> -> memref<128xi32, #tpu.memory_space<vmem>>
    %dma_wait3A_34 = arith.constant 0 : i32
    %dma_wait3A_35 = arith.constant 0 : i32
    %dma_wait3A_36 = tpu.memref_slice %arg2[%dma_wait3A_34, %dma_wait3A_35] : memref<10000x128xf32, #tpu.memory_space<hbm>> -> memref<10000x128xf32, #tpu.memory_space<hbm>>
    tpu.wait_indirect_dma semaphore(%arg11 : memref<!tpu.dma_semaphore, #tpu.memory_space<semaphore_mem>>) src(%dma_wait3A_36 : memref<10000x128xf32, #tpu.memory_space<hbm>>) dst(%arg9 : memref<128x128xf32, #tpu.memory_space<vmem>>)
    %run_scoped3A = arith.constant 38 : i32
    "tpu.region"() ({
      %run_scoped3A_84 = tpu.sem_alloc : memref<!tpu.dma_semaphore, #tpu.memory_space<semaphore_mem>>
      %dma_start3A_85 = arith.constant 0 : i32
      %dma_start3A_86 = tpu.memref_slice %arg8[%run_scoped3A, %dma_start3A_85] : memref<40x128xi32, #tpu.memory_space<vmem>> -> memref<1x128xi32, #tpu.memory_space<vmem>>
      %dma_start3A_87 = tpu.memref_squeeze %dma_start3A_86 : memref<1x128xi32, #tpu.memory_space<vmem>> -> memref<128xi32, #tpu.memory_space<vmem>>
      %dma_start3A_88 = arith.constant 0 : i32
      %dma_start3A_89 = arith.constant 0 : i32
      %dma_start3A_90 = tpu.memref_slice %arg13[%dma_start3A_88, %dma_start3A_89] : memref<10112x128xf32, #tpu.memory_space<vmem_shared>> -> memref<10112x128xf32, #tpu.memory_space<vmem_shared>>
      tpu.enqueue_indirect_dma source(%arg9 : memref<128x128xf32, #tpu.memory_space<vmem>>) target(%dma_start3A_90 : memref<10112x128xf32, #tpu.memory_space<vmem_shared>>) offsets(%dma_start3A_87 : memref<128xi32, #tpu.memory_space<vmem>>) semaphore(%run_scoped3A_84 : memref<!tpu.dma_semaphore, #tpu.memory_space<semaphore_mem>>) {add = true}
      %dma_wait3A_91 = arith.constant 0 : i32
      %dma_wait3A_92 = tpu.memref_slice %arg8[%run_scoped3A, %dma_wait3A_91] : memref<40x128xi32, #tpu.memory_space<vmem>> -> memref<1x128xi32, #tpu.memory_space<vmem>>
      %dma_wait3A_93 = tpu.memref_squeeze %dma_wait3A_92 : memref<1x128xi32, #tpu.memory_space<vmem>> -> memref<128xi32, #tpu.memory_space<vmem>>
      %dma_wait3A_94 = arith.constant 0 : i32
      %dma_wait3A_95 = arith.constant 0 : i32
      %dma_wait3A_96 = tpu.memref_slice %arg13[%dma_wait3A_94, %dma_wait3A_95] : memref<10112x128xf32, #tpu.memory_space<vmem_shared>> -> memref<10112x128xf32, #tpu.memory_space<vmem_shared>>
      tpu.wait_indirect_dma semaphore(%run_scoped3A_84 : memref<!tpu.dma_semaphore, #tpu.memory_space<semaphore_mem>>) src(%arg9 : memref<128x128xf32, #tpu.memory_space<vmem>>) dst(%dma_wait3A_96 : memref<10112x128xf32, #tpu.memory_space<vmem_shared>>)
      tpu.yield
    }) : () -> ()
    %dma_wait3A_37 = arith.constant 39 : i32
    %dma_wait3A_38 = arith.constant 0 : i32
    %dma_wait3A_39 = tpu.memref_slice %arg7[%dma_wait3A_37, %dma_wait3A_38] : memref<40x128xi32, #tpu.memory_space<vmem>> -> memref<1x128xi32, #tpu.memory_space<vmem>>
    %dma_wait3A_40 = tpu.memref_squeeze %dma_wait3A_39 : memref<1x128xi32, #tpu.memory_space<vmem>> -> memref<128xi32, #tpu.memory_space<vmem>>
    %dma_wait3A_41 = arith.constant 0 : i32
    %dma_wait3A_42 = arith.constant 0 : i32
    %dma_wait3A_43 = tpu.memref_slice %arg2[%dma_wait3A_41, %dma_wait3A_42] : memref<10000x128xf32, #tpu.memory_space<hbm>> -> memref<10000x128xf32, #tpu.memory_space<hbm>>
    tpu.wait_indirect_dma semaphore(%arg12 : memref<!tpu.dma_semaphore, #tpu.memory_space<semaphore_mem>>) src(%dma_wait3A_43 : memref<10000x128xf32, #tpu.memory_space<hbm>>) dst(%arg10 : memref<128x128xf32, #tpu.memory_space<vmem>>)
    %run_scoped3A_44 = arith.constant 39 : i32
    "tpu.region"() ({
      %run_scoped3A_84 = tpu.sem_alloc : memref<!tpu.dma_semaphore, #tpu.memory_space<semaphore_mem>>
      %dma_start3A_85 = arith.constant 0 : i32
      %dma_start3A_86 = tpu.memref_slice %arg8[%run_scoped3A_44, %dma_start3A_85] : memref<40x128xi32, #tpu.memory_space<vmem>> -> memref<1x128xi32, #tpu.memory_space<vmem>>
      %dma_start3A_87 = tpu.memref_squeeze %dma_start3A_86 : memref<1x128xi32, #tpu.memory_space<vmem>> -> memref<128xi32, #tpu.memory_space<vmem>>
      %dma_start3A_88 = arith.constant 0 : i32
      %dma_start3A_89 = arith.constant 0 : i32
      %dma_start3A_90 = tpu.memref_slice %arg13[%dma_start3A_88, %dma_start3A_89] : memref<10112x128xf32, #tpu.memory_space<vmem_shared>> -> memref<10112x128xf32, #tpu.memory_space<vmem_shared>>
      tpu.enqueue_indirect_dma source(%arg10 : memref<128x128xf32, #tpu.memory_space<vmem>>) target(%dma_start3A_90 : memref<10112x128xf32, #tpu.memory_space<vmem_shared>>) offsets(%dma_start3A_87 : memref<128xi32, #tpu.memory_space<vmem>>) semaphore(%run_scoped3A_84 : memref<!tpu.dma_semaphore, #tpu.memory_space<semaphore_mem>>) {add = true}
      %dma_wait3A_91 = arith.constant 0 : i32
      %dma_wait3A_92 = tpu.memref_slice %arg8[%run_scoped3A_44, %dma_wait3A_91] : memref<40x128xi32, #tpu.memory_space<vmem>> -> memref<1x128xi32, #tpu.memory_space<vmem>>
      %dma_wait3A_93 = tpu.memref_squeeze %dma_wait3A_92 : memref<1x128xi32, #tpu.memory_space<vmem>> -> memref<128xi32, #tpu.memory_space<vmem>>
      %dma_wait3A_94 = arith.constant 0 : i32
      %dma_wait3A_95 = arith.constant 0 : i32
      %dma_wait3A_96 = tpu.memref_slice %arg13[%dma_wait3A_94, %dma_wait3A_95] : memref<10112x128xf32, #tpu.memory_space<vmem_shared>> -> memref<10112x128xf32, #tpu.memory_space<vmem_shared>>
      tpu.wait_indirect_dma semaphore(%run_scoped3A_84 : memref<!tpu.dma_semaphore, #tpu.memory_space<semaphore_mem>>) src(%arg10 : memref<128x128xf32, #tpu.memory_space<vmem>>) dst(%dma_wait3A_96 : memref<10112x128xf32, #tpu.memory_space<vmem_shared>>)
      tpu.yield
    }) : () -> ()
    "tpu.region"() ({
      %run_scoped3A_84 = tpu.sem_alloc : memref<!tpu.dma_semaphore, #tpu.memory_space<semaphore_mem>>
      %dma_start3A_85 = arith.constant 0 : i32
      %dma_start3A_86 = arith.constant 0 : i32
      %dma_start3A_87 = tpu.memref_slice %arg3[%add3A, %dma_start3A_85, %dma_start3A_86] : memref<32x80x128xi32, #tpu.memory_space<hbm>> -> memref<1x80x128xi32, #tpu.memory_space<hbm>>
      %dma_start3A_88 = tpu.memref_squeeze %dma_start3A_87 : memref<1x80x128xi32, #tpu.memory_space<hbm>> -> memref<80x128xi32, #tpu.memory_space<hbm>>
      %dma_start3A_89 = arith.constant 40 : i32
      %dma_start3A_90 = arith.constant 0 : i32
      %dma_start3A_91 = tpu.memref_slice %dma_start3A_88[%dma_start3A_89, %dma_start3A_90] : memref<80x128xi32, #tpu.memory_space<hbm>> -> memref<40x128xi32, #tpu.memory_space<hbm>>
      %dma_start3A_92 = arith.constant 0 : i32
      %dma_start3A_93 = arith.constant 0 : i32
      %dma_start3A_94 = tpu.memref_slice %arg3[%add3A, %dma_start3A_92, %dma_start3A_93] : memref<32x80x128xi32, #tpu.memory_space<hbm>> -> memref<1x80x128xi32, #tpu.memory_space<hbm>>
      %dma_start3A_95 = tpu.memref_squeeze %dma_start3A_94 : memref<1x80x128xi32, #tpu.memory_space<hbm>> -> memref<80x128xi32, #tpu.memory_space<hbm>>
      %dma_start3A_96 = arith.constant 40 : i32
      %dma_start3A_97 = arith.constant 0 : i32
      %dma_start3A_98 = tpu.memref_slice %dma_start3A_95[%dma_start3A_96, %dma_start3A_97] : memref<80x128xi32, #tpu.memory_space<hbm>> -> memref<40x128xi32, #tpu.memory_space<hbm>>
      tpu.enqueue_dma source(%dma_start3A_98 : memref<40x128xi32, #tpu.memory_space<hbm>>) target(%arg7 : memref<40x128xi32, #tpu.memory_space<vmem>>) target_semaphore(%run_scoped3A_84 : memref<!tpu.dma_semaphore, #tpu.memory_space<semaphore_mem>>)
      %dma_wait3A_99 = arith.constant 0 : i32
      %dma_wait3A_100 = arith.constant 0 : i32
      %dma_wait3A_101 = tpu.memref_slice %arg3[%add3A, %dma_wait3A_99, %dma_wait3A_100] : memref<32x80x128xi32, #tpu.memory_space<hbm>> -> memref<1x80x128xi32, #tpu.memory_space<hbm>>
      %dma_wait3A_102 = tpu.memref_squeeze %dma_wait3A_101 : memref<1x80x128xi32, #tpu.memory_space<hbm>> -> memref<80x128xi32, #tpu.memory_space<hbm>>
      %dma_wait3A_103 = arith.constant 40 : i32
      %dma_wait3A_104 = arith.constant 0 : i32
      %dma_wait3A_105 = tpu.memref_slice %dma_wait3A_102[%dma_wait3A_103, %dma_wait3A_104] : memref<80x128xi32, #tpu.memory_space<hbm>> -> memref<40x128xi32, #tpu.memory_space<hbm>>
      %dma_wait3A_106 = arith.constant 0 : i32
      %dma_wait3A_107 = arith.constant 0 : i32
      %dma_wait3A_108 = tpu.memref_slice %arg3[%add3A, %dma_wait3A_106, %dma_wait3A_107] : memref<32x80x128xi32, #tpu.memory_space<hbm>> -> memref<1x80x128xi32, #tpu.memory_space<hbm>>
      %dma_wait3A_109 = tpu.memref_squeeze %dma_wait3A_108 : memref<1x80x128xi32, #tpu.memory_space<hbm>> -> memref<80x128xi32, #tpu.memory_space<hbm>>
      %dma_wait3A_110 = arith.constant 40 : i32
      %dma_wait3A_111 = arith.constant 0 : i32
      %dma_wait3A_112 = tpu.memref_slice %dma_wait3A_109[%dma_wait3A_110, %dma_wait3A_111] : memref<80x128xi32, #tpu.memory_space<hbm>> -> memref<40x128xi32, #tpu.memory_space<hbm>>
      tpu.wait_dma2 semaphore(%run_scoped3A_84 : memref<!tpu.dma_semaphore, #tpu.memory_space<semaphore_mem>>) src(%dma_wait3A_112 : memref<40x128xi32, #tpu.memory_space<hbm>>) dst(%arg7 : memref<40x128xi32, #tpu.memory_space<vmem>>)
      tpu.yield
    }) : () -> ()
    "tpu.region"() ({
      %run_scoped3A_84 = tpu.sem_alloc : memref<!tpu.dma_semaphore, #tpu.memory_space<semaphore_mem>>
      %dma_start3A_85 = arith.constant 0 : i32
      %dma_start3A_86 = arith.constant 0 : i32
      %dma_start3A_87 = tpu.memref_slice %arg4[%add3A, %dma_start3A_85, %dma_start3A_86] : memref<32x80x128xi32, #tpu.memory_space<hbm>> -> memref<1x80x128xi32, #tpu.memory_space<hbm>>
      %dma_start3A_88 = tpu.memref_squeeze %dma_start3A_87 : memref<1x80x128xi32, #tpu.memory_space<hbm>> -> memref<80x128xi32, #tpu.memory_space<hbm>>
      %dma_start3A_89 = arith.constant 40 : i32
      %dma_start3A_90 = arith.constant 0 : i32
      %dma_start3A_91 = tpu.memref_slice %dma_start3A_88[%dma_start3A_89, %dma_start3A_90] : memref<80x128xi32, #tpu.memory_space<hbm>> -> memref<40x128xi32, #tpu.memory_space<hbm>>
      %dma_start3A_92 = arith.constant 0 : i32
      %dma_start3A_93 = arith.constant 0 : i32
      %dma_start3A_94 = tpu.memref_slice %arg4[%add3A, %dma_start3A_92, %dma_start3A_93] : memref<32x80x128xi32, #tpu.memory_space<hbm>> -> memref<1x80x128xi32, #tpu.memory_space<hbm>>
      %dma_start3A_95 = tpu.memref_squeeze %dma_start3A_94 : memref<1x80x128xi32, #tpu.memory_space<hbm>> -> memref<80x128xi32, #tpu.memory_space<hbm>>
      %dma_start3A_96 = arith.constant 40 : i32
      %dma_start3A_97 = arith.constant 0 : i32
      %dma_start3A_98 = tpu.memref_slice %dma_start3A_95[%dma_start3A_96, %dma_start3A_97] : memref<80x128xi32, #tpu.memory_space<hbm>> -> memref<40x128xi32, #tpu.memory_space<hbm>>
      tpu.enqueue_dma source(%dma_start3A_98 : memref<40x128xi32, #tpu.memory_space<hbm>>) target(%arg8 : memref<40x128xi32, #tpu.memory_space<vmem>>) target_semaphore(%run_scoped3A_84 : memref<!tpu.dma_semaphore, #tpu.memory_space<semaphore_mem>>)
      %dma_wait3A_99 = arith.constant 0 : i32
      %dma_wait3A_100 = arith.constant 0 : i32
      %dma_wait3A_101 = tpu.memref_slice %arg4[%add3A, %dma_wait3A_99, %dma_wait3A_100] : memref<32x80x128xi32, #tpu.memory_space<hbm>> -> memref<1x80x128xi32, #tpu.memory_space<hbm>>
      %dma_wait3A_102 = tpu.memref_squeeze %dma_wait3A_101 : memref<1x80x128xi32, #tpu.memory_space<hbm>> -> memref<80x128xi32, #tpu.memory_space<hbm>>
      %dma_wait3A_103 = arith.constant 40 : i32
      %dma_wait3A_104 = arith.constant 0 : i32
      %dma_wait3A_105 = tpu.memref_slice %dma_wait3A_102[%dma_wait3A_103, %dma_wait3A_104] : memref<80x128xi32, #tpu.memory_space<hbm>> -> memref<40x128xi32, #tpu.memory_space<hbm>>
      %dma_wait3A_106 = arith.constant 0 : i32
      %dma_wait3A_107 = arith.constant 0 : i32
      %dma_wait3A_108 = tpu.memref_slice %arg4[%add3A, %dma_wait3A_106, %dma_wait3A_107] : memref<32x80x128xi32, #tpu.memory_space<hbm>> -> memref<1x80x128xi32, #tpu.memory_space<hbm>>
      %dma_wait3A_109 = tpu.memref_squeeze %dma_wait3A_108 : memref<1x80x128xi32, #tpu.memory_space<hbm>> -> memref<80x128xi32, #tpu.memory_space<hbm>>
      %dma_wait3A_110 = arith.constant 40 : i32
      %dma_wait3A_111 = arith.constant 0 : i32
      %dma_wait3A_112 = tpu.memref_slice %dma_wait3A_109[%dma_wait3A_110, %dma_wait3A_111] : memref<80x128xi32, #tpu.memory_space<hbm>> -> memref<40x128xi32, #tpu.memory_space<hbm>>
      tpu.wait_dma2 semaphore(%run_scoped3A_84 : memref<!tpu.dma_semaphore, #tpu.memory_space<semaphore_mem>>) src(%dma_wait3A_112 : memref<40x128xi32, #tpu.memory_space<hbm>>) dst(%arg8 : memref<40x128xi32, #tpu.memory_space<vmem>>)
      tpu.yield
    }) : () -> ()
    %dma_start3A_45 = arith.constant 0 : i32
    %dma_start3A_46 = arith.constant 0 : i32
    %dma_start3A_47 = tpu.memref_slice %arg7[%dma_start3A_45, %dma_start3A_46] : memref<40x128xi32, #tpu.memory_space<vmem>> -> memref<1x128xi32, #tpu.memory_space<vmem>>
    %dma_start3A_48 = tpu.memref_squeeze %dma_start3A_47 : memref<1x128xi32, #tpu.memory_space<vmem>> -> memref<128xi32, #tpu.memory_space<vmem>>
    %dma_start3A_49 = arith.constant 0 : i32
    %dma_start3A_50 = arith.constant 0 : i32
    %dma_start3A_51 = tpu.memref_slice %arg2[%dma_start3A_49, %dma_start3A_50] : memref<10000x128xf32, #tpu.memory_space<hbm>> -> memref<10000x128xf32, #tpu.memory_space<hbm>>
    tpu.enqueue_indirect_dma source(%dma_start3A_51 : memref<10000x128xf32, #tpu.memory_space<hbm>>) target(%arg9 : memref<128x128xf32, #tpu.memory_space<vmem>>) offsets(%dma_start3A_48 : memref<128xi32, #tpu.memory_space<vmem>>) semaphore(%arg11 : memref<!tpu.dma_semaphore, #tpu.memory_space<semaphore_mem>>)
    %dma_start3A_52 = arith.constant 1 : i32
    %dma_start3A_53 = arith.constant 0 : i32
    %dma_start3A_54 = tpu.memref_slice %arg7[%dma_start3A_52, %dma_start3A_53] : memref<40x128xi32, #tpu.memory_space<vmem>> -> memref<1x128xi32, #tpu.memory_space<vmem>>
    %dma_start3A_55 = tpu.memref_squeeze %dma_start3A_54 : memref<1x128xi32, #tpu.memory_space<vmem>> -> memref<128xi32, #tpu.memory_space<vmem>>
    %dma_start3A_56 = arith.constant 0 : i32
    %dma_start3A_57 = arith.constant 0 : i32
    %dma_start3A_58 = tpu.memref_slice %arg2[%dma_start3A_56, %dma_start3A_57] : memref<10000x128xf32, #tpu.memory_space<hbm>> -> memref<10000x128xf32, #tpu.memory_space<hbm>>
    tpu.enqueue_indirect_dma source(%dma_start3A_58 : memref<10000x128xf32, #tpu.memory_space<hbm>>) target(%arg10 : memref<128x128xf32, #tpu.memory_space<vmem>>) offsets(%dma_start3A_55 : memref<128xi32, #tpu.memory_space<vmem>>) semaphore(%arg12 : memref<!tpu.dma_semaphore, #tpu.memory_space<semaphore_mem>>)
    %scan3A_59 = arith.constant 0 : i32
    %scan3A_60 = arith.constant 0 : i32
    %scan3A_61 = arith.constant 19 : i32
    %scan3A_62 = arith.addi %scan3A_60, %scan3A_61 : i32
    %scan3A_63 = arith.constant 1 : i32
    scf.for %scan3A_84 = %scan3A_60 to %scan3A_62 step %scan3A_63  : i32 {
      %mul3A_85 = arith.constant 2 : i32
      %mul3A_86 = arith.muli %mul3A_85, %scan3A_84 : i32
      %dma_wait3A_87 = arith.constant 0 : i32
      %dma_wait3A_88 = tpu.memref_slice %arg7[%mul3A_86, %dma_wait3A_87] : memref<40x128xi32, #tpu.memory_space<vmem>> -> memref<1x128xi32, #tpu.memory_space<vmem>>
      %dma_wait3A_89 = tpu.memref_squeeze %dma_wait3A_88 : memref<1x128xi32, #tpu.memory_space<vmem>> -> memref<128xi32, #tpu.memory_space<vmem>>
      %dma_wait3A_90 = arith.constant 0 : i32
      %dma_wait3A_91 = arith.constant 0 : i32
      %dma_wait3A_92 = tpu.memref_slice %arg2[%dma_wait3A_90, %dma_wait3A_91] : memref<10000x128xf32, #tpu.memory_space<hbm>> -> memref<10000x128xf32, #tpu.memory_space<hbm>>
      tpu.wait_indirect_dma semaphore(%arg11 : memref<!tpu.dma_semaphore, #tpu.memory_space<semaphore_mem>>) src(%dma_wait3A_92 : memref<10000x128xf32, #tpu.memory_space<hbm>>) dst(%arg9 : memref<128x128xf32, #tpu.memory_space<vmem>>)
      "tpu.region"() ({
        %run_scoped3A_119 = tpu.sem_alloc : memref<!tpu.dma_semaphore, #tpu.memory_space<semaphore_mem>>
        %dma_start3A_120 = arith.constant 0 : i32
        %dma_start3A_121 = tpu.memref_slice %arg8[%mul3A_86, %dma_start3A_120] : memref<40x128xi32, #tpu.memory_space<vmem>> -> memref<1x128xi32, #tpu.memory_space<vmem>>
        %dma_start3A_122 = tpu.memref_squeeze %dma_start3A_121 : memref<1x128xi32, #tpu.memory_space<vmem>> -> memref<128xi32, #tpu.memory_space<vmem>>
        %dma_start3A_123 = arith.constant 0 : i32
        %dma_start3A_124 = arith.constant 0 : i32
        %dma_start3A_125 = tpu.memref_slice %arg13[%dma_start3A_123, %dma_start3A_124] : memref<10112x128xf32, #tpu.memory_space<vmem_shared>> -> memref<10112x128xf32, #tpu.memory_space<vmem_shared>>
        tpu.enqueue_indirect_dma source(%arg9 : memref<128x128xf32, #tpu.memory_space<vmem>>) target(%dma_start3A_125 : memref<10112x128xf32, #tpu.memory_space<vmem_shared>>) offsets(%dma_start3A_122 : memref<128xi32, #tpu.memory_space<vmem>>) semaphore(%run_scoped3A_119 : memref<!tpu.dma_semaphore, #tpu.memory_space<semaphore_mem>>) {add = true}
        %dma_wait3A_126 = arith.constant 0 : i32
        %dma_wait3A_127 = tpu.memref_slice %arg8[%mul3A_86, %dma_wait3A_126] : memref<40x128xi32, #tpu.memory_space<vmem>> -> memref<1x128xi32, #tpu.memory_space<vmem>>
        %dma_wait3A_128 = tpu.memref_squeeze %dma_wait3A_127 : memref<1x128xi32, #tpu.memory_space<vmem>> -> memref<128xi32, #tpu.memory_space<vmem>>
        %dma_wait3A_129 = arith.constant 0 : i32
        %dma_wait3A_130 = arith.constant 0 : i32
        %dma_wait3A_131 = tpu.memref_slice %arg13[%dma_wait3A_129, %dma_wait3A_130] : memref<10112x128xf32, #tpu.memory_space<vmem_shared>> -> memref<10112x128xf32, #tpu.memory_space<vmem_shared>>
        tpu.wait_indirect_dma semaphore(%run_scoped3A_119 : memref<!tpu.dma_semaphore, #tpu.memory_space<semaphore_mem>>) src(%arg9 : memref<128x128xf32, #tpu.memory_space<vmem>>) dst(%dma_wait3A_131 : memref<10112x128xf32, #tpu.memory_space<vmem_shared>>)
        tpu.yield
      }) : () -> ()
      %add3A_93 = arith.constant 2 : i32
      %add3A_94 = arith.addi %mul3A_86, %add3A_93 : i32
      %dma_start3A_95 = arith.constant 0 : i32
      %dma_start3A_96 = tpu.memref_slice %arg7[%add3A_94, %dma_start3A_95] : memref<40x128xi32, #tpu.memory_space<vmem>> -> memref<1x128xi32, #tpu.memory_space<vmem>>
      %dma_start3A_97 = tpu.memref_squeeze %dma_start3A_96 : memref<1x128xi32, #tpu.memory_space<vmem>> -> memref<128xi32, #tpu.memory_space<vmem>>
      %dma_start3A_98 = arith.constant 0 : i32
      %dma_start3A_99 = arith.constant 0 : i32
      %dma_start3A_100 = tpu.memref_slice %arg2[%dma_start3A_98, %dma_start3A_99] : memref<10000x128xf32, #tpu.memory_space<hbm>> -> memref<10000x128xf32, #tpu.memory_space<hbm>>
      tpu.enqueue_indirect_dma source(%dma_start3A_100 : memref<10000x128xf32, #tpu.memory_space<hbm>>) target(%arg9 : memref<128x128xf32, #tpu.memory_space<vmem>>) offsets(%dma_start3A_97 : memref<128xi32, #tpu.memory_space<vmem>>) semaphore(%arg11 : memref<!tpu.dma_semaphore, #tpu.memory_space<semaphore_mem>>)
      %add3A_101 = arith.constant 1 : i32
      %add3A_102 = arith.addi %mul3A_86, %add3A_101 : i32
      %dma_wait3A_103 = arith.constant 0 : i32
      %dma_wait3A_104 = tpu.memref_slice %arg7[%add3A_102, %dma_wait3A_103] : memref<40x128xi32, #tpu.memory_space<vmem>> -> memref<1x128xi32, #tpu.memory_space<vmem>>
      %dma_wait3A_105 = tpu.memref_squeeze %dma_wait3A_104 : memref<1x128xi32, #tpu.memory_space<vmem>> -> memref<128xi32, #tpu.memory_space<vmem>>
      %dma_wait3A_106 = arith.constant 0 : i32
      %dma_wait3A_107 = arith.constant 0 : i32
      %dma_wait3A_108 = tpu.memref_slice %arg2[%dma_wait3A_106, %dma_wait3A_107] : memref<10000x128xf32, #tpu.memory_space<hbm>> -> memref<10000x128xf32, #tpu.memory_space<hbm>>
      tpu.wait_indirect_dma semaphore(%arg12 : memref<!tpu.dma_semaphore, #tpu.memory_space<semaphore_mem>>) src(%dma_wait3A_108 : memref<10000x128xf32, #tpu.memory_space<hbm>>) dst(%arg10 : memref<128x128xf32, #tpu.memory_space<vmem>>)
      %add3A_109 = arith.constant 1 : i32
      %add3A_110 = arith.addi %mul3A_86, %add3A_109 : i32
      "tpu.region"() ({
        %run_scoped3A_119 = tpu.sem_alloc : memref<!tpu.dma_semaphore, #tpu.memory_space<semaphore_mem>>
        %dma_start3A_120 = arith.constant 0 : i32
        %dma_start3A_121 = tpu.memref_slice %arg8[%add3A_110, %dma_start3A_120] : memref<40x128xi32, #tpu.memory_space<vmem>> -> memref<1x128xi32, #tpu.memory_space<vmem>>
        %dma_start3A_122 = tpu.memref_squeeze %dma_start3A_121 : memref<1x128xi32, #tpu.memory_space<vmem>> -> memref<128xi32, #tpu.memory_space<vmem>>
        %dma_start3A_123 = arith.constant 0 : i32
        %dma_start3A_124 = arith.constant 0 : i32
        %dma_start3A_125 = tpu.memref_slice %arg13[%dma_start3A_123, %dma_start3A_124] : memref<10112x128xf32, #tpu.memory_space<vmem_shared>> -> memref<10112x128xf32, #tpu.memory_space<vmem_shared>>
        tpu.enqueue_indirect_dma source(%arg10 : memref<128x128xf32, #tpu.memory_space<vmem>>) target(%dma_start3A_125 : memref<10112x128xf32, #tpu.memory_space<vmem_shared>>) offsets(%dma_start3A_122 : memref<128xi32, #tpu.memory_space<vmem>>) semaphore(%run_scoped3A_119 : memref<!tpu.dma_semaphore, #tpu.memory_space<semaphore_mem>>) {add = true}
        %dma_wait3A_126 = arith.constant 0 : i32
        %dma_wait3A_127 = tpu.memref_slice %arg8[%add3A_110, %dma_wait3A_126] : memref<40x128xi32, #tpu.memory_space<vmem>> -> memref<1x128xi32, #tpu.memory_space<vmem>>
        %dma_wait3A_128 = tpu.memref_squeeze %dma_wait3A_127 : memref<1x128xi32, #tpu.memory_space<vmem>> -> memref<128xi32, #tpu.memory_space<vmem>>
        %dma_wait3A_129 = arith.constant 0 : i32
        %dma_wait3A_130 = arith.constant 0 : i32
        %dma_wait3A_131 = tpu.memref_slice %arg13[%dma_wait3A_129, %dma_wait3A_130] : memref<10112x128xf32, #tpu.memory_space<vmem_shared>> -> memref<10112x128xf32, #tpu.memory_space<vmem_shared>>
        tpu.wait_indirect_dma semaphore(%run_scoped3A_119 : memref<!tpu.dma_semaphore, #tpu.memory_space<semaphore_mem>>) src(%arg10 : memref<128x128xf32, #tpu.memory_space<vmem>>) dst(%dma_wait3A_131 : memref<10112x128xf32, #tpu.memory_space<vmem_shared>>)
        tpu.yield
      }) : () -> ()
      %add3A_111 = arith.constant 3 : i32
      %add3A_112 = arith.addi %mul3A_86, %add3A_111 : i32
      %dma_start3A_113 = arith.constant 0 : i32
      %dma_start3A_114 = tpu.memref_slice %arg7[%add3A_112, %dma_start3A_113] : memref<40x128xi32, #tpu.memory_space<vmem>> -> memref<1x128xi32, #tpu.memory_space<vmem>>
      %dma_start3A_115 = tpu.memref_squeeze %dma_start3A_114 : memref<1x128xi32, #tpu.memory_space<vmem>> -> memref<128xi32, #tpu.memory_space<vmem>>
      %dma_start3A_116 = arith.constant 0 : i32
      %dma_start3A_117 = arith.constant 0 : i32
      %dma_start3A_118 = tpu.memref_slice %arg2[%dma_start3A_116, %dma_start3A_117] : memref<10000x128xf32, #tpu.memory_space<hbm>> -> memref<10000x128xf32, #tpu.memory_space<hbm>>
      tpu.enqueue_indirect_dma source(%dma_start3A_118 : memref<10000x128xf32, #tpu.memory_space<hbm>>) target(%arg10 : memref<128x128xf32, #tpu.memory_space<vmem>>) offsets(%dma_start3A_115 : memref<128xi32, #tpu.memory_space<vmem>>) semaphore(%arg12 : memref<!tpu.dma_semaphore, #tpu.memory_space<semaphore_mem>>)
    }
    %scan3A_64 = arith.constant 19 : i32
    %dma_wait3A_65 = arith.constant 38 : i32
    %dma_wait3A_66 = arith.constant 0 : i32
    %dma_wait3A_67 = tpu.memref_slice %arg7[%dma_wait3A_65, %dma_wait3A_66] : memref<40x128xi32, #tpu.memory_space<vmem>> -> memref<1x128xi32, #tpu.memory_space<vmem>>
    %dma_wait3A_68 = tpu.memref_squeeze %dma_wait3A_67 : memref<1x128xi32, #tpu.memory_space<vmem>> -> memref<128xi32, #tpu.memory_space<vmem>>
    %dma_wait3A_69 = arith.constant 0 : i32
    %dma_wait3A_70 = arith.constant 0 : i32
    %dma_wait3A_71 = tpu.memref_slice %arg2[%dma_wait3A_69, %dma_wait3A_70] : memref<10000x128xf32, #tpu.memory_space<hbm>> -> memref<10000x128xf32, #tpu.memory_space<hbm>>
    tpu.wait_indirect_dma semaphore(%arg11 : memref<!tpu.dma_semaphore, #tpu.memory_space<semaphore_mem>>) src(%dma_wait3A_71 : memref<10000x128xf32, #tpu.memory_space<hbm>>) dst(%arg9 : memref<128x128xf32, #tpu.memory_space<vmem>>)
    %run_scoped3A_72 = arith.constant 38 : i32
    "tpu.region"() ({
      %run_scoped3A_84 = tpu.sem_alloc : memref<!tpu.dma_semaphore, #tpu.memory_space<semaphore_mem>>
      %dma_start3A_85 = arith.constant 0 : i32
      %dma_start3A_86 = tpu.memref_slice %arg8[%run_scoped3A_72, %dma_start3A_85] : memref<40x128xi32, #tpu.memory_space<vmem>> -> memref<1x128xi32, #tpu.memory_space<vmem>>
      %dma_start3A_87 = tpu.memref_squeeze %dma_start3A_86 : memref<1x128xi32, #tpu.memory_space<vmem>> -> memref<128xi32, #tpu.memory_space<vmem>>
      %dma_start3A_88 = arith.constant 0 : i32
      %dma_start3A_89 = arith.constant 0 : i32
      %dma_start3A_90 = tpu.memref_slice %arg13[%dma_start3A_88, %dma_start3A_89] : memref<10112x128xf32, #tpu.memory_space<vmem_shared>> -> memref<10112x128xf32, #tpu.memory_space<vmem_shared>>
      tpu.enqueue_indirect_dma source(%arg9 : memref<128x128xf32, #tpu.memory_space<vmem>>) target(%dma_start3A_90 : memref<10112x128xf32, #tpu.memory_space<vmem_shared>>) offsets(%dma_start3A_87 : memref<128xi32, #tpu.memory_space<vmem>>) semaphore(%run_scoped3A_84 : memref<!tpu.dma_semaphore, #tpu.memory_space<semaphore_mem>>) {add = true}
      %dma_wait3A_91 = arith.constant 0 : i32
      %dma_wait3A_92 = tpu.memref_slice %arg8[%run_scoped3A_72, %dma_wait3A_91] : memref<40x128xi32, #tpu.memory_space<vmem>> -> memref<1x128xi32, #tpu.memory_space<vmem>>
      %dma_wait3A_93 = tpu.memref_squeeze %dma_wait3A_92 : memref<1x128xi32, #tpu.memory_space<vmem>> -> memref<128xi32, #tpu.memory_space<vmem>>
      %dma_wait3A_94 = arith.constant 0 : i32
      %dma_wait3A_95 = arith.constant 0 : i32
      %dma_wait3A_96 = tpu.memref_slice %arg13[%dma_wait3A_94, %dma_wait3A_95] : memref<10112x128xf32, #tpu.memory_space<vmem_shared>> -> memref<10112x128xf32, #tpu.memory_space<vmem_shared>>
      tpu.wait_indirect_dma semaphore(%run_scoped3A_84 : memref<!tpu.dma_semaphore, #tpu.memory_space<semaphore_mem>>) src(%arg9 : memref<128x128xf32, #tpu.memory_space<vmem>>) dst(%dma_wait3A_96 : memref<10112x128xf32, #tpu.memory_space<vmem_shared>>)
      tpu.yield
    }) : () -> ()
    %dma_wait3A_73 = arith.constant 39 : i32
    %dma_wait3A_74 = arith.constant 0 : i32
    %dma_wait3A_75 = tpu.memref_slice %arg7[%dma_wait3A_73, %dma_wait3A_74] : memref<40x128xi32, #tpu.memory_space<vmem>> -> memref<1x128xi32, #tpu.memory_space<vmem>>
    %dma_wait3A_76 = tpu.memref_squeeze %dma_wait3A_75 : memref<1x128xi32, #tpu.memory_space<vmem>> -> memref<128xi32, #tpu.memory_space<vmem>>
    %dma_wait3A_77 = arith.constant 0 : i32
    %dma_wait3A_78 = arith.constant 0 : i32
    %dma_wait3A_79 = tpu.memref_slice %arg2[%dma_wait3A_77, %dma_wait3A_78] : memref<10000x128xf32, #tpu.memory_space<hbm>> -> memref<10000x128xf32, #tpu.memory_space<hbm>>
    tpu.wait_indirect_dma semaphore(%arg12 : memref<!tpu.dma_semaphore, #tpu.memory_space<semaphore_mem>>) src(%dma_wait3A_79 : memref<10000x128xf32, #tpu.memory_space<hbm>>) dst(%arg10 : memref<128x128xf32, #tpu.memory_space<vmem>>)
    %run_scoped3A_80 = arith.constant 39 : i32
    "tpu.region"() ({
      %run_scoped3A_84 = tpu.sem_alloc : memref<!tpu.dma_semaphore, #tpu.memory_space<semaphore_mem>>
      %dma_start3A_85 = arith.constant 0 : i32
      %dma_start3A_86 = tpu.memref_slice %arg8[%run_scoped3A_80, %dma_start3A_85] : memref<40x128xi32, #tpu.memory_space<vmem>> -> memref<1x128xi32, #tpu.memory_space<vmem>>
      %dma_start3A_87 = tpu.memref_squeeze %dma_start3A_86 : memref<1x128xi32, #tpu.memory_space<vmem>> -> memref<128xi32, #tpu.memory_space<vmem>>
      %dma_start3A_88 = arith.constant 0 : i32
      %dma_start3A_89 = arith.constant 0 : i32
      %dma_start3A_90 = tpu.memref_slice %arg13[%dma_start3A_88, %dma_start3A_89] : memref<10112x128xf32, #tpu.memory_space<vmem_shared>> -> memref<10112x128xf32, #tpu.memory_space<vmem_shared>>
      tpu.enqueue_indirect_dma source(%arg10 : memref<128x128xf32, #tpu.memory_space<vmem>>) target(%dma_start3A_90 : memref<10112x128xf32, #tpu.memory_space<vmem_shared>>) offsets(%dma_start3A_87 : memref<128xi32, #tpu.memory_space<vmem>>) semaphore(%run_scoped3A_84 : memref<!tpu.dma_semaphore, #tpu.memory_space<semaphore_mem>>) {add = true}
      %dma_wait3A_91 = arith.constant 0 : i32
      %dma_wait3A_92 = tpu.memref_slice %arg8[%run_scoped3A_80, %dma_wait3A_91] : memref<40x128xi32, #tpu.memory_space<vmem>> -> memref<1x128xi32, #tpu.memory_space<vmem>>
      %dma_wait3A_93 = tpu.memref_squeeze %dma_wait3A_92 : memref<1x128xi32, #tpu.memory_space<vmem>> -> memref<128xi32, #tpu.memory_space<vmem>>
      %dma_wait3A_94 = arith.constant 0 : i32
      %dma_wait3A_95 = arith.constant 0 : i32
      %dma_wait3A_96 = tpu.memref_slice %arg13[%dma_wait3A_94, %dma_wait3A_95] : memref<10112x128xf32, #tpu.memory_space<vmem_shared>> -> memref<10112x128xf32, #tpu.memory_space<vmem_shared>>
      tpu.wait_indirect_dma semaphore(%run_scoped3A_84 : memref<!tpu.dma_semaphore, #tpu.memory_space<semaphore_mem>>) src(%arg10 : memref<128x128xf32, #tpu.memory_space<vmem>>) dst(%dma_wait3A_96 : memref<10112x128xf32, #tpu.memory_space<vmem_shared>>)
      tpu.yield
    }) : () -> ()
    %barrier3A_81 = arith.constant 0 : index
    tpu.barrier barrier_id(%barrier3A_81)
    %mul3A_82 = arith.constant 632 : i32
    %mul3A_83 = arith.muli %arg1, %mul3A_82 : i32
    "tpu.region"() ({
      %run_scoped3A_84 = tpu.sem_alloc : memref<!tpu.dma_semaphore, #tpu.memory_space<semaphore_mem>>
      %dma_start3A_85 = arith.constant 0 : i32
      %dma_start3A_86 = arith.constant 0 : i32
      %dma_start3A_87 = tpu.memref_slice %arg6[%arg0, %dma_start3A_85, %dma_start3A_86] : memref<2x10112x128xf32, #tpu.memory_space<hbm>> -> memref<1x10112x128xf32, #tpu.memory_space<hbm>>
      %dma_start3A_88 = tpu.memref_squeeze %dma_start3A_87 : memref<1x10112x128xf32, #tpu.memory_space<hbm>> -> memref<10112x128xf32, #tpu.memory_space<hbm>>
      %dma_start3A_89 = arith.constant 0 : i32
      %dma_start3A_90 = tpu.memref_slice %dma_start3A_88[%mul3A_83, %dma_start3A_89] : memref<10112x128xf32, #tpu.memory_space<hbm>> -> memref<632x128xf32, #tpu.memory_space<hbm>>
      %dma_start3A_91 = arith.constant 0 : i32
      %dma_start3A_92 = tpu.memref_slice %arg13[%mul3A_83, %dma_start3A_91] : memref<10112x128xf32, #tpu.memory_space<vmem_shared>> -> memref<632x128xf32, #tpu.memory_space<vmem_shared>>
      tpu.enqueue_dma source(%dma_start3A_92 : memref<632x128xf32, #tpu.memory_space<vmem_shared>>) target(%dma_start3A_90 : memref<632x128xf32, #tpu.memory_space<hbm>>) target_semaphore(%run_scoped3A_84 : memref<!tpu.dma_semaphore, #tpu.memory_space<semaphore_mem>>)
      %dma_wait3A_93 = arith.constant 0 : i32
      %dma_wait3A_94 = arith.constant 0 : i32
      %dma_wait3A_95 = tpu.memref_slice %arg6[%arg0, %dma_wait3A_93, %dma_wait3A_94] : memref<2x10112x128xf32, #tpu.memory_space<hbm>> -> memref<1x10112x128xf32, #tpu.memory_space<hbm>>
      %dma_wait3A_96 = tpu.memref_squeeze %dma_wait3A_95 : memref<1x10112x128xf32, #tpu.memory_space<hbm>> -> memref<10112x128xf32, #tpu.memory_space<hbm>>
      %dma_wait3A_97 = arith.constant 0 : i32
      %dma_wait3A_98 = tpu.memref_slice %dma_wait3A_96[%mul3A_83, %dma_wait3A_97] : memref<10112x128xf32, #tpu.memory_space<hbm>> -> memref<632x128xf32, #tpu.memory_space<hbm>>
      %dma_wait3A_99 = arith.constant 0 : i32
      %dma_wait3A_100 = tpu.memref_slice %arg13[%mul3A_83, %dma_wait3A_99] : memref<10112x128xf32, #tpu.memory_space<vmem_shared>> -> memref<632x128xf32, #tpu.memory_space<vmem_shared>>
      tpu.wait_dma2 semaphore(%run_scoped3A_84 : memref<!tpu.dma_semaphore, #tpu.memory_space<semaphore_mem>>) src(%dma_wait3A_100 : memref<632x128xf32, #tpu.memory_space<vmem_shared>>) dst(%dma_wait3A_98 : memref<632x128xf32, #tpu.memory_space<hbm>>)
      tpu.yield
    }) : () -> ()
    return
  }
}

#map = affine_map<(d0, d1) -> (0, 0)>
#map1 = affine_map<(d0, d1) -> (0, 0, 0)>
module attributes {stable_mosaic.version = 14 : i64} {
  func.func @_sc_prop(%arg0: i32, %arg1: i32, %arg2: memref<10000x128xf32, #tpu.memory_space<hbm>>, %arg3: memref<32x80x128xi32, #tpu.memory_space<hbm>>, %arg4: memref<32x80x128xi32, #tpu.memory_space<hbm>>, %arg5: memref<128x128xf32, #tpu.memory_space<hbm>>, %arg6: memref<2x10112x128xf32, #tpu.memory_space<hbm>>, %arg7: memref<40x128xi32, #tpu.memory_space<vmem>>, %arg8: memref<40x128xi32, #tpu.memory_space<vmem>>, %arg9: memref<128x128xf32, #tpu.memory_space<vmem>>, %arg10: memref<128x128xf32, #tpu.memory_space<vmem>>, %arg11: memref<!tpu.dma_semaphore, #tpu.memory_space<semaphore_mem>>, %arg12: memref<!tpu.dma_semaphore, #tpu.memory_space<semaphore_mem>>, %arg13: memref<10112x128xf32, #tpu.memory_space<vmem_shared>>) attributes {dimension_semantics = [#tpu.dimension_semantics<core_parallel>, #tpu.dimension_semantics<subcore_parallel>], iteration_bounds = array<i64: 2, 16>, scalar_prefetch = 0 : i64, scratch_operands = 7 : i64, tpu.core_type = #tpu.core_type<sc_vector_subcore>, window_params = [{transform_indices = #map}, {transform_indices = #map1}, {transform_indices = #map1}, {transform_indices = #map}, {transform_indices = #map1}]} {
    %mul3A = arith.constant 16 : i32
    %mul3A_0 = arith.muli %arg0, %mul3A : i32
    %add3A = arith.addi %mul3A_0, %arg1 : i32
    "tpu.region"() ({
      %run_scoped3A_84 = tpu.sem_alloc : memref<!tpu.dma_semaphore, #tpu.memory_space<semaphore_mem>>
      tpu.enqueue_dma source(%arg5 : memref<128x128xf32, #tpu.memory_space<hbm>>) target(%arg9 : memref<128x128xf32, #tpu.memory_space<vmem>>) target_semaphore(%run_scoped3A_84 : memref<!tpu.dma_semaphore, #tpu.memory_space<semaphore_mem>>)
      tpu.wait_dma2 semaphore(%run_scoped3A_84 : memref<!tpu.dma_semaphore, #tpu.memory_space<semaphore_mem>>) src(%arg5 : memref<128x128xf32, #tpu.memory_space<hbm>>) dst(%arg9 : memref<128x128xf32, #tpu.memory_space<vmem>>)
      tpu.yield
    }) : () -> ()
    %mul3A_1 = arith.constant 632 : i32
    %mul3A_2 = arith.muli %arg1, %mul3A_1 : i32
    %add3A_3 = arith.constant 0 : i32
    %add3A_4 = arith.addi %mul3A_2, %add3A_3 : i32
    "tpu.region"() ({
      %run_scoped3A_84 = tpu.sem_alloc : memref<!tpu.dma_semaphore, #tpu.memory_space<semaphore_mem>>
      %dma_start3A_85 = arith.constant 0 : i32
      %dma_start3A_86 = tpu.memref_slice %arg13[%add3A_4, %dma_start3A_85] : memref<10112x128xf32, #tpu.memory_space<vmem_shared>> -> memref<128x128xf32, #tpu.memory_space<vmem_shared>>
      %dma_start3A_87 = arith.constant 0 : i32
      %dma_start3A_88 = tpu.memref_slice %arg13[%add3A_4, %dma_start3A_87] : memref<10112x128xf32, #tpu.memory_space<vmem_shared>> -> memref<128x128xf32, #tpu.memory_space<vmem_shared>>
      tpu.enqueue_dma source(%arg9 : memref<128x128xf32, #tpu.memory_space<vmem>>) target(%dma_start3A_88 : memref<128x128xf32, #tpu.memory_space<vmem_shared>>) target_semaphore(%run_scoped3A_84 : memref<!tpu.dma_semaphore, #tpu.memory_space<semaphore_mem>>)
      %dma_wait3A_89 = arith.constant 0 : i32
      %dma_wait3A_90 = tpu.memref_slice %arg13[%add3A_4, %dma_wait3A_89] : memref<10112x128xf32, #tpu.memory_space<vmem_shared>> -> memref<128x128xf32, #tpu.memory_space<vmem_shared>>
      %dma_wait3A_91 = arith.constant 0 : i32
      %dma_wait3A_92 = tpu.memref_slice %arg13[%add3A_4, %dma_wait3A_91] : memref<10112x128xf32, #tpu.memory_space<vmem_shared>> -> memref<128x128xf32, #tpu.memory_space<vmem_shared>>
      tpu.wait_dma2 semaphore(%run_scoped3A_84 : memref<!tpu.dma_semaphore, #tpu.memory_space<semaphore_mem>>) src(%arg9 : memref<128x128xf32, #tpu.memory_space<vmem>>) dst(%dma_wait3A_92 : memref<128x128xf32, #tpu.memory_space<vmem_shared>>)
      tpu.yield
    }) : () -> ()
    %add3A_5 = arith.constant 128 : i32
    %add3A_6 = arith.addi %mul3A_2, %add3A_5 : i32
    "tpu.region"() ({
      %run_scoped3A_84 = tpu.sem_alloc : memref<!tpu.dma_semaphore, #tpu.memory_space<semaphore_mem>>
      %dma_start3A_85 = arith.constant 0 : i32
      %dma_start3A_86 = tpu.memref_slice %arg13[%add3A_6, %dma_start3A_85] : memref<10112x128xf32, #tpu.memory_space<vmem_shared>> -> memref<128x128xf32, #tpu.memory_space<vmem_shared>>
      %dma_start3A_87 = arith.constant 0 : i32
      %dma_start3A_88 = tpu.memref_slice %arg13[%add3A_6, %dma_start3A_87] : memref<10112x128xf32, #tpu.memory_space<vmem_shared>> -> memref<128x128xf32, #tpu.memory_space<vmem_shared>>
      tpu.enqueue_dma source(%arg9 : memref<128x128xf32, #tpu.memory_space<vmem>>) target(%dma_start3A_88 : memref<128x128xf32, #tpu.memory_space<vmem_shared>>) target_semaphore(%run_scoped3A_84 : memref<!tpu.dma_semaphore, #tpu.memory_space<semaphore_mem>>)
      %dma_wait3A_89 = arith.constant 0 : i32
      %dma_wait3A_90 = tpu.memref_slice %arg13[%add3A_6, %dma_wait3A_89] : memref<10112x128xf32, #tpu.memory_space<vmem_shared>> -> memref<128x128xf32, #tpu.memory_space<vmem_shared>>
      %dma_wait3A_91 = arith.constant 0 : i32
      %dma_wait3A_92 = tpu.memref_slice %arg13[%add3A_6, %dma_wait3A_91] : memref<10112x128xf32, #tpu.memory_space<vmem_shared>> -> memref<128x128xf32, #tpu.memory_space<vmem_shared>>
      tpu.wait_dma2 semaphore(%run_scoped3A_84 : memref<!tpu.dma_semaphore, #tpu.memory_space<semaphore_mem>>) src(%arg9 : memref<128x128xf32, #tpu.memory_space<vmem>>) dst(%dma_wait3A_92 : memref<128x128xf32, #tpu.memory_space<vmem_shared>>)
      tpu.yield
    }) : () -> ()
    %add3A_7 = arith.constant 256 : i32
    %add3A_8 = arith.addi %mul3A_2, %add3A_7 : i32
    "tpu.region"() ({
      %run_scoped3A_84 = tpu.sem_alloc : memref<!tpu.dma_semaphore, #tpu.memory_space<semaphore_mem>>
      %dma_start3A_85 = arith.constant 0 : i32
      %dma_start3A_86 = tpu.memref_slice %arg13[%add3A_8, %dma_start3A_85] : memref<10112x128xf32, #tpu.memory_space<vmem_shared>> -> memref<128x128xf32, #tpu.memory_space<vmem_shared>>
      %dma_start3A_87 = arith.constant 0 : i32
      %dma_start3A_88 = tpu.memref_slice %arg13[%add3A_8, %dma_start3A_87] : memref<10112x128xf32, #tpu.memory_space<vmem_shared>> -> memref<128x128xf32, #tpu.memory_space<vmem_shared>>
      tpu.enqueue_dma source(%arg9 : memref<128x128xf32, #tpu.memory_space<vmem>>) target(%dma_start3A_88 : memref<128x128xf32, #tpu.memory_space<vmem_shared>>) target_semaphore(%run_scoped3A_84 : memref<!tpu.dma_semaphore, #tpu.memory_space<semaphore_mem>>)
      %dma_wait3A_89 = arith.constant 0 : i32
      %dma_wait3A_90 = tpu.memref_slice %arg13[%add3A_8, %dma_wait3A_89] : memref<10112x128xf32, #tpu.memory_space<vmem_shared>> -> memref<128x128xf32, #tpu.memory_space<vmem_shared>>
      %dma_wait3A_91 = arith.constant 0 : i32
      %dma_wait3A_92 = tpu.memref_slice %arg13[%add3A_8, %dma_wait3A_91] : memref<10112x128xf32, #tpu.memory_space<vmem_shared>> -> memref<128x128xf32, #tpu.memory_space<vmem_shared>>
      tpu.wait_dma2 semaphore(%run_scoped3A_84 : memref<!tpu.dma_semaphore, #tpu.memory_space<semaphore_mem>>) src(%arg9 : memref<128x128xf32, #tpu.memory_space<vmem>>) dst(%dma_wait3A_92 : memref<128x128xf32, #tpu.memory_space<vmem_shared>>)
      tpu.yield
    }) : () -> ()
    %add3A_9 = arith.constant 384 : i32
    %add3A_10 = arith.addi %mul3A_2, %add3A_9 : i32
    "tpu.region"() ({
      %run_scoped3A_84 = tpu.sem_alloc : memref<!tpu.dma_semaphore, #tpu.memory_space<semaphore_mem>>
      %dma_start3A_85 = arith.constant 0 : i32
      %dma_start3A_86 = tpu.memref_slice %arg13[%add3A_10, %dma_start3A_85] : memref<10112x128xf32, #tpu.memory_space<vmem_shared>> -> memref<128x128xf32, #tpu.memory_space<vmem_shared>>
      %dma_start3A_87 = arith.constant 0 : i32
      %dma_start3A_88 = tpu.memref_slice %arg13[%add3A_10, %dma_start3A_87] : memref<10112x128xf32, #tpu.memory_space<vmem_shared>> -> memref<128x128xf32, #tpu.memory_space<vmem_shared>>
      tpu.enqueue_dma source(%arg9 : memref<128x128xf32, #tpu.memory_space<vmem>>) target(%dma_start3A_88 : memref<128x128xf32, #tpu.memory_space<vmem_shared>>) target_semaphore(%run_scoped3A_84 : memref<!tpu.dma_semaphore, #tpu.memory_space<semaphore_mem>>)
      %dma_wait3A_89 = arith.constant 0 : i32
      %dma_wait3A_90 = tpu.memref_slice %arg13[%add3A_10, %dma_wait3A_89] : memref<10112x128xf32, #tpu.memory_space<vmem_shared>> -> memref<128x128xf32, #tpu.memory_space<vmem_shared>>
      %dma_wait3A_91 = arith.constant 0 : i32
      %dma_wait3A_92 = tpu.memref_slice %arg13[%add3A_10, %dma_wait3A_91] : memref<10112x128xf32, #tpu.memory_space<vmem_shared>> -> memref<128x128xf32, #tpu.memory_space<vmem_shared>>
      tpu.wait_dma2 semaphore(%run_scoped3A_84 : memref<!tpu.dma_semaphore, #tpu.memory_space<semaphore_mem>>) src(%arg9 : memref<128x128xf32, #tpu.memory_space<vmem>>) dst(%dma_wait3A_92 : memref<128x128xf32, #tpu.memory_space<vmem_shared>>)
      tpu.yield
    }) : () -> ()
    %add3A_11 = arith.constant 512 : i32
    %add3A_12 = arith.addi %mul3A_2, %add3A_11 : i32
    "tpu.region"() ({
      %run_scoped3A_84 = tpu.sem_alloc : memref<!tpu.dma_semaphore, #tpu.memory_space<semaphore_mem>>
      %dma_start3A_85 = arith.constant 0 : i32
      %dma_start3A_86 = arith.constant 0 : i32
      %dma_start3A_87 = tpu.memref_slice %arg9[%dma_start3A_85, %dma_start3A_86] : memref<128x128xf32, #tpu.memory_space<vmem>> -> memref<120x128xf32, #tpu.memory_space<vmem>>
      %dma_start3A_88 = arith.constant 0 : i32
      %dma_start3A_89 = tpu.memref_slice %arg13[%add3A_12, %dma_start3A_88] : memref<10112x128xf32, #tpu.memory_space<vmem_shared>> -> memref<120x128xf32, #tpu.memory_space<vmem_shared>>
      %dma_start3A_90 = arith.constant 0 : i32
      %dma_start3A_91 = tpu.memref_slice %arg13[%add3A_12, %dma_start3A_90] : memref<10112x128xf32, #tpu.memory_space<vmem_shared>> -> memref<120x128xf32, #tpu.memory_space<vmem_shared>>
      %dma_start3A_92 = arith.constant 0 : i32
      %dma_start3A_93 = arith.constant 0 : i32
      %dma_start3A_94 = tpu.memref_slice %arg9[%dma_start3A_92, %dma_start3A_93] : memref<128x128xf32, #tpu.memory_space<vmem>> -> memref<120x128xf32, #tpu.memory_space<vmem>>
      tpu.enqueue_dma source(%dma_start3A_94 : memref<120x128xf32, #tpu.memory_space<vmem>>) target(%dma_start3A_91 : memref<120x128xf32, #tpu.memory_space<vmem_shared>>) target_semaphore(%run_scoped3A_84 : memref<!tpu.dma_semaphore, #tpu.memory_space<semaphore_mem>>)
      %dma_wait3A_95 = arith.constant 0 : i32
      %dma_wait3A_96 = arith.constant 0 : i32
      %dma_wait3A_97 = tpu.memref_slice %arg9[%dma_wait3A_95, %dma_wait3A_96] : memref<128x128xf32, #tpu.memory_space<vmem>> -> memref<120x128xf32, #tpu.memory_space<vmem>>
      %dma_wait3A_98 = arith.constant 0 : i32
      %dma_wait3A_99 = tpu.memref_slice %arg13[%add3A_12, %dma_wait3A_98] : memref<10112x128xf32, #tpu.memory_space<vmem_shared>> -> memref<120x128xf32, #tpu.memory_space<vmem_shared>>
      %dma_wait3A_100 = arith.constant 0 : i32
      %dma_wait3A_101 = tpu.memref_slice %arg13[%add3A_12, %dma_wait3A_100] : memref<10112x128xf32, #tpu.memory_space<vmem_shared>> -> memref<120x128xf32, #tpu.memory_space<vmem_shared>>
      %dma_wait3A_102 = arith.constant 0 : i32
      %dma_wait3A_103 = arith.constant 0 : i32
      %dma_wait3A_104 = tpu.memref_slice %arg9[%dma_wait3A_102, %dma_wait3A_103] : memref<128x128xf32, #tpu.memory_space<vmem>> -> memref<120x128xf32, #tpu.memory_space<vmem>>
      tpu.wait_dma2 semaphore(%run_scoped3A_84 : memref<!tpu.dma_semaphore, #tpu.memory_space<semaphore_mem>>) src(%dma_wait3A_104 : memref<120x128xf32, #tpu.memory_space<vmem>>) dst(%dma_wait3A_101 : memref<120x128xf32, #tpu.memory_space<vmem_shared>>)
      tpu.yield
    }) : () -> ()
    %barrier3A = arith.constant 0 : index
    tpu.barrier barrier_id(%barrier3A)
    "tpu.region"() ({
      %run_scoped3A_84 = tpu.sem_alloc : memref<!tpu.dma_semaphore, #tpu.memory_space<semaphore_mem>>
      %dma_start3A_85 = arith.constant 0 : i32
      %dma_start3A_86 = arith.constant 0 : i32
      %dma_start3A_87 = tpu.memref_slice %arg3[%add3A, %dma_start3A_85, %dma_start3A_86] : memref<32x80x128xi32, #tpu.memory_space<hbm>> -> memref<1x80x128xi32, #tpu.memory_space<hbm>>
      %dma_start3A_88 = tpu.memref_squeeze %dma_start3A_87 : memref<1x80x128xi32, #tpu.memory_space<hbm>> -> memref<80x128xi32, #tpu.memory_space<hbm>>
      %dma_start3A_89 = arith.constant 0 : i32
      %dma_start3A_90 = arith.constant 0 : i32
      %dma_start3A_91 = tpu.memref_slice %dma_start3A_88[%dma_start3A_89, %dma_start3A_90] : memref<80x128xi32, #tpu.memory_space<hbm>> -> memref<40x128xi32, #tpu.memory_space<hbm>>
      %dma_start3A_92 = arith.constant 0 : i32
      %dma_start3A_93 = arith.constant 0 : i32
      %dma_start3A_94 = tpu.memref_slice %arg3[%add3A, %dma_start3A_92, %dma_start3A_93] : memref<32x80x128xi32, #tpu.memory_space<hbm>> -> memref<1x80x128xi32, #tpu.memory_space<hbm>>
      %dma_start3A_95 = tpu.memref_squeeze %dma_start3A_94 : memref<1x80x128xi32, #tpu.memory_space<hbm>> -> memref<80x128xi32, #tpu.memory_space<hbm>>
      %dma_start3A_96 = arith.constant 0 : i32
      %dma_start3A_97 = arith.constant 0 : i32
      %dma_start3A_98 = tpu.memref_slice %dma_start3A_95[%dma_start3A_96, %dma_start3A_97] : memref<80x128xi32, #tpu.memory_space<hbm>> -> memref<40x128xi32, #tpu.memory_space<hbm>>
      tpu.enqueue_dma source(%dma_start3A_98 : memref<40x128xi32, #tpu.memory_space<hbm>>) target(%arg7 : memref<40x128xi32, #tpu.memory_space<vmem>>) target_semaphore(%run_scoped3A_84 : memref<!tpu.dma_semaphore, #tpu.memory_space<semaphore_mem>>)
      %dma_wait3A_99 = arith.constant 0 : i32
      %dma_wait3A_100 = arith.constant 0 : i32
      %dma_wait3A_101 = tpu.memref_slice %arg3[%add3A, %dma_wait3A_99, %dma_wait3A_100] : memref<32x80x128xi32, #tpu.memory_space<hbm>> -> memref<1x80x128xi32, #tpu.memory_space<hbm>>
      %dma_wait3A_102 = tpu.memref_squeeze %dma_wait3A_101 : memref<1x80x128xi32, #tpu.memory_space<hbm>> -> memref<80x128xi32, #tpu.memory_space<hbm>>
      %dma_wait3A_103 = arith.constant 0 : i32
      %dma_wait3A_104 = arith.constant 0 : i32
      %dma_wait3A_105 = tpu.memref_slice %dma_wait3A_102[%dma_wait3A_103, %dma_wait3A_104] : memref<80x128xi32, #tpu.memory_space<hbm>> -> memref<40x128xi32, #tpu.memory_space<hbm>>
      %dma_wait3A_106 = arith.constant 0 : i32
      %dma_wait3A_107 = arith.constant 0 : i32
      %dma_wait3A_108 = tpu.memref_slice %arg3[%add3A, %dma_wait3A_106, %dma_wait3A_107] : memref<32x80x128xi32, #tpu.memory_space<hbm>> -> memref<1x80x128xi32, #tpu.memory_space<hbm>>
      %dma_wait3A_109 = tpu.memref_squeeze %dma_wait3A_108 : memref<1x80x128xi32, #tpu.memory_space<hbm>> -> memref<80x128xi32, #tpu.memory_space<hbm>>
      %dma_wait3A_110 = arith.constant 0 : i32
      %dma_wait3A_111 = arith.constant 0 : i32
      %dma_wait3A_112 = tpu.memref_slice %dma_wait3A_109[%dma_wait3A_110, %dma_wait3A_111] : memref<80x128xi32, #tpu.memory_space<hbm>> -> memref<40x128xi32, #tpu.memory_space<hbm>>
      tpu.wait_dma2 semaphore(%run_scoped3A_84 : memref<!tpu.dma_semaphore, #tpu.memory_space<semaphore_mem>>) src(%dma_wait3A_112 : memref<40x128xi32, #tpu.memory_space<hbm>>) dst(%arg7 : memref<40x128xi32, #tpu.memory_space<vmem>>)
      tpu.yield
    }) : () -> ()
    "tpu.region"() ({
      %run_scoped3A_84 = tpu.sem_alloc : memref<!tpu.dma_semaphore, #tpu.memory_space<semaphore_mem>>
      %dma_start3A_85 = arith.constant 0 : i32
      %dma_start3A_86 = arith.constant 0 : i32
      %dma_start3A_87 = tpu.memref_slice %arg4[%add3A, %dma_start3A_85, %dma_start3A_86] : memref<32x80x128xi32, #tpu.memory_space<hbm>> -> memref<1x80x128xi32, #tpu.memory_space<hbm>>
      %dma_start3A_88 = tpu.memref_squeeze %dma_start3A_87 : memref<1x80x128xi32, #tpu.memory_space<hbm>> -> memref<80x128xi32, #tpu.memory_space<hbm>>
      %dma_start3A_89 = arith.constant 0 : i32
      %dma_start3A_90 = arith.constant 0 : i32
      %dma_start3A_91 = tpu.memref_slice %dma_start3A_88[%dma_start3A_89, %dma_start3A_90] : memref<80x128xi32, #tpu.memory_space<hbm>> -> memref<40x128xi32, #tpu.memory_space<hbm>>
      %dma_start3A_92 = arith.constant 0 : i32
      %dma_start3A_93 = arith.constant 0 : i32
      %dma_start3A_94 = tpu.memref_slice %arg4[%add3A, %dma_start3A_92, %dma_start3A_93] : memref<32x80x128xi32, #tpu.memory_space<hbm>> -> memref<1x80x128xi32, #tpu.memory_space<hbm>>
      %dma_start3A_95 = tpu.memref_squeeze %dma_start3A_94 : memref<1x80x128xi32, #tpu.memory_space<hbm>> -> memref<80x128xi32, #tpu.memory_space<hbm>>
      %dma_start3A_96 = arith.constant 0 : i32
      %dma_start3A_97 = arith.constant 0 : i32
      %dma_start3A_98 = tpu.memref_slice %dma_start3A_95[%dma_start3A_96, %dma_start3A_97] : memref<80x128xi32, #tpu.memory_space<hbm>> -> memref<40x128xi32, #tpu.memory_space<hbm>>
      tpu.enqueue_dma source(%dma_start3A_98 : memref<40x128xi32, #tpu.memory_space<hbm>>) target(%arg8 : memref<40x128xi32, #tpu.memory_space<vmem>>) target_semaphore(%run_scoped3A_84 : memref<!tpu.dma_semaphore, #tpu.memory_space<semaphore_mem>>)
      %dma_wait3A_99 = arith.constant 0 : i32
      %dma_wait3A_100 = arith.constant 0 : i32
      %dma_wait3A_101 = tpu.memref_slice %arg4[%add3A, %dma_wait3A_99, %dma_wait3A_100] : memref<32x80x128xi32, #tpu.memory_space<hbm>> -> memref<1x80x128xi32, #tpu.memory_space<hbm>>
      %dma_wait3A_102 = tpu.memref_squeeze %dma_wait3A_101 : memref<1x80x128xi32, #tpu.memory_space<hbm>> -> memref<80x128xi32, #tpu.memory_space<hbm>>
      %dma_wait3A_103 = arith.constant 0 : i32
      %dma_wait3A_104 = arith.constant 0 : i32
      %dma_wait3A_105 = tpu.memref_slice %dma_wait3A_102[%dma_wait3A_103, %dma_wait3A_104] : memref<80x128xi32, #tpu.memory_space<hbm>> -> memref<40x128xi32, #tpu.memory_space<hbm>>
      %dma_wait3A_106 = arith.constant 0 : i32
      %dma_wait3A_107 = arith.constant 0 : i32
      %dma_wait3A_108 = tpu.memref_slice %arg4[%add3A, %dma_wait3A_106, %dma_wait3A_107] : memref<32x80x128xi32, #tpu.memory_space<hbm>> -> memref<1x80x128xi32, #tpu.memory_space<hbm>>
      %dma_wait3A_109 = tpu.memref_squeeze %dma_wait3A_108 : memref<1x80x128xi32, #tpu.memory_space<hbm>> -> memref<80x128xi32, #tpu.memory_space<hbm>>
      %dma_wait3A_110 = arith.constant 0 : i32
      %dma_wait3A_111 = arith.constant 0 : i32
      %dma_wait3A_112 = tpu.memref_slice %dma_wait3A_109[%dma_wait3A_110, %dma_wait3A_111] : memref<80x128xi32, #tpu.memory_space<hbm>> -> memref<40x128xi32, #tpu.memory_space<hbm>>
      tpu.wait_dma2 semaphore(%run_scoped3A_84 : memref<!tpu.dma_semaphore, #tpu.memory_space<semaphore_mem>>) src(%dma_wait3A_112 : memref<40x128xi32, #tpu.memory_space<hbm>>) dst(%arg8 : memref<40x128xi32, #tpu.memory_space<vmem>>)
      tpu.yield
    }) : () -> ()
    %dma_start3A = arith.constant 0 : i32
    %dma_start3A_13 = arith.constant 0 : i32
    %dma_start3A_14 = tpu.memref_slice %arg7[%dma_start3A, %dma_start3A_13] : memref<40x128xi32, #tpu.memory_space<vmem>> -> memref<1x128xi32, #tpu.memory_space<vmem>>
    %dma_start3A_15 = tpu.memref_squeeze %dma_start3A_14 : memref<1x128xi32, #tpu.memory_space<vmem>> -> memref<128xi32, #tpu.memory_space<vmem>>
    %dma_start3A_16 = arith.constant 0 : i32
    %dma_start3A_17 = arith.constant 0 : i32
    %dma_start3A_18 = tpu.memref_slice %arg2[%dma_start3A_16, %dma_start3A_17] : memref<10000x128xf32, #tpu.memory_space<hbm>> -> memref<10000x128xf32, #tpu.memory_space<hbm>>
    tpu.enqueue_indirect_dma source(%dma_start3A_18 : memref<10000x128xf32, #tpu.memory_space<hbm>>) target(%arg9 : memref<128x128xf32, #tpu.memory_space<vmem>>) offsets(%dma_start3A_15 : memref<128xi32, #tpu.memory_space<vmem>>) semaphore(%arg11 : memref<!tpu.dma_semaphore, #tpu.memory_space<semaphore_mem>>)
    %dma_start3A_19 = arith.constant 1 : i32
    %dma_start3A_20 = arith.constant 0 : i32
    %dma_start3A_21 = tpu.memref_slice %arg7[%dma_start3A_19, %dma_start3A_20] : memref<40x128xi32, #tpu.memory_space<vmem>> -> memref<1x128xi32, #tpu.memory_space<vmem>>
    %dma_start3A_22 = tpu.memref_squeeze %dma_start3A_21 : memref<1x128xi32, #tpu.memory_space<vmem>> -> memref<128xi32, #tpu.memory_space<vmem>>
    %dma_start3A_23 = arith.constant 0 : i32
    %dma_start3A_24 = arith.constant 0 : i32
    %dma_start3A_25 = tpu.memref_slice %arg2[%dma_start3A_23, %dma_start3A_24] : memref<10000x128xf32, #tpu.memory_space<hbm>> -> memref<10000x128xf32, #tpu.memory_space<hbm>>
    tpu.enqueue_indirect_dma source(%dma_start3A_25 : memref<10000x128xf32, #tpu.memory_space<hbm>>) target(%arg10 : memref<128x128xf32, #tpu.memory_space<vmem>>) offsets(%dma_start3A_22 : memref<128xi32, #tpu.memory_space<vmem>>) semaphore(%arg12 : memref<!tpu.dma_semaphore, #tpu.memory_space<semaphore_mem>>)
    %scan3A = arith.constant 0 : i32
    %scan3A_26 = arith.constant 0 : i32
    %scan3A_27 = arith.constant 19 : i32
    %scan3A_28 = arith.addi %scan3A_26, %scan3A_27 : i32
    %scan3A_29 = arith.constant 1 : i32
    scf.for %scan3A_84 = %scan3A_26 to %scan3A_28 step %scan3A_29  : i32 {
      %mul3A_85 = arith.constant 2 : i32
      %mul3A_86 = arith.muli %mul3A_85, %scan3A_84 : i32
      %dma_wait3A_87 = arith.constant 0 : i32
      %dma_wait3A_88 = tpu.memref_slice %arg7[%mul3A_86, %dma_wait3A_87] : memref<40x128xi32, #tpu.memory_space<vmem>> -> memref<1x128xi32, #tpu.memory_space<vmem>>
      %dma_wait3A_89 = tpu.memref_squeeze %dma_wait3A_88 : memref<1x128xi32, #tpu.memory_space<vmem>> -> memref<128xi32, #tpu.memory_space<vmem>>
      %dma_wait3A_90 = arith.constant 0 : i32
      %dma_wait3A_91 = arith.constant 0 : i32
      %dma_wait3A_92 = tpu.memref_slice %arg2[%dma_wait3A_90, %dma_wait3A_91] : memref<10000x128xf32, #tpu.memory_space<hbm>> -> memref<10000x128xf32, #tpu.memory_space<hbm>>
      tpu.wait_indirect_dma semaphore(%arg11 : memref<!tpu.dma_semaphore, #tpu.memory_space<semaphore_mem>>) src(%dma_wait3A_92 : memref<10000x128xf32, #tpu.memory_space<hbm>>) dst(%arg9 : memref<128x128xf32, #tpu.memory_space<vmem>>)
      "tpu.region"() ({
        %run_scoped3A_119 = tpu.sem_alloc : memref<!tpu.dma_semaphore, #tpu.memory_space<semaphore_mem>>
        %dma_start3A_120 = arith.constant 0 : i32
        %dma_start3A_121 = tpu.memref_slice %arg8[%mul3A_86, %dma_start3A_120] : memref<40x128xi32, #tpu.memory_space<vmem>> -> memref<1x128xi32, #tpu.memory_space<vmem>>
        %dma_start3A_122 = tpu.memref_squeeze %dma_start3A_121 : memref<1x128xi32, #tpu.memory_space<vmem>> -> memref<128xi32, #tpu.memory_space<vmem>>
        %dma_start3A_123 = arith.constant 0 : i32
        %dma_start3A_124 = arith.constant 0 : i32
        %dma_start3A_125 = tpu.memref_slice %arg13[%dma_start3A_123, %dma_start3A_124] : memref<10112x128xf32, #tpu.memory_space<vmem_shared>> -> memref<10112x128xf32, #tpu.memory_space<vmem_shared>>
        tpu.enqueue_indirect_dma source(%arg9 : memref<128x128xf32, #tpu.memory_space<vmem>>) target(%dma_start3A_125 : memref<10112x128xf32, #tpu.memory_space<vmem_shared>>) offsets(%dma_start3A_122 : memref<128xi32, #tpu.memory_space<vmem>>) semaphore(%run_scoped3A_119 : memref<!tpu.dma_semaphore, #tpu.memory_space<semaphore_mem>>) {add = true}
        %dma_wait3A_126 = arith.constant 0 : i32
        %dma_wait3A_127 = tpu.memref_slice %arg8[%mul3A_86, %dma_wait3A_126] : memref<40x128xi32, #tpu.memory_space<vmem>> -> memref<1x128xi32, #tpu.memory_space<vmem>>
        %dma_wait3A_128 = tpu.memref_squeeze %dma_wait3A_127 : memref<1x128xi32, #tpu.memory_space<vmem>> -> memref<128xi32, #tpu.memory_space<vmem>>
        %dma_wait3A_129 = arith.constant 0 : i32
        %dma_wait3A_130 = arith.constant 0 : i32
        %dma_wait3A_131 = tpu.memref_slice %arg13[%dma_wait3A_129, %dma_wait3A_130] : memref<10112x128xf32, #tpu.memory_space<vmem_shared>> -> memref<10112x128xf32, #tpu.memory_space<vmem_shared>>
        tpu.wait_indirect_dma semaphore(%run_scoped3A_119 : memref<!tpu.dma_semaphore, #tpu.memory_space<semaphore_mem>>) src(%arg9 : memref<128x128xf32, #tpu.memory_space<vmem>>) dst(%dma_wait3A_131 : memref<10112x128xf32, #tpu.memory_space<vmem_shared>>)
        tpu.yield
      }) : () -> ()
      %add3A_93 = arith.constant 2 : i32
      %add3A_94 = arith.addi %mul3A_86, %add3A_93 : i32
      %dma_start3A_95 = arith.constant 0 : i32
      %dma_start3A_96 = tpu.memref_slice %arg7[%add3A_94, %dma_start3A_95] : memref<40x128xi32, #tpu.memory_space<vmem>> -> memref<1x128xi32, #tpu.memory_space<vmem>>
      %dma_start3A_97 = tpu.memref_squeeze %dma_start3A_96 : memref<1x128xi32, #tpu.memory_space<vmem>> -> memref<128xi32, #tpu.memory_space<vmem>>
      %dma_start3A_98 = arith.constant 0 : i32
      %dma_start3A_99 = arith.constant 0 : i32
      %dma_start3A_100 = tpu.memref_slice %arg2[%dma_start3A_98, %dma_start3A_99] : memref<10000x128xf32, #tpu.memory_space<hbm>> -> memref<10000x128xf32, #tpu.memory_space<hbm>>
      tpu.enqueue_indirect_dma source(%dma_start3A_100 : memref<10000x128xf32, #tpu.memory_space<hbm>>) target(%arg9 : memref<128x128xf32, #tpu.memory_space<vmem>>) offsets(%dma_start3A_97 : memref<128xi32, #tpu.memory_space<vmem>>) semaphore(%arg11 : memref<!tpu.dma_semaphore, #tpu.memory_space<semaphore_mem>>)
      %add3A_101 = arith.constant 1 : i32
      %add3A_102 = arith.addi %mul3A_86, %add3A_101 : i32
      %dma_wait3A_103 = arith.constant 0 : i32
      %dma_wait3A_104 = tpu.memref_slice %arg7[%add3A_102, %dma_wait3A_103] : memref<40x128xi32, #tpu.memory_space<vmem>> -> memref<1x128xi32, #tpu.memory_space<vmem>>
      %dma_wait3A_105 = tpu.memref_squeeze %dma_wait3A_104 : memref<1x128xi32, #tpu.memory_space<vmem>> -> memref<128xi32, #tpu.memory_space<vmem>>
      %dma_wait3A_106 = arith.constant 0 : i32
      %dma_wait3A_107 = arith.constant 0 : i32
      %dma_wait3A_108 = tpu.memref_slice %arg2[%dma_wait3A_106, %dma_wait3A_107] : memref<10000x128xf32, #tpu.memory_space<hbm>> -> memref<10000x128xf32, #tpu.memory_space<hbm>>
      tpu.wait_indirect_dma semaphore(%arg12 : memref<!tpu.dma_semaphore, #tpu.memory_space<semaphore_mem>>) src(%dma_wait3A_108 : memref<10000x128xf32, #tpu.memory_space<hbm>>) dst(%arg10 : memref<128x128xf32, #tpu.memory_space<vmem>>)
      %add3A_109 = arith.constant 1 : i32
      %add3A_110 = arith.addi %mul3A_86, %add3A_109 : i32
      "tpu.region"() ({
        %run_scoped3A_119 = tpu.sem_alloc : memref<!tpu.dma_semaphore, #tpu.memory_space<semaphore_mem>>
        %dma_start3A_120 = arith.constant 0 : i32
        %dma_start3A_121 = tpu.memref_slice %arg8[%add3A_110, %dma_start3A_120] : memref<40x128xi32, #tpu.memory_space<vmem>> -> memref<1x128xi32, #tpu.memory_space<vmem>>
        %dma_start3A_122 = tpu.memref_squeeze %dma_start3A_121 : memref<1x128xi32, #tpu.memory_space<vmem>> -> memref<128xi32, #tpu.memory_space<vmem>>
        %dma_start3A_123 = arith.constant 0 : i32
        %dma_start3A_124 = arith.constant 0 : i32
        %dma_start3A_125 = tpu.memref_slice %arg13[%dma_start3A_123, %dma_start3A_124] : memref<10112x128xf32, #tpu.memory_space<vmem_shared>> -> memref<10112x128xf32, #tpu.memory_space<vmem_shared>>
        tpu.enqueue_indirect_dma source(%arg10 : memref<128x128xf32, #tpu.memory_space<vmem>>) target(%dma_start3A_125 : memref<10112x128xf32, #tpu.memory_space<vmem_shared>>) offsets(%dma_start3A_122 : memref<128xi32, #tpu.memory_space<vmem>>) semaphore(%run_scoped3A_119 : memref<!tpu.dma_semaphore, #tpu.memory_space<semaphore_mem>>) {add = true}
        %dma_wait3A_126 = arith.constant 0 : i32
        %dma_wait3A_127 = tpu.memref_slice %arg8[%add3A_110, %dma_wait3A_126] : memref<40x128xi32, #tpu.memory_space<vmem>> -> memref<1x128xi32, #tpu.memory_space<vmem>>
        %dma_wait3A_128 = tpu.memref_squeeze %dma_wait3A_127 : memref<1x128xi32, #tpu.memory_space<vmem>> -> memref<128xi32, #tpu.memory_space<vmem>>
        %dma_wait3A_129 = arith.constant 0 : i32
        %dma_wait3A_130 = arith.constant 0 : i32
        %dma_wait3A_131 = tpu.memref_slice %arg13[%dma_wait3A_129, %dma_wait3A_130] : memref<10112x128xf32, #tpu.memory_space<vmem_shared>> -> memref<10112x128xf32, #tpu.memory_space<vmem_shared>>
        tpu.wait_indirect_dma semaphore(%run_scoped3A_119 : memref<!tpu.dma_semaphore, #tpu.memory_space<semaphore_mem>>) src(%arg10 : memref<128x128xf32, #tpu.memory_space<vmem>>) dst(%dma_wait3A_131 : memref<10112x128xf32, #tpu.memory_space<vmem_shared>>)
        tpu.yield
      }) : () -> ()
      %add3A_111 = arith.constant 3 : i32
      %add3A_112 = arith.addi %mul3A_86, %add3A_111 : i32
      %dma_start3A_113 = arith.constant 0 : i32
      %dma_start3A_114 = tpu.memref_slice %arg7[%add3A_112, %dma_start3A_113] : memref<40x128xi32, #tpu.memory_space<vmem>> -> memref<1x128xi32, #tpu.memory_space<vmem>>
      %dma_start3A_115 = tpu.memref_squeeze %dma_start3A_114 : memref<1x128xi32, #tpu.memory_space<vmem>> -> memref<128xi32, #tpu.memory_space<vmem>>
      %dma_start3A_116 = arith.constant 0 : i32
      %dma_start3A_117 = arith.constant 0 : i32
      %dma_start3A_118 = tpu.memref_slice %arg2[%dma_start3A_116, %dma_start3A_117] : memref<10000x128xf32, #tpu.memory_space<hbm>> -> memref<10000x128xf32, #tpu.memory_space<hbm>>
      tpu.enqueue_indirect_dma source(%dma_start3A_118 : memref<10000x128xf32, #tpu.memory_space<hbm>>) target(%arg10 : memref<128x128xf32, #tpu.memory_space<vmem>>) offsets(%dma_start3A_115 : memref<128xi32, #tpu.memory_space<vmem>>) semaphore(%arg12 : memref<!tpu.dma_semaphore, #tpu.memory_space<semaphore_mem>>)
    }
    %scan3A_30 = arith.constant 19 : i32
    %dma_wait3A = arith.constant 38 : i32
    %dma_wait3A_31 = arith.constant 0 : i32
    %dma_wait3A_32 = tpu.memref_slice %arg7[%dma_wait3A, %dma_wait3A_31] : memref<40x128xi32, #tpu.memory_space<vmem>> -> memref<1x128xi32, #tpu.memory_space<vmem>>
    %dma_wait3A_33 = tpu.memref_squeeze %dma_wait3A_32 : memref<1x128xi32, #tpu.memory_space<vmem>> -> memref<128xi32, #tpu.memory_space<vmem>>
    %dma_wait3A_34 = arith.constant 0 : i32
    %dma_wait3A_35 = arith.constant 0 : i32
    %dma_wait3A_36 = tpu.memref_slice %arg2[%dma_wait3A_34, %dma_wait3A_35] : memref<10000x128xf32, #tpu.memory_space<hbm>> -> memref<10000x128xf32, #tpu.memory_space<hbm>>
    tpu.wait_indirect_dma semaphore(%arg11 : memref<!tpu.dma_semaphore, #tpu.memory_space<semaphore_mem>>) src(%dma_wait3A_36 : memref<10000x128xf32, #tpu.memory_space<hbm>>) dst(%arg9 : memref<128x128xf32, #tpu.memory_space<vmem>>)
    %run_scoped3A = arith.constant 38 : i32
    "tpu.region"() ({
      %run_scoped3A_84 = tpu.sem_alloc : memref<!tpu.dma_semaphore, #tpu.memory_space<semaphore_mem>>
      %dma_start3A_85 = arith.constant 0 : i32
      %dma_start3A_86 = tpu.memref_slice %arg8[%run_scoped3A, %dma_start3A_85] : memref<40x128xi32, #tpu.memory_space<vmem>> -> memref<1x128xi32, #tpu.memory_space<vmem>>
      %dma_start3A_87 = tpu.memref_squeeze %dma_start3A_86 : memref<1x128xi32, #tpu.memory_space<vmem>> -> memref<128xi32, #tpu.memory_space<vmem>>
      %dma_start3A_88 = arith.constant 0 : i32
      %dma_start3A_89 = arith.constant 0 : i32
      %dma_start3A_90 = tpu.memref_slice %arg13[%dma_start3A_88, %dma_start3A_89] : memref<10112x128xf32, #tpu.memory_space<vmem_shared>> -> memref<10112x128xf32, #tpu.memory_space<vmem_shared>>
      tpu.enqueue_indirect_dma source(%arg9 : memref<128x128xf32, #tpu.memory_space<vmem>>) target(%dma_start3A_90 : memref<10112x128xf32, #tpu.memory_space<vmem_shared>>) offsets(%dma_start3A_87 : memref<128xi32, #tpu.memory_space<vmem>>) semaphore(%run_scoped3A_84 : memref<!tpu.dma_semaphore, #tpu.memory_space<semaphore_mem>>) {add = true}
      %dma_wait3A_91 = arith.constant 0 : i32
      %dma_wait3A_92 = tpu.memref_slice %arg8[%run_scoped3A, %dma_wait3A_91] : memref<40x128xi32, #tpu.memory_space<vmem>> -> memref<1x128xi32, #tpu.memory_space<vmem>>
      %dma_wait3A_93 = tpu.memref_squeeze %dma_wait3A_92 : memref<1x128xi32, #tpu.memory_space<vmem>> -> memref<128xi32, #tpu.memory_space<vmem>>
      %dma_wait3A_94 = arith.constant 0 : i32
      %dma_wait3A_95 = arith.constant 0 : i32
      %dma_wait3A_96 = tpu.memref_slice %arg13[%dma_wait3A_94, %dma_wait3A_95] : memref<10112x128xf32, #tpu.memory_space<vmem_shared>> -> memref<10112x128xf32, #tpu.memory_space<vmem_shared>>
      tpu.wait_indirect_dma semaphore(%run_scoped3A_84 : memref<!tpu.dma_semaphore, #tpu.memory_space<semaphore_mem>>) src(%arg9 : memref<128x128xf32, #tpu.memory_space<vmem>>) dst(%dma_wait3A_96 : memref<10112x128xf32, #tpu.memory_space<vmem_shared>>)
      tpu.yield
    }) : () -> ()
    %dma_wait3A_37 = arith.constant 39 : i32
    %dma_wait3A_38 = arith.constant 0 : i32
    %dma_wait3A_39 = tpu.memref_slice %arg7[%dma_wait3A_37, %dma_wait3A_38] : memref<40x128xi32, #tpu.memory_space<vmem>> -> memref<1x128xi32, #tpu.memory_space<vmem>>
    %dma_wait3A_40 = tpu.memref_squeeze %dma_wait3A_39 : memref<1x128xi32, #tpu.memory_space<vmem>> -> memref<128xi32, #tpu.memory_space<vmem>>
    %dma_wait3A_41 = arith.constant 0 : i32
    %dma_wait3A_42 = arith.constant 0 : i32
    %dma_wait3A_43 = tpu.memref_slice %arg2[%dma_wait3A_41, %dma_wait3A_42] : memref<10000x128xf32, #tpu.memory_space<hbm>> -> memref<10000x128xf32, #tpu.memory_space<hbm>>
    tpu.wait_indirect_dma semaphore(%arg12 : memref<!tpu.dma_semaphore, #tpu.memory_space<semaphore_mem>>) src(%dma_wait3A_43 : memref<10000x128xf32, #tpu.memory_space<hbm>>) dst(%arg10 : memref<128x128xf32, #tpu.memory_space<vmem>>)
    %run_scoped3A_44 = arith.constant 39 : i32
    "tpu.region"() ({
      %run_scoped3A_84 = tpu.sem_alloc : memref<!tpu.dma_semaphore, #tpu.memory_space<semaphore_mem>>
      %dma_start3A_85 = arith.constant 0 : i32
      %dma_start3A_86 = tpu.memref_slice %arg8[%run_scoped3A_44, %dma_start3A_85] : memref<40x128xi32, #tpu.memory_space<vmem>> -> memref<1x128xi32, #tpu.memory_space<vmem>>
      %dma_start3A_87 = tpu.memref_squeeze %dma_start3A_86 : memref<1x128xi32, #tpu.memory_space<vmem>> -> memref<128xi32, #tpu.memory_space<vmem>>
      %dma_start3A_88 = arith.constant 0 : i32
      %dma_start3A_89 = arith.constant 0 : i32
      %dma_start3A_90 = tpu.memref_slice %arg13[%dma_start3A_88, %dma_start3A_89] : memref<10112x128xf32, #tpu.memory_space<vmem_shared>> -> memref<10112x128xf32, #tpu.memory_space<vmem_shared>>
      tpu.enqueue_indirect_dma source(%arg10 : memref<128x128xf32, #tpu.memory_space<vmem>>) target(%dma_start3A_90 : memref<10112x128xf32, #tpu.memory_space<vmem_shared>>) offsets(%dma_start3A_87 : memref<128xi32, #tpu.memory_space<vmem>>) semaphore(%run_scoped3A_84 : memref<!tpu.dma_semaphore, #tpu.memory_space<semaphore_mem>>) {add = true}
      %dma_wait3A_91 = arith.constant 0 : i32
      %dma_wait3A_92 = tpu.memref_slice %arg8[%run_scoped3A_44, %dma_wait3A_91] : memref<40x128xi32, #tpu.memory_space<vmem>> -> memref<1x128xi32, #tpu.memory_space<vmem>>
      %dma_wait3A_93 = tpu.memref_squeeze %dma_wait3A_92 : memref<1x128xi32, #tpu.memory_space<vmem>> -> memref<128xi32, #tpu.memory_space<vmem>>
      %dma_wait3A_94 = arith.constant 0 : i32
      %dma_wait3A_95 = arith.constant 0 : i32
      %dma_wait3A_96 = tpu.memref_slice %arg13[%dma_wait3A_94, %dma_wait3A_95] : memref<10112x128xf32, #tpu.memory_space<vmem_shared>> -> memref<10112x128xf32, #tpu.memory_space<vmem_shared>>
      tpu.wait_indirect_dma semaphore(%run_scoped3A_84 : memref<!tpu.dma_semaphore, #tpu.memory_space<semaphore_mem>>) src(%arg10 : memref<128x128xf32, #tpu.memory_space<vmem>>) dst(%dma_wait3A_96 : memref<10112x128xf32, #tpu.memory_space<vmem_shared>>)
      tpu.yield
    }) : () -> ()
    "tpu.region"() ({
      %run_scoped3A_84 = tpu.sem_alloc : memref<!tpu.dma_semaphore, #tpu.memory_space<semaphore_mem>>
      %dma_start3A_85 = arith.constant 0 : i32
      %dma_start3A_86 = arith.constant 0 : i32
      %dma_start3A_87 = tpu.memref_slice %arg3[%add3A, %dma_start3A_85, %dma_start3A_86] : memref<32x80x128xi32, #tpu.memory_space<hbm>> -> memref<1x80x128xi32, #tpu.memory_space<hbm>>
      %dma_start3A_88 = tpu.memref_squeeze %dma_start3A_87 : memref<1x80x128xi32, #tpu.memory_space<hbm>> -> memref<80x128xi32, #tpu.memory_space<hbm>>
      %dma_start3A_89 = arith.constant 40 : i32
      %dma_start3A_90 = arith.constant 0 : i32
      %dma_start3A_91 = tpu.memref_slice %dma_start3A_88[%dma_start3A_89, %dma_start3A_90] : memref<80x128xi32, #tpu.memory_space<hbm>> -> memref<40x128xi32, #tpu.memory_space<hbm>>
      %dma_start3A_92 = arith.constant 0 : i32
      %dma_start3A_93 = arith.constant 0 : i32
      %dma_start3A_94 = tpu.memref_slice %arg3[%add3A, %dma_start3A_92, %dma_start3A_93] : memref<32x80x128xi32, #tpu.memory_space<hbm>> -> memref<1x80x128xi32, #tpu.memory_space<hbm>>
      %dma_start3A_95 = tpu.memref_squeeze %dma_start3A_94 : memref<1x80x128xi32, #tpu.memory_space<hbm>> -> memref<80x128xi32, #tpu.memory_space<hbm>>
      %dma_start3A_96 = arith.constant 40 : i32
      %dma_start3A_97 = arith.constant 0 : i32
      %dma_start3A_98 = tpu.memref_slice %dma_start3A_95[%dma_start3A_96, %dma_start3A_97] : memref<80x128xi32, #tpu.memory_space<hbm>> -> memref<40x128xi32, #tpu.memory_space<hbm>>
      tpu.enqueue_dma source(%dma_start3A_98 : memref<40x128xi32, #tpu.memory_space<hbm>>) target(%arg7 : memref<40x128xi32, #tpu.memory_space<vmem>>) target_semaphore(%run_scoped3A_84 : memref<!tpu.dma_semaphore, #tpu.memory_space<semaphore_mem>>)
      %dma_wait3A_99 = arith.constant 0 : i32
      %dma_wait3A_100 = arith.constant 0 : i32
      %dma_wait3A_101 = tpu.memref_slice %arg3[%add3A, %dma_wait3A_99, %dma_wait3A_100] : memref<32x80x128xi32, #tpu.memory_space<hbm>> -> memref<1x80x128xi32, #tpu.memory_space<hbm>>
      %dma_wait3A_102 = tpu.memref_squeeze %dma_wait3A_101 : memref<1x80x128xi32, #tpu.memory_space<hbm>> -> memref<80x128xi32, #tpu.memory_space<hbm>>
      %dma_wait3A_103 = arith.constant 40 : i32
      %dma_wait3A_104 = arith.constant 0 : i32
      %dma_wait3A_105 = tpu.memref_slice %dma_wait3A_102[%dma_wait3A_103, %dma_wait3A_104] : memref<80x128xi32, #tpu.memory_space<hbm>> -> memref<40x128xi32, #tpu.memory_space<hbm>>
      %dma_wait3A_106 = arith.constant 0 : i32
      %dma_wait3A_107 = arith.constant 0 : i32
      %dma_wait3A_108 = tpu.memref_slice %arg3[%add3A, %dma_wait3A_106, %dma_wait3A_107] : memref<32x80x128xi32, #tpu.memory_space<hbm>> -> memref<1x80x128xi32, #tpu.memory_space<hbm>>
      %dma_wait3A_109 = tpu.memref_squeeze %dma_wait3A_108 : memref<1x80x128xi32, #tpu.memory_space<hbm>> -> memref<80x128xi32, #tpu.memory_space<hbm>>
      %dma_wait3A_110 = arith.constant 40 : i32
      %dma_wait3A_111 = arith.constant 0 : i32
      %dma_wait3A_112 = tpu.memref_slice %dma_wait3A_109[%dma_wait3A_110, %dma_wait3A_111] : memref<80x128xi32, #tpu.memory_space<hbm>> -> memref<40x128xi32, #tpu.memory_space<hbm>>
      tpu.wait_dma2 semaphore(%run_scoped3A_84 : memref<!tpu.dma_semaphore, #tpu.memory_space<semaphore_mem>>) src(%dma_wait3A_112 : memref<40x128xi32, #tpu.memory_space<hbm>>) dst(%arg7 : memref<40x128xi32, #tpu.memory_space<vmem>>)
      tpu.yield
    }) : () -> ()
    "tpu.region"() ({
      %run_scoped3A_84 = tpu.sem_alloc : memref<!tpu.dma_semaphore, #tpu.memory_space<semaphore_mem>>
      %dma_start3A_85 = arith.constant 0 : i32
      %dma_start3A_86 = arith.constant 0 : i32
      %dma_start3A_87 = tpu.memref_slice %arg4[%add3A, %dma_start3A_85, %dma_start3A_86] : memref<32x80x128xi32, #tpu.memory_space<hbm>> -> memref<1x80x128xi32, #tpu.memory_space<hbm>>
      %dma_start3A_88 = tpu.memref_squeeze %dma_start3A_87 : memref<1x80x128xi32, #tpu.memory_space<hbm>> -> memref<80x128xi32, #tpu.memory_space<hbm>>
      %dma_start3A_89 = arith.constant 40 : i32
      %dma_start3A_90 = arith.constant 0 : i32
      %dma_start3A_91 = tpu.memref_slice %dma_start3A_88[%dma_start3A_89, %dma_start3A_90] : memref<80x128xi32, #tpu.memory_space<hbm>> -> memref<40x128xi32, #tpu.memory_space<hbm>>
      %dma_start3A_92 = arith.constant 0 : i32
      %dma_start3A_93 = arith.constant 0 : i32
      %dma_start3A_94 = tpu.memref_slice %arg4[%add3A, %dma_start3A_92, %dma_start3A_93] : memref<32x80x128xi32, #tpu.memory_space<hbm>> -> memref<1x80x128xi32, #tpu.memory_space<hbm>>
      %dma_start3A_95 = tpu.memref_squeeze %dma_start3A_94 : memref<1x80x128xi32, #tpu.memory_space<hbm>> -> memref<80x128xi32, #tpu.memory_space<hbm>>
      %dma_start3A_96 = arith.constant 40 : i32
      %dma_start3A_97 = arith.constant 0 : i32
      %dma_start3A_98 = tpu.memref_slice %dma_start3A_95[%dma_start3A_96, %dma_start3A_97] : memref<80x128xi32, #tpu.memory_space<hbm>> -> memref<40x128xi32, #tpu.memory_space<hbm>>
      tpu.enqueue_dma source(%dma_start3A_98 : memref<40x128xi32, #tpu.memory_space<hbm>>) target(%arg8 : memref<40x128xi32, #tpu.memory_space<vmem>>) target_semaphore(%run_scoped3A_84 : memref<!tpu.dma_semaphore, #tpu.memory_space<semaphore_mem>>)
      %dma_wait3A_99 = arith.constant 0 : i32
      %dma_wait3A_100 = arith.constant 0 : i32
      %dma_wait3A_101 = tpu.memref_slice %arg4[%add3A, %dma_wait3A_99, %dma_wait3A_100] : memref<32x80x128xi32, #tpu.memory_space<hbm>> -> memref<1x80x128xi32, #tpu.memory_space<hbm>>
      %dma_wait3A_102 = tpu.memref_squeeze %dma_wait3A_101 : memref<1x80x128xi32, #tpu.memory_space<hbm>> -> memref<80x128xi32, #tpu.memory_space<hbm>>
      %dma_wait3A_103 = arith.constant 40 : i32
      %dma_wait3A_104 = arith.constant 0 : i32
      %dma_wait3A_105 = tpu.memref_slice %dma_wait3A_102[%dma_wait3A_103, %dma_wait3A_104] : memref<80x128xi32, #tpu.memory_space<hbm>> -> memref<40x128xi32, #tpu.memory_space<hbm>>
      %dma_wait3A_106 = arith.constant 0 : i32
      %dma_wait3A_107 = arith.constant 0 : i32
      %dma_wait3A_108 = tpu.memref_slice %arg4[%add3A, %dma_wait3A_106, %dma_wait3A_107] : memref<32x80x128xi32, #tpu.memory_space<hbm>> -> memref<1x80x128xi32, #tpu.memory_space<hbm>>
      %dma_wait3A_109 = tpu.memref_squeeze %dma_wait3A_108 : memref<1x80x128xi32, #tpu.memory_space<hbm>> -> memref<80x128xi32, #tpu.memory_space<hbm>>
      %dma_wait3A_110 = arith.constant 40 : i32
      %dma_wait3A_111 = arith.constant 0 : i32
      %dma_wait3A_112 = tpu.memref_slice %dma_wait3A_109[%dma_wait3A_110, %dma_wait3A_111] : memref<80x128xi32, #tpu.memory_space<hbm>> -> memref<40x128xi32, #tpu.memory_space<hbm>>
      tpu.wait_dma2 semaphore(%run_scoped3A_84 : memref<!tpu.dma_semaphore, #tpu.memory_space<semaphore_mem>>) src(%dma_wait3A_112 : memref<40x128xi32, #tpu.memory_space<hbm>>) dst(%arg8 : memref<40x128xi32, #tpu.memory_space<vmem>>)
      tpu.yield
    }) : () -> ()
    %dma_start3A_45 = arith.constant 0 : i32
    %dma_start3A_46 = arith.constant 0 : i32
    %dma_start3A_47 = tpu.memref_slice %arg7[%dma_start3A_45, %dma_start3A_46] : memref<40x128xi32, #tpu.memory_space<vmem>> -> memref<1x128xi32, #tpu.memory_space<vmem>>
    %dma_start3A_48 = tpu.memref_squeeze %dma_start3A_47 : memref<1x128xi32, #tpu.memory_space<vmem>> -> memref<128xi32, #tpu.memory_space<vmem>>
    %dma_start3A_49 = arith.constant 0 : i32
    %dma_start3A_50 = arith.constant 0 : i32
    %dma_start3A_51 = tpu.memref_slice %arg2[%dma_start3A_49, %dma_start3A_50] : memref<10000x128xf32, #tpu.memory_space<hbm>> -> memref<10000x128xf32, #tpu.memory_space<hbm>>
    tpu.enqueue_indirect_dma source(%dma_start3A_51 : memref<10000x128xf32, #tpu.memory_space<hbm>>) target(%arg9 : memref<128x128xf32, #tpu.memory_space<vmem>>) offsets(%dma_start3A_48 : memref<128xi32, #tpu.memory_space<vmem>>) semaphore(%arg11 : memref<!tpu.dma_semaphore, #tpu.memory_space<semaphore_mem>>)
    %dma_start3A_52 = arith.constant 1 : i32
    %dma_start3A_53 = arith.constant 0 : i32
    %dma_start3A_54 = tpu.memref_slice %arg7[%dma_start3A_52, %dma_start3A_53] : memref<40x128xi32, #tpu.memory_space<vmem>> -> memref<1x128xi32, #tpu.memory_space<vmem>>
    %dma_start3A_55 = tpu.memref_squeeze %dma_start3A_54 : memref<1x128xi32, #tpu.memory_space<vmem>> -> memref<128xi32, #tpu.memory_space<vmem>>
    %dma_start3A_56 = arith.constant 0 : i32
    %dma_start3A_57 = arith.constant 0 : i32
    %dma_start3A_58 = tpu.memref_slice %arg2[%dma_start3A_56, %dma_start3A_57] : memref<10000x128xf32, #tpu.memory_space<hbm>> -> memref<10000x128xf32, #tpu.memory_space<hbm>>
    tpu.enqueue_indirect_dma source(%dma_start3A_58 : memref<10000x128xf32, #tpu.memory_space<hbm>>) target(%arg10 : memref<128x128xf32, #tpu.memory_space<vmem>>) offsets(%dma_start3A_55 : memref<128xi32, #tpu.memory_space<vmem>>) semaphore(%arg12 : memref<!tpu.dma_semaphore, #tpu.memory_space<semaphore_mem>>)
    %scan3A_59 = arith.constant 0 : i32
    %scan3A_60 = arith.constant 0 : i32
    %scan3A_61 = arith.constant 19 : i32
    %scan3A_62 = arith.addi %scan3A_60, %scan3A_61 : i32
    %scan3A_63 = arith.constant 1 : i32
    scf.for %scan3A_84 = %scan3A_60 to %scan3A_62 step %scan3A_63  : i32 {
      %mul3A_85 = arith.constant 2 : i32
      %mul3A_86 = arith.muli %mul3A_85, %scan3A_84 : i32
      %dma_wait3A_87 = arith.constant 0 : i32
      %dma_wait3A_88 = tpu.memref_slice %arg7[%mul3A_86, %dma_wait3A_87] : memref<40x128xi32, #tpu.memory_space<vmem>> -> memref<1x128xi32, #tpu.memory_space<vmem>>
      %dma_wait3A_89 = tpu.memref_squeeze %dma_wait3A_88 : memref<1x128xi32, #tpu.memory_space<vmem>> -> memref<128xi32, #tpu.memory_space<vmem>>
      %dma_wait3A_90 = arith.constant 0 : i32
      %dma_wait3A_91 = arith.constant 0 : i32
      %dma_wait3A_92 = tpu.memref_slice %arg2[%dma_wait3A_90, %dma_wait3A_91] : memref<10000x128xf32, #tpu.memory_space<hbm>> -> memref<10000x128xf32, #tpu.memory_space<hbm>>
      tpu.wait_indirect_dma semaphore(%arg11 : memref<!tpu.dma_semaphore, #tpu.memory_space<semaphore_mem>>) src(%dma_wait3A_92 : memref<10000x128xf32, #tpu.memory_space<hbm>>) dst(%arg9 : memref<128x128xf32, #tpu.memory_space<vmem>>)
      "tpu.region"() ({
        %run_scoped3A_119 = tpu.sem_alloc : memref<!tpu.dma_semaphore, #tpu.memory_space<semaphore_mem>>
        %dma_start3A_120 = arith.constant 0 : i32
        %dma_start3A_121 = tpu.memref_slice %arg8[%mul3A_86, %dma_start3A_120] : memref<40x128xi32, #tpu.memory_space<vmem>> -> memref<1x128xi32, #tpu.memory_space<vmem>>
        %dma_start3A_122 = tpu.memref_squeeze %dma_start3A_121 : memref<1x128xi32, #tpu.memory_space<vmem>> -> memref<128xi32, #tpu.memory_space<vmem>>
        %dma_start3A_123 = arith.constant 0 : i32
        %dma_start3A_124 = arith.constant 0 : i32
        %dma_start3A_125 = tpu.memref_slice %arg13[%dma_start3A_123, %dma_start3A_124] : memref<10112x128xf32, #tpu.memory_space<vmem_shared>> -> memref<10112x128xf32, #tpu.memory_space<vmem_shared>>
        tpu.enqueue_indirect_dma source(%arg9 : memref<128x128xf32, #tpu.memory_space<vmem>>) target(%dma_start3A_125 : memref<10112x128xf32, #tpu.memory_space<vmem_shared>>) offsets(%dma_start3A_122 : memref<128xi32, #tpu.memory_space<vmem>>) semaphore(%run_scoped3A_119 : memref<!tpu.dma_semaphore, #tpu.memory_space<semaphore_mem>>) {add = true}
        %dma_wait3A_126 = arith.constant 0 : i32
        %dma_wait3A_127 = tpu.memref_slice %arg8[%mul3A_86, %dma_wait3A_126] : memref<40x128xi32, #tpu.memory_space<vmem>> -> memref<1x128xi32, #tpu.memory_space<vmem>>
        %dma_wait3A_128 = tpu.memref_squeeze %dma_wait3A_127 : memref<1x128xi32, #tpu.memory_space<vmem>> -> memref<128xi32, #tpu.memory_space<vmem>>
        %dma_wait3A_129 = arith.constant 0 : i32
        %dma_wait3A_130 = arith.constant 0 : i32
        %dma_wait3A_131 = tpu.memref_slice %arg13[%dma_wait3A_129, %dma_wait3A_130] : memref<10112x128xf32, #tpu.memory_space<vmem_shared>> -> memref<10112x128xf32, #tpu.memory_space<vmem_shared>>
        tpu.wait_indirect_dma semaphore(%run_scoped3A_119 : memref<!tpu.dma_semaphore, #tpu.memory_space<semaphore_mem>>) src(%arg9 : memref<128x128xf32, #tpu.memory_space<vmem>>) dst(%dma_wait3A_131 : memref<10112x128xf32, #tpu.memory_space<vmem_shared>>)
        tpu.yield
      }) : () -> ()
      %add3A_93 = arith.constant 2 : i32
      %add3A_94 = arith.addi %mul3A_86, %add3A_93 : i32
      %dma_start3A_95 = arith.constant 0 : i32
      %dma_start3A_96 = tpu.memref_slice %arg7[%add3A_94, %dma_start3A_95] : memref<40x128xi32, #tpu.memory_space<vmem>> -> memref<1x128xi32, #tpu.memory_space<vmem>>
      %dma_start3A_97 = tpu.memref_squeeze %dma_start3A_96 : memref<1x128xi32, #tpu.memory_space<vmem>> -> memref<128xi32, #tpu.memory_space<vmem>>
      %dma_start3A_98 = arith.constant 0 : i32
      %dma_start3A_99 = arith.constant 0 : i32
      %dma_start3A_100 = tpu.memref_slice %arg2[%dma_start3A_98, %dma_start3A_99] : memref<10000x128xf32, #tpu.memory_space<hbm>> -> memref<10000x128xf32, #tpu.memory_space<hbm>>
      tpu.enqueue_indirect_dma source(%dma_start3A_100 : memref<10000x128xf32, #tpu.memory_space<hbm>>) target(%arg9 : memref<128x128xf32, #tpu.memory_space<vmem>>) offsets(%dma_start3A_97 : memref<128xi32, #tpu.memory_space<vmem>>) semaphore(%arg11 : memref<!tpu.dma_semaphore, #tpu.memory_space<semaphore_mem>>)
      %add3A_101 = arith.constant 1 : i32
      %add3A_102 = arith.addi %mul3A_86, %add3A_101 : i32
      %dma_wait3A_103 = arith.constant 0 : i32
      %dma_wait3A_104 = tpu.memref_slice %arg7[%add3A_102, %dma_wait3A_103] : memref<40x128xi32, #tpu.memory_space<vmem>> -> memref<1x128xi32, #tpu.memory_space<vmem>>
      %dma_wait3A_105 = tpu.memref_squeeze %dma_wait3A_104 : memref<1x128xi32, #tpu.memory_space<vmem>> -> memref<128xi32, #tpu.memory_space<vmem>>
      %dma_wait3A_106 = arith.constant 0 : i32
      %dma_wait3A_107 = arith.constant 0 : i32
      %dma_wait3A_108 = tpu.memref_slice %arg2[%dma_wait3A_106, %dma_wait3A_107] : memref<10000x128xf32, #tpu.memory_space<hbm>> -> memref<10000x128xf32, #tpu.memory_space<hbm>>
      tpu.wait_indirect_dma semaphore(%arg12 : memref<!tpu.dma_semaphore, #tpu.memory_space<semaphore_mem>>) src(%dma_wait3A_108 : memref<10000x128xf32, #tpu.memory_space<hbm>>) dst(%arg10 : memref<128x128xf32, #tpu.memory_space<vmem>>)
      %add3A_109 = arith.constant 1 : i32
      %add3A_110 = arith.addi %mul3A_86, %add3A_109 : i32
      "tpu.region"() ({
        %run_scoped3A_119 = tpu.sem_alloc : memref<!tpu.dma_semaphore, #tpu.memory_space<semaphore_mem>>
        %dma_start3A_120 = arith.constant 0 : i32
        %dma_start3A_121 = tpu.memref_slice %arg8[%add3A_110, %dma_start3A_120] : memref<40x128xi32, #tpu.memory_space<vmem>> -> memref<1x128xi32, #tpu.memory_space<vmem>>
        %dma_start3A_122 = tpu.memref_squeeze %dma_start3A_121 : memref<1x128xi32, #tpu.memory_space<vmem>> -> memref<128xi32, #tpu.memory_space<vmem>>
        %dma_start3A_123 = arith.constant 0 : i32
        %dma_start3A_124 = arith.constant 0 : i32
        %dma_start3A_125 = tpu.memref_slice %arg13[%dma_start3A_123, %dma_start3A_124] : memref<10112x128xf32, #tpu.memory_space<vmem_shared>> -> memref<10112x128xf32, #tpu.memory_space<vmem_shared>>
        tpu.enqueue_indirect_dma source(%arg10 : memref<128x128xf32, #tpu.memory_space<vmem>>) target(%dma_start3A_125 : memref<10112x128xf32, #tpu.memory_space<vmem_shared>>) offsets(%dma_start3A_122 : memref<128xi32, #tpu.memory_space<vmem>>) semaphore(%run_scoped3A_119 : memref<!tpu.dma_semaphore, #tpu.memory_space<semaphore_mem>>) {add = true}
        %dma_wait3A_126 = arith.constant 0 : i32
        %dma_wait3A_127 = tpu.memref_slice %arg8[%add3A_110, %dma_wait3A_126] : memref<40x128xi32, #tpu.memory_space<vmem>> -> memref<1x128xi32, #tpu.memory_space<vmem>>
        %dma_wait3A_128 = tpu.memref_squeeze %dma_wait3A_127 : memref<1x128xi32, #tpu.memory_space<vmem>> -> memref<128xi32, #tpu.memory_space<vmem>>
        %dma_wait3A_129 = arith.constant 0 : i32
        %dma_wait3A_130 = arith.constant 0 : i32
        %dma_wait3A_131 = tpu.memref_slice %arg13[%dma_wait3A_129, %dma_wait3A_130] : memref<10112x128xf32, #tpu.memory_space<vmem_shared>> -> memref<10112x128xf32, #tpu.memory_space<vmem_shared>>
        tpu.wait_indirect_dma semaphore(%run_scoped3A_119 : memref<!tpu.dma_semaphore, #tpu.memory_space<semaphore_mem>>) src(%arg10 : memref<128x128xf32, #tpu.memory_space<vmem>>) dst(%dma_wait3A_131 : memref<10112x128xf32, #tpu.memory_space<vmem_shared>>)
        tpu.yield
      }) : () -> ()
      %add3A_111 = arith.constant 3 : i32
      %add3A_112 = arith.addi %mul3A_86, %add3A_111 : i32
      %dma_start3A_113 = arith.constant 0 : i32
      %dma_start3A_114 = tpu.memref_slice %arg7[%add3A_112, %dma_start3A_113] : memref<40x128xi32, #tpu.memory_space<vmem>> -> memref<1x128xi32, #tpu.memory_space<vmem>>
      %dma_start3A_115 = tpu.memref_squeeze %dma_start3A_114 : memref<1x128xi32, #tpu.memory_space<vmem>> -> memref<128xi32, #tpu.memory_space<vmem>>
      %dma_start3A_116 = arith.constant 0 : i32
      %dma_start3A_117 = arith.constant 0 : i32
      %dma_start3A_118 = tpu.memref_slice %arg2[%dma_start3A_116, %dma_start3A_117] : memref<10000x128xf32, #tpu.memory_space<hbm>> -> memref<10000x128xf32, #tpu.memory_space<hbm>>
      tpu.enqueue_indirect_dma source(%dma_start3A_118 : memref<10000x128xf32, #tpu.memory_space<hbm>>) target(%arg10 : memref<128x128xf32, #tpu.memory_space<vmem>>) offsets(%dma_start3A_115 : memref<128xi32, #tpu.memory_space<vmem>>) semaphore(%arg12 : memref<!tpu.dma_semaphore, #tpu.memory_space<semaphore_mem>>)
    }
    %scan3A_64 = arith.constant 19 : i32
    %dma_wait3A_65 = arith.constant 38 : i32
    %dma_wait3A_66 = arith.constant 0 : i32
    %dma_wait3A_67 = tpu.memref_slice %arg7[%dma_wait3A_65, %dma_wait3A_66] : memref<40x128xi32, #tpu.memory_space<vmem>> -> memref<1x128xi32, #tpu.memory_space<vmem>>
    %dma_wait3A_68 = tpu.memref_squeeze %dma_wait3A_67 : memref<1x128xi32, #tpu.memory_space<vmem>> -> memref<128xi32, #tpu.memory_space<vmem>>
    %dma_wait3A_69 = arith.constant 0 : i32
    %dma_wait3A_70 = arith.constant 0 : i32
    %dma_wait3A_71 = tpu.memref_slice %arg2[%dma_wait3A_69, %dma_wait3A_70] : memref<10000x128xf32, #tpu.memory_space<hbm>> -> memref<10000x128xf32, #tpu.memory_space<hbm>>
    tpu.wait_indirect_dma semaphore(%arg11 : memref<!tpu.dma_semaphore, #tpu.memory_space<semaphore_mem>>) src(%dma_wait3A_71 : memref<10000x128xf32, #tpu.memory_space<hbm>>) dst(%arg9 : memref<128x128xf32, #tpu.memory_space<vmem>>)
    %run_scoped3A_72 = arith.constant 38 : i32
    "tpu.region"() ({
      %run_scoped3A_84 = tpu.sem_alloc : memref<!tpu.dma_semaphore, #tpu.memory_space<semaphore_mem>>
      %dma_start3A_85 = arith.constant 0 : i32
      %dma_start3A_86 = tpu.memref_slice %arg8[%run_scoped3A_72, %dma_start3A_85] : memref<40x128xi32, #tpu.memory_space<vmem>> -> memref<1x128xi32, #tpu.memory_space<vmem>>
      %dma_start3A_87 = tpu.memref_squeeze %dma_start3A_86 : memref<1x128xi32, #tpu.memory_space<vmem>> -> memref<128xi32, #tpu.memory_space<vmem>>
      %dma_start3A_88 = arith.constant 0 : i32
      %dma_start3A_89 = arith.constant 0 : i32
      %dma_start3A_90 = tpu.memref_slice %arg13[%dma_start3A_88, %dma_start3A_89] : memref<10112x128xf32, #tpu.memory_space<vmem_shared>> -> memref<10112x128xf32, #tpu.memory_space<vmem_shared>>
      tpu.enqueue_indirect_dma source(%arg9 : memref<128x128xf32, #tpu.memory_space<vmem>>) target(%dma_start3A_90 : memref<10112x128xf32, #tpu.memory_space<vmem_shared>>) offsets(%dma_start3A_87 : memref<128xi32, #tpu.memory_space<vmem>>) semaphore(%run_scoped3A_84 : memref<!tpu.dma_semaphore, #tpu.memory_space<semaphore_mem>>) {add = true}
      %dma_wait3A_91 = arith.constant 0 : i32
      %dma_wait3A_92 = tpu.memref_slice %arg8[%run_scoped3A_72, %dma_wait3A_91] : memref<40x128xi32, #tpu.memory_space<vmem>> -> memref<1x128xi32, #tpu.memory_space<vmem>>
      %dma_wait3A_93 = tpu.memref_squeeze %dma_wait3A_92 : memref<1x128xi32, #tpu.memory_space<vmem>> -> memref<128xi32, #tpu.memory_space<vmem>>
      %dma_wait3A_94 = arith.constant 0 : i32
      %dma_wait3A_95 = arith.constant 0 : i32
      %dma_wait3A_96 = tpu.memref_slice %arg13[%dma_wait3A_94, %dma_wait3A_95] : memref<10112x128xf32, #tpu.memory_space<vmem_shared>> -> memref<10112x128xf32, #tpu.memory_space<vmem_shared>>
      tpu.wait_indirect_dma semaphore(%run_scoped3A_84 : memref<!tpu.dma_semaphore, #tpu.memory_space<semaphore_mem>>) src(%arg9 : memref<128x128xf32, #tpu.memory_space<vmem>>) dst(%dma_wait3A_96 : memref<10112x128xf32, #tpu.memory_space<vmem_shared>>)
      tpu.yield
    }) : () -> ()
    %dma_wait3A_73 = arith.constant 39 : i32
    %dma_wait3A_74 = arith.constant 0 : i32
    %dma_wait3A_75 = tpu.memref_slice %arg7[%dma_wait3A_73, %dma_wait3A_74] : memref<40x128xi32, #tpu.memory_space<vmem>> -> memref<1x128xi32, #tpu.memory_space<vmem>>
    %dma_wait3A_76 = tpu.memref_squeeze %dma_wait3A_75 : memref<1x128xi32, #tpu.memory_space<vmem>> -> memref<128xi32, #tpu.memory_space<vmem>>
    %dma_wait3A_77 = arith.constant 0 : i32
    %dma_wait3A_78 = arith.constant 0 : i32
    %dma_wait3A_79 = tpu.memref_slice %arg2[%dma_wait3A_77, %dma_wait3A_78] : memref<10000x128xf32, #tpu.memory_space<hbm>> -> memref<10000x128xf32, #tpu.memory_space<hbm>>
    tpu.wait_indirect_dma semaphore(%arg12 : memref<!tpu.dma_semaphore, #tpu.memory_space<semaphore_mem>>) src(%dma_wait3A_79 : memref<10000x128xf32, #tpu.memory_space<hbm>>) dst(%arg10 : memref<128x128xf32, #tpu.memory_space<vmem>>)
    %run_scoped3A_80 = arith.constant 39 : i32
    "tpu.region"() ({
      %run_scoped3A_84 = tpu.sem_alloc : memref<!tpu.dma_semaphore, #tpu.memory_space<semaphore_mem>>
      %dma_start3A_85 = arith.constant 0 : i32
      %dma_start3A_86 = tpu.memref_slice %arg8[%run_scoped3A_80, %dma_start3A_85] : memref<40x128xi32, #tpu.memory_space<vmem>> -> memref<1x128xi32, #tpu.memory_space<vmem>>
      %dma_start3A_87 = tpu.memref_squeeze %dma_start3A_86 : memref<1x128xi32, #tpu.memory_space<vmem>> -> memref<128xi32, #tpu.memory_space<vmem>>
      %dma_start3A_88 = arith.constant 0 : i32
      %dma_start3A_89 = arith.constant 0 : i32
      %dma_start3A_90 = tpu.memref_slice %arg13[%dma_start3A_88, %dma_start3A_89] : memref<10112x128xf32, #tpu.memory_space<vmem_shared>> -> memref<10112x128xf32, #tpu.memory_space<vmem_shared>>
      tpu.enqueue_indirect_dma source(%arg10 : memref<128x128xf32, #tpu.memory_space<vmem>>) target(%dma_start3A_90 : memref<10112x128xf32, #tpu.memory_space<vmem_shared>>) offsets(%dma_start3A_87 : memref<128xi32, #tpu.memory_space<vmem>>) semaphore(%run_scoped3A_84 : memref<!tpu.dma_semaphore, #tpu.memory_space<semaphore_mem>>) {add = true}
      %dma_wait3A_91 = arith.constant 0 : i32
      %dma_wait3A_92 = tpu.memref_slice %arg8[%run_scoped3A_80, %dma_wait3A_91] : memref<40x128xi32, #tpu.memory_space<vmem>> -> memref<1x128xi32, #tpu.memory_space<vmem>>
      %dma_wait3A_93 = tpu.memref_squeeze %dma_wait3A_92 : memref<1x128xi32, #tpu.memory_space<vmem>> -> memref<128xi32, #tpu.memory_space<vmem>>
      %dma_wait3A_94 = arith.constant 0 : i32
      %dma_wait3A_95 = arith.constant 0 : i32
      %dma_wait3A_96 = tpu.memref_slice %arg13[%dma_wait3A_94, %dma_wait3A_95] : memref<10112x128xf32, #tpu.memory_space<vmem_shared>> -> memref<10112x128xf32, #tpu.memory_space<vmem_shared>>
      tpu.wait_indirect_dma semaphore(%run_scoped3A_84 : memref<!tpu.dma_semaphore, #tpu.memory_space<semaphore_mem>>) src(%arg10 : memref<128x128xf32, #tpu.memory_space<vmem>>) dst(%dma_wait3A_96 : memref<10112x128xf32, #tpu.memory_space<vmem_shared>>)
      tpu.yield
    }) : () -> ()
    %barrier3A_81 = arith.constant 0 : index
    tpu.barrier barrier_id(%barrier3A_81)
    %mul3A_82 = arith.constant 632 : i32
    %mul3A_83 = arith.muli %arg1, %mul3A_82 : i32
    "tpu.region"() ({
      %run_scoped3A_84 = tpu.sem_alloc : memref<!tpu.dma_semaphore, #tpu.memory_space<semaphore_mem>>
      %dma_start3A_85 = arith.constant 0 : i32
      %dma_start3A_86 = arith.constant 0 : i32
      %dma_start3A_87 = tpu.memref_slice %arg6[%arg0, %dma_start3A_85, %dma_start3A_86] : memref<2x10112x128xf32, #tpu.memory_space<hbm>> -> memref<1x10112x128xf32, #tpu.memory_space<hbm>>
      %dma_start3A_88 = tpu.memref_squeeze %dma_start3A_87 : memref<1x10112x128xf32, #tpu.memory_space<hbm>> -> memref<10112x128xf32, #tpu.memory_space<hbm>>
      %dma_start3A_89 = arith.constant 0 : i32
      %dma_start3A_90 = tpu.memref_slice %dma_start3A_88[%mul3A_83, %dma_start3A_89] : memref<10112x128xf32, #tpu.memory_space<hbm>> -> memref<632x128xf32, #tpu.memory_space<hbm>>
      %dma_start3A_91 = arith.constant 0 : i32
      %dma_start3A_92 = tpu.memref_slice %arg13[%mul3A_83, %dma_start3A_91] : memref<10112x128xf32, #tpu.memory_space<vmem_shared>> -> memref<632x128xf32, #tpu.memory_space<vmem_shared>>
      tpu.enqueue_dma source(%dma_start3A_92 : memref<632x128xf32, #tpu.memory_space<vmem_shared>>) target(%dma_start3A_90 : memref<632x128xf32, #tpu.memory_space<hbm>>) target_semaphore(%run_scoped3A_84 : memref<!tpu.dma_semaphore, #tpu.memory_space<semaphore_mem>>)
      %dma_wait3A_93 = arith.constant 0 : i32
      %dma_wait3A_94 = arith.constant 0 : i32
      %dma_wait3A_95 = tpu.memref_slice %arg6[%arg0, %dma_wait3A_93, %dma_wait3A_94] : memref<2x10112x128xf32, #tpu.memory_space<hbm>> -> memref<1x10112x128xf32, #tpu.memory_space<hbm>>
      %dma_wait3A_96 = tpu.memref_squeeze %dma_wait3A_95 : memref<1x10112x128xf32, #tpu.memory_space<hbm>> -> memref<10112x128xf32, #tpu.memory_space<hbm>>
      %dma_wait3A_97 = arith.constant 0 : i32
      %dma_wait3A_98 = tpu.memref_slice %dma_wait3A_96[%mul3A_83, %dma_wait3A_97] : memref<10112x128xf32, #tpu.memory_space<hbm>> -> memref<632x128xf32, #tpu.memory_space<hbm>>
      %dma_wait3A_99 = arith.constant 0 : i32
      %dma_wait3A_100 = tpu.memref_slice %arg13[%mul3A_83, %dma_wait3A_99] : memref<10112x128xf32, #tpu.memory_space<vmem_shared>> -> memref<632x128xf32, #tpu.memory_space<vmem_shared>>
      tpu.wait_dma2 semaphore(%run_scoped3A_84 : memref<!tpu.dma_semaphore, #tpu.memory_space<semaphore_mem>>) src(%dma_wait3A_100 : memref<632x128xf32, #tpu.memory_space<vmem_shared>>) dst(%dma_wait3A_98 : memref<632x128xf32, #tpu.memory_space<hbm>>)
      tpu.yield
    }) : () -> ()
    return
  }
}

#map = affine_map<(d0, d1) -> (0, 0)>
#map1 = affine_map<(d0, d1) -> (0, 0, 0)>
module attributes {stable_mosaic.version = 14 : i64} {
  func.func @_sc_prop(%arg0: i32, %arg1: i32, %arg2: memref<10000x128xf32, #tpu.memory_space<hbm>>, %arg3: memref<32x80x128xi32, #tpu.memory_space<hbm>>, %arg4: memref<32x80x128xi32, #tpu.memory_space<hbm>>, %arg5: memref<128x128xf32, #tpu.memory_space<hbm>>, %arg6: memref<2x10112x128xf32, #tpu.memory_space<hbm>>, %arg7: memref<40x128xi32, #tpu.memory_space<vmem>>, %arg8: memref<40x128xi32, #tpu.memory_space<vmem>>, %arg9: memref<128x128xf32, #tpu.memory_space<vmem>>, %arg10: memref<128x128xf32, #tpu.memory_space<vmem>>, %arg11: memref<!tpu.dma_semaphore, #tpu.memory_space<semaphore_mem>>, %arg12: memref<!tpu.dma_semaphore, #tpu.memory_space<semaphore_mem>>, %arg13: memref<10112x128xf32, #tpu.memory_space<vmem_shared>>) attributes {dimension_semantics = [#tpu.dimension_semantics<core_parallel>, #tpu.dimension_semantics<subcore_parallel>], iteration_bounds = array<i64: 2, 16>, scalar_prefetch = 0 : i64, scratch_operands = 7 : i64, tpu.core_type = #tpu.core_type<sc_vector_subcore>, window_params = [{transform_indices = #map}, {transform_indices = #map1}, {transform_indices = #map1}, {transform_indices = #map}, {transform_indices = #map1}]} {
    %mul3A = arith.constant 16 : i32
    %mul3A_0 = arith.muli %arg0, %mul3A : i32
    %add3A = arith.addi %mul3A_0, %arg1 : i32
    "tpu.region"() ({
      %run_scoped3A_84 = tpu.sem_alloc : memref<!tpu.dma_semaphore, #tpu.memory_space<semaphore_mem>>
      tpu.enqueue_dma source(%arg5 : memref<128x128xf32, #tpu.memory_space<hbm>>) target(%arg9 : memref<128x128xf32, #tpu.memory_space<vmem>>) target_semaphore(%run_scoped3A_84 : memref<!tpu.dma_semaphore, #tpu.memory_space<semaphore_mem>>)
      tpu.wait_dma2 semaphore(%run_scoped3A_84 : memref<!tpu.dma_semaphore, #tpu.memory_space<semaphore_mem>>) src(%arg5 : memref<128x128xf32, #tpu.memory_space<hbm>>) dst(%arg9 : memref<128x128xf32, #tpu.memory_space<vmem>>)
      tpu.yield
    }) : () -> ()
    %mul3A_1 = arith.constant 632 : i32
    %mul3A_2 = arith.muli %arg1, %mul3A_1 : i32
    %add3A_3 = arith.constant 0 : i32
    %add3A_4 = arith.addi %mul3A_2, %add3A_3 : i32
    "tpu.region"() ({
      %run_scoped3A_84 = tpu.sem_alloc : memref<!tpu.dma_semaphore, #tpu.memory_space<semaphore_mem>>
      %dma_start3A_85 = arith.constant 0 : i32
      %dma_start3A_86 = tpu.memref_slice %arg13[%add3A_4, %dma_start3A_85] : memref<10112x128xf32, #tpu.memory_space<vmem_shared>> -> memref<128x128xf32, #tpu.memory_space<vmem_shared>>
      %dma_start3A_87 = arith.constant 0 : i32
      %dma_start3A_88 = tpu.memref_slice %arg13[%add3A_4, %dma_start3A_87] : memref<10112x128xf32, #tpu.memory_space<vmem_shared>> -> memref<128x128xf32, #tpu.memory_space<vmem_shared>>
      tpu.enqueue_dma source(%arg9 : memref<128x128xf32, #tpu.memory_space<vmem>>) target(%dma_start3A_88 : memref<128x128xf32, #tpu.memory_space<vmem_shared>>) target_semaphore(%run_scoped3A_84 : memref<!tpu.dma_semaphore, #tpu.memory_space<semaphore_mem>>)
      %dma_wait3A_89 = arith.constant 0 : i32
      %dma_wait3A_90 = tpu.memref_slice %arg13[%add3A_4, %dma_wait3A_89] : memref<10112x128xf32, #tpu.memory_space<vmem_shared>> -> memref<128x128xf32, #tpu.memory_space<vmem_shared>>
      %dma_wait3A_91 = arith.constant 0 : i32
      %dma_wait3A_92 = tpu.memref_slice %arg13[%add3A_4, %dma_wait3A_91] : memref<10112x128xf32, #tpu.memory_space<vmem_shared>> -> memref<128x128xf32, #tpu.memory_space<vmem_shared>>
      tpu.wait_dma2 semaphore(%run_scoped3A_84 : memref<!tpu.dma_semaphore, #tpu.memory_space<semaphore_mem>>) src(%arg9 : memref<128x128xf32, #tpu.memory_space<vmem>>) dst(%dma_wait3A_92 : memref<128x128xf32, #tpu.memory_space<vmem_shared>>)
      tpu.yield
    }) : () -> ()
    %add3A_5 = arith.constant 128 : i32
    %add3A_6 = arith.addi %mul3A_2, %add3A_5 : i32
    "tpu.region"() ({
      %run_scoped3A_84 = tpu.sem_alloc : memref<!tpu.dma_semaphore, #tpu.memory_space<semaphore_mem>>
      %dma_start3A_85 = arith.constant 0 : i32
      %dma_start3A_86 = tpu.memref_slice %arg13[%add3A_6, %dma_start3A_85] : memref<10112x128xf32, #tpu.memory_space<vmem_shared>> -> memref<128x128xf32, #tpu.memory_space<vmem_shared>>
      %dma_start3A_87 = arith.constant 0 : i32
      %dma_start3A_88 = tpu.memref_slice %arg13[%add3A_6, %dma_start3A_87] : memref<10112x128xf32, #tpu.memory_space<vmem_shared>> -> memref<128x128xf32, #tpu.memory_space<vmem_shared>>
      tpu.enqueue_dma source(%arg9 : memref<128x128xf32, #tpu.memory_space<vmem>>) target(%dma_start3A_88 : memref<128x128xf32, #tpu.memory_space<vmem_shared>>) target_semaphore(%run_scoped3A_84 : memref<!tpu.dma_semaphore, #tpu.memory_space<semaphore_mem>>)
      %dma_wait3A_89 = arith.constant 0 : i32
      %dma_wait3A_90 = tpu.memref_slice %arg13[%add3A_6, %dma_wait3A_89] : memref<10112x128xf32, #tpu.memory_space<vmem_shared>> -> memref<128x128xf32, #tpu.memory_space<vmem_shared>>
      %dma_wait3A_91 = arith.constant 0 : i32
      %dma_wait3A_92 = tpu.memref_slice %arg13[%add3A_6, %dma_wait3A_91] : memref<10112x128xf32, #tpu.memory_space<vmem_shared>> -> memref<128x128xf32, #tpu.memory_space<vmem_shared>>
      tpu.wait_dma2 semaphore(%run_scoped3A_84 : memref<!tpu.dma_semaphore, #tpu.memory_space<semaphore_mem>>) src(%arg9 : memref<128x128xf32, #tpu.memory_space<vmem>>) dst(%dma_wait3A_92 : memref<128x128xf32, #tpu.memory_space<vmem_shared>>)
      tpu.yield
    }) : () -> ()
    %add3A_7 = arith.constant 256 : i32
    %add3A_8 = arith.addi %mul3A_2, %add3A_7 : i32
    "tpu.region"() ({
      %run_scoped3A_84 = tpu.sem_alloc : memref<!tpu.dma_semaphore, #tpu.memory_space<semaphore_mem>>
      %dma_start3A_85 = arith.constant 0 : i32
      %dma_start3A_86 = tpu.memref_slice %arg13[%add3A_8, %dma_start3A_85] : memref<10112x128xf32, #tpu.memory_space<vmem_shared>> -> memref<128x128xf32, #tpu.memory_space<vmem_shared>>
      %dma_start3A_87 = arith.constant 0 : i32
      %dma_start3A_88 = tpu.memref_slice %arg13[%add3A_8, %dma_start3A_87] : memref<10112x128xf32, #tpu.memory_space<vmem_shared>> -> memref<128x128xf32, #tpu.memory_space<vmem_shared>>
      tpu.enqueue_dma source(%arg9 : memref<128x128xf32, #tpu.memory_space<vmem>>) target(%dma_start3A_88 : memref<128x128xf32, #tpu.memory_space<vmem_shared>>) target_semaphore(%run_scoped3A_84 : memref<!tpu.dma_semaphore, #tpu.memory_space<semaphore_mem>>)
      %dma_wait3A_89 = arith.constant 0 : i32
      %dma_wait3A_90 = tpu.memref_slice %arg13[%add3A_8, %dma_wait3A_89] : memref<10112x128xf32, #tpu.memory_space<vmem_shared>> -> memref<128x128xf32, #tpu.memory_space<vmem_shared>>
      %dma_wait3A_91 = arith.constant 0 : i32
      %dma_wait3A_92 = tpu.memref_slice %arg13[%add3A_8, %dma_wait3A_91] : memref<10112x128xf32, #tpu.memory_space<vmem_shared>> -> memref<128x128xf32, #tpu.memory_space<vmem_shared>>
      tpu.wait_dma2 semaphore(%run_scoped3A_84 : memref<!tpu.dma_semaphore, #tpu.memory_space<semaphore_mem>>) src(%arg9 : memref<128x128xf32, #tpu.memory_space<vmem>>) dst(%dma_wait3A_92 : memref<128x128xf32, #tpu.memory_space<vmem_shared>>)
      tpu.yield
    }) : () -> ()
    %add3A_9 = arith.constant 384 : i32
    %add3A_10 = arith.addi %mul3A_2, %add3A_9 : i32
    "tpu.region"() ({
      %run_scoped3A_84 = tpu.sem_alloc : memref<!tpu.dma_semaphore, #tpu.memory_space<semaphore_mem>>
      %dma_start3A_85 = arith.constant 0 : i32
      %dma_start3A_86 = tpu.memref_slice %arg13[%add3A_10, %dma_start3A_85] : memref<10112x128xf32, #tpu.memory_space<vmem_shared>> -> memref<128x128xf32, #tpu.memory_space<vmem_shared>>
      %dma_start3A_87 = arith.constant 0 : i32
      %dma_start3A_88 = tpu.memref_slice %arg13[%add3A_10, %dma_start3A_87] : memref<10112x128xf32, #tpu.memory_space<vmem_shared>> -> memref<128x128xf32, #tpu.memory_space<vmem_shared>>
      tpu.enqueue_dma source(%arg9 : memref<128x128xf32, #tpu.memory_space<vmem>>) target(%dma_start3A_88 : memref<128x128xf32, #tpu.memory_space<vmem_shared>>) target_semaphore(%run_scoped3A_84 : memref<!tpu.dma_semaphore, #tpu.memory_space<semaphore_mem>>)
      %dma_wait3A_89 = arith.constant 0 : i32
      %dma_wait3A_90 = tpu.memref_slice %arg13[%add3A_10, %dma_wait3A_89] : memref<10112x128xf32, #tpu.memory_space<vmem_shared>> -> memref<128x128xf32, #tpu.memory_space<vmem_shared>>
      %dma_wait3A_91 = arith.constant 0 : i32
      %dma_wait3A_92 = tpu.memref_slice %arg13[%add3A_10, %dma_wait3A_91] : memref<10112x128xf32, #tpu.memory_space<vmem_shared>> -> memref<128x128xf32, #tpu.memory_space<vmem_shared>>
      tpu.wait_dma2 semaphore(%run_scoped3A_84 : memref<!tpu.dma_semaphore, #tpu.memory_space<semaphore_mem>>) src(%arg9 : memref<128x128xf32, #tpu.memory_space<vmem>>) dst(%dma_wait3A_92 : memref<128x128xf32, #tpu.memory_space<vmem_shared>>)
      tpu.yield
    }) : () -> ()
    %add3A_11 = arith.constant 512 : i32
    %add3A_12 = arith.addi %mul3A_2, %add3A_11 : i32
    "tpu.region"() ({
      %run_scoped3A_84 = tpu.sem_alloc : memref<!tpu.dma_semaphore, #tpu.memory_space<semaphore_mem>>
      %dma_start3A_85 = arith.constant 0 : i32
      %dma_start3A_86 = arith.constant 0 : i32
      %dma_start3A_87 = tpu.memref_slice %arg9[%dma_start3A_85, %dma_start3A_86] : memref<128x128xf32, #tpu.memory_space<vmem>> -> memref<120x128xf32, #tpu.memory_space<vmem>>
      %dma_start3A_88 = arith.constant 0 : i32
      %dma_start3A_89 = tpu.memref_slice %arg13[%add3A_12, %dma_start3A_88] : memref<10112x128xf32, #tpu.memory_space<vmem_shared>> -> memref<120x128xf32, #tpu.memory_space<vmem_shared>>
      %dma_start3A_90 = arith.constant 0 : i32
      %dma_start3A_91 = tpu.memref_slice %arg13[%add3A_12, %dma_start3A_90] : memref<10112x128xf32, #tpu.memory_space<vmem_shared>> -> memref<120x128xf32, #tpu.memory_space<vmem_shared>>
      %dma_start3A_92 = arith.constant 0 : i32
      %dma_start3A_93 = arith.constant 0 : i32
      %dma_start3A_94 = tpu.memref_slice %arg9[%dma_start3A_92, %dma_start3A_93] : memref<128x128xf32, #tpu.memory_space<vmem>> -> memref<120x128xf32, #tpu.memory_space<vmem>>
      tpu.enqueue_dma source(%dma_start3A_94 : memref<120x128xf32, #tpu.memory_space<vmem>>) target(%dma_start3A_91 : memref<120x128xf32, #tpu.memory_space<vmem_shared>>) target_semaphore(%run_scoped3A_84 : memref<!tpu.dma_semaphore, #tpu.memory_space<semaphore_mem>>)
      %dma_wait3A_95 = arith.constant 0 : i32
      %dma_wait3A_96 = arith.constant 0 : i32
      %dma_wait3A_97 = tpu.memref_slice %arg9[%dma_wait3A_95, %dma_wait3A_96] : memref<128x128xf32, #tpu.memory_space<vmem>> -> memref<120x128xf32, #tpu.memory_space<vmem>>
      %dma_wait3A_98 = arith.constant 0 : i32
      %dma_wait3A_99 = tpu.memref_slice %arg13[%add3A_12, %dma_wait3A_98] : memref<10112x128xf32, #tpu.memory_space<vmem_shared>> -> memref<120x128xf32, #tpu.memory_space<vmem_shared>>
      %dma_wait3A_100 = arith.constant 0 : i32
      %dma_wait3A_101 = tpu.memref_slice %arg13[%add3A_12, %dma_wait3A_100] : memref<10112x128xf32, #tpu.memory_space<vmem_shared>> -> memref<120x128xf32, #tpu.memory_space<vmem_shared>>
      %dma_wait3A_102 = arith.constant 0 : i32
      %dma_wait3A_103 = arith.constant 0 : i32
      %dma_wait3A_104 = tpu.memref_slice %arg9[%dma_wait3A_102, %dma_wait3A_103] : memref<128x128xf32, #tpu.memory_space<vmem>> -> memref<120x128xf32, #tpu.memory_space<vmem>>
      tpu.wait_dma2 semaphore(%run_scoped3A_84 : memref<!tpu.dma_semaphore, #tpu.memory_space<semaphore_mem>>) src(%dma_wait3A_104 : memref<120x128xf32, #tpu.memory_space<vmem>>) dst(%dma_wait3A_101 : memref<120x128xf32, #tpu.memory_space<vmem_shared>>)
      tpu.yield
    }) : () -> ()
    %barrier3A = arith.constant 0 : index
    tpu.barrier barrier_id(%barrier3A)
    "tpu.region"() ({
      %run_scoped3A_84 = tpu.sem_alloc : memref<!tpu.dma_semaphore, #tpu.memory_space<semaphore_mem>>
      %dma_start3A_85 = arith.constant 0 : i32
      %dma_start3A_86 = arith.constant 0 : i32
      %dma_start3A_87 = tpu.memref_slice %arg3[%add3A, %dma_start3A_85, %dma_start3A_86] : memref<32x80x128xi32, #tpu.memory_space<hbm>> -> memref<1x80x128xi32, #tpu.memory_space<hbm>>
      %dma_start3A_88 = tpu.memref_squeeze %dma_start3A_87 : memref<1x80x128xi32, #tpu.memory_space<hbm>> -> memref<80x128xi32, #tpu.memory_space<hbm>>
      %dma_start3A_89 = arith.constant 0 : i32
      %dma_start3A_90 = arith.constant 0 : i32
      %dma_start3A_91 = tpu.memref_slice %dma_start3A_88[%dma_start3A_89, %dma_start3A_90] : memref<80x128xi32, #tpu.memory_space<hbm>> -> memref<40x128xi32, #tpu.memory_space<hbm>>
      %dma_start3A_92 = arith.constant 0 : i32
      %dma_start3A_93 = arith.constant 0 : i32
      %dma_start3A_94 = tpu.memref_slice %arg3[%add3A, %dma_start3A_92, %dma_start3A_93] : memref<32x80x128xi32, #tpu.memory_space<hbm>> -> memref<1x80x128xi32, #tpu.memory_space<hbm>>
      %dma_start3A_95 = tpu.memref_squeeze %dma_start3A_94 : memref<1x80x128xi32, #tpu.memory_space<hbm>> -> memref<80x128xi32, #tpu.memory_space<hbm>>
      %dma_start3A_96 = arith.constant 0 : i32
      %dma_start3A_97 = arith.constant 0 : i32
      %dma_start3A_98 = tpu.memref_slice %dma_start3A_95[%dma_start3A_96, %dma_start3A_97] : memref<80x128xi32, #tpu.memory_space<hbm>> -> memref<40x128xi32, #tpu.memory_space<hbm>>
      tpu.enqueue_dma source(%dma_start3A_98 : memref<40x128xi32, #tpu.memory_space<hbm>>) target(%arg7 : memref<40x128xi32, #tpu.memory_space<vmem>>) target_semaphore(%run_scoped3A_84 : memref<!tpu.dma_semaphore, #tpu.memory_space<semaphore_mem>>)
      %dma_wait3A_99 = arith.constant 0 : i32
      %dma_wait3A_100 = arith.constant 0 : i32
      %dma_wait3A_101 = tpu.memref_slice %arg3[%add3A, %dma_wait3A_99, %dma_wait3A_100] : memref<32x80x128xi32, #tpu.memory_space<hbm>> -> memref<1x80x128xi32, #tpu.memory_space<hbm>>
      %dma_wait3A_102 = tpu.memref_squeeze %dma_wait3A_101 : memref<1x80x128xi32, #tpu.memory_space<hbm>> -> memref<80x128xi32, #tpu.memory_space<hbm>>
      %dma_wait3A_103 = arith.constant 0 : i32
      %dma_wait3A_104 = arith.constant 0 : i32
      %dma_wait3A_105 = tpu.memref_slice %dma_wait3A_102[%dma_wait3A_103, %dma_wait3A_104] : memref<80x128xi32, #tpu.memory_space<hbm>> -> memref<40x128xi32, #tpu.memory_space<hbm>>
      %dma_wait3A_106 = arith.constant 0 : i32
      %dma_wait3A_107 = arith.constant 0 : i32
      %dma_wait3A_108 = tpu.memref_slice %arg3[%add3A, %dma_wait3A_106, %dma_wait3A_107] : memref<32x80x128xi32, #tpu.memory_space<hbm>> -> memref<1x80x128xi32, #tpu.memory_space<hbm>>
      %dma_wait3A_109 = tpu.memref_squeeze %dma_wait3A_108 : memref<1x80x128xi32, #tpu.memory_space<hbm>> -> memref<80x128xi32, #tpu.memory_space<hbm>>
      %dma_wait3A_110 = arith.constant 0 : i32
      %dma_wait3A_111 = arith.constant 0 : i32
      %dma_wait3A_112 = tpu.memref_slice %dma_wait3A_109[%dma_wait3A_110, %dma_wait3A_111] : memref<80x128xi32, #tpu.memory_space<hbm>> -> memref<40x128xi32, #tpu.memory_space<hbm>>
      tpu.wait_dma2 semaphore(%run_scoped3A_84 : memref<!tpu.dma_semaphore, #tpu.memory_space<semaphore_mem>>) src(%dma_wait3A_112 : memref<40x128xi32, #tpu.memory_space<hbm>>) dst(%arg7 : memref<40x128xi32, #tpu.memory_space<vmem>>)
      tpu.yield
    }) : () -> ()
    "tpu.region"() ({
      %run_scoped3A_84 = tpu.sem_alloc : memref<!tpu.dma_semaphore, #tpu.memory_space<semaphore_mem>>
      %dma_start3A_85 = arith.constant 0 : i32
      %dma_start3A_86 = arith.constant 0 : i32
      %dma_start3A_87 = tpu.memref_slice %arg4[%add3A, %dma_start3A_85, %dma_start3A_86] : memref<32x80x128xi32, #tpu.memory_space<hbm>> -> memref<1x80x128xi32, #tpu.memory_space<hbm>>
      %dma_start3A_88 = tpu.memref_squeeze %dma_start3A_87 : memref<1x80x128xi32, #tpu.memory_space<hbm>> -> memref<80x128xi32, #tpu.memory_space<hbm>>
      %dma_start3A_89 = arith.constant 0 : i32
      %dma_start3A_90 = arith.constant 0 : i32
      %dma_start3A_91 = tpu.memref_slice %dma_start3A_88[%dma_start3A_89, %dma_start3A_90] : memref<80x128xi32, #tpu.memory_space<hbm>> -> memref<40x128xi32, #tpu.memory_space<hbm>>
      %dma_start3A_92 = arith.constant 0 : i32
      %dma_start3A_93 = arith.constant 0 : i32
      %dma_start3A_94 = tpu.memref_slice %arg4[%add3A, %dma_start3A_92, %dma_start3A_93] : memref<32x80x128xi32, #tpu.memory_space<hbm>> -> memref<1x80x128xi32, #tpu.memory_space<hbm>>
      %dma_start3A_95 = tpu.memref_squeeze %dma_start3A_94 : memref<1x80x128xi32, #tpu.memory_space<hbm>> -> memref<80x128xi32, #tpu.memory_space<hbm>>
      %dma_start3A_96 = arith.constant 0 : i32
      %dma_start3A_97 = arith.constant 0 : i32
      %dma_start3A_98 = tpu.memref_slice %dma_start3A_95[%dma_start3A_96, %dma_start3A_97] : memref<80x128xi32, #tpu.memory_space<hbm>> -> memref<40x128xi32, #tpu.memory_space<hbm>>
      tpu.enqueue_dma source(%dma_start3A_98 : memref<40x128xi32, #tpu.memory_space<hbm>>) target(%arg8 : memref<40x128xi32, #tpu.memory_space<vmem>>) target_semaphore(%run_scoped3A_84 : memref<!tpu.dma_semaphore, #tpu.memory_space<semaphore_mem>>)
      %dma_wait3A_99 = arith.constant 0 : i32
      %dma_wait3A_100 = arith.constant 0 : i32
      %dma_wait3A_101 = tpu.memref_slice %arg4[%add3A, %dma_wait3A_99, %dma_wait3A_100] : memref<32x80x128xi32, #tpu.memory_space<hbm>> -> memref<1x80x128xi32, #tpu.memory_space<hbm>>
      %dma_wait3A_102 = tpu.memref_squeeze %dma_wait3A_101 : memref<1x80x128xi32, #tpu.memory_space<hbm>> -> memref<80x128xi32, #tpu.memory_space<hbm>>
      %dma_wait3A_103 = arith.constant 0 : i32
      %dma_wait3A_104 = arith.constant 0 : i32
      %dma_wait3A_105 = tpu.memref_slice %dma_wait3A_102[%dma_wait3A_103, %dma_wait3A_104] : memref<80x128xi32, #tpu.memory_space<hbm>> -> memref<40x128xi32, #tpu.memory_space<hbm>>
      %dma_wait3A_106 = arith.constant 0 : i32
      %dma_wait3A_107 = arith.constant 0 : i32
      %dma_wait3A_108 = tpu.memref_slice %arg4[%add3A, %dma_wait3A_106, %dma_wait3A_107] : memref<32x80x128xi32, #tpu.memory_space<hbm>> -> memref<1x80x128xi32, #tpu.memory_space<hbm>>
      %dma_wait3A_109 = tpu.memref_squeeze %dma_wait3A_108 : memref<1x80x128xi32, #tpu.memory_space<hbm>> -> memref<80x128xi32, #tpu.memory_space<hbm>>
      %dma_wait3A_110 = arith.constant 0 : i32
      %dma_wait3A_111 = arith.constant 0 : i32
      %dma_wait3A_112 = tpu.memref_slice %dma_wait3A_109[%dma_wait3A_110, %dma_wait3A_111] : memref<80x128xi32, #tpu.memory_space<hbm>> -> memref<40x128xi32, #tpu.memory_space<hbm>>
      tpu.wait_dma2 semaphore(%run_scoped3A_84 : memref<!tpu.dma_semaphore, #tpu.memory_space<semaphore_mem>>) src(%dma_wait3A_112 : memref<40x128xi32, #tpu.memory_space<hbm>>) dst(%arg8 : memref<40x128xi32, #tpu.memory_space<vmem>>)
      tpu.yield
    }) : () -> ()
    %dma_start3A = arith.constant 0 : i32
    %dma_start3A_13 = arith.constant 0 : i32
    %dma_start3A_14 = tpu.memref_slice %arg7[%dma_start3A, %dma_start3A_13] : memref<40x128xi32, #tpu.memory_space<vmem>> -> memref<1x128xi32, #tpu.memory_space<vmem>>
    %dma_start3A_15 = tpu.memref_squeeze %dma_start3A_14 : memref<1x128xi32, #tpu.memory_space<vmem>> -> memref<128xi32, #tpu.memory_space<vmem>>
    %dma_start3A_16 = arith.constant 0 : i32
    %dma_start3A_17 = arith.constant 0 : i32
    %dma_start3A_18 = tpu.memref_slice %arg2[%dma_start3A_16, %dma_start3A_17] : memref<10000x128xf32, #tpu.memory_space<hbm>> -> memref<10000x128xf32, #tpu.memory_space<hbm>>
    tpu.enqueue_indirect_dma source(%dma_start3A_18 : memref<10000x128xf32, #tpu.memory_space<hbm>>) target(%arg9 : memref<128x128xf32, #tpu.memory_space<vmem>>) offsets(%dma_start3A_15 : memref<128xi32, #tpu.memory_space<vmem>>) semaphore(%arg11 : memref<!tpu.dma_semaphore, #tpu.memory_space<semaphore_mem>>)
    %dma_start3A_19 = arith.constant 1 : i32
    %dma_start3A_20 = arith.constant 0 : i32
    %dma_start3A_21 = tpu.memref_slice %arg7[%dma_start3A_19, %dma_start3A_20] : memref<40x128xi32, #tpu.memory_space<vmem>> -> memref<1x128xi32, #tpu.memory_space<vmem>>
    %dma_start3A_22 = tpu.memref_squeeze %dma_start3A_21 : memref<1x128xi32, #tpu.memory_space<vmem>> -> memref<128xi32, #tpu.memory_space<vmem>>
    %dma_start3A_23 = arith.constant 0 : i32
    %dma_start3A_24 = arith.constant 0 : i32
    %dma_start3A_25 = tpu.memref_slice %arg2[%dma_start3A_23, %dma_start3A_24] : memref<10000x128xf32, #tpu.memory_space<hbm>> -> memref<10000x128xf32, #tpu.memory_space<hbm>>
    tpu.enqueue_indirect_dma source(%dma_start3A_25 : memref<10000x128xf32, #tpu.memory_space<hbm>>) target(%arg10 : memref<128x128xf32, #tpu.memory_space<vmem>>) offsets(%dma_start3A_22 : memref<128xi32, #tpu.memory_space<vmem>>) semaphore(%arg12 : memref<!tpu.dma_semaphore, #tpu.memory_space<semaphore_mem>>)
    %scan3A = arith.constant 0 : i32
    %scan3A_26 = arith.constant 0 : i32
    %scan3A_27 = arith.constant 19 : i32
    %scan3A_28 = arith.addi %scan3A_26, %scan3A_27 : i32
    %scan3A_29 = arith.constant 1 : i32
    scf.for %scan3A_84 = %scan3A_26 to %scan3A_28 step %scan3A_29  : i32 {
      %mul3A_85 = arith.constant 2 : i32
      %mul3A_86 = arith.muli %mul3A_85, %scan3A_84 : i32
      %dma_wait3A_87 = arith.constant 0 : i32
      %dma_wait3A_88 = tpu.memref_slice %arg7[%mul3A_86, %dma_wait3A_87] : memref<40x128xi32, #tpu.memory_space<vmem>> -> memref<1x128xi32, #tpu.memory_space<vmem>>
      %dma_wait3A_89 = tpu.memref_squeeze %dma_wait3A_88 : memref<1x128xi32, #tpu.memory_space<vmem>> -> memref<128xi32, #tpu.memory_space<vmem>>
      %dma_wait3A_90 = arith.constant 0 : i32
      %dma_wait3A_91 = arith.constant 0 : i32
      %dma_wait3A_92 = tpu.memref_slice %arg2[%dma_wait3A_90, %dma_wait3A_91] : memref<10000x128xf32, #tpu.memory_space<hbm>> -> memref<10000x128xf32, #tpu.memory_space<hbm>>
      tpu.wait_indirect_dma semaphore(%arg11 : memref<!tpu.dma_semaphore, #tpu.memory_space<semaphore_mem>>) src(%dma_wait3A_92 : memref<10000x128xf32, #tpu.memory_space<hbm>>) dst(%arg9 : memref<128x128xf32, #tpu.memory_space<vmem>>)
      "tpu.region"() ({
        %run_scoped3A_119 = tpu.sem_alloc : memref<!tpu.dma_semaphore, #tpu.memory_space<semaphore_mem>>
        %dma_start3A_120 = arith.constant 0 : i32
        %dma_start3A_121 = tpu.memref_slice %arg8[%mul3A_86, %dma_start3A_120] : memref<40x128xi32, #tpu.memory_space<vmem>> -> memref<1x128xi32, #tpu.memory_space<vmem>>
        %dma_start3A_122 = tpu.memref_squeeze %dma_start3A_121 : memref<1x128xi32, #tpu.memory_space<vmem>> -> memref<128xi32, #tpu.memory_space<vmem>>
        %dma_start3A_123 = arith.constant 0 : i32
        %dma_start3A_124 = arith.constant 0 : i32
        %dma_start3A_125 = tpu.memref_slice %arg13[%dma_start3A_123, %dma_start3A_124] : memref<10112x128xf32, #tpu.memory_space<vmem_shared>> -> memref<10112x128xf32, #tpu.memory_space<vmem_shared>>
        tpu.enqueue_indirect_dma source(%arg9 : memref<128x128xf32, #tpu.memory_space<vmem>>) target(%dma_start3A_125 : memref<10112x128xf32, #tpu.memory_space<vmem_shared>>) offsets(%dma_start3A_122 : memref<128xi32, #tpu.memory_space<vmem>>) semaphore(%run_scoped3A_119 : memref<!tpu.dma_semaphore, #tpu.memory_space<semaphore_mem>>) {add = true}
        %dma_wait3A_126 = arith.constant 0 : i32
        %dma_wait3A_127 = tpu.memref_slice %arg8[%mul3A_86, %dma_wait3A_126] : memref<40x128xi32, #tpu.memory_space<vmem>> -> memref<1x128xi32, #tpu.memory_space<vmem>>
        %dma_wait3A_128 = tpu.memref_squeeze %dma_wait3A_127 : memref<1x128xi32, #tpu.memory_space<vmem>> -> memref<128xi32, #tpu.memory_space<vmem>>
        %dma_wait3A_129 = arith.constant 0 : i32
        %dma_wait3A_130 = arith.constant 0 : i32
        %dma_wait3A_131 = tpu.memref_slice %arg13[%dma_wait3A_129, %dma_wait3A_130] : memref<10112x128xf32, #tpu.memory_space<vmem_shared>> -> memref<10112x128xf32, #tpu.memory_space<vmem_shared>>
        tpu.wait_indirect_dma semaphore(%run_scoped3A_119 : memref<!tpu.dma_semaphore, #tpu.memory_space<semaphore_mem>>) src(%arg9 : memref<128x128xf32, #tpu.memory_space<vmem>>) dst(%dma_wait3A_131 : memref<10112x128xf32, #tpu.memory_space<vmem_shared>>)
        tpu.yield
      }) : () -> ()
      %add3A_93 = arith.constant 2 : i32
      %add3A_94 = arith.addi %mul3A_86, %add3A_93 : i32
      %dma_start3A_95 = arith.constant 0 : i32
      %dma_start3A_96 = tpu.memref_slice %arg7[%add3A_94, %dma_start3A_95] : memref<40x128xi32, #tpu.memory_space<vmem>> -> memref<1x128xi32, #tpu.memory_space<vmem>>
      %dma_start3A_97 = tpu.memref_squeeze %dma_start3A_96 : memref<1x128xi32, #tpu.memory_space<vmem>> -> memref<128xi32, #tpu.memory_space<vmem>>
      %dma_start3A_98 = arith.constant 0 : i32
      %dma_start3A_99 = arith.constant 0 : i32
      %dma_start3A_100 = tpu.memref_slice %arg2[%dma_start3A_98, %dma_start3A_99] : memref<10000x128xf32, #tpu.memory_space<hbm>> -> memref<10000x128xf32, #tpu.memory_space<hbm>>
      tpu.enqueue_indirect_dma source(%dma_start3A_100 : memref<10000x128xf32, #tpu.memory_space<hbm>>) target(%arg9 : memref<128x128xf32, #tpu.memory_space<vmem>>) offsets(%dma_start3A_97 : memref<128xi32, #tpu.memory_space<vmem>>) semaphore(%arg11 : memref<!tpu.dma_semaphore, #tpu.memory_space<semaphore_mem>>)
      %add3A_101 = arith.constant 1 : i32
      %add3A_102 = arith.addi %mul3A_86, %add3A_101 : i32
      %dma_wait3A_103 = arith.constant 0 : i32
      %dma_wait3A_104 = tpu.memref_slice %arg7[%add3A_102, %dma_wait3A_103] : memref<40x128xi32, #tpu.memory_space<vmem>> -> memref<1x128xi32, #tpu.memory_space<vmem>>
      %dma_wait3A_105 = tpu.memref_squeeze %dma_wait3A_104 : memref<1x128xi32, #tpu.memory_space<vmem>> -> memref<128xi32, #tpu.memory_space<vmem>>
      %dma_wait3A_106 = arith.constant 0 : i32
      %dma_wait3A_107 = arith.constant 0 : i32
      %dma_wait3A_108 = tpu.memref_slice %arg2[%dma_wait3A_106, %dma_wait3A_107] : memref<10000x128xf32, #tpu.memory_space<hbm>> -> memref<10000x128xf32, #tpu.memory_space<hbm>>
      tpu.wait_indirect_dma semaphore(%arg12 : memref<!tpu.dma_semaphore, #tpu.memory_space<semaphore_mem>>) src(%dma_wait3A_108 : memref<10000x128xf32, #tpu.memory_space<hbm>>) dst(%arg10 : memref<128x128xf32, #tpu.memory_space<vmem>>)
      %add3A_109 = arith.constant 1 : i32
      %add3A_110 = arith.addi %mul3A_86, %add3A_109 : i32
      "tpu.region"() ({
        %run_scoped3A_119 = tpu.sem_alloc : memref<!tpu.dma_semaphore, #tpu.memory_space<semaphore_mem>>
        %dma_start3A_120 = arith.constant 0 : i32
        %dma_start3A_121 = tpu.memref_slice %arg8[%add3A_110, %dma_start3A_120] : memref<40x128xi32, #tpu.memory_space<vmem>> -> memref<1x128xi32, #tpu.memory_space<vmem>>
        %dma_start3A_122 = tpu.memref_squeeze %dma_start3A_121 : memref<1x128xi32, #tpu.memory_space<vmem>> -> memref<128xi32, #tpu.memory_space<vmem>>
        %dma_start3A_123 = arith.constant 0 : i32
        %dma_start3A_124 = arith.constant 0 : i32
        %dma_start3A_125 = tpu.memref_slice %arg13[%dma_start3A_123, %dma_start3A_124] : memref<10112x128xf32, #tpu.memory_space<vmem_shared>> -> memref<10112x128xf32, #tpu.memory_space<vmem_shared>>
        tpu.enqueue_indirect_dma source(%arg10 : memref<128x128xf32, #tpu.memory_space<vmem>>) target(%dma_start3A_125 : memref<10112x128xf32, #tpu.memory_space<vmem_shared>>) offsets(%dma_start3A_122 : memref<128xi32, #tpu.memory_space<vmem>>) semaphore(%run_scoped3A_119 : memref<!tpu.dma_semaphore, #tpu.memory_space<semaphore_mem>>) {add = true}
        %dma_wait3A_126 = arith.constant 0 : i32
        %dma_wait3A_127 = tpu.memref_slice %arg8[%add3A_110, %dma_wait3A_126] : memref<40x128xi32, #tpu.memory_space<vmem>> -> memref<1x128xi32, #tpu.memory_space<vmem>>
        %dma_wait3A_128 = tpu.memref_squeeze %dma_wait3A_127 : memref<1x128xi32, #tpu.memory_space<vmem>> -> memref<128xi32, #tpu.memory_space<vmem>>
        %dma_wait3A_129 = arith.constant 0 : i32
        %dma_wait3A_130 = arith.constant 0 : i32
        %dma_wait3A_131 = tpu.memref_slice %arg13[%dma_wait3A_129, %dma_wait3A_130] : memref<10112x128xf32, #tpu.memory_space<vmem_shared>> -> memref<10112x128xf32, #tpu.memory_space<vmem_shared>>
        tpu.wait_indirect_dma semaphore(%run_scoped3A_119 : memref<!tpu.dma_semaphore, #tpu.memory_space<semaphore_mem>>) src(%arg10 : memref<128x128xf32, #tpu.memory_space<vmem>>) dst(%dma_wait3A_131 : memref<10112x128xf32, #tpu.memory_space<vmem_shared>>)
        tpu.yield
      }) : () -> ()
      %add3A_111 = arith.constant 3 : i32
      %add3A_112 = arith.addi %mul3A_86, %add3A_111 : i32
      %dma_start3A_113 = arith.constant 0 : i32
      %dma_start3A_114 = tpu.memref_slice %arg7[%add3A_112, %dma_start3A_113] : memref<40x128xi32, #tpu.memory_space<vmem>> -> memref<1x128xi32, #tpu.memory_space<vmem>>
      %dma_start3A_115 = tpu.memref_squeeze %dma_start3A_114 : memref<1x128xi32, #tpu.memory_space<vmem>> -> memref<128xi32, #tpu.memory_space<vmem>>
      %dma_start3A_116 = arith.constant 0 : i32
      %dma_start3A_117 = arith.constant 0 : i32
      %dma_start3A_118 = tpu.memref_slice %arg2[%dma_start3A_116, %dma_start3A_117] : memref<10000x128xf32, #tpu.memory_space<hbm>> -> memref<10000x128xf32, #tpu.memory_space<hbm>>
      tpu.enqueue_indirect_dma source(%dma_start3A_118 : memref<10000x128xf32, #tpu.memory_space<hbm>>) target(%arg10 : memref<128x128xf32, #tpu.memory_space<vmem>>) offsets(%dma_start3A_115 : memref<128xi32, #tpu.memory_space<vmem>>) semaphore(%arg12 : memref<!tpu.dma_semaphore, #tpu.memory_space<semaphore_mem>>)
    }
    %scan3A_30 = arith.constant 19 : i32
    %dma_wait3A = arith.constant 38 : i32
    %dma_wait3A_31 = arith.constant 0 : i32
    %dma_wait3A_32 = tpu.memref_slice %arg7[%dma_wait3A, %dma_wait3A_31] : memref<40x128xi32, #tpu.memory_space<vmem>> -> memref<1x128xi32, #tpu.memory_space<vmem>>
    %dma_wait3A_33 = tpu.memref_squeeze %dma_wait3A_32 : memref<1x128xi32, #tpu.memory_space<vmem>> -> memref<128xi32, #tpu.memory_space<vmem>>
    %dma_wait3A_34 = arith.constant 0 : i32
    %dma_wait3A_35 = arith.constant 0 : i32
    %dma_wait3A_36 = tpu.memref_slice %arg2[%dma_wait3A_34, %dma_wait3A_35] : memref<10000x128xf32, #tpu.memory_space<hbm>> -> memref<10000x128xf32, #tpu.memory_space<hbm>>
    tpu.wait_indirect_dma semaphore(%arg11 : memref<!tpu.dma_semaphore, #tpu.memory_space<semaphore_mem>>) src(%dma_wait3A_36 : memref<10000x128xf32, #tpu.memory_space<hbm>>) dst(%arg9 : memref<128x128xf32, #tpu.memory_space<vmem>>)
    %run_scoped3A = arith.constant 38 : i32
    "tpu.region"() ({
      %run_scoped3A_84 = tpu.sem_alloc : memref<!tpu.dma_semaphore, #tpu.memory_space<semaphore_mem>>
      %dma_start3A_85 = arith.constant 0 : i32
      %dma_start3A_86 = tpu.memref_slice %arg8[%run_scoped3A, %dma_start3A_85] : memref<40x128xi32, #tpu.memory_space<vmem>> -> memref<1x128xi32, #tpu.memory_space<vmem>>
      %dma_start3A_87 = tpu.memref_squeeze %dma_start3A_86 : memref<1x128xi32, #tpu.memory_space<vmem>> -> memref<128xi32, #tpu.memory_space<vmem>>
      %dma_start3A_88 = arith.constant 0 : i32
      %dma_start3A_89 = arith.constant 0 : i32
      %dma_start3A_90 = tpu.memref_slice %arg13[%dma_start3A_88, %dma_start3A_89] : memref<10112x128xf32, #tpu.memory_space<vmem_shared>> -> memref<10112x128xf32, #tpu.memory_space<vmem_shared>>
      tpu.enqueue_indirect_dma source(%arg9 : memref<128x128xf32, #tpu.memory_space<vmem>>) target(%dma_start3A_90 : memref<10112x128xf32, #tpu.memory_space<vmem_shared>>) offsets(%dma_start3A_87 : memref<128xi32, #tpu.memory_space<vmem>>) semaphore(%run_scoped3A_84 : memref<!tpu.dma_semaphore, #tpu.memory_space<semaphore_mem>>) {add = true}
      %dma_wait3A_91 = arith.constant 0 : i32
      %dma_wait3A_92 = tpu.memref_slice %arg8[%run_scoped3A, %dma_wait3A_91] : memref<40x128xi32, #tpu.memory_space<vmem>> -> memref<1x128xi32, #tpu.memory_space<vmem>>
      %dma_wait3A_93 = tpu.memref_squeeze %dma_wait3A_92 : memref<1x128xi32, #tpu.memory_space<vmem>> -> memref<128xi32, #tpu.memory_space<vmem>>
      %dma_wait3A_94 = arith.constant 0 : i32
      %dma_wait3A_95 = arith.constant 0 : i32
      %dma_wait3A_96 = tpu.memref_slice %arg13[%dma_wait3A_94, %dma_wait3A_95] : memref<10112x128xf32, #tpu.memory_space<vmem_shared>> -> memref<10112x128xf32, #tpu.memory_space<vmem_shared>>
      tpu.wait_indirect_dma semaphore(%run_scoped3A_84 : memref<!tpu.dma_semaphore, #tpu.memory_space<semaphore_mem>>) src(%arg9 : memref<128x128xf32, #tpu.memory_space<vmem>>) dst(%dma_wait3A_96 : memref<10112x128xf32, #tpu.memory_space<vmem_shared>>)
      tpu.yield
    }) : () -> ()
    %dma_wait3A_37 = arith.constant 39 : i32
    %dma_wait3A_38 = arith.constant 0 : i32
    %dma_wait3A_39 = tpu.memref_slice %arg7[%dma_wait3A_37, %dma_wait3A_38] : memref<40x128xi32, #tpu.memory_space<vmem>> -> memref<1x128xi32, #tpu.memory_space<vmem>>
    %dma_wait3A_40 = tpu.memref_squeeze %dma_wait3A_39 : memref<1x128xi32, #tpu.memory_space<vmem>> -> memref<128xi32, #tpu.memory_space<vmem>>
    %dma_wait3A_41 = arith.constant 0 : i32
    %dma_wait3A_42 = arith.constant 0 : i32
    %dma_wait3A_43 = tpu.memref_slice %arg2[%dma_wait3A_41, %dma_wait3A_42] : memref<10000x128xf32, #tpu.memory_space<hbm>> -> memref<10000x128xf32, #tpu.memory_space<hbm>>
    tpu.wait_indirect_dma semaphore(%arg12 : memref<!tpu.dma_semaphore, #tpu.memory_space<semaphore_mem>>) src(%dma_wait3A_43 : memref<10000x128xf32, #tpu.memory_space<hbm>>) dst(%arg10 : memref<128x128xf32, #tpu.memory_space<vmem>>)
    %run_scoped3A_44 = arith.constant 39 : i32
    "tpu.region"() ({
      %run_scoped3A_84 = tpu.sem_alloc : memref<!tpu.dma_semaphore, #tpu.memory_space<semaphore_mem>>
      %dma_start3A_85 = arith.constant 0 : i32
      %dma_start3A_86 = tpu.memref_slice %arg8[%run_scoped3A_44, %dma_start3A_85] : memref<40x128xi32, #tpu.memory_space<vmem>> -> memref<1x128xi32, #tpu.memory_space<vmem>>
      %dma_start3A_87 = tpu.memref_squeeze %dma_start3A_86 : memref<1x128xi32, #tpu.memory_space<vmem>> -> memref<128xi32, #tpu.memory_space<vmem>>
      %dma_start3A_88 = arith.constant 0 : i32
      %dma_start3A_89 = arith.constant 0 : i32
      %dma_start3A_90 = tpu.memref_slice %arg13[%dma_start3A_88, %dma_start3A_89] : memref<10112x128xf32, #tpu.memory_space<vmem_shared>> -> memref<10112x128xf32, #tpu.memory_space<vmem_shared>>
      tpu.enqueue_indirect_dma source(%arg10 : memref<128x128xf32, #tpu.memory_space<vmem>>) target(%dma_start3A_90 : memref<10112x128xf32, #tpu.memory_space<vmem_shared>>) offsets(%dma_start3A_87 : memref<128xi32, #tpu.memory_space<vmem>>) semaphore(%run_scoped3A_84 : memref<!tpu.dma_semaphore, #tpu.memory_space<semaphore_mem>>) {add = true}
      %dma_wait3A_91 = arith.constant 0 : i32
      %dma_wait3A_92 = tpu.memref_slice %arg8[%run_scoped3A_44, %dma_wait3A_91] : memref<40x128xi32, #tpu.memory_space<vmem>> -> memref<1x128xi32, #tpu.memory_space<vmem>>
      %dma_wait3A_93 = tpu.memref_squeeze %dma_wait3A_92 : memref<1x128xi32, #tpu.memory_space<vmem>> -> memref<128xi32, #tpu.memory_space<vmem>>
      %dma_wait3A_94 = arith.constant 0 : i32
      %dma_wait3A_95 = arith.constant 0 : i32
      %dma_wait3A_96 = tpu.memref_slice %arg13[%dma_wait3A_94, %dma_wait3A_95] : memref<10112x128xf32, #tpu.memory_space<vmem_shared>> -> memref<10112x128xf32, #tpu.memory_space<vmem_shared>>
      tpu.wait_indirect_dma semaphore(%run_scoped3A_84 : memref<!tpu.dma_semaphore, #tpu.memory_space<semaphore_mem>>) src(%arg10 : memref<128x128xf32, #tpu.memory_space<vmem>>) dst(%dma_wait3A_96 : memref<10112x128xf32, #tpu.memory_space<vmem_shared>>)
      tpu.yield
    }) : () -> ()
    "tpu.region"() ({
      %run_scoped3A_84 = tpu.sem_alloc : memref<!tpu.dma_semaphore, #tpu.memory_space<semaphore_mem>>
      %dma_start3A_85 = arith.constant 0 : i32
      %dma_start3A_86 = arith.constant 0 : i32
      %dma_start3A_87 = tpu.memref_slice %arg3[%add3A, %dma_start3A_85, %dma_start3A_86] : memref<32x80x128xi32, #tpu.memory_space<hbm>> -> memref<1x80x128xi32, #tpu.memory_space<hbm>>
      %dma_start3A_88 = tpu.memref_squeeze %dma_start3A_87 : memref<1x80x128xi32, #tpu.memory_space<hbm>> -> memref<80x128xi32, #tpu.memory_space<hbm>>
      %dma_start3A_89 = arith.constant 40 : i32
      %dma_start3A_90 = arith.constant 0 : i32
      %dma_start3A_91 = tpu.memref_slice %dma_start3A_88[%dma_start3A_89, %dma_start3A_90] : memref<80x128xi32, #tpu.memory_space<hbm>> -> memref<40x128xi32, #tpu.memory_space<hbm>>
      %dma_start3A_92 = arith.constant 0 : i32
      %dma_start3A_93 = arith.constant 0 : i32
      %dma_start3A_94 = tpu.memref_slice %arg3[%add3A, %dma_start3A_92, %dma_start3A_93] : memref<32x80x128xi32, #tpu.memory_space<hbm>> -> memref<1x80x128xi32, #tpu.memory_space<hbm>>
      %dma_start3A_95 = tpu.memref_squeeze %dma_start3A_94 : memref<1x80x128xi32, #tpu.memory_space<hbm>> -> memref<80x128xi32, #tpu.memory_space<hbm>>
      %dma_start3A_96 = arith.constant 40 : i32
      %dma_start3A_97 = arith.constant 0 : i32
      %dma_start3A_98 = tpu.memref_slice %dma_start3A_95[%dma_start3A_96, %dma_start3A_97] : memref<80x128xi32, #tpu.memory_space<hbm>> -> memref<40x128xi32, #tpu.memory_space<hbm>>
      tpu.enqueue_dma source(%dma_start3A_98 : memref<40x128xi32, #tpu.memory_space<hbm>>) target(%arg7 : memref<40x128xi32, #tpu.memory_space<vmem>>) target_semaphore(%run_scoped3A_84 : memref<!tpu.dma_semaphore, #tpu.memory_space<semaphore_mem>>)
      %dma_wait3A_99 = arith.constant 0 : i32
      %dma_wait3A_100 = arith.constant 0 : i32
      %dma_wait3A_101 = tpu.memref_slice %arg3[%add3A, %dma_wait3A_99, %dma_wait3A_100] : memref<32x80x128xi32, #tpu.memory_space<hbm>> -> memref<1x80x128xi32, #tpu.memory_space<hbm>>
      %dma_wait3A_102 = tpu.memref_squeeze %dma_wait3A_101 : memref<1x80x128xi32, #tpu.memory_space<hbm>> -> memref<80x128xi32, #tpu.memory_space<hbm>>
      %dma_wait3A_103 = arith.constant 40 : i32
      %dma_wait3A_104 = arith.constant 0 : i32
      %dma_wait3A_105 = tpu.memref_slice %dma_wait3A_102[%dma_wait3A_103, %dma_wait3A_104] : memref<80x128xi32, #tpu.memory_space<hbm>> -> memref<40x128xi32, #tpu.memory_space<hbm>>
      %dma_wait3A_106 = arith.constant 0 : i32
      %dma_wait3A_107 = arith.constant 0 : i32
      %dma_wait3A_108 = tpu.memref_slice %arg3[%add3A, %dma_wait3A_106, %dma_wait3A_107] : memref<32x80x128xi32, #tpu.memory_space<hbm>> -> memref<1x80x128xi32, #tpu.memory_space<hbm>>
      %dma_wait3A_109 = tpu.memref_squeeze %dma_wait3A_108 : memref<1x80x128xi32, #tpu.memory_space<hbm>> -> memref<80x128xi32, #tpu.memory_space<hbm>>
      %dma_wait3A_110 = arith.constant 40 : i32
      %dma_wait3A_111 = arith.constant 0 : i32
      %dma_wait3A_112 = tpu.memref_slice %dma_wait3A_109[%dma_wait3A_110, %dma_wait3A_111] : memref<80x128xi32, #tpu.memory_space<hbm>> -> memref<40x128xi32, #tpu.memory_space<hbm>>
      tpu.wait_dma2 semaphore(%run_scoped3A_84 : memref<!tpu.dma_semaphore, #tpu.memory_space<semaphore_mem>>) src(%dma_wait3A_112 : memref<40x128xi32, #tpu.memory_space<hbm>>) dst(%arg7 : memref<40x128xi32, #tpu.memory_space<vmem>>)
      tpu.yield
    }) : () -> ()
    "tpu.region"() ({
      %run_scoped3A_84 = tpu.sem_alloc : memref<!tpu.dma_semaphore, #tpu.memory_space<semaphore_mem>>
      %dma_start3A_85 = arith.constant 0 : i32
      %dma_start3A_86 = arith.constant 0 : i32
      %dma_start3A_87 = tpu.memref_slice %arg4[%add3A, %dma_start3A_85, %dma_start3A_86] : memref<32x80x128xi32, #tpu.memory_space<hbm>> -> memref<1x80x128xi32, #tpu.memory_space<hbm>>
      %dma_start3A_88 = tpu.memref_squeeze %dma_start3A_87 : memref<1x80x128xi32, #tpu.memory_space<hbm>> -> memref<80x128xi32, #tpu.memory_space<hbm>>
      %dma_start3A_89 = arith.constant 40 : i32
      %dma_start3A_90 = arith.constant 0 : i32
      %dma_start3A_91 = tpu.memref_slice %dma_start3A_88[%dma_start3A_89, %dma_start3A_90] : memref<80x128xi32, #tpu.memory_space<hbm>> -> memref<40x128xi32, #tpu.memory_space<hbm>>
      %dma_start3A_92 = arith.constant 0 : i32
      %dma_start3A_93 = arith.constant 0 : i32
      %dma_start3A_94 = tpu.memref_slice %arg4[%add3A, %dma_start3A_92, %dma_start3A_93] : memref<32x80x128xi32, #tpu.memory_space<hbm>> -> memref<1x80x128xi32, #tpu.memory_space<hbm>>
      %dma_start3A_95 = tpu.memref_squeeze %dma_start3A_94 : memref<1x80x128xi32, #tpu.memory_space<hbm>> -> memref<80x128xi32, #tpu.memory_space<hbm>>
      %dma_start3A_96 = arith.constant 40 : i32
      %dma_start3A_97 = arith.constant 0 : i32
      %dma_start3A_98 = tpu.memref_slice %dma_start3A_95[%dma_start3A_96, %dma_start3A_97] : memref<80x128xi32, #tpu.memory_space<hbm>> -> memref<40x128xi32, #tpu.memory_space<hbm>>
      tpu.enqueue_dma source(%dma_start3A_98 : memref<40x128xi32, #tpu.memory_space<hbm>>) target(%arg8 : memref<40x128xi32, #tpu.memory_space<vmem>>) target_semaphore(%run_scoped3A_84 : memref<!tpu.dma_semaphore, #tpu.memory_space<semaphore_mem>>)
      %dma_wait3A_99 = arith.constant 0 : i32
      %dma_wait3A_100 = arith.constant 0 : i32
      %dma_wait3A_101 = tpu.memref_slice %arg4[%add3A, %dma_wait3A_99, %dma_wait3A_100] : memref<32x80x128xi32, #tpu.memory_space<hbm>> -> memref<1x80x128xi32, #tpu.memory_space<hbm>>
      %dma_wait3A_102 = tpu.memref_squeeze %dma_wait3A_101 : memref<1x80x128xi32, #tpu.memory_space<hbm>> -> memref<80x128xi32, #tpu.memory_space<hbm>>
      %dma_wait3A_103 = arith.constant 40 : i32
      %dma_wait3A_104 = arith.constant 0 : i32
      %dma_wait3A_105 = tpu.memref_slice %dma_wait3A_102[%dma_wait3A_103, %dma_wait3A_104] : memref<80x128xi32, #tpu.memory_space<hbm>> -> memref<40x128xi32, #tpu.memory_space<hbm>>
      %dma_wait3A_106 = arith.constant 0 : i32
      %dma_wait3A_107 = arith.constant 0 : i32
      %dma_wait3A_108 = tpu.memref_slice %arg4[%add3A, %dma_wait3A_106, %dma_wait3A_107] : memref<32x80x128xi32, #tpu.memory_space<hbm>> -> memref<1x80x128xi32, #tpu.memory_space<hbm>>
      %dma_wait3A_109 = tpu.memref_squeeze %dma_wait3A_108 : memref<1x80x128xi32, #tpu.memory_space<hbm>> -> memref<80x128xi32, #tpu.memory_space<hbm>>
      %dma_wait3A_110 = arith.constant 40 : i32
      %dma_wait3A_111 = arith.constant 0 : i32
      %dma_wait3A_112 = tpu.memref_slice %dma_wait3A_109[%dma_wait3A_110, %dma_wait3A_111] : memref<80x128xi32, #tpu.memory_space<hbm>> -> memref<40x128xi32, #tpu.memory_space<hbm>>
      tpu.wait_dma2 semaphore(%run_scoped3A_84 : memref<!tpu.dma_semaphore, #tpu.memory_space<semaphore_mem>>) src(%dma_wait3A_112 : memref<40x128xi32, #tpu.memory_space<hbm>>) dst(%arg8 : memref<40x128xi32, #tpu.memory_space<vmem>>)
      tpu.yield
    }) : () -> ()
    %dma_start3A_45 = arith.constant 0 : i32
    %dma_start3A_46 = arith.constant 0 : i32
    %dma_start3A_47 = tpu.memref_slice %arg7[%dma_start3A_45, %dma_start3A_46] : memref<40x128xi32, #tpu.memory_space<vmem>> -> memref<1x128xi32, #tpu.memory_space<vmem>>
    %dma_start3A_48 = tpu.memref_squeeze %dma_start3A_47 : memref<1x128xi32, #tpu.memory_space<vmem>> -> memref<128xi32, #tpu.memory_space<vmem>>
    %dma_start3A_49 = arith.constant 0 : i32
    %dma_start3A_50 = arith.constant 0 : i32
    %dma_start3A_51 = tpu.memref_slice %arg2[%dma_start3A_49, %dma_start3A_50] : memref<10000x128xf32, #tpu.memory_space<hbm>> -> memref<10000x128xf32, #tpu.memory_space<hbm>>
    tpu.enqueue_indirect_dma source(%dma_start3A_51 : memref<10000x128xf32, #tpu.memory_space<hbm>>) target(%arg9 : memref<128x128xf32, #tpu.memory_space<vmem>>) offsets(%dma_start3A_48 : memref<128xi32, #tpu.memory_space<vmem>>) semaphore(%arg11 : memref<!tpu.dma_semaphore, #tpu.memory_space<semaphore_mem>>)
    %dma_start3A_52 = arith.constant 1 : i32
    %dma_start3A_53 = arith.constant 0 : i32
    %dma_start3A_54 = tpu.memref_slice %arg7[%dma_start3A_52, %dma_start3A_53] : memref<40x128xi32, #tpu.memory_space<vmem>> -> memref<1x128xi32, #tpu.memory_space<vmem>>
    %dma_start3A_55 = tpu.memref_squeeze %dma_start3A_54 : memref<1x128xi32, #tpu.memory_space<vmem>> -> memref<128xi32, #tpu.memory_space<vmem>>
    %dma_start3A_56 = arith.constant 0 : i32
    %dma_start3A_57 = arith.constant 0 : i32
    %dma_start3A_58 = tpu.memref_slice %arg2[%dma_start3A_56, %dma_start3A_57] : memref<10000x128xf32, #tpu.memory_space<hbm>> -> memref<10000x128xf32, #tpu.memory_space<hbm>>
    tpu.enqueue_indirect_dma source(%dma_start3A_58 : memref<10000x128xf32, #tpu.memory_space<hbm>>) target(%arg10 : memref<128x128xf32, #tpu.memory_space<vmem>>) offsets(%dma_start3A_55 : memref<128xi32, #tpu.memory_space<vmem>>) semaphore(%arg12 : memref<!tpu.dma_semaphore, #tpu.memory_space<semaphore_mem>>)
    %scan3A_59 = arith.constant 0 : i32
    %scan3A_60 = arith.constant 0 : i32
    %scan3A_61 = arith.constant 19 : i32
    %scan3A_62 = arith.addi %scan3A_60, %scan3A_61 : i32
    %scan3A_63 = arith.constant 1 : i32
    scf.for %scan3A_84 = %scan3A_60 to %scan3A_62 step %scan3A_63  : i32 {
      %mul3A_85 = arith.constant 2 : i32
      %mul3A_86 = arith.muli %mul3A_85, %scan3A_84 : i32
      %dma_wait3A_87 = arith.constant 0 : i32
      %dma_wait3A_88 = tpu.memref_slice %arg7[%mul3A_86, %dma_wait3A_87] : memref<40x128xi32, #tpu.memory_space<vmem>> -> memref<1x128xi32, #tpu.memory_space<vmem>>
      %dma_wait3A_89 = tpu.memref_squeeze %dma_wait3A_88 : memref<1x128xi32, #tpu.memory_space<vmem>> -> memref<128xi32, #tpu.memory_space<vmem>>
      %dma_wait3A_90 = arith.constant 0 : i32
      %dma_wait3A_91 = arith.constant 0 : i32
      %dma_wait3A_92 = tpu.memref_slice %arg2[%dma_wait3A_90, %dma_wait3A_91] : memref<10000x128xf32, #tpu.memory_space<hbm>> -> memref<10000x128xf32, #tpu.memory_space<hbm>>
      tpu.wait_indirect_dma semaphore(%arg11 : memref<!tpu.dma_semaphore, #tpu.memory_space<semaphore_mem>>) src(%dma_wait3A_92 : memref<10000x128xf32, #tpu.memory_space<hbm>>) dst(%arg9 : memref<128x128xf32, #tpu.memory_space<vmem>>)
      "tpu.region"() ({
        %run_scoped3A_119 = tpu.sem_alloc : memref<!tpu.dma_semaphore, #tpu.memory_space<semaphore_mem>>
        %dma_start3A_120 = arith.constant 0 : i32
        %dma_start3A_121 = tpu.memref_slice %arg8[%mul3A_86, %dma_start3A_120] : memref<40x128xi32, #tpu.memory_space<vmem>> -> memref<1x128xi32, #tpu.memory_space<vmem>>
        %dma_start3A_122 = tpu.memref_squeeze %dma_start3A_121 : memref<1x128xi32, #tpu.memory_space<vmem>> -> memref<128xi32, #tpu.memory_space<vmem>>
        %dma_start3A_123 = arith.constant 0 : i32
        %dma_start3A_124 = arith.constant 0 : i32
        %dma_start3A_125 = tpu.memref_slice %arg13[%dma_start3A_123, %dma_start3A_124] : memref<10112x128xf32, #tpu.memory_space<vmem_shared>> -> memref<10112x128xf32, #tpu.memory_space<vmem_shared>>
        tpu.enqueue_indirect_dma source(%arg9 : memref<128x128xf32, #tpu.memory_space<vmem>>) target(%dma_start3A_125 : memref<10112x128xf32, #tpu.memory_space<vmem_shared>>) offsets(%dma_start3A_122 : memref<128xi32, #tpu.memory_space<vmem>>) semaphore(%run_scoped3A_119 : memref<!tpu.dma_semaphore, #tpu.memory_space<semaphore_mem>>) {add = true}
        %dma_wait3A_126 = arith.constant 0 : i32
        %dma_wait3A_127 = tpu.memref_slice %arg8[%mul3A_86, %dma_wait3A_126] : memref<40x128xi32, #tpu.memory_space<vmem>> -> memref<1x128xi32, #tpu.memory_space<vmem>>
        %dma_wait3A_128 = tpu.memref_squeeze %dma_wait3A_127 : memref<1x128xi32, #tpu.memory_space<vmem>> -> memref<128xi32, #tpu.memory_space<vmem>>
        %dma_wait3A_129 = arith.constant 0 : i32
        %dma_wait3A_130 = arith.constant 0 : i32
        %dma_wait3A_131 = tpu.memref_slice %arg13[%dma_wait3A_129, %dma_wait3A_130] : memref<10112x128xf32, #tpu.memory_space<vmem_shared>> -> memref<10112x128xf32, #tpu.memory_space<vmem_shared>>
        tpu.wait_indirect_dma semaphore(%run_scoped3A_119 : memref<!tpu.dma_semaphore, #tpu.memory_space<semaphore_mem>>) src(%arg9 : memref<128x128xf32, #tpu.memory_space<vmem>>) dst(%dma_wait3A_131 : memref<10112x128xf32, #tpu.memory_space<vmem_shared>>)
        tpu.yield
      }) : () -> ()
      %add3A_93 = arith.constant 2 : i32
      %add3A_94 = arith.addi %mul3A_86, %add3A_93 : i32
      %dma_start3A_95 = arith.constant 0 : i32
      %dma_start3A_96 = tpu.memref_slice %arg7[%add3A_94, %dma_start3A_95] : memref<40x128xi32, #tpu.memory_space<vmem>> -> memref<1x128xi32, #tpu.memory_space<vmem>>
      %dma_start3A_97 = tpu.memref_squeeze %dma_start3A_96 : memref<1x128xi32, #tpu.memory_space<vmem>> -> memref<128xi32, #tpu.memory_space<vmem>>
      %dma_start3A_98 = arith.constant 0 : i32
      %dma_start3A_99 = arith.constant 0 : i32
      %dma_start3A_100 = tpu.memref_slice %arg2[%dma_start3A_98, %dma_start3A_99] : memref<10000x128xf32, #tpu.memory_space<hbm>> -> memref<10000x128xf32, #tpu.memory_space<hbm>>
      tpu.enqueue_indirect_dma source(%dma_start3A_100 : memref<10000x128xf32, #tpu.memory_space<hbm>>) target(%arg9 : memref<128x128xf32, #tpu.memory_space<vmem>>) offsets(%dma_start3A_97 : memref<128xi32, #tpu.memory_space<vmem>>) semaphore(%arg11 : memref<!tpu.dma_semaphore, #tpu.memory_space<semaphore_mem>>)
      %add3A_101 = arith.constant 1 : i32
      %add3A_102 = arith.addi %mul3A_86, %add3A_101 : i32
      %dma_wait3A_103 = arith.constant 0 : i32
      %dma_wait3A_104 = tpu.memref_slice %arg7[%add3A_102, %dma_wait3A_103] : memref<40x128xi32, #tpu.memory_space<vmem>> -> memref<1x128xi32, #tpu.memory_space<vmem>>
      %dma_wait3A_105 = tpu.memref_squeeze %dma_wait3A_104 : memref<1x128xi32, #tpu.memory_space<vmem>> -> memref<128xi32, #tpu.memory_space<vmem>>
      %dma_wait3A_106 = arith.constant 0 : i32
      %dma_wait3A_107 = arith.constant 0 : i32
      %dma_wait3A_108 = tpu.memref_slice %arg2[%dma_wait3A_106, %dma_wait3A_107] : memref<10000x128xf32, #tpu.memory_space<hbm>> -> memref<10000x128xf32, #tpu.memory_space<hbm>>
      tpu.wait_indirect_dma semaphore(%arg12 : memref<!tpu.dma_semaphore, #tpu.memory_space<semaphore_mem>>) src(%dma_wait3A_108 : memref<10000x128xf32, #tpu.memory_space<hbm>>) dst(%arg10 : memref<128x128xf32, #tpu.memory_space<vmem>>)
      %add3A_109 = arith.constant 1 : i32
      %add3A_110 = arith.addi %mul3A_86, %add3A_109 : i32
      "tpu.region"() ({
        %run_scoped3A_119 = tpu.sem_alloc : memref<!tpu.dma_semaphore, #tpu.memory_space<semaphore_mem>>
        %dma_start3A_120 = arith.constant 0 : i32
        %dma_start3A_121 = tpu.memref_slice %arg8[%add3A_110, %dma_start3A_120] : memref<40x128xi32, #tpu.memory_space<vmem>> -> memref<1x128xi32, #tpu.memory_space<vmem>>
        %dma_start3A_122 = tpu.memref_squeeze %dma_start3A_121 : memref<1x128xi32, #tpu.memory_space<vmem>> -> memref<128xi32, #tpu.memory_space<vmem>>
        %dma_start3A_123 = arith.constant 0 : i32
        %dma_start3A_124 = arith.constant 0 : i32
        %dma_start3A_125 = tpu.memref_slice %arg13[%dma_start3A_123, %dma_start3A_124] : memref<10112x128xf32, #tpu.memory_space<vmem_shared>> -> memref<10112x128xf32, #tpu.memory_space<vmem_shared>>
        tpu.enqueue_indirect_dma source(%arg10 : memref<128x128xf32, #tpu.memory_space<vmem>>) target(%dma_start3A_125 : memref<10112x128xf32, #tpu.memory_space<vmem_shared>>) offsets(%dma_start3A_122 : memref<128xi32, #tpu.memory_space<vmem>>) semaphore(%run_scoped3A_119 : memref<!tpu.dma_semaphore, #tpu.memory_space<semaphore_mem>>) {add = true}
        %dma_wait3A_126 = arith.constant 0 : i32
        %dma_wait3A_127 = tpu.memref_slice %arg8[%add3A_110, %dma_wait3A_126] : memref<40x128xi32, #tpu.memory_space<vmem>> -> memref<1x128xi32, #tpu.memory_space<vmem>>
        %dma_wait3A_128 = tpu.memref_squeeze %dma_wait3A_127 : memref<1x128xi32, #tpu.memory_space<vmem>> -> memref<128xi32, #tpu.memory_space<vmem>>
        %dma_wait3A_129 = arith.constant 0 : i32
        %dma_wait3A_130 = arith.constant 0 : i32
        %dma_wait3A_131 = tpu.memref_slice %arg13[%dma_wait3A_129, %dma_wait3A_130] : memref<10112x128xf32, #tpu.memory_space<vmem_shared>> -> memref<10112x128xf32, #tpu.memory_space<vmem_shared>>
        tpu.wait_indirect_dma semaphore(%run_scoped3A_119 : memref<!tpu.dma_semaphore, #tpu.memory_space<semaphore_mem>>) src(%arg10 : memref<128x128xf32, #tpu.memory_space<vmem>>) dst(%dma_wait3A_131 : memref<10112x128xf32, #tpu.memory_space<vmem_shared>>)
        tpu.yield
      }) : () -> ()
      %add3A_111 = arith.constant 3 : i32
      %add3A_112 = arith.addi %mul3A_86, %add3A_111 : i32
      %dma_start3A_113 = arith.constant 0 : i32
      %dma_start3A_114 = tpu.memref_slice %arg7[%add3A_112, %dma_start3A_113] : memref<40x128xi32, #tpu.memory_space<vmem>> -> memref<1x128xi32, #tpu.memory_space<vmem>>
      %dma_start3A_115 = tpu.memref_squeeze %dma_start3A_114 : memref<1x128xi32, #tpu.memory_space<vmem>> -> memref<128xi32, #tpu.memory_space<vmem>>
      %dma_start3A_116 = arith.constant 0 : i32
      %dma_start3A_117 = arith.constant 0 : i32
      %dma_start3A_118 = tpu.memref_slice %arg2[%dma_start3A_116, %dma_start3A_117] : memref<10000x128xf32, #tpu.memory_space<hbm>> -> memref<10000x128xf32, #tpu.memory_space<hbm>>
      tpu.enqueue_indirect_dma source(%dma_start3A_118 : memref<10000x128xf32, #tpu.memory_space<hbm>>) target(%arg10 : memref<128x128xf32, #tpu.memory_space<vmem>>) offsets(%dma_start3A_115 : memref<128xi32, #tpu.memory_space<vmem>>) semaphore(%arg12 : memref<!tpu.dma_semaphore, #tpu.memory_space<semaphore_mem>>)
    }
    %scan3A_64 = arith.constant 19 : i32
    %dma_wait3A_65 = arith.constant 38 : i32
    %dma_wait3A_66 = arith.constant 0 : i32
    %dma_wait3A_67 = tpu.memref_slice %arg7[%dma_wait3A_65, %dma_wait3A_66] : memref<40x128xi32, #tpu.memory_space<vmem>> -> memref<1x128xi32, #tpu.memory_space<vmem>>
    %dma_wait3A_68 = tpu.memref_squeeze %dma_wait3A_67 : memref<1x128xi32, #tpu.memory_space<vmem>> -> memref<128xi32, #tpu.memory_space<vmem>>
    %dma_wait3A_69 = arith.constant 0 : i32
    %dma_wait3A_70 = arith.constant 0 : i32
    %dma_wait3A_71 = tpu.memref_slice %arg2[%dma_wait3A_69, %dma_wait3A_70] : memref<10000x128xf32, #tpu.memory_space<hbm>> -> memref<10000x128xf32, #tpu.memory_space<hbm>>
    tpu.wait_indirect_dma semaphore(%arg11 : memref<!tpu.dma_semaphore, #tpu.memory_space<semaphore_mem>>) src(%dma_wait3A_71 : memref<10000x128xf32, #tpu.memory_space<hbm>>) dst(%arg9 : memref<128x128xf32, #tpu.memory_space<vmem>>)
    %run_scoped3A_72 = arith.constant 38 : i32
    "tpu.region"() ({
      %run_scoped3A_84 = tpu.sem_alloc : memref<!tpu.dma_semaphore, #tpu.memory_space<semaphore_mem>>
      %dma_start3A_85 = arith.constant 0 : i32
      %dma_start3A_86 = tpu.memref_slice %arg8[%run_scoped3A_72, %dma_start3A_85] : memref<40x128xi32, #tpu.memory_space<vmem>> -> memref<1x128xi32, #tpu.memory_space<vmem>>
      %dma_start3A_87 = tpu.memref_squeeze %dma_start3A_86 : memref<1x128xi32, #tpu.memory_space<vmem>> -> memref<128xi32, #tpu.memory_space<vmem>>
      %dma_start3A_88 = arith.constant 0 : i32
      %dma_start3A_89 = arith.constant 0 : i32
      %dma_start3A_90 = tpu.memref_slice %arg13[%dma_start3A_88, %dma_start3A_89] : memref<10112x128xf32, #tpu.memory_space<vmem_shared>> -> memref<10112x128xf32, #tpu.memory_space<vmem_shared>>
      tpu.enqueue_indirect_dma source(%arg9 : memref<128x128xf32, #tpu.memory_space<vmem>>) target(%dma_start3A_90 : memref<10112x128xf32, #tpu.memory_space<vmem_shared>>) offsets(%dma_start3A_87 : memref<128xi32, #tpu.memory_space<vmem>>) semaphore(%run_scoped3A_84 : memref<!tpu.dma_semaphore, #tpu.memory_space<semaphore_mem>>) {add = true}
      %dma_wait3A_91 = arith.constant 0 : i32
      %dma_wait3A_92 = tpu.memref_slice %arg8[%run_scoped3A_72, %dma_wait3A_91] : memref<40x128xi32, #tpu.memory_space<vmem>> -> memref<1x128xi32, #tpu.memory_space<vmem>>
      %dma_wait3A_93 = tpu.memref_squeeze %dma_wait3A_92 : memref<1x128xi32, #tpu.memory_space<vmem>> -> memref<128xi32, #tpu.memory_space<vmem>>
      %dma_wait3A_94 = arith.constant 0 : i32
      %dma_wait3A_95 = arith.constant 0 : i32
      %dma_wait3A_96 = tpu.memref_slice %arg13[%dma_wait3A_94, %dma_wait3A_95] : memref<10112x128xf32, #tpu.memory_space<vmem_shared>> -> memref<10112x128xf32, #tpu.memory_space<vmem_shared>>
      tpu.wait_indirect_dma semaphore(%run_scoped3A_84 : memref<!tpu.dma_semaphore, #tpu.memory_space<semaphore_mem>>) src(%arg9 : memref<128x128xf32, #tpu.memory_space<vmem>>) dst(%dma_wait3A_96 : memref<10112x128xf32, #tpu.memory_space<vmem_shared>>)
      tpu.yield
    }) : () -> ()
    %dma_wait3A_73 = arith.constant 39 : i32
    %dma_wait3A_74 = arith.constant 0 : i32
    %dma_wait3A_75 = tpu.memref_slice %arg7[%dma_wait3A_73, %dma_wait3A_74] : memref<40x128xi32, #tpu.memory_space<vmem>> -> memref<1x128xi32, #tpu.memory_space<vmem>>
    %dma_wait3A_76 = tpu.memref_squeeze %dma_wait3A_75 : memref<1x128xi32, #tpu.memory_space<vmem>> -> memref<128xi32, #tpu.memory_space<vmem>>
    %dma_wait3A_77 = arith.constant 0 : i32
    %dma_wait3A_78 = arith.constant 0 : i32
    %dma_wait3A_79 = tpu.memref_slice %arg2[%dma_wait3A_77, %dma_wait3A_78] : memref<10000x128xf32, #tpu.memory_space<hbm>> -> memref<10000x128xf32, #tpu.memory_space<hbm>>
    tpu.wait_indirect_dma semaphore(%arg12 : memref<!tpu.dma_semaphore, #tpu.memory_space<semaphore_mem>>) src(%dma_wait3A_79 : memref<10000x128xf32, #tpu.memory_space<hbm>>) dst(%arg10 : memref<128x128xf32, #tpu.memory_space<vmem>>)
    %run_scoped3A_80 = arith.constant 39 : i32
    "tpu.region"() ({
      %run_scoped3A_84 = tpu.sem_alloc : memref<!tpu.dma_semaphore, #tpu.memory_space<semaphore_mem>>
      %dma_start3A_85 = arith.constant 0 : i32
      %dma_start3A_86 = tpu.memref_slice %arg8[%run_scoped3A_80, %dma_start3A_85] : memref<40x128xi32, #tpu.memory_space<vmem>> -> memref<1x128xi32, #tpu.memory_space<vmem>>
      %dma_start3A_87 = tpu.memref_squeeze %dma_start3A_86 : memref<1x128xi32, #tpu.memory_space<vmem>> -> memref<128xi32, #tpu.memory_space<vmem>>
      %dma_start3A_88 = arith.constant 0 : i32
      %dma_start3A_89 = arith.constant 0 : i32
      %dma_start3A_90 = tpu.memref_slice %arg13[%dma_start3A_88, %dma_start3A_89] : memref<10112x128xf32, #tpu.memory_space<vmem_shared>> -> memref<10112x128xf32, #tpu.memory_space<vmem_shared>>
      tpu.enqueue_indirect_dma source(%arg10 : memref<128x128xf32, #tpu.memory_space<vmem>>) target(%dma_start3A_90 : memref<10112x128xf32, #tpu.memory_space<vmem_shared>>) offsets(%dma_start3A_87 : memref<128xi32, #tpu.memory_space<vmem>>) semaphore(%run_scoped3A_84 : memref<!tpu.dma_semaphore, #tpu.memory_space<semaphore_mem>>) {add = true}
      %dma_wait3A_91 = arith.constant 0 : i32
      %dma_wait3A_92 = tpu.memref_slice %arg8[%run_scoped3A_80, %dma_wait3A_91] : memref<40x128xi32, #tpu.memory_space<vmem>> -> memref<1x128xi32, #tpu.memory_space<vmem>>
      %dma_wait3A_93 = tpu.memref_squeeze %dma_wait3A_92 : memref<1x128xi32, #tpu.memory_space<vmem>> -> memref<128xi32, #tpu.memory_space<vmem>>
      %dma_wait3A_94 = arith.constant 0 : i32
      %dma_wait3A_95 = arith.constant 0 : i32
      %dma_wait3A_96 = tpu.memref_slice %arg13[%dma_wait3A_94, %dma_wait3A_95] : memref<10112x128xf32, #tpu.memory_space<vmem_shared>> -> memref<10112x128xf32, #tpu.memory_space<vmem_shared>>
      tpu.wait_indirect_dma semaphore(%run_scoped3A_84 : memref<!tpu.dma_semaphore, #tpu.memory_space<semaphore_mem>>) src(%arg10 : memref<128x128xf32, #tpu.memory_space<vmem>>) dst(%dma_wait3A_96 : memref<10112x128xf32, #tpu.memory_space<vmem_shared>>)
      tpu.yield
    }) : () -> ()
    %barrier3A_81 = arith.constant 0 : index
    tpu.barrier barrier_id(%barrier3A_81)
    %mul3A_82 = arith.constant 632 : i32
    %mul3A_83 = arith.muli %arg1, %mul3A_82 : i32
    "tpu.region"() ({
      %run_scoped3A_84 = tpu.sem_alloc : memref<!tpu.dma_semaphore, #tpu.memory_space<semaphore_mem>>
      %dma_start3A_85 = arith.constant 0 : i32
      %dma_start3A_86 = arith.constant 0 : i32
      %dma_start3A_87 = tpu.memref_slice %arg6[%arg0, %dma_start3A_85, %dma_start3A_86] : memref<2x10112x128xf32, #tpu.memory_space<hbm>> -> memref<1x10112x128xf32, #tpu.memory_space<hbm>>
      %dma_start3A_88 = tpu.memref_squeeze %dma_start3A_87 : memref<1x10112x128xf32, #tpu.memory_space<hbm>> -> memref<10112x128xf32, #tpu.memory_space<hbm>>
      %dma_start3A_89 = arith.constant 0 : i32
      %dma_start3A_90 = tpu.memref_slice %dma_start3A_88[%mul3A_83, %dma_start3A_89] : memref<10112x128xf32, #tpu.memory_space<hbm>> -> memref<632x128xf32, #tpu.memory_space<hbm>>
      %dma_start3A_91 = arith.constant 0 : i32
      %dma_start3A_92 = tpu.memref_slice %arg13[%mul3A_83, %dma_start3A_91] : memref<10112x128xf32, #tpu.memory_space<vmem_shared>> -> memref<632x128xf32, #tpu.memory_space<vmem_shared>>
      tpu.enqueue_dma source(%dma_start3A_92 : memref<632x128xf32, #tpu.memory_space<vmem_shared>>) target(%dma_start3A_90 : memref<632x128xf32, #tpu.memory_space<hbm>>) target_semaphore(%run_scoped3A_84 : memref<!tpu.dma_semaphore, #tpu.memory_space<semaphore_mem>>)
      %dma_wait3A_93 = arith.constant 0 : i32
      %dma_wait3A_94 = arith.constant 0 : i32
      %dma_wait3A_95 = tpu.memref_slice %arg6[%arg0, %dma_wait3A_93, %dma_wait3A_94] : memref<2x10112x128xf32, #tpu.memory_space<hbm>> -> memref<1x10112x128xf32, #tpu.memory_space<hbm>>
      %dma_wait3A_96 = tpu.memref_squeeze %dma_wait3A_95 : memref<1x10112x128xf32, #tpu.memory_space<hbm>> -> memref<10112x128xf32, #tpu.memory_space<hbm>>
      %dma_wait3A_97 = arith.constant 0 : i32
      %dma_wait3A_98 = tpu.memref_slice %dma_wait3A_96[%mul3A_83, %dma_wait3A_97] : memref<10112x128xf32, #tpu.memory_space<hbm>> -> memref<632x128xf32, #tpu.memory_space<hbm>>
      %dma_wait3A_99 = arith.constant 0 : i32
      %dma_wait3A_100 = tpu.memref_slice %arg13[%mul3A_83, %dma_wait3A_99] : memref<10112x128xf32, #tpu.memory_space<vmem_shared>> -> memref<632x128xf32, #tpu.memory_space<vmem_shared>>
      tpu.wait_dma2 semaphore(%run_scoped3A_84 : memref<!tpu.dma_semaphore, #tpu.memory_space<semaphore_mem>>) src(%dma_wait3A_100 : memref<632x128xf32, #tpu.memory_space<vmem_shared>>) dst(%dma_wait3A_98 : memref<632x128xf32, #tpu.memory_space<hbm>>)
      tpu.yield
    }) : () -> ()
    return
  }
}

#map = affine_map<(d0, d1) -> (0, 0)>
#map1 = affine_map<(d0, d1) -> (0, 0, 0)>
module attributes {stable_mosaic.version = 14 : i64} {
  func.func @_sc_prop(%arg0: i32, %arg1: i32, %arg2: memref<10000x128xf32, #tpu.memory_space<hbm>>, %arg3: memref<32x80x128xi32, #tpu.memory_space<hbm>>, %arg4: memref<32x80x128xi32, #tpu.memory_space<hbm>>, %arg5: memref<128x128xf32, #tpu.memory_space<hbm>>, %arg6: memref<2x10112x128xf32, #tpu.memory_space<hbm>>, %arg7: memref<40x128xi32, #tpu.memory_space<vmem>>, %arg8: memref<40x128xi32, #tpu.memory_space<vmem>>, %arg9: memref<128x128xf32, #tpu.memory_space<vmem>>, %arg10: memref<128x128xf32, #tpu.memory_space<vmem>>, %arg11: memref<!tpu.dma_semaphore, #tpu.memory_space<semaphore_mem>>, %arg12: memref<!tpu.dma_semaphore, #tpu.memory_space<semaphore_mem>>, %arg13: memref<10112x128xf32, #tpu.memory_space<vmem_shared>>) attributes {dimension_semantics = [#tpu.dimension_semantics<core_parallel>, #tpu.dimension_semantics<subcore_parallel>], iteration_bounds = array<i64: 2, 16>, scalar_prefetch = 0 : i64, scratch_operands = 7 : i64, tpu.core_type = #tpu.core_type<sc_vector_subcore>, window_params = [{transform_indices = #map}, {transform_indices = #map1}, {transform_indices = #map1}, {transform_indices = #map}, {transform_indices = #map1}]} {
    %mul3A = arith.constant 16 : i32
    %mul3A_0 = arith.muli %arg0, %mul3A : i32
    %add3A = arith.addi %mul3A_0, %arg1 : i32
    "tpu.region"() ({
      %run_scoped3A_84 = tpu.sem_alloc : memref<!tpu.dma_semaphore, #tpu.memory_space<semaphore_mem>>
      tpu.enqueue_dma source(%arg5 : memref<128x128xf32, #tpu.memory_space<hbm>>) target(%arg9 : memref<128x128xf32, #tpu.memory_space<vmem>>) target_semaphore(%run_scoped3A_84 : memref<!tpu.dma_semaphore, #tpu.memory_space<semaphore_mem>>)
      tpu.wait_dma2 semaphore(%run_scoped3A_84 : memref<!tpu.dma_semaphore, #tpu.memory_space<semaphore_mem>>) src(%arg5 : memref<128x128xf32, #tpu.memory_space<hbm>>) dst(%arg9 : memref<128x128xf32, #tpu.memory_space<vmem>>)
      tpu.yield
    }) : () -> ()
    %mul3A_1 = arith.constant 632 : i32
    %mul3A_2 = arith.muli %arg1, %mul3A_1 : i32
    %add3A_3 = arith.constant 0 : i32
    %add3A_4 = arith.addi %mul3A_2, %add3A_3 : i32
    "tpu.region"() ({
      %run_scoped3A_84 = tpu.sem_alloc : memref<!tpu.dma_semaphore, #tpu.memory_space<semaphore_mem>>
      %dma_start3A_85 = arith.constant 0 : i32
      %dma_start3A_86 = tpu.memref_slice %arg13[%add3A_4, %dma_start3A_85] : memref<10112x128xf32, #tpu.memory_space<vmem_shared>> -> memref<128x128xf32, #tpu.memory_space<vmem_shared>>
      %dma_start3A_87 = arith.constant 0 : i32
      %dma_start3A_88 = tpu.memref_slice %arg13[%add3A_4, %dma_start3A_87] : memref<10112x128xf32, #tpu.memory_space<vmem_shared>> -> memref<128x128xf32, #tpu.memory_space<vmem_shared>>
      tpu.enqueue_dma source(%arg9 : memref<128x128xf32, #tpu.memory_space<vmem>>) target(%dma_start3A_88 : memref<128x128xf32, #tpu.memory_space<vmem_shared>>) target_semaphore(%run_scoped3A_84 : memref<!tpu.dma_semaphore, #tpu.memory_space<semaphore_mem>>)
      %dma_wait3A_89 = arith.constant 0 : i32
      %dma_wait3A_90 = tpu.memref_slice %arg13[%add3A_4, %dma_wait3A_89] : memref<10112x128xf32, #tpu.memory_space<vmem_shared>> -> memref<128x128xf32, #tpu.memory_space<vmem_shared>>
      %dma_wait3A_91 = arith.constant 0 : i32
      %dma_wait3A_92 = tpu.memref_slice %arg13[%add3A_4, %dma_wait3A_91] : memref<10112x128xf32, #tpu.memory_space<vmem_shared>> -> memref<128x128xf32, #tpu.memory_space<vmem_shared>>
      tpu.wait_dma2 semaphore(%run_scoped3A_84 : memref<!tpu.dma_semaphore, #tpu.memory_space<semaphore_mem>>) src(%arg9 : memref<128x128xf32, #tpu.memory_space<vmem>>) dst(%dma_wait3A_92 : memref<128x128xf32, #tpu.memory_space<vmem_shared>>)
      tpu.yield
    }) : () -> ()
    %add3A_5 = arith.constant 128 : i32
    %add3A_6 = arith.addi %mul3A_2, %add3A_5 : i32
    "tpu.region"() ({
      %run_scoped3A_84 = tpu.sem_alloc : memref<!tpu.dma_semaphore, #tpu.memory_space<semaphore_mem>>
      %dma_start3A_85 = arith.constant 0 : i32
      %dma_start3A_86 = tpu.memref_slice %arg13[%add3A_6, %dma_start3A_85] : memref<10112x128xf32, #tpu.memory_space<vmem_shared>> -> memref<128x128xf32, #tpu.memory_space<vmem_shared>>
      %dma_start3A_87 = arith.constant 0 : i32
      %dma_start3A_88 = tpu.memref_slice %arg13[%add3A_6, %dma_start3A_87] : memref<10112x128xf32, #tpu.memory_space<vmem_shared>> -> memref<128x128xf32, #tpu.memory_space<vmem_shared>>
      tpu.enqueue_dma source(%arg9 : memref<128x128xf32, #tpu.memory_space<vmem>>) target(%dma_start3A_88 : memref<128x128xf32, #tpu.memory_space<vmem_shared>>) target_semaphore(%run_scoped3A_84 : memref<!tpu.dma_semaphore, #tpu.memory_space<semaphore_mem>>)
      %dma_wait3A_89 = arith.constant 0 : i32
      %dma_wait3A_90 = tpu.memref_slice %arg13[%add3A_6, %dma_wait3A_89] : memref<10112x128xf32, #tpu.memory_space<vmem_shared>> -> memref<128x128xf32, #tpu.memory_space<vmem_shared>>
      %dma_wait3A_91 = arith.constant 0 : i32
      %dma_wait3A_92 = tpu.memref_slice %arg13[%add3A_6, %dma_wait3A_91] : memref<10112x128xf32, #tpu.memory_space<vmem_shared>> -> memref<128x128xf32, #tpu.memory_space<vmem_shared>>
      tpu.wait_dma2 semaphore(%run_scoped3A_84 : memref<!tpu.dma_semaphore, #tpu.memory_space<semaphore_mem>>) src(%arg9 : memref<128x128xf32, #tpu.memory_space<vmem>>) dst(%dma_wait3A_92 : memref<128x128xf32, #tpu.memory_space<vmem_shared>>)
      tpu.yield
    }) : () -> ()
    %add3A_7 = arith.constant 256 : i32
    %add3A_8 = arith.addi %mul3A_2, %add3A_7 : i32
    "tpu.region"() ({
      %run_scoped3A_84 = tpu.sem_alloc : memref<!tpu.dma_semaphore, #tpu.memory_space<semaphore_mem>>
      %dma_start3A_85 = arith.constant 0 : i32
      %dma_start3A_86 = tpu.memref_slice %arg13[%add3A_8, %dma_start3A_85] : memref<10112x128xf32, #tpu.memory_space<vmem_shared>> -> memref<128x128xf32, #tpu.memory_space<vmem_shared>>
      %dma_start3A_87 = arith.constant 0 : i32
      %dma_start3A_88 = tpu.memref_slice %arg13[%add3A_8, %dma_start3A_87] : memref<10112x128xf32, #tpu.memory_space<vmem_shared>> -> memref<128x128xf32, #tpu.memory_space<vmem_shared>>
      tpu.enqueue_dma source(%arg9 : memref<128x128xf32, #tpu.memory_space<vmem>>) target(%dma_start3A_88 : memref<128x128xf32, #tpu.memory_space<vmem_shared>>) target_semaphore(%run_scoped3A_84 : memref<!tpu.dma_semaphore, #tpu.memory_space<semaphore_mem>>)
      %dma_wait3A_89 = arith.constant 0 : i32
      %dma_wait3A_90 = tpu.memref_slice %arg13[%add3A_8, %dma_wait3A_89] : memref<10112x128xf32, #tpu.memory_space<vmem_shared>> -> memref<128x128xf32, #tpu.memory_space<vmem_shared>>
      %dma_wait3A_91 = arith.constant 0 : i32
      %dma_wait3A_92 = tpu.memref_slice %arg13[%add3A_8, %dma_wait3A_91] : memref<10112x128xf32, #tpu.memory_space<vmem_shared>> -> memref<128x128xf32, #tpu.memory_space<vmem_shared>>
      tpu.wait_dma2 semaphore(%run_scoped3A_84 : memref<!tpu.dma_semaphore, #tpu.memory_space<semaphore_mem>>) src(%arg9 : memref<128x128xf32, #tpu.memory_space<vmem>>) dst(%dma_wait3A_92 : memref<128x128xf32, #tpu.memory_space<vmem_shared>>)
      tpu.yield
    }) : () -> ()
    %add3A_9 = arith.constant 384 : i32
    %add3A_10 = arith.addi %mul3A_2, %add3A_9 : i32
    "tpu.region"() ({
      %run_scoped3A_84 = tpu.sem_alloc : memref<!tpu.dma_semaphore, #tpu.memory_space<semaphore_mem>>
      %dma_start3A_85 = arith.constant 0 : i32
      %dma_start3A_86 = tpu.memref_slice %arg13[%add3A_10, %dma_start3A_85] : memref<10112x128xf32, #tpu.memory_space<vmem_shared>> -> memref<128x128xf32, #tpu.memory_space<vmem_shared>>
      %dma_start3A_87 = arith.constant 0 : i32
      %dma_start3A_88 = tpu.memref_slice %arg13[%add3A_10, %dma_start3A_87] : memref<10112x128xf32, #tpu.memory_space<vmem_shared>> -> memref<128x128xf32, #tpu.memory_space<vmem_shared>>
      tpu.enqueue_dma source(%arg9 : memref<128x128xf32, #tpu.memory_space<vmem>>) target(%dma_start3A_88 : memref<128x128xf32, #tpu.memory_space<vmem_shared>>) target_semaphore(%run_scoped3A_84 : memref<!tpu.dma_semaphore, #tpu.memory_space<semaphore_mem>>)
      %dma_wait3A_89 = arith.constant 0 : i32
      %dma_wait3A_90 = tpu.memref_slice %arg13[%add3A_10, %dma_wait3A_89] : memref<10112x128xf32, #tpu.memory_space<vmem_shared>> -> memref<128x128xf32, #tpu.memory_space<vmem_shared>>
      %dma_wait3A_91 = arith.constant 0 : i32
      %dma_wait3A_92 = tpu.memref_slice %arg13[%add3A_10, %dma_wait3A_91] : memref<10112x128xf32, #tpu.memory_space<vmem_shared>> -> memref<128x128xf32, #tpu.memory_space<vmem_shared>>
      tpu.wait_dma2 semaphore(%run_scoped3A_84 : memref<!tpu.dma_semaphore, #tpu.memory_space<semaphore_mem>>) src(%arg9 : memref<128x128xf32, #tpu.memory_space<vmem>>) dst(%dma_wait3A_92 : memref<128x128xf32, #tpu.memory_space<vmem_shared>>)
      tpu.yield
    }) : () -> ()
    %add3A_11 = arith.constant 512 : i32
    %add3A_12 = arith.addi %mul3A_2, %add3A_11 : i32
    "tpu.region"() ({
      %run_scoped3A_84 = tpu.sem_alloc : memref<!tpu.dma_semaphore, #tpu.memory_space<semaphore_mem>>
      %dma_start3A_85 = arith.constant 0 : i32
      %dma_start3A_86 = arith.constant 0 : i32
      %dma_start3A_87 = tpu.memref_slice %arg9[%dma_start3A_85, %dma_start3A_86] : memref<128x128xf32, #tpu.memory_space<vmem>> -> memref<120x128xf32, #tpu.memory_space<vmem>>
      %dma_start3A_88 = arith.constant 0 : i32
      %dma_start3A_89 = tpu.memref_slice %arg13[%add3A_12, %dma_start3A_88] : memref<10112x128xf32, #tpu.memory_space<vmem_shared>> -> memref<120x128xf32, #tpu.memory_space<vmem_shared>>
      %dma_start3A_90 = arith.constant 0 : i32
      %dma_start3A_91 = tpu.memref_slice %arg13[%add3A_12, %dma_start3A_90] : memref<10112x128xf32, #tpu.memory_space<vmem_shared>> -> memref<120x128xf32, #tpu.memory_space<vmem_shared>>
      %dma_start3A_92 = arith.constant 0 : i32
      %dma_start3A_93 = arith.constant 0 : i32
      %dma_start3A_94 = tpu.memref_slice %arg9[%dma_start3A_92, %dma_start3A_93] : memref<128x128xf32, #tpu.memory_space<vmem>> -> memref<120x128xf32, #tpu.memory_space<vmem>>
      tpu.enqueue_dma source(%dma_start3A_94 : memref<120x128xf32, #tpu.memory_space<vmem>>) target(%dma_start3A_91 : memref<120x128xf32, #tpu.memory_space<vmem_shared>>) target_semaphore(%run_scoped3A_84 : memref<!tpu.dma_semaphore, #tpu.memory_space<semaphore_mem>>)
      %dma_wait3A_95 = arith.constant 0 : i32
      %dma_wait3A_96 = arith.constant 0 : i32
      %dma_wait3A_97 = tpu.memref_slice %arg9[%dma_wait3A_95, %dma_wait3A_96] : memref<128x128xf32, #tpu.memory_space<vmem>> -> memref<120x128xf32, #tpu.memory_space<vmem>>
      %dma_wait3A_98 = arith.constant 0 : i32
      %dma_wait3A_99 = tpu.memref_slice %arg13[%add3A_12, %dma_wait3A_98] : memref<10112x128xf32, #tpu.memory_space<vmem_shared>> -> memref<120x128xf32, #tpu.memory_space<vmem_shared>>
      %dma_wait3A_100 = arith.constant 0 : i32
      %dma_wait3A_101 = tpu.memref_slice %arg13[%add3A_12, %dma_wait3A_100] : memref<10112x128xf32, #tpu.memory_space<vmem_shared>> -> memref<120x128xf32, #tpu.memory_space<vmem_shared>>
      %dma_wait3A_102 = arith.constant 0 : i32
      %dma_wait3A_103 = arith.constant 0 : i32
      %dma_wait3A_104 = tpu.memref_slice %arg9[%dma_wait3A_102, %dma_wait3A_103] : memref<128x128xf32, #tpu.memory_space<vmem>> -> memref<120x128xf32, #tpu.memory_space<vmem>>
      tpu.wait_dma2 semaphore(%run_scoped3A_84 : memref<!tpu.dma_semaphore, #tpu.memory_space<semaphore_mem>>) src(%dma_wait3A_104 : memref<120x128xf32, #tpu.memory_space<vmem>>) dst(%dma_wait3A_101 : memref<120x128xf32, #tpu.memory_space<vmem_shared>>)
      tpu.yield
    }) : () -> ()
    %barrier3A = arith.constant 0 : index
    tpu.barrier barrier_id(%barrier3A)
    "tpu.region"() ({
      %run_scoped3A_84 = tpu.sem_alloc : memref<!tpu.dma_semaphore, #tpu.memory_space<semaphore_mem>>
      %dma_start3A_85 = arith.constant 0 : i32
      %dma_start3A_86 = arith.constant 0 : i32
      %dma_start3A_87 = tpu.memref_slice %arg3[%add3A, %dma_start3A_85, %dma_start3A_86] : memref<32x80x128xi32, #tpu.memory_space<hbm>> -> memref<1x80x128xi32, #tpu.memory_space<hbm>>
      %dma_start3A_88 = tpu.memref_squeeze %dma_start3A_87 : memref<1x80x128xi32, #tpu.memory_space<hbm>> -> memref<80x128xi32, #tpu.memory_space<hbm>>
      %dma_start3A_89 = arith.constant 0 : i32
      %dma_start3A_90 = arith.constant 0 : i32
      %dma_start3A_91 = tpu.memref_slice %dma_start3A_88[%dma_start3A_89, %dma_start3A_90] : memref<80x128xi32, #tpu.memory_space<hbm>> -> memref<40x128xi32, #tpu.memory_space<hbm>>
      %dma_start3A_92 = arith.constant 0 : i32
      %dma_start3A_93 = arith.constant 0 : i32
      %dma_start3A_94 = tpu.memref_slice %arg3[%add3A, %dma_start3A_92, %dma_start3A_93] : memref<32x80x128xi32, #tpu.memory_space<hbm>> -> memref<1x80x128xi32, #tpu.memory_space<hbm>>
      %dma_start3A_95 = tpu.memref_squeeze %dma_start3A_94 : memref<1x80x128xi32, #tpu.memory_space<hbm>> -> memref<80x128xi32, #tpu.memory_space<hbm>>
      %dma_start3A_96 = arith.constant 0 : i32
      %dma_start3A_97 = arith.constant 0 : i32
      %dma_start3A_98 = tpu.memref_slice %dma_start3A_95[%dma_start3A_96, %dma_start3A_97] : memref<80x128xi32, #tpu.memory_space<hbm>> -> memref<40x128xi32, #tpu.memory_space<hbm>>
      tpu.enqueue_dma source(%dma_start3A_98 : memref<40x128xi32, #tpu.memory_space<hbm>>) target(%arg7 : memref<40x128xi32, #tpu.memory_space<vmem>>) target_semaphore(%run_scoped3A_84 : memref<!tpu.dma_semaphore, #tpu.memory_space<semaphore_mem>>)
      %dma_wait3A_99 = arith.constant 0 : i32
      %dma_wait3A_100 = arith.constant 0 : i32
      %dma_wait3A_101 = tpu.memref_slice %arg3[%add3A, %dma_wait3A_99, %dma_wait3A_100] : memref<32x80x128xi32, #tpu.memory_space<hbm>> -> memref<1x80x128xi32, #tpu.memory_space<hbm>>
      %dma_wait3A_102 = tpu.memref_squeeze %dma_wait3A_101 : memref<1x80x128xi32, #tpu.memory_space<hbm>> -> memref<80x128xi32, #tpu.memory_space<hbm>>
      %dma_wait3A_103 = arith.constant 0 : i32
      %dma_wait3A_104 = arith.constant 0 : i32
      %dma_wait3A_105 = tpu.memref_slice %dma_wait3A_102[%dma_wait3A_103, %dma_wait3A_104] : memref<80x128xi32, #tpu.memory_space<hbm>> -> memref<40x128xi32, #tpu.memory_space<hbm>>
      %dma_wait3A_106 = arith.constant 0 : i32
      %dma_wait3A_107 = arith.constant 0 : i32
      %dma_wait3A_108 = tpu.memref_slice %arg3[%add3A, %dma_wait3A_106, %dma_wait3A_107] : memref<32x80x128xi32, #tpu.memory_space<hbm>> -> memref<1x80x128xi32, #tpu.memory_space<hbm>>
      %dma_wait3A_109 = tpu.memref_squeeze %dma_wait3A_108 : memref<1x80x128xi32, #tpu.memory_space<hbm>> -> memref<80x128xi32, #tpu.memory_space<hbm>>
      %dma_wait3A_110 = arith.constant 0 : i32
      %dma_wait3A_111 = arith.constant 0 : i32
      %dma_wait3A_112 = tpu.memref_slice %dma_wait3A_109[%dma_wait3A_110, %dma_wait3A_111] : memref<80x128xi32, #tpu.memory_space<hbm>> -> memref<40x128xi32, #tpu.memory_space<hbm>>
      tpu.wait_dma2 semaphore(%run_scoped3A_84 : memref<!tpu.dma_semaphore, #tpu.memory_space<semaphore_mem>>) src(%dma_wait3A_112 : memref<40x128xi32, #tpu.memory_space<hbm>>) dst(%arg7 : memref<40x128xi32, #tpu.memory_space<vmem>>)
      tpu.yield
    }) : () -> ()
    "tpu.region"() ({
      %run_scoped3A_84 = tpu.sem_alloc : memref<!tpu.dma_semaphore, #tpu.memory_space<semaphore_mem>>
      %dma_start3A_85 = arith.constant 0 : i32
      %dma_start3A_86 = arith.constant 0 : i32
      %dma_start3A_87 = tpu.memref_slice %arg4[%add3A, %dma_start3A_85, %dma_start3A_86] : memref<32x80x128xi32, #tpu.memory_space<hbm>> -> memref<1x80x128xi32, #tpu.memory_space<hbm>>
      %dma_start3A_88 = tpu.memref_squeeze %dma_start3A_87 : memref<1x80x128xi32, #tpu.memory_space<hbm>> -> memref<80x128xi32, #tpu.memory_space<hbm>>
      %dma_start3A_89 = arith.constant 0 : i32
      %dma_start3A_90 = arith.constant 0 : i32
      %dma_start3A_91 = tpu.memref_slice %dma_start3A_88[%dma_start3A_89, %dma_start3A_90] : memref<80x128xi32, #tpu.memory_space<hbm>> -> memref<40x128xi32, #tpu.memory_space<hbm>>
      %dma_start3A_92 = arith.constant 0 : i32
      %dma_start3A_93 = arith.constant 0 : i32
      %dma_start3A_94 = tpu.memref_slice %arg4[%add3A, %dma_start3A_92, %dma_start3A_93] : memref<32x80x128xi32, #tpu.memory_space<hbm>> -> memref<1x80x128xi32, #tpu.memory_space<hbm>>
      %dma_start3A_95 = tpu.memref_squeeze %dma_start3A_94 : memref<1x80x128xi32, #tpu.memory_space<hbm>> -> memref<80x128xi32, #tpu.memory_space<hbm>>
      %dma_start3A_96 = arith.constant 0 : i32
      %dma_start3A_97 = arith.constant 0 : i32
      %dma_start3A_98 = tpu.memref_slice %dma_start3A_95[%dma_start3A_96, %dma_start3A_97] : memref<80x128xi32, #tpu.memory_space<hbm>> -> memref<40x128xi32, #tpu.memory_space<hbm>>
      tpu.enqueue_dma source(%dma_start3A_98 : memref<40x128xi32, #tpu.memory_space<hbm>>) target(%arg8 : memref<40x128xi32, #tpu.memory_space<vmem>>) target_semaphore(%run_scoped3A_84 : memref<!tpu.dma_semaphore, #tpu.memory_space<semaphore_mem>>)
      %dma_wait3A_99 = arith.constant 0 : i32
      %dma_wait3A_100 = arith.constant 0 : i32
      %dma_wait3A_101 = tpu.memref_slice %arg4[%add3A, %dma_wait3A_99, %dma_wait3A_100] : memref<32x80x128xi32, #tpu.memory_space<hbm>> -> memref<1x80x128xi32, #tpu.memory_space<hbm>>
      %dma_wait3A_102 = tpu.memref_squeeze %dma_wait3A_101 : memref<1x80x128xi32, #tpu.memory_space<hbm>> -> memref<80x128xi32, #tpu.memory_space<hbm>>
      %dma_wait3A_103 = arith.constant 0 : i32
      %dma_wait3A_104 = arith.constant 0 : i32
      %dma_wait3A_105 = tpu.memref_slice %dma_wait3A_102[%dma_wait3A_103, %dma_wait3A_104] : memref<80x128xi32, #tpu.memory_space<hbm>> -> memref<40x128xi32, #tpu.memory_space<hbm>>
      %dma_wait3A_106 = arith.constant 0 : i32
      %dma_wait3A_107 = arith.constant 0 : i32
      %dma_wait3A_108 = tpu.memref_slice %arg4[%add3A, %dma_wait3A_106, %dma_wait3A_107] : memref<32x80x128xi32, #tpu.memory_space<hbm>> -> memref<1x80x128xi32, #tpu.memory_space<hbm>>
      %dma_wait3A_109 = tpu.memref_squeeze %dma_wait3A_108 : memref<1x80x128xi32, #tpu.memory_space<hbm>> -> memref<80x128xi32, #tpu.memory_space<hbm>>
      %dma_wait3A_110 = arith.constant 0 : i32
      %dma_wait3A_111 = arith.constant 0 : i32
      %dma_wait3A_112 = tpu.memref_slice %dma_wait3A_109[%dma_wait3A_110, %dma_wait3A_111] : memref<80x128xi32, #tpu.memory_space<hbm>> -> memref<40x128xi32, #tpu.memory_space<hbm>>
      tpu.wait_dma2 semaphore(%run_scoped3A_84 : memref<!tpu.dma_semaphore, #tpu.memory_space<semaphore_mem>>) src(%dma_wait3A_112 : memref<40x128xi32, #tpu.memory_space<hbm>>) dst(%arg8 : memref<40x128xi32, #tpu.memory_space<vmem>>)
      tpu.yield
    }) : () -> ()
    %dma_start3A = arith.constant 0 : i32
    %dma_start3A_13 = arith.constant 0 : i32
    %dma_start3A_14 = tpu.memref_slice %arg7[%dma_start3A, %dma_start3A_13] : memref<40x128xi32, #tpu.memory_space<vmem>> -> memref<1x128xi32, #tpu.memory_space<vmem>>
    %dma_start3A_15 = tpu.memref_squeeze %dma_start3A_14 : memref<1x128xi32, #tpu.memory_space<vmem>> -> memref<128xi32, #tpu.memory_space<vmem>>
    %dma_start3A_16 = arith.constant 0 : i32
    %dma_start3A_17 = arith.constant 0 : i32
    %dma_start3A_18 = tpu.memref_slice %arg2[%dma_start3A_16, %dma_start3A_17] : memref<10000x128xf32, #tpu.memory_space<hbm>> -> memref<10000x128xf32, #tpu.memory_space<hbm>>
    tpu.enqueue_indirect_dma source(%dma_start3A_18 : memref<10000x128xf32, #tpu.memory_space<hbm>>) target(%arg9 : memref<128x128xf32, #tpu.memory_space<vmem>>) offsets(%dma_start3A_15 : memref<128xi32, #tpu.memory_space<vmem>>) semaphore(%arg11 : memref<!tpu.dma_semaphore, #tpu.memory_space<semaphore_mem>>)
    %dma_start3A_19 = arith.constant 1 : i32
    %dma_start3A_20 = arith.constant 0 : i32
    %dma_start3A_21 = tpu.memref_slice %arg7[%dma_start3A_19, %dma_start3A_20] : memref<40x128xi32, #tpu.memory_space<vmem>> -> memref<1x128xi32, #tpu.memory_space<vmem>>
    %dma_start3A_22 = tpu.memref_squeeze %dma_start3A_21 : memref<1x128xi32, #tpu.memory_space<vmem>> -> memref<128xi32, #tpu.memory_space<vmem>>
    %dma_start3A_23 = arith.constant 0 : i32
    %dma_start3A_24 = arith.constant 0 : i32
    %dma_start3A_25 = tpu.memref_slice %arg2[%dma_start3A_23, %dma_start3A_24] : memref<10000x128xf32, #tpu.memory_space<hbm>> -> memref<10000x128xf32, #tpu.memory_space<hbm>>
    tpu.enqueue_indirect_dma source(%dma_start3A_25 : memref<10000x128xf32, #tpu.memory_space<hbm>>) target(%arg10 : memref<128x128xf32, #tpu.memory_space<vmem>>) offsets(%dma_start3A_22 : memref<128xi32, #tpu.memory_space<vmem>>) semaphore(%arg12 : memref<!tpu.dma_semaphore, #tpu.memory_space<semaphore_mem>>)
    %scan3A = arith.constant 0 : i32
    %scan3A_26 = arith.constant 0 : i32
    %scan3A_27 = arith.constant 19 : i32
    %scan3A_28 = arith.addi %scan3A_26, %scan3A_27 : i32
    %scan3A_29 = arith.constant 1 : i32
    scf.for %scan3A_84 = %scan3A_26 to %scan3A_28 step %scan3A_29  : i32 {
      %mul3A_85 = arith.constant 2 : i32
      %mul3A_86 = arith.muli %mul3A_85, %scan3A_84 : i32
      %dma_wait3A_87 = arith.constant 0 : i32
      %dma_wait3A_88 = tpu.memref_slice %arg7[%mul3A_86, %dma_wait3A_87] : memref<40x128xi32, #tpu.memory_space<vmem>> -> memref<1x128xi32, #tpu.memory_space<vmem>>
      %dma_wait3A_89 = tpu.memref_squeeze %dma_wait3A_88 : memref<1x128xi32, #tpu.memory_space<vmem>> -> memref<128xi32, #tpu.memory_space<vmem>>
      %dma_wait3A_90 = arith.constant 0 : i32
      %dma_wait3A_91 = arith.constant 0 : i32
      %dma_wait3A_92 = tpu.memref_slice %arg2[%dma_wait3A_90, %dma_wait3A_91] : memref<10000x128xf32, #tpu.memory_space<hbm>> -> memref<10000x128xf32, #tpu.memory_space<hbm>>
      tpu.wait_indirect_dma semaphore(%arg11 : memref<!tpu.dma_semaphore, #tpu.memory_space<semaphore_mem>>) src(%dma_wait3A_92 : memref<10000x128xf32, #tpu.memory_space<hbm>>) dst(%arg9 : memref<128x128xf32, #tpu.memory_space<vmem>>)
      "tpu.region"() ({
        %run_scoped3A_119 = tpu.sem_alloc : memref<!tpu.dma_semaphore, #tpu.memory_space<semaphore_mem>>
        %dma_start3A_120 = arith.constant 0 : i32
        %dma_start3A_121 = tpu.memref_slice %arg8[%mul3A_86, %dma_start3A_120] : memref<40x128xi32, #tpu.memory_space<vmem>> -> memref<1x128xi32, #tpu.memory_space<vmem>>
        %dma_start3A_122 = tpu.memref_squeeze %dma_start3A_121 : memref<1x128xi32, #tpu.memory_space<vmem>> -> memref<128xi32, #tpu.memory_space<vmem>>
        %dma_start3A_123 = arith.constant 0 : i32
        %dma_start3A_124 = arith.constant 0 : i32
        %dma_start3A_125 = tpu.memref_slice %arg13[%dma_start3A_123, %dma_start3A_124] : memref<10112x128xf32, #tpu.memory_space<vmem_shared>> -> memref<10112x128xf32, #tpu.memory_space<vmem_shared>>
        tpu.enqueue_indirect_dma source(%arg9 : memref<128x128xf32, #tpu.memory_space<vmem>>) target(%dma_start3A_125 : memref<10112x128xf32, #tpu.memory_space<vmem_shared>>) offsets(%dma_start3A_122 : memref<128xi32, #tpu.memory_space<vmem>>) semaphore(%run_scoped3A_119 : memref<!tpu.dma_semaphore, #tpu.memory_space<semaphore_mem>>) {add = true}
        %dma_wait3A_126 = arith.constant 0 : i32
        %dma_wait3A_127 = tpu.memref_slice %arg8[%mul3A_86, %dma_wait3A_126] : memref<40x128xi32, #tpu.memory_space<vmem>> -> memref<1x128xi32, #tpu.memory_space<vmem>>
        %dma_wait3A_128 = tpu.memref_squeeze %dma_wait3A_127 : memref<1x128xi32, #tpu.memory_space<vmem>> -> memref<128xi32, #tpu.memory_space<vmem>>
        %dma_wait3A_129 = arith.constant 0 : i32
        %dma_wait3A_130 = arith.constant 0 : i32
        %dma_wait3A_131 = tpu.memref_slice %arg13[%dma_wait3A_129, %dma_wait3A_130] : memref<10112x128xf32, #tpu.memory_space<vmem_shared>> -> memref<10112x128xf32, #tpu.memory_space<vmem_shared>>
        tpu.wait_indirect_dma semaphore(%run_scoped3A_119 : memref<!tpu.dma_semaphore, #tpu.memory_space<semaphore_mem>>) src(%arg9 : memref<128x128xf32, #tpu.memory_space<vmem>>) dst(%dma_wait3A_131 : memref<10112x128xf32, #tpu.memory_space<vmem_shared>>)
        tpu.yield
      }) : () -> ()
      %add3A_93 = arith.constant 2 : i32
      %add3A_94 = arith.addi %mul3A_86, %add3A_93 : i32
      %dma_start3A_95 = arith.constant 0 : i32
      %dma_start3A_96 = tpu.memref_slice %arg7[%add3A_94, %dma_start3A_95] : memref<40x128xi32, #tpu.memory_space<vmem>> -> memref<1x128xi32, #tpu.memory_space<vmem>>
      %dma_start3A_97 = tpu.memref_squeeze %dma_start3A_96 : memref<1x128xi32, #tpu.memory_space<vmem>> -> memref<128xi32, #tpu.memory_space<vmem>>
      %dma_start3A_98 = arith.constant 0 : i32
      %dma_start3A_99 = arith.constant 0 : i32
      %dma_start3A_100 = tpu.memref_slice %arg2[%dma_start3A_98, %dma_start3A_99] : memref<10000x128xf32, #tpu.memory_space<hbm>> -> memref<10000x128xf32, #tpu.memory_space<hbm>>
      tpu.enqueue_indirect_dma source(%dma_start3A_100 : memref<10000x128xf32, #tpu.memory_space<hbm>>) target(%arg9 : memref<128x128xf32, #tpu.memory_space<vmem>>) offsets(%dma_start3A_97 : memref<128xi32, #tpu.memory_space<vmem>>) semaphore(%arg11 : memref<!tpu.dma_semaphore, #tpu.memory_space<semaphore_mem>>)
      %add3A_101 = arith.constant 1 : i32
      %add3A_102 = arith.addi %mul3A_86, %add3A_101 : i32
      %dma_wait3A_103 = arith.constant 0 : i32
      %dma_wait3A_104 = tpu.memref_slice %arg7[%add3A_102, %dma_wait3A_103] : memref<40x128xi32, #tpu.memory_space<vmem>> -> memref<1x128xi32, #tpu.memory_space<vmem>>
      %dma_wait3A_105 = tpu.memref_squeeze %dma_wait3A_104 : memref<1x128xi32, #tpu.memory_space<vmem>> -> memref<128xi32, #tpu.memory_space<vmem>>
      %dma_wait3A_106 = arith.constant 0 : i32
      %dma_wait3A_107 = arith.constant 0 : i32
      %dma_wait3A_108 = tpu.memref_slice %arg2[%dma_wait3A_106, %dma_wait3A_107] : memref<10000x128xf32, #tpu.memory_space<hbm>> -> memref<10000x128xf32, #tpu.memory_space<hbm>>
      tpu.wait_indirect_dma semaphore(%arg12 : memref<!tpu.dma_semaphore, #tpu.memory_space<semaphore_mem>>) src(%dma_wait3A_108 : memref<10000x128xf32, #tpu.memory_space<hbm>>) dst(%arg10 : memref<128x128xf32, #tpu.memory_space<vmem>>)
      %add3A_109 = arith.constant 1 : i32
      %add3A_110 = arith.addi %mul3A_86, %add3A_109 : i32
      "tpu.region"() ({
        %run_scoped3A_119 = tpu.sem_alloc : memref<!tpu.dma_semaphore, #tpu.memory_space<semaphore_mem>>
        %dma_start3A_120 = arith.constant 0 : i32
        %dma_start3A_121 = tpu.memref_slice %arg8[%add3A_110, %dma_start3A_120] : memref<40x128xi32, #tpu.memory_space<vmem>> -> memref<1x128xi32, #tpu.memory_space<vmem>>
        %dma_start3A_122 = tpu.memref_squeeze %dma_start3A_121 : memref<1x128xi32, #tpu.memory_space<vmem>> -> memref<128xi32, #tpu.memory_space<vmem>>
        %dma_start3A_123 = arith.constant 0 : i32
        %dma_start3A_124 = arith.constant 0 : i32
        %dma_start3A_125 = tpu.memref_slice %arg13[%dma_start3A_123, %dma_start3A_124] : memref<10112x128xf32, #tpu.memory_space<vmem_shared>> -> memref<10112x128xf32, #tpu.memory_space<vmem_shared>>
        tpu.enqueue_indirect_dma source(%arg10 : memref<128x128xf32, #tpu.memory_space<vmem>>) target(%dma_start3A_125 : memref<10112x128xf32, #tpu.memory_space<vmem_shared>>) offsets(%dma_start3A_122 : memref<128xi32, #tpu.memory_space<vmem>>) semaphore(%run_scoped3A_119 : memref<!tpu.dma_semaphore, #tpu.memory_space<semaphore_mem>>) {add = true}
        %dma_wait3A_126 = arith.constant 0 : i32
        %dma_wait3A_127 = tpu.memref_slice %arg8[%add3A_110, %dma_wait3A_126] : memref<40x128xi32, #tpu.memory_space<vmem>> -> memref<1x128xi32, #tpu.memory_space<vmem>>
        %dma_wait3A_128 = tpu.memref_squeeze %dma_wait3A_127 : memref<1x128xi32, #tpu.memory_space<vmem>> -> memref<128xi32, #tpu.memory_space<vmem>>
        %dma_wait3A_129 = arith.constant 0 : i32
        %dma_wait3A_130 = arith.constant 0 : i32
        %dma_wait3A_131 = tpu.memref_slice %arg13[%dma_wait3A_129, %dma_wait3A_130] : memref<10112x128xf32, #tpu.memory_space<vmem_shared>> -> memref<10112x128xf32, #tpu.memory_space<vmem_shared>>
        tpu.wait_indirect_dma semaphore(%run_scoped3A_119 : memref<!tpu.dma_semaphore, #tpu.memory_space<semaphore_mem>>) src(%arg10 : memref<128x128xf32, #tpu.memory_space<vmem>>) dst(%dma_wait3A_131 : memref<10112x128xf32, #tpu.memory_space<vmem_shared>>)
        tpu.yield
      }) : () -> ()
      %add3A_111 = arith.constant 3 : i32
      %add3A_112 = arith.addi %mul3A_86, %add3A_111 : i32
      %dma_start3A_113 = arith.constant 0 : i32
      %dma_start3A_114 = tpu.memref_slice %arg7[%add3A_112, %dma_start3A_113] : memref<40x128xi32, #tpu.memory_space<vmem>> -> memref<1x128xi32, #tpu.memory_space<vmem>>
      %dma_start3A_115 = tpu.memref_squeeze %dma_start3A_114 : memref<1x128xi32, #tpu.memory_space<vmem>> -> memref<128xi32, #tpu.memory_space<vmem>>
      %dma_start3A_116 = arith.constant 0 : i32
      %dma_start3A_117 = arith.constant 0 : i32
      %dma_start3A_118 = tpu.memref_slice %arg2[%dma_start3A_116, %dma_start3A_117] : memref<10000x128xf32, #tpu.memory_space<hbm>> -> memref<10000x128xf32, #tpu.memory_space<hbm>>
      tpu.enqueue_indirect_dma source(%dma_start3A_118 : memref<10000x128xf32, #tpu.memory_space<hbm>>) target(%arg10 : memref<128x128xf32, #tpu.memory_space<vmem>>) offsets(%dma_start3A_115 : memref<128xi32, #tpu.memory_space<vmem>>) semaphore(%arg12 : memref<!tpu.dma_semaphore, #tpu.memory_space<semaphore_mem>>)
    }
    %scan3A_30 = arith.constant 19 : i32
    %dma_wait3A = arith.constant 38 : i32
    %dma_wait3A_31 = arith.constant 0 : i32
    %dma_wait3A_32 = tpu.memref_slice %arg7[%dma_wait3A, %dma_wait3A_31] : memref<40x128xi32, #tpu.memory_space<vmem>> -> memref<1x128xi32, #tpu.memory_space<vmem>>
    %dma_wait3A_33 = tpu.memref_squeeze %dma_wait3A_32 : memref<1x128xi32, #tpu.memory_space<vmem>> -> memref<128xi32, #tpu.memory_space<vmem>>
    %dma_wait3A_34 = arith.constant 0 : i32
    %dma_wait3A_35 = arith.constant 0 : i32
    %dma_wait3A_36 = tpu.memref_slice %arg2[%dma_wait3A_34, %dma_wait3A_35] : memref<10000x128xf32, #tpu.memory_space<hbm>> -> memref<10000x128xf32, #tpu.memory_space<hbm>>
    tpu.wait_indirect_dma semaphore(%arg11 : memref<!tpu.dma_semaphore, #tpu.memory_space<semaphore_mem>>) src(%dma_wait3A_36 : memref<10000x128xf32, #tpu.memory_space<hbm>>) dst(%arg9 : memref<128x128xf32, #tpu.memory_space<vmem>>)
    %run_scoped3A = arith.constant 38 : i32
    "tpu.region"() ({
      %run_scoped3A_84 = tpu.sem_alloc : memref<!tpu.dma_semaphore, #tpu.memory_space<semaphore_mem>>
      %dma_start3A_85 = arith.constant 0 : i32
      %dma_start3A_86 = tpu.memref_slice %arg8[%run_scoped3A, %dma_start3A_85] : memref<40x128xi32, #tpu.memory_space<vmem>> -> memref<1x128xi32, #tpu.memory_space<vmem>>
      %dma_start3A_87 = tpu.memref_squeeze %dma_start3A_86 : memref<1x128xi32, #tpu.memory_space<vmem>> -> memref<128xi32, #tpu.memory_space<vmem>>
      %dma_start3A_88 = arith.constant 0 : i32
      %dma_start3A_89 = arith.constant 0 : i32
      %dma_start3A_90 = tpu.memref_slice %arg13[%dma_start3A_88, %dma_start3A_89] : memref<10112x128xf32, #tpu.memory_space<vmem_shared>> -> memref<10112x128xf32, #tpu.memory_space<vmem_shared>>
      tpu.enqueue_indirect_dma source(%arg9 : memref<128x128xf32, #tpu.memory_space<vmem>>) target(%dma_start3A_90 : memref<10112x128xf32, #tpu.memory_space<vmem_shared>>) offsets(%dma_start3A_87 : memref<128xi32, #tpu.memory_space<vmem>>) semaphore(%run_scoped3A_84 : memref<!tpu.dma_semaphore, #tpu.memory_space<semaphore_mem>>) {add = true}
      %dma_wait3A_91 = arith.constant 0 : i32
      %dma_wait3A_92 = tpu.memref_slice %arg8[%run_scoped3A, %dma_wait3A_91] : memref<40x128xi32, #tpu.memory_space<vmem>> -> memref<1x128xi32, #tpu.memory_space<vmem>>
      %dma_wait3A_93 = tpu.memref_squeeze %dma_wait3A_92 : memref<1x128xi32, #tpu.memory_space<vmem>> -> memref<128xi32, #tpu.memory_space<vmem>>
      %dma_wait3A_94 = arith.constant 0 : i32
      %dma_wait3A_95 = arith.constant 0 : i32
      %dma_wait3A_96 = tpu.memref_slice %arg13[%dma_wait3A_94, %dma_wait3A_95] : memref<10112x128xf32, #tpu.memory_space<vmem_shared>> -> memref<10112x128xf32, #tpu.memory_space<vmem_shared>>
      tpu.wait_indirect_dma semaphore(%run_scoped3A_84 : memref<!tpu.dma_semaphore, #tpu.memory_space<semaphore_mem>>) src(%arg9 : memref<128x128xf32, #tpu.memory_space<vmem>>) dst(%dma_wait3A_96 : memref<10112x128xf32, #tpu.memory_space<vmem_shared>>)
      tpu.yield
    }) : () -> ()
    %dma_wait3A_37 = arith.constant 39 : i32
    %dma_wait3A_38 = arith.constant 0 : i32
    %dma_wait3A_39 = tpu.memref_slice %arg7[%dma_wait3A_37, %dma_wait3A_38] : memref<40x128xi32, #tpu.memory_space<vmem>> -> memref<1x128xi32, #tpu.memory_space<vmem>>
    %dma_wait3A_40 = tpu.memref_squeeze %dma_wait3A_39 : memref<1x128xi32, #tpu.memory_space<vmem>> -> memref<128xi32, #tpu.memory_space<vmem>>
    %dma_wait3A_41 = arith.constant 0 : i32
    %dma_wait3A_42 = arith.constant 0 : i32
    %dma_wait3A_43 = tpu.memref_slice %arg2[%dma_wait3A_41, %dma_wait3A_42] : memref<10000x128xf32, #tpu.memory_space<hbm>> -> memref<10000x128xf32, #tpu.memory_space<hbm>>
    tpu.wait_indirect_dma semaphore(%arg12 : memref<!tpu.dma_semaphore, #tpu.memory_space<semaphore_mem>>) src(%dma_wait3A_43 : memref<10000x128xf32, #tpu.memory_space<hbm>>) dst(%arg10 : memref<128x128xf32, #tpu.memory_space<vmem>>)
    %run_scoped3A_44 = arith.constant 39 : i32
    "tpu.region"() ({
      %run_scoped3A_84 = tpu.sem_alloc : memref<!tpu.dma_semaphore, #tpu.memory_space<semaphore_mem>>
      %dma_start3A_85 = arith.constant 0 : i32
      %dma_start3A_86 = tpu.memref_slice %arg8[%run_scoped3A_44, %dma_start3A_85] : memref<40x128xi32, #tpu.memory_space<vmem>> -> memref<1x128xi32, #tpu.memory_space<vmem>>
      %dma_start3A_87 = tpu.memref_squeeze %dma_start3A_86 : memref<1x128xi32, #tpu.memory_space<vmem>> -> memref<128xi32, #tpu.memory_space<vmem>>
      %dma_start3A_88 = arith.constant 0 : i32
      %dma_start3A_89 = arith.constant 0 : i32
      %dma_start3A_90 = tpu.memref_slice %arg13[%dma_start3A_88, %dma_start3A_89] : memref<10112x128xf32, #tpu.memory_space<vmem_shared>> -> memref<10112x128xf32, #tpu.memory_space<vmem_shared>>
      tpu.enqueue_indirect_dma source(%arg10 : memref<128x128xf32, #tpu.memory_space<vmem>>) target(%dma_start3A_90 : memref<10112x128xf32, #tpu.memory_space<vmem_shared>>) offsets(%dma_start3A_87 : memref<128xi32, #tpu.memory_space<vmem>>) semaphore(%run_scoped3A_84 : memref<!tpu.dma_semaphore, #tpu.memory_space<semaphore_mem>>) {add = true}
      %dma_wait3A_91 = arith.constant 0 : i32
      %dma_wait3A_92 = tpu.memref_slice %arg8[%run_scoped3A_44, %dma_wait3A_91] : memref<40x128xi32, #tpu.memory_space<vmem>> -> memref<1x128xi32, #tpu.memory_space<vmem>>
      %dma_wait3A_93 = tpu.memref_squeeze %dma_wait3A_92 : memref<1x128xi32, #tpu.memory_space<vmem>> -> memref<128xi32, #tpu.memory_space<vmem>>
      %dma_wait3A_94 = arith.constant 0 : i32
      %dma_wait3A_95 = arith.constant 0 : i32
      %dma_wait3A_96 = tpu.memref_slice %arg13[%dma_wait3A_94, %dma_wait3A_95] : memref<10112x128xf32, #tpu.memory_space<vmem_shared>> -> memref<10112x128xf32, #tpu.memory_space<vmem_shared>>
      tpu.wait_indirect_dma semaphore(%run_scoped3A_84 : memref<!tpu.dma_semaphore, #tpu.memory_space<semaphore_mem>>) src(%arg10 : memref<128x128xf32, #tpu.memory_space<vmem>>) dst(%dma_wait3A_96 : memref<10112x128xf32, #tpu.memory_space<vmem_shared>>)
      tpu.yield
    }) : () -> ()
    "tpu.region"() ({
      %run_scoped3A_84 = tpu.sem_alloc : memref<!tpu.dma_semaphore, #tpu.memory_space<semaphore_mem>>
      %dma_start3A_85 = arith.constant 0 : i32
      %dma_start3A_86 = arith.constant 0 : i32
      %dma_start3A_87 = tpu.memref_slice %arg3[%add3A, %dma_start3A_85, %dma_start3A_86] : memref<32x80x128xi32, #tpu.memory_space<hbm>> -> memref<1x80x128xi32, #tpu.memory_space<hbm>>
      %dma_start3A_88 = tpu.memref_squeeze %dma_start3A_87 : memref<1x80x128xi32, #tpu.memory_space<hbm>> -> memref<80x128xi32, #tpu.memory_space<hbm>>
      %dma_start3A_89 = arith.constant 40 : i32
      %dma_start3A_90 = arith.constant 0 : i32
      %dma_start3A_91 = tpu.memref_slice %dma_start3A_88[%dma_start3A_89, %dma_start3A_90] : memref<80x128xi32, #tpu.memory_space<hbm>> -> memref<40x128xi32, #tpu.memory_space<hbm>>
      %dma_start3A_92 = arith.constant 0 : i32
      %dma_start3A_93 = arith.constant 0 : i32
      %dma_start3A_94 = tpu.memref_slice %arg3[%add3A, %dma_start3A_92, %dma_start3A_93] : memref<32x80x128xi32, #tpu.memory_space<hbm>> -> memref<1x80x128xi32, #tpu.memory_space<hbm>>
      %dma_start3A_95 = tpu.memref_squeeze %dma_start3A_94 : memref<1x80x128xi32, #tpu.memory_space<hbm>> -> memref<80x128xi32, #tpu.memory_space<hbm>>
      %dma_start3A_96 = arith.constant 40 : i32
      %dma_start3A_97 = arith.constant 0 : i32
      %dma_start3A_98 = tpu.memref_slice %dma_start3A_95[%dma_start3A_96, %dma_start3A_97] : memref<80x128xi32, #tpu.memory_space<hbm>> -> memref<40x128xi32, #tpu.memory_space<hbm>>
      tpu.enqueue_dma source(%dma_start3A_98 : memref<40x128xi32, #tpu.memory_space<hbm>>) target(%arg7 : memref<40x128xi32, #tpu.memory_space<vmem>>) target_semaphore(%run_scoped3A_84 : memref<!tpu.dma_semaphore, #tpu.memory_space<semaphore_mem>>)
      %dma_wait3A_99 = arith.constant 0 : i32
      %dma_wait3A_100 = arith.constant 0 : i32
      %dma_wait3A_101 = tpu.memref_slice %arg3[%add3A, %dma_wait3A_99, %dma_wait3A_100] : memref<32x80x128xi32, #tpu.memory_space<hbm>> -> memref<1x80x128xi32, #tpu.memory_space<hbm>>
      %dma_wait3A_102 = tpu.memref_squeeze %dma_wait3A_101 : memref<1x80x128xi32, #tpu.memory_space<hbm>> -> memref<80x128xi32, #tpu.memory_space<hbm>>
      %dma_wait3A_103 = arith.constant 40 : i32
      %dma_wait3A_104 = arith.constant 0 : i32
      %dma_wait3A_105 = tpu.memref_slice %dma_wait3A_102[%dma_wait3A_103, %dma_wait3A_104] : memref<80x128xi32, #tpu.memory_space<hbm>> -> memref<40x128xi32, #tpu.memory_space<hbm>>
      %dma_wait3A_106 = arith.constant 0 : i32
      %dma_wait3A_107 = arith.constant 0 : i32
      %dma_wait3A_108 = tpu.memref_slice %arg3[%add3A, %dma_wait3A_106, %dma_wait3A_107] : memref<32x80x128xi32, #tpu.memory_space<hbm>> -> memref<1x80x128xi32, #tpu.memory_space<hbm>>
      %dma_wait3A_109 = tpu.memref_squeeze %dma_wait3A_108 : memref<1x80x128xi32, #tpu.memory_space<hbm>> -> memref<80x128xi32, #tpu.memory_space<hbm>>
      %dma_wait3A_110 = arith.constant 40 : i32
      %dma_wait3A_111 = arith.constant 0 : i32
      %dma_wait3A_112 = tpu.memref_slice %dma_wait3A_109[%dma_wait3A_110, %dma_wait3A_111] : memref<80x128xi32, #tpu.memory_space<hbm>> -> memref<40x128xi32, #tpu.memory_space<hbm>>
      tpu.wait_dma2 semaphore(%run_scoped3A_84 : memref<!tpu.dma_semaphore, #tpu.memory_space<semaphore_mem>>) src(%dma_wait3A_112 : memref<40x128xi32, #tpu.memory_space<hbm>>) dst(%arg7 : memref<40x128xi32, #tpu.memory_space<vmem>>)
      tpu.yield
    }) : () -> ()
    "tpu.region"() ({
      %run_scoped3A_84 = tpu.sem_alloc : memref<!tpu.dma_semaphore, #tpu.memory_space<semaphore_mem>>
      %dma_start3A_85 = arith.constant 0 : i32
      %dma_start3A_86 = arith.constant 0 : i32
      %dma_start3A_87 = tpu.memref_slice %arg4[%add3A, %dma_start3A_85, %dma_start3A_86] : memref<32x80x128xi32, #tpu.memory_space<hbm>> -> memref<1x80x128xi32, #tpu.memory_space<hbm>>
      %dma_start3A_88 = tpu.memref_squeeze %dma_start3A_87 : memref<1x80x128xi32, #tpu.memory_space<hbm>> -> memref<80x128xi32, #tpu.memory_space<hbm>>
      %dma_start3A_89 = arith.constant 40 : i32
      %dma_start3A_90 = arith.constant 0 : i32
      %dma_start3A_91 = tpu.memref_slice %dma_start3A_88[%dma_start3A_89, %dma_start3A_90] : memref<80x128xi32, #tpu.memory_space<hbm>> -> memref<40x128xi32, #tpu.memory_space<hbm>>
      %dma_start3A_92 = arith.constant 0 : i32
      %dma_start3A_93 = arith.constant 0 : i32
      %dma_start3A_94 = tpu.memref_slice %arg4[%add3A, %dma_start3A_92, %dma_start3A_93] : memref<32x80x128xi32, #tpu.memory_space<hbm>> -> memref<1x80x128xi32, #tpu.memory_space<hbm>>
      %dma_start3A_95 = tpu.memref_squeeze %dma_start3A_94 : memref<1x80x128xi32, #tpu.memory_space<hbm>> -> memref<80x128xi32, #tpu.memory_space<hbm>>
      %dma_start3A_96 = arith.constant 40 : i32
      %dma_start3A_97 = arith.constant 0 : i32
      %dma_start3A_98 = tpu.memref_slice %dma_start3A_95[%dma_start3A_96, %dma_start3A_97] : memref<80x128xi32, #tpu.memory_space<hbm>> -> memref<40x128xi32, #tpu.memory_space<hbm>>
      tpu.enqueue_dma source(%dma_start3A_98 : memref<40x128xi32, #tpu.memory_space<hbm>>) target(%arg8 : memref<40x128xi32, #tpu.memory_space<vmem>>) target_semaphore(%run_scoped3A_84 : memref<!tpu.dma_semaphore, #tpu.memory_space<semaphore_mem>>)
      %dma_wait3A_99 = arith.constant 0 : i32
      %dma_wait3A_100 = arith.constant 0 : i32
      %dma_wait3A_101 = tpu.memref_slice %arg4[%add3A, %dma_wait3A_99, %dma_wait3A_100] : memref<32x80x128xi32, #tpu.memory_space<hbm>> -> memref<1x80x128xi32, #tpu.memory_space<hbm>>
      %dma_wait3A_102 = tpu.memref_squeeze %dma_wait3A_101 : memref<1x80x128xi32, #tpu.memory_space<hbm>> -> memref<80x128xi32, #tpu.memory_space<hbm>>
      %dma_wait3A_103 = arith.constant 40 : i32
      %dma_wait3A_104 = arith.constant 0 : i32
      %dma_wait3A_105 = tpu.memref_slice %dma_wait3A_102[%dma_wait3A_103, %dma_wait3A_104] : memref<80x128xi32, #tpu.memory_space<hbm>> -> memref<40x128xi32, #tpu.memory_space<hbm>>
      %dma_wait3A_106 = arith.constant 0 : i32
      %dma_wait3A_107 = arith.constant 0 : i32
      %dma_wait3A_108 = tpu.memref_slice %arg4[%add3A, %dma_wait3A_106, %dma_wait3A_107] : memref<32x80x128xi32, #tpu.memory_space<hbm>> -> memref<1x80x128xi32, #tpu.memory_space<hbm>>
      %dma_wait3A_109 = tpu.memref_squeeze %dma_wait3A_108 : memref<1x80x128xi32, #tpu.memory_space<hbm>> -> memref<80x128xi32, #tpu.memory_space<hbm>>
      %dma_wait3A_110 = arith.constant 40 : i32
      %dma_wait3A_111 = arith.constant 0 : i32
      %dma_wait3A_112 = tpu.memref_slice %dma_wait3A_109[%dma_wait3A_110, %dma_wait3A_111] : memref<80x128xi32, #tpu.memory_space<hbm>> -> memref<40x128xi32, #tpu.memory_space<hbm>>
      tpu.wait_dma2 semaphore(%run_scoped3A_84 : memref<!tpu.dma_semaphore, #tpu.memory_space<semaphore_mem>>) src(%dma_wait3A_112 : memref<40x128xi32, #tpu.memory_space<hbm>>) dst(%arg8 : memref<40x128xi32, #tpu.memory_space<vmem>>)
      tpu.yield
    }) : () -> ()
    %dma_start3A_45 = arith.constant 0 : i32
    %dma_start3A_46 = arith.constant 0 : i32
    %dma_start3A_47 = tpu.memref_slice %arg7[%dma_start3A_45, %dma_start3A_46] : memref<40x128xi32, #tpu.memory_space<vmem>> -> memref<1x128xi32, #tpu.memory_space<vmem>>
    %dma_start3A_48 = tpu.memref_squeeze %dma_start3A_47 : memref<1x128xi32, #tpu.memory_space<vmem>> -> memref<128xi32, #tpu.memory_space<vmem>>
    %dma_start3A_49 = arith.constant 0 : i32
    %dma_start3A_50 = arith.constant 0 : i32
    %dma_start3A_51 = tpu.memref_slice %arg2[%dma_start3A_49, %dma_start3A_50] : memref<10000x128xf32, #tpu.memory_space<hbm>> -> memref<10000x128xf32, #tpu.memory_space<hbm>>
    tpu.enqueue_indirect_dma source(%dma_start3A_51 : memref<10000x128xf32, #tpu.memory_space<hbm>>) target(%arg9 : memref<128x128xf32, #tpu.memory_space<vmem>>) offsets(%dma_start3A_48 : memref<128xi32, #tpu.memory_space<vmem>>) semaphore(%arg11 : memref<!tpu.dma_semaphore, #tpu.memory_space<semaphore_mem>>)
    %dma_start3A_52 = arith.constant 1 : i32
    %dma_start3A_53 = arith.constant 0 : i32
    %dma_start3A_54 = tpu.memref_slice %arg7[%dma_start3A_52, %dma_start3A_53] : memref<40x128xi32, #tpu.memory_space<vmem>> -> memref<1x128xi32, #tpu.memory_space<vmem>>
    %dma_start3A_55 = tpu.memref_squeeze %dma_start3A_54 : memref<1x128xi32, #tpu.memory_space<vmem>> -> memref<128xi32, #tpu.memory_space<vmem>>
    %dma_start3A_56 = arith.constant 0 : i32
    %dma_start3A_57 = arith.constant 0 : i32
    %dma_start3A_58 = tpu.memref_slice %arg2[%dma_start3A_56, %dma_start3A_57] : memref<10000x128xf32, #tpu.memory_space<hbm>> -> memref<10000x128xf32, #tpu.memory_space<hbm>>
    tpu.enqueue_indirect_dma source(%dma_start3A_58 : memref<10000x128xf32, #tpu.memory_space<hbm>>) target(%arg10 : memref<128x128xf32, #tpu.memory_space<vmem>>) offsets(%dma_start3A_55 : memref<128xi32, #tpu.memory_space<vmem>>) semaphore(%arg12 : memref<!tpu.dma_semaphore, #tpu.memory_space<semaphore_mem>>)
    %scan3A_59 = arith.constant 0 : i32
    %scan3A_60 = arith.constant 0 : i32
    %scan3A_61 = arith.constant 19 : i32
    %scan3A_62 = arith.addi %scan3A_60, %scan3A_61 : i32
    %scan3A_63 = arith.constant 1 : i32
    scf.for %scan3A_84 = %scan3A_60 to %scan3A_62 step %scan3A_63  : i32 {
      %mul3A_85 = arith.constant 2 : i32
      %mul3A_86 = arith.muli %mul3A_85, %scan3A_84 : i32
      %dma_wait3A_87 = arith.constant 0 : i32
      %dma_wait3A_88 = tpu.memref_slice %arg7[%mul3A_86, %dma_wait3A_87] : memref<40x128xi32, #tpu.memory_space<vmem>> -> memref<1x128xi32, #tpu.memory_space<vmem>>
      %dma_wait3A_89 = tpu.memref_squeeze %dma_wait3A_88 : memref<1x128xi32, #tpu.memory_space<vmem>> -> memref<128xi32, #tpu.memory_space<vmem>>
      %dma_wait3A_90 = arith.constant 0 : i32
      %dma_wait3A_91 = arith.constant 0 : i32
      %dma_wait3A_92 = tpu.memref_slice %arg2[%dma_wait3A_90, %dma_wait3A_91] : memref<10000x128xf32, #tpu.memory_space<hbm>> -> memref<10000x128xf32, #tpu.memory_space<hbm>>
      tpu.wait_indirect_dma semaphore(%arg11 : memref<!tpu.dma_semaphore, #tpu.memory_space<semaphore_mem>>) src(%dma_wait3A_92 : memref<10000x128xf32, #tpu.memory_space<hbm>>) dst(%arg9 : memref<128x128xf32, #tpu.memory_space<vmem>>)
      "tpu.region"() ({
        %run_scoped3A_119 = tpu.sem_alloc : memref<!tpu.dma_semaphore, #tpu.memory_space<semaphore_mem>>
        %dma_start3A_120 = arith.constant 0 : i32
        %dma_start3A_121 = tpu.memref_slice %arg8[%mul3A_86, %dma_start3A_120] : memref<40x128xi32, #tpu.memory_space<vmem>> -> memref<1x128xi32, #tpu.memory_space<vmem>>
        %dma_start3A_122 = tpu.memref_squeeze %dma_start3A_121 : memref<1x128xi32, #tpu.memory_space<vmem>> -> memref<128xi32, #tpu.memory_space<vmem>>
        %dma_start3A_123 = arith.constant 0 : i32
        %dma_start3A_124 = arith.constant 0 : i32
        %dma_start3A_125 = tpu.memref_slice %arg13[%dma_start3A_123, %dma_start3A_124] : memref<10112x128xf32, #tpu.memory_space<vmem_shared>> -> memref<10112x128xf32, #tpu.memory_space<vmem_shared>>
        tpu.enqueue_indirect_dma source(%arg9 : memref<128x128xf32, #tpu.memory_space<vmem>>) target(%dma_start3A_125 : memref<10112x128xf32, #tpu.memory_space<vmem_shared>>) offsets(%dma_start3A_122 : memref<128xi32, #tpu.memory_space<vmem>>) semaphore(%run_scoped3A_119 : memref<!tpu.dma_semaphore, #tpu.memory_space<semaphore_mem>>) {add = true}
        %dma_wait3A_126 = arith.constant 0 : i32
        %dma_wait3A_127 = tpu.memref_slice %arg8[%mul3A_86, %dma_wait3A_126] : memref<40x128xi32, #tpu.memory_space<vmem>> -> memref<1x128xi32, #tpu.memory_space<vmem>>
        %dma_wait3A_128 = tpu.memref_squeeze %dma_wait3A_127 : memref<1x128xi32, #tpu.memory_space<vmem>> -> memref<128xi32, #tpu.memory_space<vmem>>
        %dma_wait3A_129 = arith.constant 0 : i32
        %dma_wait3A_130 = arith.constant 0 : i32
        %dma_wait3A_131 = tpu.memref_slice %arg13[%dma_wait3A_129, %dma_wait3A_130] : memref<10112x128xf32, #tpu.memory_space<vmem_shared>> -> memref<10112x128xf32, #tpu.memory_space<vmem_shared>>
        tpu.wait_indirect_dma semaphore(%run_scoped3A_119 : memref<!tpu.dma_semaphore, #tpu.memory_space<semaphore_mem>>) src(%arg9 : memref<128x128xf32, #tpu.memory_space<vmem>>) dst(%dma_wait3A_131 : memref<10112x128xf32, #tpu.memory_space<vmem_shared>>)
        tpu.yield
      }) : () -> ()
      %add3A_93 = arith.constant 2 : i32
      %add3A_94 = arith.addi %mul3A_86, %add3A_93 : i32
      %dma_start3A_95 = arith.constant 0 : i32
      %dma_start3A_96 = tpu.memref_slice %arg7[%add3A_94, %dma_start3A_95] : memref<40x128xi32, #tpu.memory_space<vmem>> -> memref<1x128xi32, #tpu.memory_space<vmem>>
      %dma_start3A_97 = tpu.memref_squeeze %dma_start3A_96 : memref<1x128xi32, #tpu.memory_space<vmem>> -> memref<128xi32, #tpu.memory_space<vmem>>
      %dma_start3A_98 = arith.constant 0 : i32
      %dma_start3A_99 = arith.constant 0 : i32
      %dma_start3A_100 = tpu.memref_slice %arg2[%dma_start3A_98, %dma_start3A_99] : memref<10000x128xf32, #tpu.memory_space<hbm>> -> memref<10000x128xf32, #tpu.memory_space<hbm>>
      tpu.enqueue_indirect_dma source(%dma_start3A_100 : memref<10000x128xf32, #tpu.memory_space<hbm>>) target(%arg9 : memref<128x128xf32, #tpu.memory_space<vmem>>) offsets(%dma_start3A_97 : memref<128xi32, #tpu.memory_space<vmem>>) semaphore(%arg11 : memref<!tpu.dma_semaphore, #tpu.memory_space<semaphore_mem>>)
      %add3A_101 = arith.constant 1 : i32
      %add3A_102 = arith.addi %mul3A_86, %add3A_101 : i32
      %dma_wait3A_103 = arith.constant 0 : i32
      %dma_wait3A_104 = tpu.memref_slice %arg7[%add3A_102, %dma_wait3A_103] : memref<40x128xi32, #tpu.memory_space<vmem>> -> memref<1x128xi32, #tpu.memory_space<vmem>>
      %dma_wait3A_105 = tpu.memref_squeeze %dma_wait3A_104 : memref<1x128xi32, #tpu.memory_space<vmem>> -> memref<128xi32, #tpu.memory_space<vmem>>
      %dma_wait3A_106 = arith.constant 0 : i32
      %dma_wait3A_107 = arith.constant 0 : i32
      %dma_wait3A_108 = tpu.memref_slice %arg2[%dma_wait3A_106, %dma_wait3A_107] : memref<10000x128xf32, #tpu.memory_space<hbm>> -> memref<10000x128xf32, #tpu.memory_space<hbm>>
      tpu.wait_indirect_dma semaphore(%arg12 : memref<!tpu.dma_semaphore, #tpu.memory_space<semaphore_mem>>) src(%dma_wait3A_108 : memref<10000x128xf32, #tpu.memory_space<hbm>>) dst(%arg10 : memref<128x128xf32, #tpu.memory_space<vmem>>)
      %add3A_109 = arith.constant 1 : i32
      %add3A_110 = arith.addi %mul3A_86, %add3A_109 : i32
      "tpu.region"() ({
        %run_scoped3A_119 = tpu.sem_alloc : memref<!tpu.dma_semaphore, #tpu.memory_space<semaphore_mem>>
        %dma_start3A_120 = arith.constant 0 : i32
        %dma_start3A_121 = tpu.memref_slice %arg8[%add3A_110, %dma_start3A_120] : memref<40x128xi32, #tpu.memory_space<vmem>> -> memref<1x128xi32, #tpu.memory_space<vmem>>
        %dma_start3A_122 = tpu.memref_squeeze %dma_start3A_121 : memref<1x128xi32, #tpu.memory_space<vmem>> -> memref<128xi32, #tpu.memory_space<vmem>>
        %dma_start3A_123 = arith.constant 0 : i32
        %dma_start3A_124 = arith.constant 0 : i32
        %dma_start3A_125 = tpu.memref_slice %arg13[%dma_start3A_123, %dma_start3A_124] : memref<10112x128xf32, #tpu.memory_space<vmem_shared>> -> memref<10112x128xf32, #tpu.memory_space<vmem_shared>>
        tpu.enqueue_indirect_dma source(%arg10 : memref<128x128xf32, #tpu.memory_space<vmem>>) target(%dma_start3A_125 : memref<10112x128xf32, #tpu.memory_space<vmem_shared>>) offsets(%dma_start3A_122 : memref<128xi32, #tpu.memory_space<vmem>>) semaphore(%run_scoped3A_119 : memref<!tpu.dma_semaphore, #tpu.memory_space<semaphore_mem>>) {add = true}
        %dma_wait3A_126 = arith.constant 0 : i32
        %dma_wait3A_127 = tpu.memref_slice %arg8[%add3A_110, %dma_wait3A_126] : memref<40x128xi32, #tpu.memory_space<vmem>> -> memref<1x128xi32, #tpu.memory_space<vmem>>
        %dma_wait3A_128 = tpu.memref_squeeze %dma_wait3A_127 : memref<1x128xi32, #tpu.memory_space<vmem>> -> memref<128xi32, #tpu.memory_space<vmem>>
        %dma_wait3A_129 = arith.constant 0 : i32
        %dma_wait3A_130 = arith.constant 0 : i32
        %dma_wait3A_131 = tpu.memref_slice %arg13[%dma_wait3A_129, %dma_wait3A_130] : memref<10112x128xf32, #tpu.memory_space<vmem_shared>> -> memref<10112x128xf32, #tpu.memory_space<vmem_shared>>
        tpu.wait_indirect_dma semaphore(%run_scoped3A_119 : memref<!tpu.dma_semaphore, #tpu.memory_space<semaphore_mem>>) src(%arg10 : memref<128x128xf32, #tpu.memory_space<vmem>>) dst(%dma_wait3A_131 : memref<10112x128xf32, #tpu.memory_space<vmem_shared>>)
        tpu.yield
      }) : () -> ()
      %add3A_111 = arith.constant 3 : i32
      %add3A_112 = arith.addi %mul3A_86, %add3A_111 : i32
      %dma_start3A_113 = arith.constant 0 : i32
      %dma_start3A_114 = tpu.memref_slice %arg7[%add3A_112, %dma_start3A_113] : memref<40x128xi32, #tpu.memory_space<vmem>> -> memref<1x128xi32, #tpu.memory_space<vmem>>
      %dma_start3A_115 = tpu.memref_squeeze %dma_start3A_114 : memref<1x128xi32, #tpu.memory_space<vmem>> -> memref<128xi32, #tpu.memory_space<vmem>>
      %dma_start3A_116 = arith.constant 0 : i32
      %dma_start3A_117 = arith.constant 0 : i32
      %dma_start3A_118 = tpu.memref_slice %arg2[%dma_start3A_116, %dma_start3A_117] : memref<10000x128xf32, #tpu.memory_space<hbm>> -> memref<10000x128xf32, #tpu.memory_space<hbm>>
      tpu.enqueue_indirect_dma source(%dma_start3A_118 : memref<10000x128xf32, #tpu.memory_space<hbm>>) target(%arg10 : memref<128x128xf32, #tpu.memory_space<vmem>>) offsets(%dma_start3A_115 : memref<128xi32, #tpu.memory_space<vmem>>) semaphore(%arg12 : memref<!tpu.dma_semaphore, #tpu.memory_space<semaphore_mem>>)
    }
    %scan3A_64 = arith.constant 19 : i32
    %dma_wait3A_65 = arith.constant 38 : i32
    %dma_wait3A_66 = arith.constant 0 : i32
    %dma_wait3A_67 = tpu.memref_slice %arg7[%dma_wait3A_65, %dma_wait3A_66] : memref<40x128xi32, #tpu.memory_space<vmem>> -> memref<1x128xi32, #tpu.memory_space<vmem>>
    %dma_wait3A_68 = tpu.memref_squeeze %dma_wait3A_67 : memref<1x128xi32, #tpu.memory_space<vmem>> -> memref<128xi32, #tpu.memory_space<vmem>>
    %dma_wait3A_69 = arith.constant 0 : i32
    %dma_wait3A_70 = arith.constant 0 : i32
    %dma_wait3A_71 = tpu.memref_slice %arg2[%dma_wait3A_69, %dma_wait3A_70] : memref<10000x128xf32, #tpu.memory_space<hbm>> -> memref<10000x128xf32, #tpu.memory_space<hbm>>
    tpu.wait_indirect_dma semaphore(%arg11 : memref<!tpu.dma_semaphore, #tpu.memory_space<semaphore_mem>>) src(%dma_wait3A_71 : memref<10000x128xf32, #tpu.memory_space<hbm>>) dst(%arg9 : memref<128x128xf32, #tpu.memory_space<vmem>>)
    %run_scoped3A_72 = arith.constant 38 : i32
    "tpu.region"() ({
      %run_scoped3A_84 = tpu.sem_alloc : memref<!tpu.dma_semaphore, #tpu.memory_space<semaphore_mem>>
      %dma_start3A_85 = arith.constant 0 : i32
      %dma_start3A_86 = tpu.memref_slice %arg8[%run_scoped3A_72, %dma_start3A_85] : memref<40x128xi32, #tpu.memory_space<vmem>> -> memref<1x128xi32, #tpu.memory_space<vmem>>
      %dma_start3A_87 = tpu.memref_squeeze %dma_start3A_86 : memref<1x128xi32, #tpu.memory_space<vmem>> -> memref<128xi32, #tpu.memory_space<vmem>>
      %dma_start3A_88 = arith.constant 0 : i32
      %dma_start3A_89 = arith.constant 0 : i32
      %dma_start3A_90 = tpu.memref_slice %arg13[%dma_start3A_88, %dma_start3A_89] : memref<10112x128xf32, #tpu.memory_space<vmem_shared>> -> memref<10112x128xf32, #tpu.memory_space<vmem_shared>>
      tpu.enqueue_indirect_dma source(%arg9 : memref<128x128xf32, #tpu.memory_space<vmem>>) target(%dma_start3A_90 : memref<10112x128xf32, #tpu.memory_space<vmem_shared>>) offsets(%dma_start3A_87 : memref<128xi32, #tpu.memory_space<vmem>>) semaphore(%run_scoped3A_84 : memref<!tpu.dma_semaphore, #tpu.memory_space<semaphore_mem>>) {add = true}
      %dma_wait3A_91 = arith.constant 0 : i32
      %dma_wait3A_92 = tpu.memref_slice %arg8[%run_scoped3A_72, %dma_wait3A_91] : memref<40x128xi32, #tpu.memory_space<vmem>> -> memref<1x128xi32, #tpu.memory_space<vmem>>
      %dma_wait3A_93 = tpu.memref_squeeze %dma_wait3A_92 : memref<1x128xi32, #tpu.memory_space<vmem>> -> memref<128xi32, #tpu.memory_space<vmem>>
      %dma_wait3A_94 = arith.constant 0 : i32
      %dma_wait3A_95 = arith.constant 0 : i32
      %dma_wait3A_96 = tpu.memref_slice %arg13[%dma_wait3A_94, %dma_wait3A_95] : memref<10112x128xf32, #tpu.memory_space<vmem_shared>> -> memref<10112x128xf32, #tpu.memory_space<vmem_shared>>
      tpu.wait_indirect_dma semaphore(%run_scoped3A_84 : memref<!tpu.dma_semaphore, #tpu.memory_space<semaphore_mem>>) src(%arg9 : memref<128x128xf32, #tpu.memory_space<vmem>>) dst(%dma_wait3A_96 : memref<10112x128xf32, #tpu.memory_space<vmem_shared>>)
      tpu.yield
    }) : () -> ()
    %dma_wait3A_73 = arith.constant 39 : i32
    %dma_wait3A_74 = arith.constant 0 : i32
    %dma_wait3A_75 = tpu.memref_slice %arg7[%dma_wait3A_73, %dma_wait3A_74] : memref<40x128xi32, #tpu.memory_space<vmem>> -> memref<1x128xi32, #tpu.memory_space<vmem>>
    %dma_wait3A_76 = tpu.memref_squeeze %dma_wait3A_75 : memref<1x128xi32, #tpu.memory_space<vmem>> -> memref<128xi32, #tpu.memory_space<vmem>>
    %dma_wait3A_77 = arith.constant 0 : i32
    %dma_wait3A_78 = arith.constant 0 : i32
    %dma_wait3A_79 = tpu.memref_slice %arg2[%dma_wait3A_77, %dma_wait3A_78] : memref<10000x128xf32, #tpu.memory_space<hbm>> -> memref<10000x128xf32, #tpu.memory_space<hbm>>
    tpu.wait_indirect_dma semaphore(%arg12 : memref<!tpu.dma_semaphore, #tpu.memory_space<semaphore_mem>>) src(%dma_wait3A_79 : memref<10000x128xf32, #tpu.memory_space<hbm>>) dst(%arg10 : memref<128x128xf32, #tpu.memory_space<vmem>>)
    %run_scoped3A_80 = arith.constant 39 : i32
    "tpu.region"() ({
      %run_scoped3A_84 = tpu.sem_alloc : memref<!tpu.dma_semaphore, #tpu.memory_space<semaphore_mem>>
      %dma_start3A_85 = arith.constant 0 : i32
      %dma_start3A_86 = tpu.memref_slice %arg8[%run_scoped3A_80, %dma_start3A_85] : memref<40x128xi32, #tpu.memory_space<vmem>> -> memref<1x128xi32, #tpu.memory_space<vmem>>
      %dma_start3A_87 = tpu.memref_squeeze %dma_start3A_86 : memref<1x128xi32, #tpu.memory_space<vmem>> -> memref<128xi32, #tpu.memory_space<vmem>>
      %dma_start3A_88 = arith.constant 0 : i32
      %dma_start3A_89 = arith.constant 0 : i32
      %dma_start3A_90 = tpu.memref_slice %arg13[%dma_start3A_88, %dma_start3A_89] : memref<10112x128xf32, #tpu.memory_space<vmem_shared>> -> memref<10112x128xf32, #tpu.memory_space<vmem_shared>>
      tpu.enqueue_indirect_dma source(%arg10 : memref<128x128xf32, #tpu.memory_space<vmem>>) target(%dma_start3A_90 : memref<10112x128xf32, #tpu.memory_space<vmem_shared>>) offsets(%dma_start3A_87 : memref<128xi32, #tpu.memory_space<vmem>>) semaphore(%run_scoped3A_84 : memref<!tpu.dma_semaphore, #tpu.memory_space<semaphore_mem>>) {add = true}
      %dma_wait3A_91 = arith.constant 0 : i32
      %dma_wait3A_92 = tpu.memref_slice %arg8[%run_scoped3A_80, %dma_wait3A_91] : memref<40x128xi32, #tpu.memory_space<vmem>> -> memref<1x128xi32, #tpu.memory_space<vmem>>
      %dma_wait3A_93 = tpu.memref_squeeze %dma_wait3A_92 : memref<1x128xi32, #tpu.memory_space<vmem>> -> memref<128xi32, #tpu.memory_space<vmem>>
      %dma_wait3A_94 = arith.constant 0 : i32
      %dma_wait3A_95 = arith.constant 0 : i32
      %dma_wait3A_96 = tpu.memref_slice %arg13[%dma_wait3A_94, %dma_wait3A_95] : memref<10112x128xf32, #tpu.memory_space<vmem_shared>> -> memref<10112x128xf32, #tpu.memory_space<vmem_shared>>
      tpu.wait_indirect_dma semaphore(%run_scoped3A_84 : memref<!tpu.dma_semaphore, #tpu.memory_space<semaphore_mem>>) src(%arg10 : memref<128x128xf32, #tpu.memory_space<vmem>>) dst(%dma_wait3A_96 : memref<10112x128xf32, #tpu.memory_space<vmem_shared>>)
      tpu.yield
    }) : () -> ()
    %barrier3A_81 = arith.constant 0 : index
    tpu.barrier barrier_id(%barrier3A_81)
    %mul3A_82 = arith.constant 632 : i32
    %mul3A_83 = arith.muli %arg1, %mul3A_82 : i32
    "tpu.region"() ({
      %run_scoped3A_84 = tpu.sem_alloc : memref<!tpu.dma_semaphore, #tpu.memory_space<semaphore_mem>>
      %dma_start3A_85 = arith.constant 0 : i32
      %dma_start3A_86 = arith.constant 0 : i32
      %dma_start3A_87 = tpu.memref_slice %arg6[%arg0, %dma_start3A_85, %dma_start3A_86] : memref<2x10112x128xf32, #tpu.memory_space<hbm>> -> memref<1x10112x128xf32, #tpu.memory_space<hbm>>
      %dma_start3A_88 = tpu.memref_squeeze %dma_start3A_87 : memref<1x10112x128xf32, #tpu.memory_space<hbm>> -> memref<10112x128xf32, #tpu.memory_space<hbm>>
      %dma_start3A_89 = arith.constant 0 : i32
      %dma_start3A_90 = tpu.memref_slice %dma_start3A_88[%mul3A_83, %dma_start3A_89] : memref<10112x128xf32, #tpu.memory_space<hbm>> -> memref<632x128xf32, #tpu.memory_space<hbm>>
      %dma_start3A_91 = arith.constant 0 : i32
      %dma_start3A_92 = tpu.memref_slice %arg13[%mul3A_83, %dma_start3A_91] : memref<10112x128xf32, #tpu.memory_space<vmem_shared>> -> memref<632x128xf32, #tpu.memory_space<vmem_shared>>
      tpu.enqueue_dma source(%dma_start3A_92 : memref<632x128xf32, #tpu.memory_space<vmem_shared>>) target(%dma_start3A_90 : memref<632x128xf32, #tpu.memory_space<hbm>>) target_semaphore(%run_scoped3A_84 : memref<!tpu.dma_semaphore, #tpu.memory_space<semaphore_mem>>)
      %dma_wait3A_93 = arith.constant 0 : i32
      %dma_wait3A_94 = arith.constant 0 : i32
      %dma_wait3A_95 = tpu.memref_slice %arg6[%arg0, %dma_wait3A_93, %dma_wait3A_94] : memref<2x10112x128xf32, #tpu.memory_space<hbm>> -> memref<1x10112x128xf32, #tpu.memory_space<hbm>>
      %dma_wait3A_96 = tpu.memref_squeeze %dma_wait3A_95 : memref<1x10112x128xf32, #tpu.memory_space<hbm>> -> memref<10112x128xf32, #tpu.memory_space<hbm>>
      %dma_wait3A_97 = arith.constant 0 : i32
      %dma_wait3A_98 = tpu.memref_slice %dma_wait3A_96[%mul3A_83, %dma_wait3A_97] : memref<10112x128xf32, #tpu.memory_space<hbm>> -> memref<632x128xf32, #tpu.memory_space<hbm>>
      %dma_wait3A_99 = arith.constant 0 : i32
      %dma_wait3A_100 = tpu.memref_slice %arg13[%mul3A_83, %dma_wait3A_99] : memref<10112x128xf32, #tpu.memory_space<vmem_shared>> -> memref<632x128xf32, #tpu.memory_space<vmem_shared>>
      tpu.wait_dma2 semaphore(%run_scoped3A_84 : memref<!tpu.dma_semaphore, #tpu.memory_space<semaphore_mem>>) src(%dma_wait3A_100 : memref<632x128xf32, #tpu.memory_space<vmem_shared>>) dst(%dma_wait3A_98 : memref<632x128xf32, #tpu.memory_space<hbm>>)
      tpu.yield
    }) : () -> ()
    return
  }
}

module attributes {stable_mosaic.version = 14 : i64} {
  func.func @_tc_init_body(%arg0: i32, %arg1: memref<1000x128xf32, #tpu.memory_space<vmem>>, %arg2: memref<128x128xf32, #tpu.memory_space<vmem>>, %arg3: memref<128x128xf32, #tpu.memory_space<vmem>>, %arg4: memref<128x64xf32, #tpu.memory_space<vmem>>, %arg5: memref<1x64xf32, #tpu.memory_space<vmem>>, %arg6: memref<1000x64xf32, #tpu.memory_space<vmem>>, %arg7: memref<1000x128xf32, #tpu.memory_space<vmem>>) attributes {dimension_semantics = [#tpu.dimension_semantics<arbitrary>], iteration_bounds = array<i64: 10>, scalar_prefetch = 0 : i64, scratch_operands = 0 : i64, tpu.core_type = #tpu.core_type<tc>, window_params = [{transform_indices = @transform_0, window_bounds = array<i64: 1000, 128>}, {pipeline_mode = #tpu.pipeline_mode<synchronous>, transform_indices = @transform_1, window_bounds = array<i64: 128, 128>}, {pipeline_mode = #tpu.pipeline_mode<synchronous>, transform_indices = @transform_2, window_bounds = array<i64: 128, 128>}, {pipeline_mode = #tpu.pipeline_mode<synchronous>, transform_indices = @transform_3, window_bounds = array<i64: 128, 64>}, {pipeline_mode = #tpu.pipeline_mode<synchronous>, transform_indices = @transform_4, window_bounds = array<i64: 1, 64>}, {transform_indices = @transform_5, window_bounds = array<i64: 1000, 64>}, {transform_indices = @transform_6, window_bounds = array<i64: 1000, 128>}]} {
    %get3A = arith.constant 0 : index
    %get3A_0 = arith.constant 0 : index
    %get3A_1 = vector.load %arg1[%get3A, %get3A_0] : memref<1000x128xf32, #tpu.memory_space<vmem>>, vector<1000x128xf32>
    %get3A_2 = arith.constant 0 : index
    %get3A_3 = arith.constant 0 : index
    %get3A_4 = vector.load %arg2[%get3A_2, %get3A_3] : memref<128x128xf32, #tpu.memory_space<vmem>>, vector<128x128xf32>
    %dot_general3A = arith.constant dense<0.000000e+00> : vector<1000x128xf32>
    %dot_general3A_5 = tpu.matmul %get3A_1, %get3A_4, %dot_general3A {dimension_numbers = #tpu.dot_dimension_numbers<[1], [0], [0], [1], [0, 0, 1, 1], [], []>, transpose_lhs_hint = false} : vector<1000x128xf32>, vector<128x128xf32>, vector<1000x128xf32> -> vector<1000x128xf32>
    %get3A_6 = arith.constant 0 : index
    %get3A_7 = arith.constant 0 : index
    %get3A_8 = vector.load %arg4[%get3A_6, %get3A_7] : memref<128x64xf32, #tpu.memory_space<vmem>>, vector<128x64xf32>
    %dot_general3A_9 = arith.constant dense<0.000000e+00> : vector<1000x64xf32>
    %dot_general3A_10 = tpu.matmul %dot_general3A_5, %get3A_8, %dot_general3A_9 {dimension_numbers = #tpu.dot_dimension_numbers<[1], [0], [0], [1], [0, 0, 1, 1], [], []>, transpose_lhs_hint = false} : vector<1000x128xf32>, vector<128x64xf32>, vector<1000x64xf32> -> vector<1000x64xf32>
    %get3A_11 = arith.constant 0 : index
    %get3A_12 = arith.constant 0 : index
    %get3A_13 = vector.load %arg5[%get3A_11, %get3A_12] : memref<1x64xf32, #tpu.memory_space<vmem>>, vector<1x64xf32>
    %add3A = vector.broadcast %get3A_13 : vector<1x64xf32> to vector<1000x64xf32>
    %add3A_14 = arith.addf %dot_general3A_10, %add3A : vector<1000x64xf32>
    %swap3A = arith.constant 0 : index
    %swap3A_15 = arith.constant 0 : index
    %swap3A_16 = vector.load %arg6[%swap3A, %swap3A_15] : memref<1000x64xf32, #tpu.memory_space<vmem>>, vector<1000x64xf32>
    tpu.vector_store %arg6[%swap3A, %swap3A_15], %add3A_14 {strides = array<i32>} : memref<1000x64xf32, #tpu.memory_space<vmem>>, vector<1000x64xf32>,
    %get3A_17 = arith.constant 0 : index
    %get3A_18 = arith.constant 0 : index
    %get3A_19 = vector.load %arg3[%get3A_17, %get3A_18] : memref<128x128xf32, #tpu.memory_space<vmem>>, vector<128x128xf32>
    %dot_general3A_20 = arith.constant dense<0.000000e+00> : vector<1000x128xf32>
    %dot_general3A_21 = tpu.matmul %get3A_1, %get3A_19, %dot_general3A_20 {dimension_numbers = #tpu.dot_dimension_numbers<[1], [0], [0], [1], [0, 0, 1, 1], [], []>, transpose_lhs_hint = false} : vector<1000x128xf32>, vector<128x128xf32>, vector<1000x128xf32> -> vector<1000x128xf32>
    %swap3A_22 = arith.constant 0 : index
    %swap3A_23 = arith.constant 0 : index
    %swap3A_24 = vector.load %arg7[%swap3A_22, %swap3A_23] : memref<1000x128xf32, #tpu.memory_space<vmem>>, vector<1000x128xf32>
    tpu.vector_store %arg7[%swap3A_22, %swap3A_23], %dot_general3A_21 {strides = array<i32>} : memref<1000x128xf32, #tpu.memory_space<vmem>>, vector<1000x128xf32>,
    return
  }
  func.func @transform_0(%arg0: i32) -> (i32, i32) {
    %c0_i32 = arith.constant 0 : i32
    %c0_i32_0 = arith.constant 0 : i32
    return %arg0, %c0_i32 : i32, i32
  }
  func.func @transform_1(%arg0: i32) -> (i32, i32) {
    %c0_i32 = arith.constant 0 : i32
    %c0_i32_0 = arith.constant 0 : i32
    %c0_i32_1 = arith.constant 0 : i32
    return %c0_i32, %c0_i32_0 : i32, i32
  }
  func.func @transform_2(%arg0: i32) -> (i32, i32) {
    %c0_i32 = arith.constant 0 : i32
    %c0_i32_0 = arith.constant 0 : i32
    %c0_i32_1 = arith.constant 0 : i32
    return %c0_i32, %c0_i32_0 : i32, i32
  }
  func.func @transform_3(%arg0: i32) -> (i32, i32) {
    %c0_i32 = arith.constant 0 : i32
    %c0_i32_0 = arith.constant 0 : i32
    %c0_i32_1 = arith.constant 0 : i32
    return %c0_i32, %c0_i32_0 : i32, i32
  }
  func.func @transform_4(%arg0: i32) -> (i32, i32) {
    %c0_i32 = arith.constant 0 : i32
    %c0_i32_0 = arith.constant 0 : i32
    %c0_i32_1 = arith.constant 0 : i32
    return %c0_i32, %c0_i32_0 : i32, i32
  }
  func.func @transform_5(%arg0: i32) -> (i32, i32) {
    %c0_i32 = arith.constant 0 : i32
    %c0_i32_0 = arith.constant 0 : i32
    return %arg0, %c0_i32 : i32, i32
  }
  func.func @transform_6(%arg0: i32) -> (i32, i32) {
    %c0_i32 = arith.constant 0 : i32
    %c0_i32_0 = arith.constant 0 : i32
    return %arg0, %c0_i32 : i32, i32
  }
}

module attributes {stable_mosaic.version = 14 : i64} {
  func.func @_tc_scale_body(%arg0: i32, %arg1: memref<1000x128xf32, #tpu.memory_space<vmem>>, %arg2: memref<1000x1xf32, #tpu.memory_space<vmem>>, %arg3: memref<1000x128xf32, #tpu.memory_space<vmem>>) attributes {dimension_semantics = [#tpu.dimension_semantics<arbitrary>], iteration_bounds = array<i64: 10>, scalar_prefetch = 0 : i64, scratch_operands = 0 : i64, tpu.core_type = #tpu.core_type<tc>, window_params = [{transform_indices = @transform_0, window_bounds = array<i64: 1000, 128>}, {transform_indices = @transform_1, window_bounds = array<i64: 1000, 1>}, {transform_indices = @transform_2, window_bounds = array<i64: 1000, 128>}]} {
    %get3A = arith.constant 0 : index
    %get3A_0 = arith.constant 0 : index
    %get3A_1 = vector.load %arg1[%get3A, %get3A_0] : memref<1000x128xf32, #tpu.memory_space<vmem>>, vector<1000x128xf32>
    %get3A_2 = arith.constant 0 : index
    %get3A_3 = arith.constant 0 : index
    %get3A_4 = vector.load %arg2[%get3A_2, %get3A_3] : memref<1000x1xf32, #tpu.memory_space<vmem>>, vector<1000x1xf32>
    %rsqrt3A = math.rsqrt %get3A_4 : vector<1000x1xf32>
    %mul3A = vector.broadcast %rsqrt3A : vector<1000x1xf32> to vector<1000x128xf32>
    %mul3A_5 = arith.mulf %get3A_1, %mul3A : vector<1000x128xf32>
    %swap3A = arith.constant 0 : index
    %swap3A_6 = arith.constant 0 : index
    %swap3A_7 = vector.load %arg3[%swap3A, %swap3A_6] : memref<1000x128xf32, #tpu.memory_space<vmem>>, vector<1000x128xf32>
    tpu.vector_store %arg3[%swap3A, %swap3A_6], %mul3A_5 {strides = array<i32>} : memref<1000x128xf32, #tpu.memory_space<vmem>>, vector<1000x128xf32>,
    return
  }
  func.func @transform_0(%arg0: i32) -> (i32, i32) {
    %c0_i32 = arith.constant 0 : i32
    %c0_i32_0 = arith.constant 0 : i32
    return %arg0, %c0_i32 : i32, i32
  }
  func.func @transform_1(%arg0: i32) -> (i32, i32) {
    %c0_i32 = arith.constant 0 : i32
    %c0_i32_0 = arith.constant 0 : i32
    return %arg0, %c0_i32 : i32, i32
  }
  func.func @transform_2(%arg0: i32) -> (i32, i32) {
    %c0_i32 = arith.constant 0 : i32
    %c0_i32_0 = arith.constant 0 : i32
    return %arg0, %c0_i32 : i32, i32
  }
}

module attributes {stable_mosaic.version = 14 : i64} {
  func.func @_tc_step_body(%arg0: i32, %arg1: memref<2x1000x128xf32, #tpu.memory_space<vmem>>, %arg2: memref<1000x128xf32, #tpu.memory_space<vmem>>, %arg3: memref<1000x1xf32, #tpu.memory_space<vmem>>, %arg4: memref<1x128xf32, #tpu.memory_space<vmem>>, %arg5: memref<128x128xf32, #tpu.memory_space<vmem>>, %arg6: memref<128x64xf32, #tpu.memory_space<vmem>>, %arg7: memref<1000x64xf32, #tpu.memory_space<vmem>>, %arg8: memref<1000x64xf32, #tpu.memory_space<vmem>>, %arg9: memref<1000x128xf32, #tpu.memory_space<vmem>>, %arg10: memref<1000x128xf32, #tpu.memory_space<vmem>>) attributes {dimension_semantics = [#tpu.dimension_semantics<arbitrary>], iteration_bounds = array<i64: 10>, scalar_prefetch = 0 : i64, scratch_operands = 0 : i64, tpu.core_type = #tpu.core_type<tc>, window_params = [{transform_indices = @transform_0, window_bounds = array<i64: 2, 1000, 128>}, {transform_indices = @transform_1, window_bounds = array<i64: 1000, 128>}, {transform_indices = @transform_2, window_bounds = array<i64: 1000, 1>}, {pipeline_mode = #tpu.pipeline_mode<synchronous>, transform_indices = @transform_3, window_bounds = array<i64: 1, 128>}, {pipeline_mode = #tpu.pipeline_mode<synchronous>, transform_indices = @transform_4, window_bounds = array<i64: 128, 128>}, {pipeline_mode = #tpu.pipeline_mode<synchronous>, transform_indices = @transform_5, window_bounds = array<i64: 128, 64>}, {transform_indices = @transform_6, window_bounds = array<i64: 1000, 64>}, {transform_indices = @transform_7, window_bounds = array<i64: 1000, 64>}, {transform_indices = @transform_8, window_bounds = array<i64: 1000, 128>}, {transform_indices = @transform_9, window_bounds = array<i64: 1000, 128>}]} {
    %get3A = arith.constant 0 : index
    %get3A_0 = arith.constant 0 : index
    %get3A_1 = vector.load %arg3[%get3A, %get3A_0] : memref<1000x1xf32, #tpu.memory_space<vmem>>, vector<1000x1xf32>
    %rsqrt3A = math.rsqrt %get3A_1 : vector<1000x1xf32>
    %get3A_2 = arith.constant 0 : index
    %get3A_3 = arith.constant 0 : index
    %get3A_4 = arith.constant 0 : index
    %get3A_5 = vector.load %arg1[%get3A_2, %get3A_3, %get3A_4] : memref<2x1000x128xf32, #tpu.memory_space<vmem>>, vector<1x1000x128xf32>
    %get3A_6 = vector.shape_cast %get3A_5 : vector<1x1000x128xf32> to vector<1000x128xf32>
    %get3A_7 = arith.constant 1 : index
    %get3A_8 = arith.constant 0 : index
    %get3A_9 = arith.constant 0 : index
    %get3A_10 = vector.load %arg1[%get3A_7, %get3A_8, %get3A_9] : memref<2x1000x128xf32, #tpu.memory_space<vmem>>, vector<1x1000x128xf32>
    %get3A_11 = vector.shape_cast %get3A_10 : vector<1x1000x128xf32> to vector<1000x128xf32>
    %add3A = arith.addf %get3A_6, %get3A_11 : vector<1000x128xf32>
    %mul3A = vector.broadcast %rsqrt3A : vector<1000x1xf32> to vector<1000x128xf32>
    %mul3A_12 = arith.mulf %mul3A, %add3A : vector<1000x128xf32>
    %mul3A_13 = arith.mulf %rsqrt3A, %rsqrt3A : vector<1000x1xf32>
    %get3A_14 = arith.constant 0 : index
    %get3A_15 = arith.constant 0 : index
    %get3A_16 = vector.load %arg2[%get3A_14, %get3A_15] : memref<1000x128xf32, #tpu.memory_space<vmem>>, vector<1000x128xf32>
    %mul3A_17 = vector.broadcast %mul3A_13 : vector<1000x1xf32> to vector<1000x128xf32>
    %mul3A_18 = arith.mulf %mul3A_17, %get3A_16 : vector<1000x128xf32>
    %add3A_19 = arith.addf %mul3A_12, %mul3A_18 : vector<1000x128xf32>
    %get3A_20 = arith.constant 0 : index
    %get3A_21 = arith.constant 0 : index
    %get3A_22 = vector.load %arg4[%get3A_20, %get3A_21] : memref<1x128xf32, #tpu.memory_space<vmem>>, vector<1x128xf32>
    %add3A_23 = vector.broadcast %get3A_22 : vector<1x128xf32> to vector<1000x128xf32>
    %add3A_24 = arith.addf %add3A_19, %add3A_23 : vector<1000x128xf32>
    %max3A = arith.constant 0.000000e+00 : f32
    %max3A_25 = vector.broadcast %max3A : f32 to vector<1000x128xf32>
    %max3A_26 = arith.maximumf %add3A_24, %max3A_25 : vector<1000x128xf32>
    %get3A_27 = arith.constant 0 : index
    %get3A_28 = arith.constant 0 : index
    %get3A_29 = vector.load %arg7[%get3A_27, %get3A_28] : memref<1000x64xf32, #tpu.memory_space<vmem>>, vector<1000x64xf32>
    %get3A_30 = arith.constant 0 : index
    %get3A_31 = arith.constant 0 : index
    %get3A_32 = vector.load %arg6[%get3A_30, %get3A_31] : memref<128x64xf32, #tpu.memory_space<vmem>>, vector<128x64xf32>
    %dot_general3A = arith.constant dense<0.000000e+00> : vector<1000x64xf32>
    %dot_general3A_33 = tpu.matmul %max3A_26, %get3A_32, %dot_general3A {dimension_numbers = #tpu.dot_dimension_numbers<[1], [0], [0], [1], [0, 0, 1, 1], [], []>, transpose_lhs_hint = false} : vector<1000x128xf32>, vector<128x64xf32>, vector<1000x64xf32> -> vector<1000x64xf32>
    %add3A_34 = arith.addf %get3A_29, %dot_general3A_33 : vector<1000x64xf32>
    %swap3A = arith.constant 0 : index
    %swap3A_35 = arith.constant 0 : index
    %swap3A_36 = vector.load %arg8[%swap3A, %swap3A_35] : memref<1000x64xf32, #tpu.memory_space<vmem>>, vector<1000x64xf32>
    tpu.vector_store %arg8[%swap3A, %swap3A_35], %add3A_34 {strides = array<i32>} : memref<1000x64xf32, #tpu.memory_space<vmem>>, vector<1000x64xf32>,
    %get3A_37 = arith.constant 0 : index
    %get3A_38 = arith.constant 0 : index
    %get3A_39 = vector.load %arg5[%get3A_37, %get3A_38] : memref<128x128xf32, #tpu.memory_space<vmem>>, vector<128x128xf32>
    %dot_general3A_40 = arith.constant dense<0.000000e+00> : vector<1000x128xf32>
    %dot_general3A_41 = tpu.matmul %max3A_26, %get3A_39, %dot_general3A_40 {dimension_numbers = #tpu.dot_dimension_numbers<[1], [0], [0], [1], [0, 0, 1, 1], [], []>, transpose_lhs_hint = false} : vector<1000x128xf32>, vector<128x128xf32>, vector<1000x128xf32> -> vector<1000x128xf32>
    %swap3A_42 = arith.constant 0 : index
    %swap3A_43 = arith.constant 0 : index
    %swap3A_44 = vector.load %arg9[%swap3A_42, %swap3A_43] : memref<1000x128xf32, #tpu.memory_space<vmem>>, vector<1000x128xf32>
    tpu.vector_store %arg9[%swap3A_42, %swap3A_43], %dot_general3A_41 {strides = array<i32>} : memref<1000x128xf32, #tpu.memory_space<vmem>>, vector<1000x128xf32>,
    %mul3A_45 = vector.broadcast %rsqrt3A : vector<1000x1xf32> to vector<1000x128xf32>
    %mul3A_46 = arith.mulf %dot_general3A_41, %mul3A_45 : vector<1000x128xf32>
    %swap3A_47 = arith.constant 0 : index
    %swap3A_48 = arith.constant 0 : index
    %swap3A_49 = vector.load %arg10[%swap3A_47, %swap3A_48] : memref<1000x128xf32, #tpu.memory_space<vmem>>, vector<1000x128xf32>
    tpu.vector_store %arg10[%swap3A_47, %swap3A_48], %mul3A_46 {strides = array<i32>} : memref<1000x128xf32, #tpu.memory_space<vmem>>, vector<1000x128xf32>,
    return
  }
  func.func @transform_0(%arg0: i32) -> (i32, i32, i32) {
    %c0_i32 = arith.constant 0 : i32
    %c0_i32_0 = arith.constant 0 : i32
    %c0_i32_1 = arith.constant 0 : i32
    return %c0_i32, %arg0, %c0_i32_0 : i32, i32, i32
  }
  func.func @transform_1(%arg0: i32) -> (i32, i32) {
    %c0_i32 = arith.constant 0 : i32
    %c0_i32_0 = arith.constant 0 : i32
    return %arg0, %c0_i32 : i32, i32
  }
  func.func @transform_2(%arg0: i32) -> (i32, i32) {
    %c0_i32 = arith.constant 0 : i32
    %c0_i32_0 = arith.constant 0 : i32
    return %arg0, %c0_i32 : i32, i32
  }
  func.func @transform_3(%arg0: i32) -> (i32, i32) {
    %c0_i32 = arith.constant 0 : i32
    %c0_i32_0 = arith.constant 0 : i32
    %c0_i32_1 = arith.constant 0 : i32
    return %c0_i32, %c0_i32_0 : i32, i32
  }
  func.func @transform_4(%arg0: i32) -> (i32, i32) {
    %c0_i32 = arith.constant 0 : i32
    %c0_i32_0 = arith.constant 0 : i32
    %c0_i32_1 = arith.constant 0 : i32
    return %c0_i32, %c0_i32_0 : i32, i32
  }
  func.func @transform_5(%arg0: i32) -> (i32, i32) {
    %c0_i32 = arith.constant 0 : i32
    %c0_i32_0 = arith.constant 0 : i32
    %c0_i32_1 = arith.constant 0 : i32
    return %c0_i32, %c0_i32_0 : i32, i32
  }
  func.func @transform_6(%arg0: i32) -> (i32, i32) {
    %c0_i32 = arith.constant 0 : i32
    %c0_i32_0 = arith.constant 0 : i32
    return %arg0, %c0_i32 : i32, i32
  }
  func.func @transform_7(%arg0: i32) -> (i32, i32) {
    %c0_i32 = arith.constant 0 : i32
    %c0_i32_0 = arith.constant 0 : i32
    return %arg0, %c0_i32 : i32, i32
  }
  func.func @transform_8(%arg0: i32) -> (i32, i32) {
    %c0_i32 = arith.constant 0 : i32
    %c0_i32_0 = arith.constant 0 : i32
    return %arg0, %c0_i32 : i32, i32
  }
  func.func @transform_9(%arg0: i32) -> (i32, i32) {
    %c0_i32 = arith.constant 0 : i32
    %c0_i32_0 = arith.constant 0 : i32
    return %arg0, %c0_i32 : i32, i32
  }
}

module attributes {stable_mosaic.version = 14 : i64} {
  func.func @_tc_final_body(%arg0: i32, %arg1: memref<2x1000x128xf32, #tpu.memory_space<vmem>>, %arg2: memref<1000x128xf32, #tpu.memory_space<vmem>>, %arg3: memref<1000x1xf32, #tpu.memory_space<vmem>>, %arg4: memref<1x128xf32, #tpu.memory_space<vmem>>, %arg5: memref<128x64xf32, #tpu.memory_space<vmem>>, %arg6: memref<1000x64xf32, #tpu.memory_space<vmem>>, %arg7: memref<1000x64xf32, #tpu.memory_space<vmem>>) attributes {dimension_semantics = [#tpu.dimension_semantics<arbitrary>], iteration_bounds = array<i64: 10>, scalar_prefetch = 0 : i64, scratch_operands = 0 : i64, tpu.core_type = #tpu.core_type<tc>, window_params = [{transform_indices = @transform_0, window_bounds = array<i64: 2, 1000, 128>}, {transform_indices = @transform_1, window_bounds = array<i64: 1000, 128>}, {transform_indices = @transform_2, window_bounds = array<i64: 1000, 1>}, {pipeline_mode = #tpu.pipeline_mode<synchronous>, transform_indices = @transform_3, window_bounds = array<i64: 1, 128>}, {pipeline_mode = #tpu.pipeline_mode<synchronous>, transform_indices = @transform_4, window_bounds = array<i64: 128, 64>}, {transform_indices = @transform_5, window_bounds = array<i64: 1000, 64>}, {transform_indices = @transform_6, window_bounds = array<i64: 1000, 64>}]} {
    %get3A = arith.constant 0 : index
    %get3A_0 = arith.constant 0 : index
    %get3A_1 = vector.load %arg3[%get3A, %get3A_0] : memref<1000x1xf32, #tpu.memory_space<vmem>>, vector<1000x1xf32>
    %rsqrt3A = math.rsqrt %get3A_1 : vector<1000x1xf32>
    %get3A_2 = arith.constant 0 : index
    %get3A_3 = arith.constant 0 : index
    %get3A_4 = arith.constant 0 : index
    %get3A_5 = vector.load %arg1[%get3A_2, %get3A_3, %get3A_4] : memref<2x1000x128xf32, #tpu.memory_space<vmem>>, vector<1x1000x128xf32>
    %get3A_6 = vector.shape_cast %get3A_5 : vector<1x1000x128xf32> to vector<1000x128xf32>
    %get3A_7 = arith.constant 1 : index
    %get3A_8 = arith.constant 0 : index
    %get3A_9 = arith.constant 0 : index
    %get3A_10 = vector.load %arg1[%get3A_7, %get3A_8, %get3A_9] : memref<2x1000x128xf32, #tpu.memory_space<vmem>>, vector<1x1000x128xf32>
    %get3A_11 = vector.shape_cast %get3A_10 : vector<1x1000x128xf32> to vector<1000x128xf32>
    %add3A = arith.addf %get3A_6, %get3A_11 : vector<1000x128xf32>
    %mul3A = vector.broadcast %rsqrt3A : vector<1000x1xf32> to vector<1000x128xf32>
    %mul3A_12 = arith.mulf %mul3A, %add3A : vector<1000x128xf32>
    %mul3A_13 = arith.mulf %rsqrt3A, %rsqrt3A : vector<1000x1xf32>
    %get3A_14 = arith.constant 0 : index
    %get3A_15 = arith.constant 0 : index
    %get3A_16 = vector.load %arg2[%get3A_14, %get3A_15] : memref<1000x128xf32, #tpu.memory_space<vmem>>, vector<1000x128xf32>
    %mul3A_17 = vector.broadcast %mul3A_13 : vector<1000x1xf32> to vector<1000x128xf32>
    %mul3A_18 = arith.mulf %mul3A_17, %get3A_16 : vector<1000x128xf32>
    %add3A_19 = arith.addf %mul3A_12, %mul3A_18 : vector<1000x128xf32>
    %get3A_20 = arith.constant 0 : index
    %get3A_21 = arith.constant 0 : index
    %get3A_22 = vector.load %arg4[%get3A_20, %get3A_21] : memref<1x128xf32, #tpu.memory_space<vmem>>, vector<1x128xf32>
    %add3A_23 = vector.broadcast %get3A_22 : vector<1x128xf32> to vector<1000x128xf32>
    %add3A_24 = arith.addf %add3A_19, %add3A_23 : vector<1000x128xf32>
    %max3A = arith.constant 0.000000e+00 : f32
    %max3A_25 = vector.broadcast %max3A : f32 to vector<1000x128xf32>
    %max3A_26 = arith.maximumf %add3A_24, %max3A_25 : vector<1000x128xf32>
    %get3A_27 = arith.constant 0 : index
    %get3A_28 = arith.constant 0 : index
    %get3A_29 = vector.load %arg6[%get3A_27, %get3A_28] : memref<1000x64xf32, #tpu.memory_space<vmem>>, vector<1000x64xf32>
    %get3A_30 = arith.constant 0 : index
    %get3A_31 = arith.constant 0 : index
    %get3A_32 = vector.load %arg5[%get3A_30, %get3A_31] : memref<128x64xf32, #tpu.memory_space<vmem>>, vector<128x64xf32>
    %dot_general3A = arith.constant dense<0.000000e+00> : vector<1000x64xf32>
    %dot_general3A_33 = tpu.matmul %max3A_26, %get3A_32, %dot_general3A {dimension_numbers = #tpu.dot_dimension_numbers<[1], [0], [0], [1], [0, 0, 1, 1], [], []>, transpose_lhs_hint = false} : vector<1000x128xf32>, vector<128x64xf32>, vector<1000x64xf32> -> vector<1000x64xf32>
    %add3A_34 = arith.addf %get3A_29, %dot_general3A_33 : vector<1000x64xf32>
    %swap3A = arith.constant 0 : index
    %swap3A_35 = arith.constant 0 : index
    %swap3A_36 = vector.load %arg7[%swap3A, %swap3A_35] : memref<1000x64xf32, #tpu.memory_space<vmem>>, vector<1000x64xf32>
    tpu.vector_store %arg7[%swap3A, %swap3A_35], %add3A_34 {strides = array<i32>} : memref<1000x64xf32, #tpu.memory_space<vmem>>, vector<1000x64xf32>,
    return
  }
  func.func @transform_0(%arg0: i32) -> (i32, i32, i32) {
    %c0_i32 = arith.constant 0 : i32
    %c0_i32_0 = arith.constant 0 : i32
    %c0_i32_1 = arith.constant 0 : i32
    return %c0_i32, %arg0, %c0_i32_0 : i32, i32, i32
  }
  func.func @transform_1(%arg0: i32) -> (i32, i32) {
    %c0_i32 = arith.constant 0 : i32
    %c0_i32_0 = arith.constant 0 : i32
    return %arg0, %c0_i32 : i32, i32
  }
  func.func @transform_2(%arg0: i32) -> (i32, i32) {
    %c0_i32 = arith.constant 0 : i32
    %c0_i32_0 = arith.constant 0 : i32
    return %arg0, %c0_i32 : i32, i32
  }
  func.func @transform_3(%arg0: i32) -> (i32, i32) {
    %c0_i32 = arith.constant 0 : i32
    %c0_i32_0 = arith.constant 0 : i32
    %c0_i32_1 = arith.constant 0 : i32
    return %c0_i32, %c0_i32_0 : i32, i32
  }
  func.func @transform_4(%arg0: i32) -> (i32, i32) {
    %c0_i32 = arith.constant 0 : i32
    %c0_i32_0 = arith.constant 0 : i32
    %c0_i32_1 = arith.constant 0 : i32
    return %c0_i32, %c0_i32_0 : i32, i32
  }
  func.func @transform_5(%arg0: i32) -> (i32, i32) {
    %c0_i32 = arith.constant 0 : i32
    %c0_i32_0 = arith.constant 0 : i32
    return %arg0, %c0_i32 : i32, i32
  }
  func.func @transform_6(%arg0: i32) -> (i32, i32) {
    %c0_i32 = arith.constant 0 : i32
    %c0_i32_0 = arith.constant 0 : i32
    return %arg0, %c0_i32 : i32, i32
  }
}

</mosaic_0001>

<sc_bundles>
// kernel: kernel.13.cloned.1.call-start
scs
__scs_entry_jumppad:
0x0: {  	(pc) =	sbr.rel $0x88, $3  }
0x1: {  	(tag) =	ssettag $0x0;
	lr =	simm.s32 $0x1  }
0x2: {  	[smem:$0x3F94] =	sst lr;
	_ =	strace $0xD0000000  }
0x3: {  	_ = 	snop  }
0x4: {  	_ = 	snop  }
0x5: {  	_ = 	snop  }
0x6: {  	_ = 	snop  }
0x7: {  	_ = 	snop  }
__scs_overlays_trampoline_lowered:
0x8: {  	[smem:$0x3FA3] =	sst s0  }
0x9: {  	[smem:$0x3FA4] =	sst s1  }
0xa: {  	[smem:$0x3FA5] =	sst s2  }
0xb: {  	[smem:$0x3FA6] =	sst s3  }
0xc: {  	[smem:$0x3FA7] =	sst s4  }
0xd: {  	[smem:$0x3FA8] =	sst s5  }
0xe: {  	[smem:$0x3FA9] =	sst s6  }
0xf: {  	[smem:$0x3FAA] =	sst s7  }
0x10: {  	[smem:$0x3FAB] =	sst s8  }
0x11: {  	[smem:$0x3FAC] =	sst s9;
	s0 =	simm.s32 @!p0 $0x0  }
0x12: {  	s1 =	sld [smem:$0x3F92];
	s0 =	simm.s32 @p0 $0x1  }
0x13: {  	[smem:$0x3FAD] =	sst s0;
	s0 =	simm.s32 @!p1 $0x0  }
0x14: {  	s2 =	sld [smem:$0x3F91];
	s0 =	simm.s32 @p1 $0x1  }
0x15: {  	[smem:$0x3FAE] =	sst s0;
	s0 =	simm.s32 @!p2 $0x0  }
0x16: {  	s3 =	sld [smem:$0x3FDB];
	s0 =	simm.s32 @p2 $0x1  }
0x17: {  	s4 =	simm.s32 $0x1BF5;
	[smem:$0x3FB0] =	sst s0  }
0x18: {  	s0 =	sld [smem:$0x3F93];
	_ =	swait.ge [sflag:s4], $0x0  }
0x19: {  	s7 =	sld [smem:$0x3F94]  }
0x1a: {  	s8 =	sadd.s32 $0xFFFFE003, lr  }
0x1b: {  	s9 =	sadd.s32 $0xFFFFFEF7, lr;
	s5 =	simm.s32 $0xFFFFFFFF;
	p2 =	slt.u32 s8, $0xFFFFF086  }
0x1c: {  	p1 =	slt.u32 s9, $0xF7A;
	s5 =	simm.s32 @!p2 $0x0  }
0x1d: {  	s5 =	simm.s32 @p1 $0x1;
	p0 =	seq.s32 s7, s2  }
0x1e: {  	s7 =	smul.u32 @!p0 $0xF7A, s2;
	p2 =	seq.s32 @!p0 s5, $0x0  }
0x1f: {  	s9 =	smul.u32 $0xF7A, s1;
	s8 =	simm.s32 @!p0 $0x1BF5;
	p2 =	por !p2, p0  }
0x20: {  	[sflag:s8] =	ssyncset.s32 @!p0 $0xFFFFF086;
	s6 =	sadd.s32 @!p0 s3, s7;
	s7 =	simm.s32 @!p0 $0x108  }
0x21: {  	s3 =	sadd.s32 s3, s9;
	s6 =	sadd.s32 @!p0 $0x88, s6;
	s7 =	simm.s32 @p2 $0x1082  }
0x22: {  	[simem:s7], [sflag:s8] =	dma.local @!p0 [hbm:s6], $0xF7A  }
0x23: {  	s9 =	sor.u32 $0xD0000000, s2;
	s6 =	simm.s32 $0x108;
	_ =	swait.ge @!p0 [sflag:s8], $0x0  }
0x24: {  	s3 =	sadd.s32 $0x88, s3;
	s6 =	simm.s32 @!p1 $0x1082;
	[sflag:s4] =	ssyncset.s32 $0xFFFFF086  }
0x25: {  	[simem:s6], [sflag:s4] =	dma.local [hbm:s3], $0xF7A  }
0x26: {  	[smem:$0x3F94] =	sst s1;
	(tag) =	ssettag s2;
	_ =	strace s9  }
0x27: {  	s1 =	sld [smem:$0x3FA4]  }
0x28: {  	s2 =	sld [smem:$0x3FA5]  }
0x29: {  	s4 =	sld [smem:$0x3FA7]  }
0x2a: {  	p0 =	seq.s32 s5, $0x0;
	s5 =	sld [smem:$0x3FA8]  }
0x2b: {  	s6 =	sld [smem:$0x3FA9]  }
0x2c: {  	s7 =	sld [smem:$0x3FAA]  }
0x2d: {  	s3 =	simm.s32 $0x108;
	s8 =	sld [smem:$0x3FAB]  }
0x2e: {  	s3 =	simm.s32 @!p0 $0x1082;
	s9 =	sld [smem:$0x3FAC]  }
0x2f: {  	lr =	sadd.s32 s0, s3;
	s0 =	sld [smem:$0x3FA3]  }
0x30: {  	s3 =	sld [smem:$0x3FA6]  }
0x31: {  	[smem:$0x3FAF] =	sst s10  }
0x32: {  	s10 =	sld [smem:$0x3FAD];
	_ =	sdelay $0x3  }
0x33: {  	p0 =	seq.s32 s10, $0x1;
	s10 =	sld [smem:$0x3FAF];
	_ =	sdelay $0x3  }
0x34: {  	[smem:$0x3FAF] =	sst s10  }
0x35: {  	s10 =	sld [smem:$0x3FAE];
	_ =	sdelay $0x3  }
0x36: {  	p1 =	seq.s32 s10, $0x1;
	s10 =	sld [smem:$0x3FAF];
	_ =	sdelay $0x3  }
0x37: {  	[smem:$0x3FAF] =	sst s10  }
0x38: {  	s10 =	sld [smem:$0x3FB0]  }
0x39: {  	_ = 	snop;
	(pc) =	sbr.ind lr, $3  }
0x3a: {  	_ = 	snop  }
0x3b: {  	_ = 	snop  }
0x3c: {  	p2 =	seq.s32 s10, $0x1;
	s10 =	sld [smem:$0x3FAF]  }
0x3d: {  	_ =	shalt  }
0x3e: {  	_ =	shalt  }
0x3f: {  	_ =	shalt  }
0x40: {  	_ =	shalt  }
0x41: {  	_ =	shalt  }
0x42: {  	_ =	shalt  }
0x43: {  	_ =	shalt  }
0x44: {  	_ =	shalt  }
0x45: {  	_ =	shalt  }
0x46: {  	_ =	shalt  }
0x47: {  	_ =	shalt  }
0x48: {  	_ =	shalt  }
0x49: {  	_ =	shalt  }
0x4a: {  	_ =	shalt  }
0x4b: {  	_ =	shalt  }
0x4c: {  	_ =	shalt  }
0x4d: {  	_ =	shalt  }
0x4e: {  	_ =	shalt  }
0x4f: {  	_ =	shalt  }
0x50: {  	_ =	shalt  }
0x51: {  	_ =	shalt  }
0x52: {  	_ =	shalt  }
0x53: {  	_ =	shalt  }
0x54: {  	_ =	shalt  }
0x55: {  	_ =	shalt  }
0x56: {  	_ =	shalt  }
0x57: {  	_ =	shalt  }
0x58: {  	_ =	shalt  }
0x59: {  	_ =	shalt  }
0x5a: {  	_ =	shalt  }
0x5b: {  	_ =	shalt  }
0x5c: {  	_ =	shalt  }
0x5d: {  	_ =	shalt  }
0x5e: {  	_ =	shalt  }
0x5f: {  	_ =	shalt  }
0x60: {  	_ =	shalt  }
0x61: {  	_ =	shalt  }
0x62: {  	_ =	shalt  }
0x63: {  	_ =	shalt  }
0x64: {  	_ =	shalt  }
0x65: {  	_ =	shalt  }
0x66: {  	_ =	shalt  }
0x67: {  	_ =	shalt  }
0x68: {  	_ =	shalt  }
0x69: {  	_ =	shalt  }
0x6a: {  	_ =	shalt  }
0x6b: {  	_ =	shalt  }
0x6c: {  	_ =	shalt  }
0x6d: {  	_ =	shalt  }
0x6e: {  	_ =	shalt  }
0x6f: {  	_ =	shalt  }
0x70: {  	_ =	shalt  }
0x71: {  	_ =	shalt  }
0x72: {  	_ =	shalt  }
0x73: {  	_ =	shalt  }
0x74: {  	_ =	shalt  }
0x75: {  	_ =	shalt  }
0x76: {  	_ =	shalt  }
0x77: {  	_ =	shalt  }
0x78: {  	_ =	shalt  }
0x79: {  	_ =	shalt  }
0x7a: {  	_ =	shalt  }
0x7b: {  	_ =	shalt  }
0x7c: {  	_ =	shalt  }
0x7d: {  	_ =	shalt  }
0x7e: {  	_ =	shalt  }
0x7f: {  	_ =	shalt  }
0x80: {  	_ =	shalt  }
0x81: {  	_ =	shalt  }
0x82: {  	_ =	shalt  }
0x83: {  	_ =	shalt  }
0x84: {  	_ =	shalt  }
0x85: {  	_ =	shalt  }
0x86: {  	_ =	shalt  }
0x87: {  	_ =	shalt  }
.Lfunc_end0:
.L_simem_size_0:
called_computation_lowered:
.L_overlay_start_0:
0x88: {  	s2 =	sld [smem:$0x3FD9]  }
0x89: {  	s3 =	sld [smem:$0x3FFE];
	_ =	sdelay $0x1  }
0x8a: {  	s1 =	srdreg.scid  }
0x8b: {  	s0 =	sand.u32 $0x1, s1  }
0x8c: {  	s17 =	sshll.u32 s0, $0xA;
	s2 =	sadd.s32 s3, s2  }
0x8d: {  	s2 =	sadd.s32 s2, s17  }
0x8e: {  	[smem:$0x3FBB] =	sst s2  }
0x8f: {  	_ = 	snop  }
0x90: {  	s2 =	sld [smem:$0x3FD0];
	(tm) =	ssettm $0x1  }
0x91: {  	s18 =	sld [smem:$0x3FFB];
	_ =	sdelay $0x3  }
0x92: {  	_ =	strace s18  }
0x93: {  	s3 =	sld [smem:$0x3FFC];
	_ =	sdelay $0x3  }
0x94: {  	_ =	strace s3  }
0x95: {  	s3 =	sld [smem:$0x3FFD];
	_ =	sdelay $0x3  }
0x96: {  	_ =	strace s3  }
0x97: {  	_ =	strace $0x8FFFFFFF  }
0x98: {  	s19 =	sld [smem:$0x3FDB];
	_ =	sdelay $0x1  }
0x99: {  	s4 =	simm.s32 $_scs_section_size  }
0x9a: {  	s5 =	simm.s32 $_size__tile_overlayer_lowered;
	s6 =	simm.s32 $_tile_overlayer_lowered  }
0x9b: {  	s22 =	simm.s32 $0x1BFF;
	s21 =	sshll.u32 s6, $0x1;
	s3 =	sadd.s32 s4, s19  }
0x9c: {  	s7 =	simm.s32 $0x0;
	s20 =	sshll.u32 s5, $0x1;
	s5 =	sadd.s32 s21, s3  }
0x9d: {  	[timem:s7], [sflag:s22] =	dma.local [hbm:s5], s20  }
0x9e: {  	_ =	swait.ge [sflag:s22], s20  }
0x9f: {  	s4 =	ssub.s32 $0x0, s20;
	[sflag:s22] =	ssyncset.done $0x0  }
0xa0: {  	[sflag:s22] =	ssyncadd.s32 s4;
	_ =	sdelay $0x1  }
0xa1: {  	s23 =	simm.s32 $0x1B8B  }
0xa2: {  	_ =	swait.ge [sflag:s23], $0x1  }
0xa3: {  	[sflag:s23] =	ssyncset.done $0x0  }
0xa4: {  	s25 =	simm.s32 $0x1B8E;
	s24 =	sld [smem:$0x3FFE];
	[sflag:s23] =	ssyncadd.s32 $0xFFFFFFFF  }
0xa5: {  	s26 =	simm.s32 $execute0_lowered;
	[smem:$0x3FD2] =	sst s25  }
0xa6: {  	s5 =	sshll.u32 s26, $0x1;
	_ =	strace $0x80000046;
	[dreg:$0x1] =	wrdreg $0xFFFFFFFF  }
0xa7: {  	s28 =	simm.s32 $_size_execute0_lowered;
	s3 =	sadd.s32 s3, s5;
	[dreg:$0x0] =	wrdreg $0x0  }
0xa8: {  	s5 =	sshll.u32 s28, $0x1;
	[dreg:$0x2] =	wrdreg s3  }
0xa9: {  	[dreg:$0x3] =	wrdreg s5  }
0xaa: {  	[dreg:$0x4] =	wrdreg $0xC0  }
0xab: {  	_ =	task [dreg:s7], $0x5FFFF  }
0xac: {  	[dreg:$0x1] =	wrdreg $0xFFFFFFFF  }
0xad: {  	[dreg:$0x0] =	wrdreg $0x60  }
0xae: {  	[dreg:$0x2] =	wrdreg s2  }
0xaf: {  	[dreg:$0x3] =	wrdreg s24  }
0xb0: {  	[dreg:$0x4] =	wrdreg $0xA8000  }
0xb1: {  	[dreg:$0x5] =	wrdreg $0x9  }
0xb2: {  	_ =	task.clear_ibuf [dreg:s7], $0x6FFFF;
	_ =	strace $0x90000046  }
0xb3: {  	s29 =	simm.s32 $0x9;
	_ =	strace $0x80000048  }
0xb4: {  	_ =	swait.ge [sflag:s29], $0x1  }
0xb5: {  	[sflag:s29] =	ssyncadd.s32 $0xFFFFFFFF  }
0xb6: {  	_ =	strace $0x90000048  }
0xb7: {  	_ =	sfence  }
0xb8: {  	s30 =	sld [smem:$0x0];
	_ =	sdelay $0x2  }
0xb9: {  	s31 =	sshll.u32 s1, $0xD;
	s1 =	sshrl.u32 s1, $0x2  }
0xba: {  	s3 =	sand.u32 $0x4000, s31;
	s1 =	sadd.s32 s1, s30  }
0xbb: {  	s0 =	sor.u32 s3, s0;
	s1 =	sshll.u32 s1, $0x11  }
0xbc: {  	s0 =	sor.u32 s1, s0  }
0xbd: {  	s0 =	sadd.s32 $0x8F2B, s0  }
0xbe: {  	[sflag:s0] =	ssyncadd.remote.s32 $0x1  }
0xbf: {  	_ =	sfence.sel $0xFFFF  }
0xc0: {  	[dreg:$0x0] =	wrdreg $0xFFFFFFFF;
	(pc) =	sbr.abs _section_cstart, $3  }
0xc1: {  	[dreg:$0x1] =	wrdreg $0xFFFFFFFF  }
0xc2: {  	_ =	task.clear_ibuf [dreg:s7], $0x2FFFF;
	_ =	strace $0x9FFFFFFF  }
0xc3: {  	(tm) =	ssettm $0x7FFFFFFF  }
tec
execute0_lowered:
.L_overlay_start_1:
0x0: {  	(tag) =	ssettag $0x1  }
0x1: {  	s7 =	rddreg [dreg:$0x0]  }
0x2: {  	s6 =	rddreg [dreg:$0x1]  }
0x3: {  	s1 =	rddreg [dreg:$0x2]  }
0x4: {  	s0 =	rddreg [dreg:$0x3]  }
0x5: {  	s2 =	simm.s32 $0x0;
	s3 =	srdreg.scid;
	s14 =	simm.s32 $0x6800  }
0x6: {  	s15 =	simm.s32 $0x2800;
	s16 =	simm.s32 $0x80;
	s20 =	simm.s32 $0x0  }
0x7: {  	[smem:$0x7FF] =	sst s2;
	s8 =	sand.u32 $0x1, s3;
	s3 =	stileid.u32  }
0x8: {  	s4 =	sadd.s32 $0x5000, s6;
	s5 =	sadd.s32 $0x5800, s6;
	s10 =	smul.u32 $0x4F000, s3  }
0x9: {  	_ =	strace $0x80000047;
	s9 =	sshll.u32 s8, $0x4;
	s11 =	smul.u32 $0x27800, s8  }
0xa: {  	s8 =	ssub.s32 $0x2, s8;
	s18 =	smul.u32 $0x2780, s3;
	s9 =	sor.u32 s3, s9  }
0xb: {  	s31 =	sshll.u32 s3, $0x6;
	s30 =	sshrl.u32 s8, $0x1;
	s9 =	smul.u32 $0x500, s9  }
0xc: {  	s10 =	sshrl.u32 s10, $0x2;
	s12 =	sadd.s32 s11, s6;
	s13 =	ssub.s32 s8, s30  }
0xd: {  	s6 =	sadd.s32 s10, s1;
	s17 =	sadd.s32 $0x6000, s12;
	s12 =	smax.u32 s13, $0x1  }
0xe: {  	s13 =	simm.s32 $0x1;
	s7 =	sadd.s32 s7, s9;
	s8 =	sadd.s32 $0x4000, s6  }
0xf: {  	s9 =	sadd.s32 $0x8000, s6;
	s10 =	sadd.s32 $0xC000, s6;
	s11 =	sadd.s32 $0x10000, s6  }
0x10: {  	s17 =	sadd.s32 s18, s17;
	s18 =	sor.u32 $0x1C01, s31;
	s19 =	sshrl.u32 s6, $0x3  }
.LBB2_1:
0x11: {  	[tilespmem:s2], [sflag:$0x1] =	stream.linear.gather [hbm4b:s7+s2], $0x2800, $0x38;
	[tilespmem:$0x1E400] =	vst v63  }
0x12: {  	_ =	swait.ge [sflag:s13], $0x2800  }
0x13: {  	[sflag:s13] =	ssyncset.done $0x0  }
0x14: {  	[sflag:s13] =	ssyncadd.s32 $0xFFFFD800  }
0x15: {  	[tilespmem:s14], [sflag:$0x1] =	stream.linear.gather [hbm4b:s5+s2], $0x4000, $0x38;
	[tilespmem:$0x1E400] =	vst v63  }
0x16: {  	_ =	swait.ge [sflag:s13], $0x4000  }
0x17: {  	[sflag:s13] =	ssyncset.done $0x0  }
0x18: {  	[sflag:s13] =	ssyncadd.s32 $0xFFFFC000  }
0x19: {  	[tilespmem:s15], [sflag:$0x1] =	stream.linear.gather [hbm4b:s4+s2], $0x4000, $0x38;
	[tilespmem:$0x1E400] =	vst v63  }
0x1a: {  	_ =	swait.ge [sflag:s13], $0x4000  }
0x1b: {  	[sflag:s13] =	ssyncset.done $0x0  }
0x1c: {  	[sflag:s13] =	ssyncadd.s32 $0xFFFFC000  }
0x1d: {  	[spmem:s6] =	stream.linear.scatter [tilespmem:s15], [sflag:$0x1], $0x4000, $0x38;
	[tilespmem:$0x1E400] =	vst v63  }
0x1e: {  	_ =	swait.ge [sflag:s13], $0x4000  }
0x1f: {  	[sflag:s13] =	ssyncset.done $0x0  }
0x20: {  	[sflag:s13] =	ssyncadd.s32 $0xFFFFC000  }
0x21: {  	[spmem:s8] =	stream.linear.scatter [tilespmem:s15], [sflag:$0x1], $0x4000, $0x38;
	[tilespmem:$0x1E400] =	vst v63  }
0x22: {  	_ =	swait.ge [sflag:s13], $0x4000  }
0x23: {  	[sflag:s13] =	ssyncset.done $0x0  }
0x24: {  	[sflag:s13] =	ssyncadd.s32 $0xFFFFC000  }
0x25: {  	[spmem:s9] =	stream.linear.scatter [tilespmem:s15], [sflag:$0x1], $0x4000, $0x38;
	[tilespmem:$0x1E400] =	vst v63  }
0x26: {  	_ =	swait.ge [sflag:s13], $0x4000  }
0x27: {  	[sflag:s13] =	ssyncset.done $0x0  }
0x28: {  	[sflag:s13] =	ssyncadd.s32 $0xFFFFC000  }
0x29: {  	[spmem:s10] =	stream.linear.scatter [tilespmem:s15], [sflag:$0x1], $0x4000, $0x38;
	[tilespmem:$0x1E400] =	vst v63  }
0x2a: {  	_ =	swait.ge [sflag:s13], $0x4000  }
0x2b: {  	[sflag:s13] =	ssyncset.done $0x0  }
0x2c: {  	[sflag:s13] =	ssyncadd.s32 $0xFFFFC000  }
0x2d: {  	[spmem:s11] =	stream.linear.scatter [tilespmem:s15], [sflag:$0x1], $0x3C00, $0x38;
	[tilespmem:$0x1E400] =	vst v63  }
0x2e: {  	_ =	swait.ge [sflag:s13], $0x3C00  }
0x2f: {  	[sflag:s13] =	ssyncset.done $0x0  }
0x30: {  	[sflag:s13] =	ssyncadd.s32 $0xFFFFC400  }
0x31: {  	s21 =	simm.s32 $0x0;
	[bflag:$0x0] =	sbarrier.arrive $0xFFFF  }
0x32: {  	[spmem:s1] =	stream.indirect.scatter.add.f32 [tilespmem:s14], [sflag:$0x1], $0x80, s21, s16, $0xb8;
	[tilespmem:$0x1E400] =	vst v63  }
0x33: {  	_ =	swait.ge [sflag:s13], $0x4000  }
0x34: {  	s21 =	simm.s32 $0x200;
	[sflag:s13] =	ssyncset.done $0x0  }
.LBB2_2:
0x35: {  	s22 =	sshra.s32 s21, $0x2;
	[sflag:s13] =	ssyncadd.s32 $0xFFFFC000;
	p0 =	sne.s32 s21, $0x9E00  }
0x36: {  	[spmem:s1] =	stream.indirect.scatter.add.f32 [tilespmem:s14], [sflag:$0x1], $0x80, s22, s16, $0xb8;
	[tilespmem:$0x1E400] =	vst v63  }
.Ltmp0:
0x37: {  	_ = 	snop;
	(pc) =	sbr.rel @p0 .LBB2_2-.Ltmp0, $4  }
0x38: {  	_ = 	snop  }
0x39: {  	s21 =	sadd.s32 $0x200, s21  }
0x3a: {  	_ =	swait.ge [sflag:s13], $0x4000  }
0x3b: {  	[sflag:s13] =	ssyncset.done $0x0  }
0x3c: {  	s20 =	sadd.s32 $0x1, s20  }
0x3d: {  	[sflag:s13] =	ssyncadd.s32 $0xFFFFC000;
	p0 =	sne.s32 s20, s12  }
.Ltmp1:
0x3e: {  	[bflag:$0x0] =	sbarrier.arrive $0xFFFF;
	(pc) =	sbr.rel @p0 .LBB2_1-.Ltmp1, $4  }
0x3f: {  	[hbm:s17], [sflag:s18] =	dma.local [spmem:s19], $0x2780  }
0x40: {  	_ =	swait.ge [sflag:s13], $0x2780  }
0x41: {  	[sflag:s13] =	ssyncset.done $0x0  }
0x42: {  	[sflag:s13] =	ssyncadd.s32 $0xFFFFD880  }
0x43: {  	_ =	sfence.sel $0x180000  }
0x44: {  	[bflag:$0x0] =	sbarrier.arrive $0xFFFF  }
0x45: {  	p0 =	sne.s32 s3, $0x0;
	_ =	strace $0x90000047  }
0x46: {  	s0 =	sadd.s32 @!p0 $0x100000, s0;
	[bflag:$0x2] =	sbarrier.arrive $0xFFFF  }
0x47: {  	[sflag:s0] =	ssyncadd.tile.s32 @!p0 $0x1;
	_ =	shalt  }
.Lfunc_end2:
_tile_overlayer_lowered:
.L_overlay_start_2:
0x48: {  	(tag) =	ssettag $0x2  }
0x49: {  	s0 =	rddreg [dreg:$0x0];
	s2 =	stileid.u32  }
0x4a: {  	s1 =	rddreg [dreg:$0x1];
	p0 =	sne.s32 s2, $0x0  }
0x4b: {  	s3 =	rddreg [dreg:$0x2];
	[bflag:$0x3] =	sbarrier.arrive $0xFFFF;
	s2 =	simm.s32 @!p0 $0x1C01  }
0x4c: {  	[timem:s3], [sflag:s2] =	dma.local @!p0 [hbm:s0], s1  }
0x4d: {  	s0 =	simm.s32 @!p0 $0x1  }
0x4e: {  	_ =	swait.ge @!p0 [sflag:s0], s1  }
0x4f: {  	s1 =	ssub.s32 @!p0 $0x0, s1;
	[sflag:s0] =	ssyncset.done @!p0 $0x0  }
0x50: {  	[sflag:s0] =	ssyncadd.s32 @!p0 s1  }
0x51: {  	[bflag:$0x3] =	sbarrier.arrive $0xFFFF  }
0x52: {  	_ =	shalt  }

// kernel: kernel.16.cloned.1.call-start
scs
__scs_entry_jumppad:
0x0: {  	(pc) =	sbr.rel $0x88, $3  }
0x1: {  	(tag) =	ssettag $0x0;
	lr =	simm.s32 $0x1  }
0x2: {  	[smem:$0x3F94] =	sst lr;
	_ =	strace $0xD0000000  }
0x3: {  	_ = 	snop  }
0x4: {  	_ = 	snop  }
0x5: {  	_ = 	snop  }
0x6: {  	_ = 	snop  }
0x7: {  	_ = 	snop  }
__scs_overlays_trampoline_lowered:
0x8: {  	[smem:$0x3FA3] =	sst s0  }
0x9: {  	[smem:$0x3FA4] =	sst s1  }
0xa: {  	[smem:$0x3FA5] =	sst s2  }
0xb: {  	[smem:$0x3FA6] =	sst s3  }
0xc: {  	[smem:$0x3FA7] =	sst s4  }
0xd: {  	[smem:$0x3FA8] =	sst s5  }
0xe: {  	[smem:$0x3FA9] =	sst s6  }
0xf: {  	[smem:$0x3FAA] =	sst s7  }
0x10: {  	[smem:$0x3FAB] =	sst s8  }
0x11: {  	[smem:$0x3FAC] =	sst s9;
	s0 =	simm.s32 @!p0 $0x0  }
0x12: {  	s1 =	sld [smem:$0x3F92];
	s0 =	simm.s32 @p0 $0x1  }
0x13: {  	[smem:$0x3FAD] =	sst s0;
	s0 =	simm.s32 @!p1 $0x0  }
0x14: {  	s2 =	sld [smem:$0x3F91];
	s0 =	simm.s32 @p1 $0x1  }
0x15: {  	[smem:$0x3FAE] =	sst s0;
	s0 =	simm.s32 @!p2 $0x0  }
0x16: {  	s3 =	sld [smem:$0x3FDB];
	s0 =	simm.s32 @p2 $0x1  }
0x17: {  	s4 =	simm.s32 $0x1BF5;
	[smem:$0x3FB0] =	sst s0  }
0x18: {  	s0 =	sld [smem:$0x3F93];
	_ =	swait.ge [sflag:s4], $0x0  }
0x19: {  	s7 =	sld [smem:$0x3F94]  }
0x1a: {  	s8 =	sadd.s32 $0xFFFFE003, lr  }
0x1b: {  	s9 =	sadd.s32 $0xFFFFFEF7, lr;
	s5 =	simm.s32 $0xFFFFFFFF;
	p2 =	slt.u32 s8, $0xFFFFF086  }
0x1c: {  	p1 =	slt.u32 s9, $0xF7A;
	s5 =	simm.s32 @!p2 $0x0  }
0x1d: {  	s5 =	simm.s32 @p1 $0x1;
	p0 =	seq.s32 s7, s2  }
0x1e: {  	s7 =	smul.u32 @!p0 $0xF7A, s2;
	p2 =	seq.s32 @!p0 s5, $0x0  }
0x1f: {  	s9 =	smul.u32 $0xF7A, s1;
	s8 =	simm.s32 @!p0 $0x1BF5;
	p2 =	por !p2, p0  }
0x20: {  	[sflag:s8] =	ssyncset.s32 @!p0 $0xFFFFF086;
	s6 =	sadd.s32 @!p0 s3, s7;
	s7 =	simm.s32 @!p0 $0x108  }
0x21: {  	s3 =	sadd.s32 s3, s9;
	s6 =	sadd.s32 @!p0 $0x88, s6;
	s7 =	simm.s32 @p2 $0x1082  }
0x22: {  	[simem:s7], [sflag:s8] =	dma.local @!p0 [hbm:s6], $0xF7A  }
0x23: {  	s9 =	sor.u32 $0xD0000000, s2;
	s6 =	simm.s32 $0x108;
	_ =	swait.ge @!p0 [sflag:s8], $0x0  }
0x24: {  	s3 =	sadd.s32 $0x88, s3;
	s6 =	simm.s32 @!p1 $0x1082;
	[sflag:s4] =	ssyncset.s32 $0xFFFFF086  }
0x25: {  	[simem:s6], [sflag:s4] =	dma.local [hbm:s3], $0xF7A  }
0x26: {  	[smem:$0x3F94] =	sst s1;
	(tag) =	ssettag s2;
	_ =	strace s9  }
0x27: {  	s1 =	sld [smem:$0x3FA4]  }
0x28: {  	s2 =	sld [smem:$0x3FA5]  }
0x29: {  	s4 =	sld [smem:$0x3FA7]  }
0x2a: {  	p0 =	seq.s32 s5, $0x0;
	s5 =	sld [smem:$0x3FA8]  }
0x2b: {  	s6 =	sld [smem:$0x3FA9]  }
0x2c: {  	s7 =	sld [smem:$0x3FAA]  }
0x2d: {  	s3 =	simm.s32 $0x108;
	s8 =	sld [smem:$0x3FAB]  }
0x2e: {  	s3 =	simm.s32 @!p0 $0x1082;
	s9 =	sld [smem:$0x3FAC]  }
0x2f: {  	lr =	sadd.s32 s0, s3;
	s0 =	sld [smem:$0x3FA3]  }
0x30: {  	s3 =	sld [smem:$0x3FA6]  }
0x31: {  	[smem:$0x3FAF] =	sst s10  }
0x32: {  	s10 =	sld [smem:$0x3FAD];
	_ =	sdelay $0x3  }
0x33: {  	p0 =	seq.s32 s10, $0x1;
	s10 =	sld [smem:$0x3FAF];
	_ =	sdelay $0x3  }
0x34: {  	[smem:$0x3FAF] =	sst s10  }
0x35: {  	s10 =	sld [smem:$0x3FAE];
	_ =	sdelay $0x3  }
0x36: {  	p1 =	seq.s32 s10, $0x1;
	s10 =	sld [smem:$0x3FAF];
	_ =	sdelay $0x3  }
0x37: {  	[smem:$0x3FAF] =	sst s10  }
0x38: {  	s10 =	sld [smem:$0x3FB0]  }
0x39: {  	_ = 	snop;
	(pc) =	sbr.ind lr, $3  }
0x3a: {  	_ = 	snop  }
0x3b: {  	_ = 	snop  }
0x3c: {  	p2 =	seq.s32 s10, $0x1;
	s10 =	sld [smem:$0x3FAF]  }
0x3d: {  	_ =	shalt  }
0x3e: {  	_ =	shalt  }
0x3f: {  	_ =	shalt  }
0x40: {  	_ =	shalt  }
0x41: {  	_ =	shalt  }
0x42: {  	_ =	shalt  }
0x43: {  	_ =	shalt  }
0x44: {  	_ =	shalt  }
0x45: {  	_ =	shalt  }
0x46: {  	_ =	shalt  }
0x47: {  	_ =	shalt  }
0x48: {  	_ =	shalt  }
0x49: {  	_ =	shalt  }
0x4a: {  	_ =	shalt  }
0x4b: {  	_ =	shalt  }
0x4c: {  	_ =	shalt  }
0x4d: {  	_ =	shalt  }
0x4e: {  	_ =	shalt  }
0x4f: {  	_ =	shalt  }
0x50: {  	_ =	shalt  }
0x51: {  	_ =	shalt  }
0x52: {  	_ =	shalt  }
0x53: {  	_ =	shalt  }
0x54: {  	_ =	shalt  }
0x55: {  	_ =	shalt  }
0x56: {  	_ =	shalt  }
0x57: {  	_ =	shalt  }
0x58: {  	_ =	shalt  }
0x59: {  	_ =	shalt  }
0x5a: {  	_ =	shalt  }
0x5b: {  	_ =	shalt  }
0x5c: {  	_ =	shalt  }
0x5d: {  	_ =	shalt  }
0x5e: {  	_ =	shalt  }
0x5f: {  	_ =	shalt  }
0x60: {  	_ =	shalt  }
0x61: {  	_ =	shalt  }
0x62: {  	_ =	shalt  }
0x63: {  	_ =	shalt  }
0x64: {  	_ =	shalt  }
0x65: {  	_ =	shalt  }
0x66: {  	_ =	shalt  }
0x67: {  	_ =	shalt  }
0x68: {  	_ =	shalt  }
0x69: {  	_ =	shalt  }
0x6a: {  	_ =	shalt  }
0x6b: {  	_ =	shalt  }
0x6c: {  	_ =	shalt  }
0x6d: {  	_ =	shalt  }
0x6e: {  	_ =	shalt  }
0x6f: {  	_ =	shalt  }
0x70: {  	_ =	shalt  }
0x71: {  	_ =	shalt  }
0x72: {  	_ =	shalt  }
0x73: {  	_ =	shalt  }
0x74: {  	_ =	shalt  }
0x75: {  	_ =	shalt  }
0x76: {  	_ =	shalt  }
0x77: {  	_ =	shalt  }
0x78: {  	_ =	shalt  }
0x79: {  	_ =	shalt  }
0x7a: {  	_ =	shalt  }
0x7b: {  	_ =	shalt  }
0x7c: {  	_ =	shalt  }
0x7d: {  	_ =	shalt  }
0x7e: {  	_ =	shalt  }
0x7f: {  	_ =	shalt  }
0x80: {  	_ =	shalt  }
0x81: {  	_ =	shalt  }
0x82: {  	_ =	shalt  }
0x83: {  	_ =	shalt  }
0x84: {  	_ =	shalt  }
0x85: {  	_ =	shalt  }
0x86: {  	_ =	shalt  }
0x87: {  	_ =	shalt  }
.Lfunc_end0:
.L_simem_size_0:
called_computation.1_lowered:
.L_overlay_start_0:
0x88: {  	s2 =	sld [smem:$0x3FD9]  }
0x89: {  	s3 =	sld [smem:$0x3FFE];
	_ =	sdelay $0x1  }
0x8a: {  	s1 =	srdreg.scid  }
0x8b: {  	s0 =	sand.u32 $0x1, s1  }
0x8c: {  	s17 =	sshll.u32 s0, $0xA;
	s2 =	sadd.s32 s3, s2  }
0x8d: {  	s2 =	sadd.s32 s2, s17  }
0x8e: {  	[smem:$0x3FBB] =	sst s2  }
0x8f: {  	_ = 	snop  }
0x90: {  	s2 =	sld [smem:$0x3FD0];
	(tm) =	ssettm $0x1  }
0x91: {  	s18 =	sld [smem:$0x3FFB];
	_ =	sdelay $0x3  }
0x92: {  	_ =	strace s18  }
0x93: {  	s3 =	sld [smem:$0x3FFC];
	_ =	sdelay $0x3  }
0x94: {  	_ =	strace s3  }
0x95: {  	s3 =	sld [smem:$0x3FFD];
	_ =	sdelay $0x3  }
0x96: {  	_ =	strace s3  }
0x97: {  	_ =	strace $0x8FFFFFFF  }
0x98: {  	s19 =	sld [smem:$0x3FDB];
	_ =	sdelay $0x1  }
0x99: {  	s4 =	simm.s32 $_scs_section_size  }
0x9a: {  	s5 =	simm.s32 $_size__tile_overlayer_lowered;
	s6 =	simm.s32 $_tile_overlayer_lowered  }
0x9b: {  	s22 =	simm.s32 $0x1BFF;
	s21 =	sshll.u32 s6, $0x1;
	s3 =	sadd.s32 s4, s19  }
0x9c: {  	s7 =	simm.s32 $0x0;
	s20 =	sshll.u32 s5, $0x1;
	s5 =	sadd.s32 s21, s3  }
0x9d: {  	[timem:s7], [sflag:s22] =	dma.local [hbm:s5], s20  }
0x9e: {  	_ =	swait.ge [sflag:s22], s20  }
0x9f: {  	s4 =	ssub.s32 $0x0, s20;
	[sflag:s22] =	ssyncset.done $0x0  }
0xa0: {  	[sflag:s22] =	ssyncadd.s32 s4;
	_ =	sdelay $0x1  }
0xa1: {  	s23 =	simm.s32 $0x1B8B  }
0xa2: {  	_ =	swait.ge [sflag:s23], $0x1  }
0xa3: {  	[sflag:s23] =	ssyncset.done $0x0  }
0xa4: {  	s25 =	simm.s32 $0x1B8E;
	s24 =	sld [smem:$0x3FFE];
	[sflag:s23] =	ssyncadd.s32 $0xFFFFFFFF  }
0xa5: {  	s26 =	simm.s32 $execute0_lowered;
	[smem:$0x3FD2] =	sst s25  }
0xa6: {  	s5 =	sshll.u32 s26, $0x1;
	_ =	strace $0x80000049;
	[dreg:$0x1] =	wrdreg $0xFFFFFFFF  }
0xa7: {  	s28 =	simm.s32 $_size_execute0_lowered;
	s3 =	sadd.s32 s3, s5;
	[dreg:$0x0] =	wrdreg $0x0  }
0xa8: {  	s5 =	sshll.u32 s28, $0x1;
	[dreg:$0x2] =	wrdreg s3  }
0xa9: {  	[dreg:$0x3] =	wrdreg s5  }
0xaa: {  	[dreg:$0x4] =	wrdreg $0xC0  }
0xab: {  	_ =	task [dreg:s7], $0x5FFFF  }
0xac: {  	[dreg:$0x1] =	wrdreg $0xFFFFFFFF  }
0xad: {  	[dreg:$0x0] =	wrdreg $0x60  }
0xae: {  	[dreg:$0x2] =	wrdreg s24  }
0xaf: {  	[dreg:$0x3] =	wrdreg s2  }
0xb0: {  	[dreg:$0x4] =	wrdreg $0xA8000  }
0xb1: {  	[dreg:$0x5] =	wrdreg $0x9  }
0xb2: {  	_ =	task.clear_ibuf [dreg:s7], $0x6FFFF;
	_ =	strace $0x90000049  }
0xb3: {  	s29 =	simm.s32 $0x9;
	_ =	strace $0x8000004B  }
0xb4: {  	_ =	swait.ge [sflag:s29], $0x1  }
0xb5: {  	[sflag:s29] =	ssyncadd.s32 $0xFFFFFFFF  }
0xb6: {  	_ =	strace $0x9000004B  }
0xb7: {  	_ =	sfence  }
0xb8: {  	s30 =	sld [smem:$0x0];
	_ =	sdelay $0x2  }
0xb9: {  	s31 =	sshll.u32 s1, $0xD;
	s1 =	sshrl.u32 s1, $0x2  }
0xba: {  	s3 =	sand.u32 $0x4000, s31;
	s1 =	sadd.s32 s1, s30  }
0xbb: {  	s0 =	sor.u32 s3, s0;
	s1 =	sshll.u32 s1, $0x11  }
0xbc: {  	s0 =	sor.u32 s1, s0  }
0xbd: {  	s0 =	sadd.s32 $0x8F2B, s0  }
0xbe: {  	[sflag:s0] =	ssyncadd.remote.s32 $0x1  }
0xbf: {  	_ =	sfence.sel $0xFFFF  }
0xc0: {  	[dreg:$0x0] =	wrdreg $0xFFFFFFFF;
	(pc) =	sbr.abs _section_cstart, $3  }
0xc1: {  	[dreg:$0x1] =	wrdreg $0xFFFFFFFF  }
0xc2: {  	_ =	task.clear_ibuf [dreg:s7], $0x2FFFF;
	_ =	strace $0x9FFFFFFF  }
0xc3: {  	(tm) =	ssettm $0x7FFFFFFF  }
tec
execute0_lowered:
.L_overlay_start_1:
0x0: {  	(tag) =	ssettag $0x1  }
0x1: {  	s6 =	rddreg [dreg:$0x0]  }
0x2: {  	s0 =	srdreg.scid;
	s12 =	rddreg [dreg:$0x1]  }
0x3: {  	s2 =	rddreg [dreg:$0x2];
	s1 =	stileid.u32;
	s3 =	simm.s32 $0x0  }
0x4: {  	s16 =	simm.s32 $0x1400;
	s17 =	simm.s32 $0x80;
	s18 =	simm.s32 $0x6800  }
0x5: {  	s19 =	simm.s32 $0x1;
	s20 =	simm.s32 $0x2;
	s21 =	simm.s32 $0x2700  }
0x6: {  	s22 =	simm.s32 $0x2780;
	s5 =	sand.u32 $0x1, s0;
	s0 =	rddreg [dreg:$0x3]  }
0x7: {  	s28 =	simm.s32 $0x0;
	[smem:$0x7FF] =	sst s3;
	s7 =	smul.u32 $0x4F000, s1  }
0x8: {  	s25 =	smul.u32 $0x2780, s1;
	s31 =	sshll.u32 s1, $0x6;
	s4 =	sshll.u32 s5, $0x4  }
0x9: {  	_ =	strace $0x8000004A;
	s8 =	smul.u32 $0x27800, s5;
	s9 =	ssub.s32 $0x2, s5  }
0xa: {  	s5 =	sadd.s32 $0x5000, s6;
	s4 =	sor.u32 s1, s4;
	s10 =	sshrl.u32 s9, $0x1  }
0xb: {  	s7 =	sshrl.u32 s7, $0x2;
	s13 =	smul.u32 $0x500, s4;
	s14 =	sadd.s32 s8, s6  }
0xc: {  	s4 =	sadd.s32 $0x2CA00, s6;
	s15 =	ssub.s32 s9, s10;
	s24 =	sadd.s32 $0x86200, s14  }
0xd: {  	s14 =	simm.s32 $0x2800;
	s11 =	sadd.s32 s13, s6;
	s6 =	sadd.s32 s7, s2  }
0xe: {  	s12 =	sadd.s32 s12, s13;
	s13 =	smax.u32 s15, $0x1;
	s15 =	simm.s32 $0x3  }
0xf: {  	s24 =	sadd.s32 s25, s24;
	s25 =	sor.u32 $0x1C03, s31;
	s7 =	sadd.s32 $0x4000, s6  }
0x10: {  	s8 =	sadd.s32 $0x8000, s6;
	s9 =	sadd.s32 $0xC000, s6;
	s11 =	sadd.s32 $0x55000, s11  }
0x11: {  	s10 =	sadd.s32 $0x10000, s6;
	s26 =	sadd.s32 $0x280, s12;
	s23 =	sadd.s32 $0x280, s11  }
.LBB2_1:
0x12: {  	[tilespmem:s14], [sflag:$0x3] =	stream.linear.gather [hbm4b:s5+s3], $0x4000, $0x38;
	[tilespmem:$0x1E400] =	vst v63  }
0x13: {  	_ =	swait.ge [sflag:s15], $0x4000  }
0x14: {  	[sflag:s15] =	ssyncset.done $0x0  }
0x15: {  	[sflag:s15] =	ssyncadd.s32 $0xFFFFC000  }
0x16: {  	[spmem:s6] =	stream.linear.scatter [tilespmem:s14], [sflag:$0x3], $0x4000, $0x38;
	[tilespmem:$0x1E400] =	vst v63  }
0x17: {  	_ =	swait.ge [sflag:s15], $0x4000  }
0x18: {  	[sflag:s15] =	ssyncset.done $0x0  }
0x19: {  	[sflag:s15] =	ssyncadd.s32 $0xFFFFC000  }
0x1a: {  	[spmem:s7] =	stream.linear.scatter [tilespmem:s14], [sflag:$0x3], $0x4000, $0x38;
	[tilespmem:$0x1E400] =	vst v63  }
0x1b: {  	_ =	swait.ge [sflag:s15], $0x4000  }
0x1c: {  	[sflag:s15] =	ssyncset.done $0x0  }
0x1d: {  	[sflag:s15] =	ssyncadd.s32 $0xFFFFC000  }
0x1e: {  	[spmem:s8] =	stream.linear.scatter [tilespmem:s14], [sflag:$0x3], $0x4000, $0x38;
	[tilespmem:$0x1E400] =	vst v63  }
0x1f: {  	_ =	swait.ge [sflag:s15], $0x4000  }
0x20: {  	[sflag:s15] =	ssyncset.done $0x0  }
0x21: {  	[sflag:s15] =	ssyncadd.s32 $0xFFFFC000  }
0x22: {  	[spmem:s9] =	stream.linear.scatter [tilespmem:s14], [sflag:$0x3], $0x4000, $0x38;
	[tilespmem:$0x1E400] =	vst v63  }
0x23: {  	_ =	swait.ge [sflag:s15], $0x4000  }
0x24: {  	[sflag:s15] =	ssyncset.done $0x0  }
0x25: {  	[sflag:s15] =	ssyncadd.s32 $0xFFFFC000  }
0x26: {  	[spmem:s10] =	stream.linear.scatter [tilespmem:s14], [sflag:$0x3], $0x3C00, $0x38;
	[tilespmem:$0x1E400] =	vst v63  }
0x27: {  	_ =	swait.ge [sflag:s15], $0x3C00  }
0x28: {  	[sflag:s15] =	ssyncset.done $0x0  }
0x29: {  	[sflag:s15] =	ssyncadd.s32 $0xFFFFC400  }
0x2a: {  	[bflag:$0x0] =	sbarrier.arrive $0xFFFF  }
0x2b: {  	[tilespmem:s3], [sflag:$0x3] =	stream.linear.gather [hbm4b:s11+s3], $0x1400, $0x38;
	[tilespmem:$0x1E400] =	vst v63  }
0x2c: {  	_ =	swait.ge [sflag:s15], $0x1400  }
0x2d: {  	[sflag:s15] =	ssyncset.done $0x0  }
0x2e: {  	[sflag:s15] =	ssyncadd.s32 $0xFFFFEC00  }
0x2f: {  	[tilespmem:s16], [sflag:$0x3] =	stream.linear.gather [hbm4b:s12+s3], $0x1400, $0x38;
	[tilespmem:$0x1E400] =	vst v63  }
0x30: {  	_ =	swait.ge [sflag:s15], $0x1400  }
0x31: {  	[sflag:s15] =	ssyncset.done $0x0  }
0x32: {  	[sflag:s15] =	ssyncadd.s32 $0xFFFFEC00  }
0x33: {  	[tilespmem:s14], [sflag:$0x1] =	stream.indirect.gather [hbm4b:s4+s17], $0x80, s3, s17, $0xb8;
	[tilespmem:$0x1E400] =	vst v63  }
0x34: {  	_ = 	snop  }
0x35: {  	[tilespmem:s18], [sflag:$0x2] =	stream.indirect.gather [hbm4b:s4+s17], $0x80, s17, s17, $0xb8;
	[tilespmem:$0x1E400] =	vst v63  }
0x36: {  	_ =	swait.ge [sflag:s19], $0x4000  }
0x37: {  	[sflag:s19] =	ssyncset.done $0x0  }
0x38: {  	s29 =	simm.s32 $0x1400;
	[sflag:s19] =	ssyncadd.s32 $0xFFFFC000  }
0x39: {  	[spmem:s2] =	stream.indirect.scatter.add.f32 [tilespmem:s14], [sflag:$0x3], $0x80, s29, s17, $0xb8;
	[tilespmem:$0x1E400] =	vst v63  }
0x3a: {  	_ =	swait.ge [sflag:s15], $0x4000  }
0x3b: {  	[sflag:s15] =	ssyncset.done $0x0  }
0x3c: {  	s29 =	simm.s32 $0x100;
	[sflag:s15] =	ssyncadd.s32 $0xFFFFC000  }
0x3d: {  	[tilespmem:s14], [sflag:$0x1] =	stream.indirect.gather [hbm4b:s4+s17], $0x80, s29, s17, $0xb8;
	[tilespmem:$0x1E400] =	vst v63  }
0x3e: {  	_ =	swait.ge [sflag:s20], $0x4000  }
0x3f: {  	[sflag:s20] =	ssyncset.done $0x0  }
0x40: {  	s29 =	simm.s32 $0x1480;
	[sflag:s20] =	ssyncadd.s32 $0xFFFFC000  }
0x41: {  	[spmem:s2] =	stream.indirect.scatter.add.f32 [tilespmem:s18], [sflag:$0x3], $0x80, s29, s17, $0xb8;
	[tilespmem:$0x1E400] =	vst v63  }
0x42: {  	_ =	swait.ge [sflag:s15], $0x4000  }
0x43: {  	[sflag:s15] =	ssyncset.done $0x0  }
0x44: {  	s30 =	simm.s32 $0x180;
	s29 =	simm.s32 $0x400;
	[sflag:s15] =	ssyncadd.s32 $0xFFFFC000  }
.LBB2_2:
0x45: {  	[tilespmem:s18], [sflag:$0x2] =	stream.indirect.gather [hbm4b:s4+s17], $0x80, s30, s17, $0xb8;
	[tilespmem:$0x1E400] =	vst v63  }
0x46: {  	s30 =	smov.u32 s29  }
0x47: {  	p0 =	sne.s32 s29, $0x4800;
	s29 =	sadd.s32 $0x400, s29;
	_ =	swait.ge [sflag:s19], $0x4000  }
0x48: {  	s30 =	sshra.s32 s30, $0x2;
	[sflag:s19] =	ssyncset.done $0x0  }
0x49: {  	s31 =	sadd.s32 $0x1400, s30;
	[sflag:s19] =	ssyncadd.s32 $0xFFFFC000  }
0x4a: {  	[spmem:s2] =	stream.indirect.scatter.add.f32 [tilespmem:s14], [sflag:$0x3], $0x80, s31, s17, $0xb8;
	[tilespmem:$0x1E400] =	vst v63  }
0x4b: {  	_ =	swait.ge [sflag:s15], $0x4000  }
0x4c: {  	[sflag:s15] =	ssyncset.done $0x0  }
0x4d: {  	s31 =	sadd.s32 $0x100, s30;
	[sflag:s15] =	ssyncadd.s32 $0xFFFFC000  }
0x4e: {  	[tilespmem:s14], [sflag:$0x1] =	stream.indirect.gather [hbm4b:s4+s17], $0x80, s31, s17, $0xb8;
	[tilespmem:$0x1E400] =	vst v63  }
0x4f: {  	_ =	swait.ge [sflag:s20], $0x4000  }
0x50: {  	[sflag:s20] =	ssyncset.done $0x0  }
.Ltmp0:
0x51: {  	s31 =	sadd.s32 $0x1480, s30;
	[sflag:s20] =	ssyncadd.s32 $0xFFFFC000;
	(pc) =	sbr.rel @p0 .LBB2_2-.Ltmp0, $4  }
0x52: {  	[spmem:s2] =	stream.indirect.scatter.add.f32 [tilespmem:s18], [sflag:$0x3], $0x80, s31, s17, $0xb8;
	[tilespmem:$0x1E400] =	vst v63  }
0x53: {  	_ =	swait.ge [sflag:s15], $0x4000  }
0x54: {  	[sflag:s15] =	ssyncset.done $0x0  }
0x55: {  	s30 =	sadd.s32 $0x180, s30;
	[sflag:s15] =	ssyncadd.s32 $0xFFFFC000  }
0x56: {  	[tilespmem:s18], [sflag:$0x2] =	stream.indirect.gather [hbm4b:s4+s17], $0x80, s30, s17, $0xb8;
	[tilespmem:$0x1E400] =	vst v63  }
0x57: {  	_ =	swait.ge [sflag:s19], $0x4000  }
0x58: {  	[sflag:s19] =	ssyncset.done $0x0  }
0x59: {  	[sflag:s19] =	ssyncadd.s32 $0xFFFFC000  }
0x5a: {  	[spmem:s2] =	stream.indirect.scatter.add.f32 [tilespmem:s14], [sflag:$0x3], $0x80, s21, s17, $0xb8;
	[tilespmem:$0x1E400] =	vst v63  }
0x5b: {  	_ =	swait.ge [sflag:s15], $0x4000  }
0x5c: {  	[sflag:s15] =	ssyncset.done $0x0  }
0x5d: {  	[sflag:s15] =	ssyncadd.s32 $0xFFFFC000  }
0x5e: {  	_ =	swait.ge [sflag:s20], $0x4000  }
0x5f: {  	[sflag:s20] =	ssyncset.done $0x0  }
0x60: {  	[sflag:s20] =	ssyncadd.s32 $0xFFFFC000  }
0x61: {  	[spmem:s2] =	stream.indirect.scatter.add.f32 [tilespmem:s18], [sflag:$0x3], $0x80, s22, s17, $0xb8;
	[tilespmem:$0x1E400] =	vst v63  }
0x62: {  	_ =	swait.ge [sflag:s15], $0x4000  }
0x63: {  	[sflag:s15] =	ssyncset.done $0x0  }
0x64: {  	s29 =	simm.s32 $0x0;
	[sflag:s15] =	ssyncadd.s32 $0xFFFFC000  }
0x65: {  	[tilespmem:s29], [sflag:$0x3] =	stream.linear.gather [hbm4b:s23+s29], $0x1400, $0x38;
	[tilespmem:$0x1E400] =	vst v63  }
0x66: {  	_ =	swait.ge [sflag:s15], $0x1400  }
0x67: {  	[sflag:s15] =	ssyncset.done $0x0  }
0x68: {  	[sflag:s15] =	ssyncadd.s32 $0xFFFFEC00  }
0x69: {  	[tilespmem:s16], [sflag:$0x3] =	stream.linear.gather [hbm4b:s26+s29], $0x1400, $0x38;
	[tilespmem:$0x1E400] =	vst v63  }
0x6a: {  	_ =	swait.ge [sflag:s15], $0x1400  }
0x6b: {  	[sflag:s15] =	ssyncset.done $0x0  }
0x6c: {  	[sflag:s15] =	ssyncadd.s32 $0xFFFFEC00  }
0x6d: {  	[tilespmem:s14], [sflag:$0x1] =	stream.indirect.gather [hbm4b:s4+s17], $0x80, s29, s17, $0xb8;
	[tilespmem:$0x1E400] =	vst v63  }
0x6e: {  	_ = 	snop  }
0x6f: {  	[tilespmem:s18], [sflag:$0x2] =	stream.indirect.gather [hbm4b:s4+s17], $0x80, s17, s17, $0xb8;
	[tilespmem:$0x1E400] =	vst v63  }
0x70: {  	_ =	swait.ge [sflag:s19], $0x4000  }
0x71: {  	[sflag:s19] =	ssyncset.done $0x0  }
0x72: {  	s29 =	simm.s32 $0x1400;
	[sflag:s19] =	ssyncadd.s32 $0xFFFFC000  }
0x73: {  	[spmem:s2] =	stream.indirect.scatter.add.f32 [tilespmem:s14], [sflag:$0x3], $0x80, s29, s17, $0xb8;
	[tilespmem:$0x1E400] =	vst v63  }
0x74: {  	_ =	swait.ge [sflag:s15], $0x4000  }
0x75: {  	[sflag:s15] =	ssyncset.done $0x0  }
0x76: {  	s29 =	simm.s32 $0x100;
	[sflag:s15] =	ssyncadd.s32 $0xFFFFC000  }
0x77: {  	[tilespmem:s14], [sflag:$0x1] =	stream.indirect.gather [hbm4b:s4+s17], $0x80, s29, s17, $0xb8;
	[tilespmem:$0x1E400] =	vst v63  }
0x78: {  	_ =	swait.ge [sflag:s20], $0x4000  }
0x79: {  	[sflag:s20] =	ssyncset.done $0x0  }
0x7a: {  	s29 =	simm.s32 $0x1480;
	[sflag:s20] =	ssyncadd.s32 $0xFFFFC000  }
0x7b: {  	[spmem:s2] =	stream.indirect.scatter.add.f32 [tilespmem:s18], [sflag:$0x3], $0x80, s29, s17, $0xb8;
	[tilespmem:$0x1E400] =	vst v63  }
0x7c: {  	_ =	swait.ge [sflag:s15], $0x4000  }
0x7d: {  	[sflag:s15] =	ssyncset.done $0x0  }
0x7e: {  	s30 =	simm.s32 $0x180;
	s29 =	simm.s32 $0x400;
	[sflag:s15] =	ssyncadd.s32 $0xFFFFC000  }
.LBB2_4:
0x7f: {  	[tilespmem:s18], [sflag:$0x2] =	stream.indirect.gather [hbm4b:s4+s17], $0x80, s30, s17, $0xb8;
	[tilespmem:$0x1E400] =	vst v63  }
0x80: {  	s30 =	smov.u32 s29  }
0x81: {  	p0 =	sne.s32 s29, $0x4800;
	s29 =	sadd.s32 $0x400, s29;
	_ =	swait.ge [sflag:s19], $0x4000  }
0x82: {  	s30 =	sshra.s32 s30, $0x2;
	[sflag:s19] =	ssyncset.done $0x0  }
0x83: {  	s31 =	sadd.s32 $0x1400, s30;
	[sflag:s19] =	ssyncadd.s32 $0xFFFFC000  }
0x84: {  	[spmem:s2] =	stream.indirect.scatter.add.f32 [tilespmem:s14], [sflag:$0x3], $0x80, s31, s17, $0xb8;
	[tilespmem:$0x1E400] =	vst v63  }
0x85: {  	_ =	swait.ge [sflag:s15], $0x4000  }
0x86: {  	[sflag:s15] =	ssyncset.done $0x0  }
0x87: {  	s31 =	sadd.s32 $0x100, s30;
	[sflag:s15] =	ssyncadd.s32 $0xFFFFC000  }
0x88: {  	[tilespmem:s14], [sflag:$0x1] =	stream.indirect.gather [hbm4b:s4+s17], $0x80, s31, s17, $0xb8;
	[tilespmem:$0x1E400] =	vst v63  }
0x89: {  	_ =	swait.ge [sflag:s20], $0x4000  }
0x8a: {  	[sflag:s20] =	ssyncset.done $0x0  }
.Ltmp1:
0x8b: {  	s31 =	sadd.s32 $0x1480, s30;
	[sflag:s20] =	ssyncadd.s32 $0xFFFFC000;
	(pc) =	sbr.rel @p0 .LBB2_4-.Ltmp1, $4  }
0x8c: {  	[spmem:s2] =	stream.indirect.scatter.add.f32 [tilespmem:s18], [sflag:$0x3], $0x80, s31, s17, $0xb8;
	[tilespmem:$0x1E400] =	vst v63  }
0x8d: {  	_ =	swait.ge [sflag:s15], $0x4000  }
0x8e: {  	[sflag:s15] =	ssyncset.done $0x0  }
0x8f: {  	s30 =	sadd.s32 $0x180, s30;
	[sflag:s15] =	ssyncadd.s32 $0xFFFFC000  }
0x90: {  	[tilespmem:s18], [sflag:$0x2] =	stream.indirect.gather [hbm4b:s4+s17], $0x80, s30, s17, $0xb8;
	[tilespmem:$0x1E400] =	vst v63  }
0x91: {  	_ =	swait.ge [sflag:s19], $0x4000  }
0x92: {  	[sflag:s19] =	ssyncset.done $0x0  }
0x93: {  	[sflag:s19] =	ssyncadd.s32 $0xFFFFC000  }
0x94: {  	[spmem:s2] =	stream.indirect.scatter.add.f32 [tilespmem:s14], [sflag:$0x3], $0x80, s21, s17, $0xb8;
	[tilespmem:$0x1E400] =	vst v63  }
0x95: {  	_ =	swait.ge [sflag:s15], $0x4000  }
0x96: {  	[sflag:s15] =	ssyncset.done $0x0  }
0x97: {  	[sflag:s15] =	ssyncadd.s32 $0xFFFFC000  }
0x98: {  	_ =	swait.ge [sflag:s20], $0x4000  }
0x99: {  	[sflag:s20] =	ssyncset.done $0x0  }
0x9a: {  	[sflag:s20] =	ssyncadd.s32 $0xFFFFC000  }
0x9b: {  	[spmem:s2] =	stream.indirect.scatter.add.f32 [tilespmem:s18], [sflag:$0x3], $0x80, s22, s17, $0xb8;
	[tilespmem:$0x1E400] =	vst v63  }
0x9c: {  	_ =	swait.ge [sflag:s15], $0x4000  }
0x9d: {  	s28 =	sadd.s32 $0x1, s28;
	[sflag:s15] =	ssyncset.done $0x0  }
0x9e: {  	p0 =	sne.s32 s28, s13;
	[sflag:s15] =	ssyncadd.s32 $0xFFFFC000  }
.Ltmp2:
0x9f: {  	s29 =	sshrl.u32 s6, $0x3;
	[bflag:$0x0] =	sbarrier.arrive $0xFFFF;
	(pc) =	sbr.rel @p0 .LBB2_1-.Ltmp2, $4  }
0xa0: {  	[hbm:s24], [sflag:s25] =	dma.local [spmem:s29], $0x2780  }
0xa1: {  	_ =	swait.ge [sflag:s15], $0x2780  }
0xa2: {  	[sflag:s15] =	ssyncset.done $0x0  }
0xa3: {  	[sflag:s15] =	ssyncadd.s32 $0xFFFFD880  }
0xa4: {  	_ =	sfence.sel $0x180000  }
0xa5: {  	[bflag:$0x0] =	sbarrier.arrive $0xFFFF  }
0xa6: {  	p0 =	sne.s32 s1, $0x0;
	_ =	strace $0x9000004A  }
0xa7: {  	s0 =	sadd.s32 @!p0 $0x100000, s0;
	[bflag:$0x2] =	sbarrier.arrive $0xFFFF  }
0xa8: {  	[sflag:s0] =	ssyncadd.tile.s32 @!p0 $0x1;
	_ =	shalt  }
.Lfunc_end2:
_tile_overlayer_lowered:
.L_overlay_start_2:
0xa9: {  	(tag) =	ssettag $0x2  }
0xaa: {  	s0 =	rddreg [dreg:$0x0];
	s2 =	stileid.u32  }
0xab: {  	s1 =	rddreg [dreg:$0x1];
	p0 =	sne.s32 s2, $0x0  }
0xac: {  	s3 =	rddreg [dreg:$0x2];
	[bflag:$0x3] =	sbarrier.arrive $0xFFFF;
	s2 =	simm.s32 @!p0 $0x1C03  }
0xad: {  	[timem:s3], [sflag:s2] =	dma.local @!p0 [hbm:s0], s1  }
0xae: {  	s0 =	simm.s32 @!p0 $0x3  }
0xaf: {  	_ =	swait.ge @!p0 [sflag:s0], s1  }
0xb0: {  	s1 =	ssub.s32 @!p0 $0x0, s1;
	[sflag:s0] =	ssyncset.done @!p0 $0x0  }
0xb1: {  	[sflag:s0] =	ssyncadd.s32 @!p0 s1  }
0xb2: {  	[bflag:$0x3] =	sbarrier.arrive $0xFFFF  }
0xb3: {  	_ =	shalt  }

// kernel: kernel.19.cloned.1.call-start
scs
__scs_entry_jumppad:
0x0: {  	(pc) =	sbr.rel $0x88, $3  }
0x1: {  	(tag) =	ssettag $0x0;
	lr =	simm.s32 $0x1  }
0x2: {  	[smem:$0x3F94] =	sst lr;
	_ =	strace $0xD0000000  }
0x3: {  	_ = 	snop  }
0x4: {  	_ = 	snop  }
0x5: {  	_ = 	snop  }
0x6: {  	_ = 	snop  }
0x7: {  	_ = 	snop  }
__scs_overlays_trampoline_lowered:
0x8: {  	[smem:$0x3FA3] =	sst s0  }
0x9: {  	[smem:$0x3FA4] =	sst s1  }
0xa: {  	[smem:$0x3FA5] =	sst s2  }
0xb: {  	[smem:$0x3FA6] =	sst s3  }
0xc: {  	[smem:$0x3FA7] =	sst s4  }
0xd: {  	[smem:$0x3FA8] =	sst s5  }
0xe: {  	[smem:$0x3FA9] =	sst s6  }
0xf: {  	[smem:$0x3FAA] =	sst s7  }
0x10: {  	[smem:$0x3FAB] =	sst s8  }
0x11: {  	[smem:$0x3FAC] =	sst s9;
	s0 =	simm.s32 @!p0 $0x0  }
0x12: {  	s1 =	sld [smem:$0x3F92];
	s0 =	simm.s32 @p0 $0x1  }
0x13: {  	[smem:$0x3FAD] =	sst s0;
	s0 =	simm.s32 @!p1 $0x0  }
0x14: {  	s2 =	sld [smem:$0x3F91];
	s0 =	simm.s32 @p1 $0x1  }
0x15: {  	[smem:$0x3FAE] =	sst s0;
	s0 =	simm.s32 @!p2 $0x0  }
0x16: {  	s3 =	sld [smem:$0x3FDB];
	s0 =	simm.s32 @p2 $0x1  }
0x17: {  	s4 =	simm.s32 $0x1BF5;
	[smem:$0x3FB0] =	sst s0  }
0x18: {  	s0 =	sld [smem:$0x3F93];
	_ =	swait.ge [sflag:s4], $0x0  }
0x19: {  	s7 =	sld [smem:$0x3F94]  }
0x1a: {  	s8 =	sadd.s32 $0xFFFFE003, lr  }
0x1b: {  	s9 =	sadd.s32 $0xFFFFFEF7, lr;
	s5 =	simm.s32 $0xFFFFFFFF;
	p2 =	slt.u32 s8, $0xFFFFF086  }
0x1c: {  	p1 =	slt.u32 s9, $0xF7A;
	s5 =	simm.s32 @!p2 $0x0  }
0x1d: {  	s5 =	simm.s32 @p1 $0x1;
	p0 =	seq.s32 s7, s2  }
0x1e: {  	s7 =	smul.u32 @!p0 $0xF7A, s2;
	p2 =	seq.s32 @!p0 s5, $0x0  }
0x1f: {  	s9 =	smul.u32 $0xF7A, s1;
	s8 =	simm.s32 @!p0 $0x1BF5;
	p2 =	por !p2, p0  }
0x20: {  	[sflag:s8] =	ssyncset.s32 @!p0 $0xFFFFF086;
	s6 =	sadd.s32 @!p0 s3, s7;
	s7 =	simm.s32 @!p0 $0x108  }
0x21: {  	s3 =	sadd.s32 s3, s9;
	s6 =	sadd.s32 @!p0 $0x88, s6;
	s7 =	simm.s32 @p2 $0x1082  }
0x22: {  	[simem:s7], [sflag:s8] =	dma.local @!p0 [hbm:s6], $0xF7A  }
0x23: {  	s9 =	sor.u32 $0xD0000000, s2;
	s6 =	simm.s32 $0x108;
	_ =	swait.ge @!p0 [sflag:s8], $0x0  }
0x24: {  	s3 =	sadd.s32 $0x88, s3;
	s6 =	simm.s32 @!p1 $0x1082;
	[sflag:s4] =	ssyncset.s32 $0xFFFFF086  }
0x25: {  	[simem:s6], [sflag:s4] =	dma.local [hbm:s3], $0xF7A  }
0x26: {  	[smem:$0x3F94] =	sst s1;
	(tag) =	ssettag s2;
	_ =	strace s9  }
0x27: {  	s1 =	sld [smem:$0x3FA4]  }
0x28: {  	s2 =	sld [smem:$0x3FA5]  }
0x29: {  	s4 =	sld [smem:$0x3FA7]  }
0x2a: {  	p0 =	seq.s32 s5, $0x0;
	s5 =	sld [smem:$0x3FA8]  }
0x2b: {  	s6 =	sld [smem:$0x3FA9]  }
0x2c: {  	s7 =	sld [smem:$0x3FAA]  }
0x2d: {  	s3 =	simm.s32 $0x108;
	s8 =	sld [smem:$0x3FAB]  }
0x2e: {  	s3 =	simm.s32 @!p0 $0x1082;
	s9 =	sld [smem:$0x3FAC]  }
0x2f: {  	lr =	sadd.s32 s0, s3;
	s0 =	sld [smem:$0x3FA3]  }
0x30: {  	s3 =	sld [smem:$0x3FA6]  }
0x31: {  	[smem:$0x3FAF] =	sst s10  }
0x32: {  	s10 =	sld [smem:$0x3FAD];
	_ =	sdelay $0x3  }
0x33: {  	p0 =	seq.s32 s10, $0x1;
	s10 =	sld [smem:$0x3FAF];
	_ =	sdelay $0x3  }
0x34: {  	[smem:$0x3FAF] =	sst s10  }
0x35: {  	s10 =	sld [smem:$0x3FAE];
	_ =	sdelay $0x3  }
0x36: {  	p1 =	seq.s32 s10, $0x1;
	s10 =	sld [smem:$0x3FAF];
	_ =	sdelay $0x3  }
0x37: {  	[smem:$0x3FAF] =	sst s10  }
0x38: {  	s10 =	sld [smem:$0x3FB0]  }
0x39: {  	_ = 	snop;
	(pc) =	sbr.ind lr, $3  }
0x3a: {  	_ = 	snop  }
0x3b: {  	_ = 	snop  }
0x3c: {  	p2 =	seq.s32 s10, $0x1;
	s10 =	sld [smem:$0x3FAF]  }
0x3d: {  	_ =	shalt  }
0x3e: {  	_ =	shalt  }
0x3f: {  	_ =	shalt  }
0x40: {  	_ =	shalt  }
0x41: {  	_ =	shalt  }
0x42: {  	_ =	shalt  }
0x43: {  	_ =	shalt  }
0x44: {  	_ =	shalt  }
0x45: {  	_ =	shalt  }
0x46: {  	_ =	shalt  }
0x47: {  	_ =	shalt  }
0x48: {  	_ =	shalt  }
0x49: {  	_ =	shalt  }
0x4a: {  	_ =	shalt  }
0x4b: {  	_ =	shalt  }
0x4c: {  	_ =	shalt  }
0x4d: {  	_ =	shalt  }
0x4e: {  	_ =	shalt  }
0x4f: {  	_ =	shalt  }
0x50: {  	_ =	shalt  }
0x51: {  	_ =	shalt  }
0x52: {  	_ =	shalt  }
0x53: {  	_ =	shalt  }
0x54: {  	_ =	shalt  }
0x55: {  	_ =	shalt  }
0x56: {  	_ =	shalt  }
0x57: {  	_ =	shalt  }
0x58: {  	_ =	shalt  }
0x59: {  	_ =	shalt  }
0x5a: {  	_ =	shalt  }
0x5b: {  	_ =	shalt  }
0x5c: {  	_ =	shalt  }
0x5d: {  	_ =	shalt  }
0x5e: {  	_ =	shalt  }
0x5f: {  	_ =	shalt  }
0x60: {  	_ =	shalt  }
0x61: {  	_ =	shalt  }
0x62: {  	_ =	shalt  }
0x63: {  	_ =	shalt  }
0x64: {  	_ =	shalt  }
0x65: {  	_ =	shalt  }
0x66: {  	_ =	shalt  }
0x67: {  	_ =	shalt  }
0x68: {  	_ =	shalt  }
0x69: {  	_ =	shalt  }
0x6a: {  	_ =	shalt  }
0x6b: {  	_ =	shalt  }
0x6c: {  	_ =	shalt  }
0x6d: {  	_ =	shalt  }
0x6e: {  	_ =	shalt  }
0x6f: {  	_ =	shalt  }
0x70: {  	_ =	shalt  }
0x71: {  	_ =	shalt  }
0x72: {  	_ =	shalt  }
0x73: {  	_ =	shalt  }
0x74: {  	_ =	shalt  }
0x75: {  	_ =	shalt  }
0x76: {  	_ =	shalt  }
0x77: {  	_ =	shalt  }
0x78: {  	_ =	shalt  }
0x79: {  	_ =	shalt  }
0x7a: {  	_ =	shalt  }
0x7b: {  	_ =	shalt  }
0x7c: {  	_ =	shalt  }
0x7d: {  	_ =	shalt  }
0x7e: {  	_ =	shalt  }
0x7f: {  	_ =	shalt  }
0x80: {  	_ =	shalt  }
0x81: {  	_ =	shalt  }
0x82: {  	_ =	shalt  }
0x83: {  	_ =	shalt  }
0x84: {  	_ =	shalt  }
0x85: {  	_ =	shalt  }
0x86: {  	_ =	shalt  }
0x87: {  	_ =	shalt  }
.Lfunc_end0:
.L_simem_size_0:
called_computation.2_lowered:
.L_overlay_start_0:
0x88: {  	s2 =	sld [smem:$0x3FD9]  }
0x89: {  	s3 =	sld [smem:$0x3FFE];
	_ =	sdelay $0x1  }
0x8a: {  	s1 =	srdreg.scid  }
0x8b: {  	s0 =	sand.u32 $0x1, s1  }
0x8c: {  	s17 =	sshll.u32 s0, $0xA;
	s2 =	sadd.s32 s3, s2  }
0x8d: {  	s2 =	sadd.s32 s2, s17  }
0x8e: {  	[smem:$0x3FBB] =	sst s2  }
0x8f: {  	_ = 	snop  }
0x90: {  	s2 =	sld [smem:$0x3FD0];
	(tm) =	ssettm $0x1  }
0x91: {  	s18 =	sld [smem:$0x3FFB];
	_ =	sdelay $0x3  }
0x92: {  	_ =	strace s18  }
0x93: {  	s3 =	sld [smem:$0x3FFC];
	_ =	sdelay $0x3  }
0x94: {  	_ =	strace s3  }
0x95: {  	s3 =	sld [smem:$0x3FFD];
	_ =	sdelay $0x3  }
0x96: {  	_ =	strace s3  }
0x97: {  	_ =	strace $0x8FFFFFFF  }
0x98: {  	s19 =	sld [smem:$0x3FDB];
	_ =	sdelay $0x1  }
0x99: {  	s4 =	simm.s32 $_scs_section_size  }
0x9a: {  	s5 =	simm.s32 $_size__tile_overlayer_lowered;
	s6 =	simm.s32 $_tile_overlayer_lowered  }
0x9b: {  	s22 =	simm.s32 $0x1BFF;
	s21 =	sshll.u32 s6, $0x1;
	s3 =	sadd.s32 s4, s19  }
0x9c: {  	s7 =	simm.s32 $0x0;
	s20 =	sshll.u32 s5, $0x1;
	s5 =	sadd.s32 s21, s3  }
0x9d: {  	[timem:s7], [sflag:s22] =	dma.local [hbm:s5], s20  }
0x9e: {  	_ =	swait.ge [sflag:s22], s20  }
0x9f: {  	s4 =	ssub.s32 $0x0, s20;
	[sflag:s22] =	ssyncset.done $0x0  }
0xa0: {  	[sflag:s22] =	ssyncadd.s32 s4;
	_ =	sdelay $0x1  }
0xa1: {  	s23 =	simm.s32 $0x1B8B  }
0xa2: {  	_ =	swait.ge [sflag:s23], $0x1  }
0xa3: {  	[sflag:s23] =	ssyncset.done $0x0  }
0xa4: {  	s25 =	simm.s32 $0x1B8E;
	s24 =	sld [smem:$0x3FFE];
	[sflag:s23] =	ssyncadd.s32 $0xFFFFFFFF  }
0xa5: {  	s26 =	simm.s32 $execute0_lowered;
	[smem:$0x3FD2] =	sst s25  }
0xa6: {  	s5 =	sshll.u32 s26, $0x1;
	_ =	strace $0x8000004C;
	[dreg:$0x1] =	wrdreg $0xFFFFFFFF  }
0xa7: {  	s28 =	simm.s32 $_size_execute0_lowered;
	s3 =	sadd.s32 s3, s5;
	[dreg:$0x0] =	wrdreg $0x0  }
0xa8: {  	s5 =	sshll.u32 s28, $0x1;
	[dreg:$0x2] =	wrdreg s3  }
0xa9: {  	[dreg:$0x3] =	wrdreg s5  }
0xaa: {  	[dreg:$0x4] =	wrdreg $0xC0  }
0xab: {  	_ =	task [dreg:s7], $0x5FFFF  }
0xac: {  	[dreg:$0x1] =	wrdreg $0xFFFFFFFF  }
0xad: {  	[dreg:$0x0] =	wrdreg $0x60  }
0xae: {  	[dreg:$0x2] =	wrdreg s24  }
0xaf: {  	[dreg:$0x3] =	wrdreg s2  }
0xb0: {  	[dreg:$0x4] =	wrdreg $0xA8000  }
0xb1: {  	[dreg:$0x5] =	wrdreg $0x9  }
0xb2: {  	_ =	task.clear_ibuf [dreg:s7], $0x6FFFF;
	_ =	strace $0x9000004C  }
0xb3: {  	s29 =	simm.s32 $0x9;
	_ =	strace $0x8000004E  }
0xb4: {  	_ =	swait.ge [sflag:s29], $0x1  }
0xb5: {  	[sflag:s29] =	ssyncadd.s32 $0xFFFFFFFF  }
0xb6: {  	_ =	strace $0x9000004E  }
0xb7: {  	_ =	sfence  }
0xb8: {  	s30 =	sld [smem:$0x0];
	_ =	sdelay $0x2  }
0xb9: {  	s31 =	sshll.u32 s1, $0xD;
	s1 =	sshrl.u32 s1, $0x2  }
0xba: {  	s3 =	sand.u32 $0x4000, s31;
	s1 =	sadd.s32 s1, s30  }
0xbb: {  	s0 =	sor.u32 s3, s0;
	s1 =	sshll.u32 s1, $0x11  }
0xbc: {  	s0 =	sor.u32 s1, s0  }
0xbd: {  	s0 =	sadd.s32 $0x8F2B, s0  }
0xbe: {  	[sflag:s0] =	ssyncadd.remote.s32 $0x1  }
0xbf: {  	_ =	sfence.sel $0xFFFF  }
0xc0: {  	[dreg:$0x0] =	wrdreg $0xFFFFFFFF;
	(pc) =	sbr.abs _section_cstart, $3  }
0xc1: {  	[dreg:$0x1] =	wrdreg $0xFFFFFFFF  }
0xc2: {  	_ =	task.clear_ibuf [dreg:s7], $0x2FFFF;
	_ =	strace $0x9FFFFFFF  }
0xc3: {  	(tm) =	ssettm $0x7FFFFFFF  }
tec
execute0_lowered:
.L_overlay_start_1:
0x0: {  	(tag) =	ssettag $0x1  }
0x1: {  	s6 =	rddreg [dreg:$0x0]  }
0x2: {  	s0 =	srdreg.scid;
	s12 =	rddreg [dreg:$0x1]  }
0x3: {  	s2 =	rddreg [dreg:$0x2];
	s1 =	stileid.u32;
	s3 =	simm.s32 $0x0  }
0x4: {  	s16 =	simm.s32 $0x1400;
	s17 =	simm.s32 $0x80;
	s18 =	simm.s32 $0x6800  }
0x5: {  	s19 =	simm.s32 $0x1;
	s20 =	simm.s32 $0x2;
	s21 =	simm.s32 $0x2700  }
0x6: {  	s22 =	simm.s32 $0x2780;
	s5 =	sand.u32 $0x1, s0;
	s0 =	rddreg [dreg:$0x3]  }
0x7: {  	s28 =	simm.s32 $0x0;
	[smem:$0x7FF] =	sst s3;
	s7 =	smul.u32 $0x4F000, s1  }
0x8: {  	s25 =	smul.u32 $0x2780, s1;
	s31 =	sshll.u32 s1, $0x6;
	s4 =	sshll.u32 s5, $0x4  }
0x9: {  	_ =	strace $0x8000004D;
	s8 =	smul.u32 $0x27800, s5;
	s9 =	ssub.s32 $0x2, s5  }
0xa: {  	s5 =	sadd.s32 $0x5000, s6;
	s4 =	sor.u32 s1, s4;
	s10 =	sshrl.u32 s9, $0x1  }
0xb: {  	s7 =	sshrl.u32 s7, $0x2;
	s13 =	smul.u32 $0x500, s4;
	s14 =	sadd.s32 s8, s6  }
0xc: {  	s4 =	sadd.s32 $0x2CA00, s6;
	s15 =	ssub.s32 s9, s10;
	s24 =	sadd.s32 $0x86200, s14  }
0xd: {  	s14 =	simm.s32 $0x2800;
	s11 =	sadd.s32 s13, s6;
	s6 =	sadd.s32 s7, s2  }
0xe: {  	s12 =	sadd.s32 s12, s13;
	s13 =	smax.u32 s15, $0x1;
	s15 =	simm.s32 $0x3  }
0xf: {  	s24 =	sadd.s32 s25, s24;
	s25 =	sor.u32 $0x1C03, s31;
	s7 =	sadd.s32 $0x4000, s6  }
0x10: {  	s8 =	sadd.s32 $0x8000, s6;
	s9 =	sadd.s32 $0xC000, s6;
	s11 =	sadd.s32 $0x55000, s11  }
0x11: {  	s10 =	sadd.s32 $0x10000, s6;
	s26 =	sadd.s32 $0x280, s12;
	s23 =	sadd.s32 $0x280, s11  }
.LBB2_1:
0x12: {  	[tilespmem:s14], [sflag:$0x3] =	stream.linear.gather [hbm4b:s5+s3], $0x4000, $0x38;
	[tilespmem:$0x1E400] =	vst v63  }
0x13: {  	_ =	swait.ge [sflag:s15], $0x4000  }
0x14: {  	[sflag:s15] =	ssyncset.done $0x0  }
0x15: {  	[sflag:s15] =	ssyncadd.s32 $0xFFFFC000  }
0x16: {  	[spmem:s6] =	stream.linear.scatter [tilespmem:s14], [sflag:$0x3], $0x4000, $0x38;
	[tilespmem:$0x1E400] =	vst v63  }
0x17: {  	_ =	swait.ge [sflag:s15], $0x4000  }
0x18: {  	[sflag:s15] =	ssyncset.done $0x0  }
0x19: {  	[sflag:s15] =	ssyncadd.s32 $0xFFFFC000  }
0x1a: {  	[spmem:s7] =	stream.linear.scatter [tilespmem:s14], [sflag:$0x3], $0x4000, $0x38;
	[tilespmem:$0x1E400] =	vst v63  }
0x1b: {  	_ =	swait.ge [sflag:s15], $0x4000  }
0x1c: {  	[sflag:s15] =	ssyncset.done $0x0  }
0x1d: {  	[sflag:s15] =	ssyncadd.s32 $0xFFFFC000  }
0x1e: {  	[spmem:s8] =	stream.linear.scatter [tilespmem:s14], [sflag:$0x3], $0x4000, $0x38;
	[tilespmem:$0x1E400] =	vst v63  }
0x1f: {  	_ =	swait.ge [sflag:s15], $0x4000  }
0x20: {  	[sflag:s15] =	ssyncset.done $0x0  }
0x21: {  	[sflag:s15] =	ssyncadd.s32 $0xFFFFC000  }
0x22: {  	[spmem:s9] =	stream.linear.scatter [tilespmem:s14], [sflag:$0x3], $0x4000, $0x38;
	[tilespmem:$0x1E400] =	vst v63  }
0x23: {  	_ =	swait.ge [sflag:s15], $0x4000  }
0x24: {  	[sflag:s15] =	ssyncset.done $0x0  }
0x25: {  	[sflag:s15] =	ssyncadd.s32 $0xFFFFC000  }
0x26: {  	[spmem:s10] =	stream.linear.scatter [tilespmem:s14], [sflag:$0x3], $0x3C00, $0x38;
	[tilespmem:$0x1E400] =	vst v63  }
0x27: {  	_ =	swait.ge [sflag:s15], $0x3C00  }
0x28: {  	[sflag:s15] =	ssyncset.done $0x0  }
0x29: {  	[sflag:s15] =	ssyncadd.s32 $0xFFFFC400  }
0x2a: {  	[bflag:$0x0] =	sbarrier.arrive $0xFFFF  }
0x2b: {  	[tilespmem:s3], [sflag:$0x3] =	stream.linear.gather [hbm4b:s11+s3], $0x1400, $0x38;
	[tilespmem:$0x1E400] =	vst v63  }
0x2c: {  	_ =	swait.ge [sflag:s15], $0x1400  }
0x2d: {  	[sflag:s15] =	ssyncset.done $0x0  }
0x2e: {  	[sflag:s15] =	ssyncadd.s32 $0xFFFFEC00  }
0x2f: {  	[tilespmem:s16], [sflag:$0x3] =	stream.linear.gather [hbm4b:s12+s3], $0x1400, $0x38;
	[tilespmem:$0x1E400] =	vst v63  }
0x30: {  	_ =	swait.ge [sflag:s15], $0x1400  }
0x31: {  	[sflag:s15] =	ssyncset.done $0x0  }
0x32: {  	[sflag:s15] =	ssyncadd.s32 $0xFFFFEC00  }
0x33: {  	[tilespmem:s14], [sflag:$0x1] =	stream.indirect.gather [hbm4b:s4+s17], $0x80, s3, s17, $0xb8;
	[tilespmem:$0x1E400] =	vst v63  }
0x34: {  	_ = 	snop  }
0x35: {  	[tilespmem:s18], [sflag:$0x2] =	stream.indirect.gather [hbm4b:s4+s17], $0x80, s17, s17, $0xb8;
	[tilespmem:$0x1E400] =	vst v63  }
0x36: {  	_ =	swait.ge [sflag:s19], $0x4000  }
0x37: {  	[sflag:s19] =	ssyncset.done $0x0  }
0x38: {  	s29 =	simm.s32 $0x1400;
	[sflag:s19] =	ssyncadd.s32 $0xFFFFC000  }
0x39: {  	[spmem:s2] =	stream.indirect.scatter.add.f32 [tilespmem:s14], [sflag:$0x3], $0x80, s29, s17, $0xb8;
	[tilespmem:$0x1E400] =	vst v63  }
0x3a: {  	_ =	swait.ge [sflag:s15], $0x4000  }
0x3b: {  	[sflag:s15] =	ssyncset.done $0x0  }
0x3c: {  	s29 =	simm.s32 $0x100;
	[sflag:s15] =	ssyncadd.s32 $0xFFFFC000  }
0x3d: {  	[tilespmem:s14], [sflag:$0x1] =	stream.indirect.gather [hbm4b:s4+s17], $0x80, s29, s17, $0xb8;
	[tilespmem:$0x1E400] =	vst v63  }
0x3e: {  	_ =	swait.ge [sflag:s20], $0x4000  }
0x3f: {  	[sflag:s20] =	ssyncset.done $0x0  }
0x40: {  	s29 =	simm.s32 $0x1480;
	[sflag:s20] =	ssyncadd.s32 $0xFFFFC000  }
0x41: {  	[spmem:s2] =	stream.indirect.scatter.add.f32 [tilespmem:s18], [sflag:$0x3], $0x80, s29, s17, $0xb8;
	[tilespmem:$0x1E400] =	vst v63  }
0x42: {  	_ =	swait.ge [sflag:s15], $0x4000  }
0x43: {  	[sflag:s15] =	ssyncset.done $0x0  }
0x44: {  	s30 =	simm.s32 $0x180;
	s29 =	simm.s32 $0x400;
	[sflag:s15] =	ssyncadd.s32 $0xFFFFC000  }
.LBB2_2:
0x45: {  	[tilespmem:s18], [sflag:$0x2] =	stream.indirect.gather [hbm4b:s4+s17], $0x80, s30, s17, $0xb8;
	[tilespmem:$0x1E400] =	vst v63  }
0x46: {  	s30 =	smov.u32 s29  }
0x47: {  	p0 =	sne.s32 s29, $0x4800;
	s29 =	sadd.s32 $0x400, s29;
	_ =	swait.ge [sflag:s19], $0x4000  }
0x48: {  	s30 =	sshra.s32 s30, $0x2;
	[sflag:s19] =	ssyncset.done $0x0  }
0x49: {  	s31 =	sadd.s32 $0x1400, s30;
	[sflag:s19] =	ssyncadd.s32 $0xFFFFC000  }
0x4a: {  	[spmem:s2] =	stream.indirect.scatter.add.f32 [tilespmem:s14], [sflag:$0x3], $0x80, s31, s17, $0xb8;
	[tilespmem:$0x1E400] =	vst v63  }
0x4b: {  	_ =	swait.ge [sflag:s15], $0x4000  }
0x4c: {  	[sflag:s15] =	ssyncset.done $0x0  }
0x4d: {  	s31 =	sadd.s32 $0x100, s30;
	[sflag:s15] =	ssyncadd.s32 $0xFFFFC000  }
0x4e: {  	[tilespmem:s14], [sflag:$0x1] =	stream.indirect.gather [hbm4b:s4+s17], $0x80, s31, s17, $0xb8;
	[tilespmem:$0x1E400] =	vst v63  }
0x4f: {  	_ =	swait.ge [sflag:s20], $0x4000  }
0x50: {  	[sflag:s20] =	ssyncset.done $0x0  }
.Ltmp0:
0x51: {  	s31 =	sadd.s32 $0x1480, s30;
	[sflag:s20] =	ssyncadd.s32 $0xFFFFC000;
	(pc) =	sbr.rel @p0 .LBB2_2-.Ltmp0, $4  }
0x52: {  	[spmem:s2] =	stream.indirect.scatter.add.f32 [tilespmem:s18], [sflag:$0x3], $0x80, s31, s17, $0xb8;
	[tilespmem:$0x1E400] =	vst v63  }
0x53: {  	_ =	swait.ge [sflag:s15], $0x4000  }
0x54: {  	[sflag:s15] =	ssyncset.done $0x0  }
0x55: {  	s30 =	sadd.s32 $0x180, s30;
	[sflag:s15] =	ssyncadd.s32 $0xFFFFC000  }
0x56: {  	[tilespmem:s18], [sflag:$0x2] =	stream.indirect.gather [hbm4b:s4+s17], $0x80, s30, s17, $0xb8;
	[tilespmem:$0x1E400] =	vst v63  }
0x57: {  	_ =	swait.ge [sflag:s19], $0x4000  }
0x58: {  	[sflag:s19] =	ssyncset.done $0x0  }
0x59: {  	[sflag:s19] =	ssyncadd.s32 $0xFFFFC000  }
0x5a: {  	[spmem:s2] =	stream.indirect.scatter.add.f32 [tilespmem:s14], [sflag:$0x3], $0x80, s21, s17, $0xb8;
	[tilespmem:$0x1E400] =	vst v63  }
0x5b: {  	_ =	swait.ge [sflag:s15], $0x4000  }
0x5c: {  	[sflag:s15] =	ssyncset.done $0x0  }
0x5d: {  	[sflag:s15] =	ssyncadd.s32 $0xFFFFC000  }
0x5e: {  	_ =	swait.ge [sflag:s20], $0x4000  }
0x5f: {  	[sflag:s20] =	ssyncset.done $0x0  }
0x60: {  	[sflag:s20] =	ssyncadd.s32 $0xFFFFC000  }
0x61: {  	[spmem:s2] =	stream.indirect.scatter.add.f32 [tilespmem:s18], [sflag:$0x3], $0x80, s22, s17, $0xb8;
	[tilespmem:$0x1E400] =	vst v63  }
0x62: {  	_ =	swait.ge [sflag:s15], $0x4000  }
0x63: {  	[sflag:s15] =	ssyncset.done $0x0  }
0x64: {  	s29 =	simm.s32 $0x0;
	[sflag:s15] =	ssyncadd.s32 $0xFFFFC000  }
0x65: {  	[tilespmem:s29], [sflag:$0x3] =	stream.linear.gather [hbm4b:s23+s29], $0x1400, $0x38;
	[tilespmem:$0x1E400] =	vst v63  }
0x66: {  	_ =	swait.ge [sflag:s15], $0x1400  }
0x67: {  	[sflag:s15] =	ssyncset.done $0x0  }
0x68: {  	[sflag:s15] =	ssyncadd.s32 $0xFFFFEC00  }
0x69: {  	[tilespmem:s16], [sflag:$0x3] =	stream.linear.gather [hbm4b:s26+s29], $0x1400, $0x38;
	[tilespmem:$0x1E400] =	vst v63  }
0x6a: {  	_ =	swait.ge [sflag:s15], $0x1400  }
0x6b: {  	[sflag:s15] =	ssyncset.done $0x0  }
0x6c: {  	[sflag:s15] =	ssyncadd.s32 $0xFFFFEC00  }
0x6d: {  	[tilespmem:s14], [sflag:$0x1] =	stream.indirect.gather [hbm4b:s4+s17], $0x80, s29, s17, $0xb8;
	[tilespmem:$0x1E400] =	vst v63  }
0x6e: {  	_ = 	snop  }
0x6f: {  	[tilespmem:s18], [sflag:$0x2] =	stream.indirect.gather [hbm4b:s4+s17], $0x80, s17, s17, $0xb8;
	[tilespmem:$0x1E400] =	vst v63  }
0x70: {  	_ =	swait.ge [sflag:s19], $0x4000  }
0x71: {  	[sflag:s19] =	ssyncset.done $0x0  }
0x72: {  	s29 =	simm.s32 $0x1400;
	[sflag:s19] =	ssyncadd.s32 $0xFFFFC000  }
0x73: {  	[spmem:s2] =	stream.indirect.scatter.add.f32 [tilespmem:s14], [sflag:$0x3], $0x80, s29, s17, $0xb8;
	[tilespmem:$0x1E400] =	vst v63  }
0x74: {  	_ =	swait.ge [sflag:s15], $0x4000  }
0x75: {  	[sflag:s15] =	ssyncset.done $0x0  }
0x76: {  	s29 =	simm.s32 $0x100;
	[sflag:s15] =	ssyncadd.s32 $0xFFFFC000  }
0x77: {  	[tilespmem:s14], [sflag:$0x1] =	stream.indirect.gather [hbm4b:s4+s17], $0x80, s29, s17, $0xb8;
	[tilespmem:$0x1E400] =	vst v63  }
0x78: {  	_ =	swait.ge [sflag:s20], $0x4000  }
0x79: {  	[sflag:s20] =	ssyncset.done $0x0  }
0x7a: {  	s29 =	simm.s32 $0x1480;
	[sflag:s20] =	ssyncadd.s32 $0xFFFFC000  }
0x7b: {  	[spmem:s2] =	stream.indirect.scatter.add.f32 [tilespmem:s18], [sflag:$0x3], $0x80, s29, s17, $0xb8;
	[tilespmem:$0x1E400] =	vst v63  }
0x7c: {  	_ =	swait.ge [sflag:s15], $0x4000  }
0x7d: {  	[sflag:s15] =	ssyncset.done $0x0  }
0x7e: {  	s30 =	simm.s32 $0x180;
	s29 =	simm.s32 $0x400;
	[sflag:s15] =	ssyncadd.s32 $0xFFFFC000  }
.LBB2_4:
0x7f: {  	[tilespmem:s18], [sflag:$0x2] =	stream.indirect.gather [hbm4b:s4+s17], $0x80, s30, s17, $0xb8;
	[tilespmem:$0x1E400] =	vst v63  }
0x80: {  	s30 =	smov.u32 s29  }
0x81: {  	p0 =	sne.s32 s29, $0x4800;
	s29 =	sadd.s32 $0x400, s29;
	_ =	swait.ge [sflag:s19], $0x4000  }
0x82: {  	s30 =	sshra.s32 s30, $0x2;
	[sflag:s19] =	ssyncset.done $0x0  }
0x83: {  	s31 =	sadd.s32 $0x1400, s30;
	[sflag:s19] =	ssyncadd.s32 $0xFFFFC000  }
0x84: {  	[spmem:s2] =	stream.indirect.scatter.add.f32 [tilespmem:s14], [sflag:$0x3], $0x80, s31, s17, $0xb8;
	[tilespmem:$0x1E400] =	vst v63  }
0x85: {  	_ =	swait.ge [sflag:s15], $0x4000  }
0x86: {  	[sflag:s15] =	ssyncset.done $0x0  }
0x87: {  	s31 =	sadd.s32 $0x100, s30;
	[sflag:s15] =	ssyncadd.s32 $0xFFFFC000  }
0x88: {  	[tilespmem:s14], [sflag:$0x1] =	stream.indirect.gather [hbm4b:s4+s17], $0x80, s31, s17, $0xb8;
	[tilespmem:$0x1E400] =	vst v63  }
0x89: {  	_ =	swait.ge [sflag:s20], $0x4000  }
0x8a: {  	[sflag:s20] =	ssyncset.done $0x0  }
.Ltmp1:
0x8b: {  	s31 =	sadd.s32 $0x1480, s30;
	[sflag:s20] =	ssyncadd.s32 $0xFFFFC000;
	(pc) =	sbr.rel @p0 .LBB2_4-.Ltmp1, $4  }
0x8c: {  	[spmem:s2] =	stream.indirect.scatter.add.f32 [tilespmem:s18], [sflag:$0x3], $0x80, s31, s17, $0xb8;
	[tilespmem:$0x1E400] =	vst v63  }
0x8d: {  	_ =	swait.ge [sflag:s15], $0x4000  }
0x8e: {  	[sflag:s15] =	ssyncset.done $0x0  }
0x8f: {  	s30 =	sadd.s32 $0x180, s30;
	[sflag:s15] =	ssyncadd.s32 $0xFFFFC000  }
0x90: {  	[tilespmem:s18], [sflag:$0x2] =	stream.indirect.gather [hbm4b:s4+s17], $0x80, s30, s17, $0xb8;
	[tilespmem:$0x1E400] =	vst v63  }
0x91: {  	_ =	swait.ge [sflag:s19], $0x4000  }
0x92: {  	[sflag:s19] =	ssyncset.done $0x0  }
0x93: {  	[sflag:s19] =	ssyncadd.s32 $0xFFFFC000  }
0x94: {  	[spmem:s2] =	stream.indirect.scatter.add.f32 [tilespmem:s14], [sflag:$0x3], $0x80, s21, s17, $0xb8;
	[tilespmem:$0x1E400] =	vst v63  }
0x95: {  	_ =	swait.ge [sflag:s15], $0x4000  }
0x96: {  	[sflag:s15] =	ssyncset.done $0x0  }
0x97: {  	[sflag:s15] =	ssyncadd.s32 $0xFFFFC000  }
0x98: {  	_ =	swait.ge [sflag:s20], $0x4000  }
0x99: {  	[sflag:s20] =	ssyncset.done $0x0  }
0x9a: {  	[sflag:s20] =	ssyncadd.s32 $0xFFFFC000  }
0x9b: {  	[spmem:s2] =	stream.indirect.scatter.add.f32 [tilespmem:s18], [sflag:$0x3], $0x80, s22, s17, $0xb8;
	[tilespmem:$0x1E400] =	vst v63  }
0x9c: {  	_ =	swait.ge [sflag:s15], $0x4000  }
0x9d: {  	s28 =	sadd.s32 $0x1, s28;
	[sflag:s15] =	ssyncset.done $0x0  }
0x9e: {  	p0 =	sne.s32 s28, s13;
	[sflag:s15] =	ssyncadd.s32 $0xFFFFC000  }
.Ltmp2:
0x9f: {  	s29 =	sshrl.u32 s6, $0x3;
	[bflag:$0x0] =	sbarrier.arrive $0xFFFF;
	(pc) =	sbr.rel @p0 .LBB2_1-.Ltmp2, $4  }
0xa0: {  	[hbm:s24], [sflag:s25] =	dma.local [spmem:s29], $0x2780  }
0xa1: {  	_ =	swait.ge [sflag:s15], $0x2780  }
0xa2: {  	[sflag:s15] =	ssyncset.done $0x0  }
0xa3: {  	[sflag:s15] =	ssyncadd.s32 $0xFFFFD880  }
0xa4: {  	_ =	sfence.sel $0x180000  }
0xa5: {  	[bflag:$0x0] =	sbarrier.arrive $0xFFFF  }
0xa6: {  	p0 =	sne.s32 s1, $0x0;
	_ =	strace $0x9000004D  }
0xa7: {  	s0 =	sadd.s32 @!p0 $0x100000, s0;
	[bflag:$0x2] =	sbarrier.arrive $0xFFFF  }
0xa8: {  	[sflag:s0] =	ssyncadd.tile.s32 @!p0 $0x1;
	_ =	shalt  }
.Lfunc_end2:
_tile_overlayer_lowered:
.L_overlay_start_2:
0xa9: {  	(tag) =	ssettag $0x2  }
0xaa: {  	s0 =	rddreg [dreg:$0x0];
	s2 =	stileid.u32  }
0xab: {  	s1 =	rddreg [dreg:$0x1];
	p0 =	sne.s32 s2, $0x0  }
0xac: {  	s3 =	rddreg [dreg:$0x2];
	[bflag:$0x3] =	sbarrier.arrive $0xFFFF;
	s2 =	simm.s32 @!p0 $0x1C03  }
0xad: {  	[timem:s3], [sflag:s2] =	dma.local @!p0 [hbm:s0], s1  }
0xae: {  	s0 =	simm.s32 @!p0 $0x3  }
0xaf: {  	_ =	swait.ge @!p0 [sflag:s0], s1  }
0xb0: {  	s1 =	ssub.s32 @!p0 $0x0, s1;
	[sflag:s0] =	ssyncset.done @!p0 $0x0  }
0xb1: {  	[sflag:s0] =	ssyncadd.s32 @!p0 s1  }
0xb2: {  	[bflag:$0x3] =	sbarrier.arrive $0xFFFF  }
0xb3: {  	_ =	shalt  }

// kernel: kernel.22.cloned.1.call-start
scs
__scs_entry_jumppad:
0x0: {  	(pc) =	sbr.rel $0x88, $3  }
0x1: {  	(tag) =	ssettag $0x0;
	lr =	simm.s32 $0x1  }
0x2: {  	[smem:$0x3F94] =	sst lr;
	_ =	strace $0xD0000000  }
0x3: {  	_ = 	snop  }
0x4: {  	_ = 	snop  }
0x5: {  	_ = 	snop  }
0x6: {  	_ = 	snop  }
0x7: {  	_ = 	snop  }
__scs_overlays_trampoline_lowered:
0x8: {  	[smem:$0x3FA3] =	sst s0  }
0x9: {  	[smem:$0x3FA4] =	sst s1  }
0xa: {  	[smem:$0x3FA5] =	sst s2  }
0xb: {  	[smem:$0x3FA6] =	sst s3  }
0xc: {  	[smem:$0x3FA7] =	sst s4  }
0xd: {  	[smem:$0x3FA8] =	sst s5  }
0xe: {  	[smem:$0x3FA9] =	sst s6  }
0xf: {  	[smem:$0x3FAA] =	sst s7  }
0x10: {  	[smem:$0x3FAB] =	sst s8  }
0x11: {  	[smem:$0x3FAC] =	sst s9;
	s0 =	simm.s32 @!p0 $0x0  }
0x12: {  	s1 =	sld [smem:$0x3F92];
	s0 =	simm.s32 @p0 $0x1  }
0x13: {  	[smem:$0x3FAD] =	sst s0;
	s0 =	simm.s32 @!p1 $0x0  }
0x14: {  	s2 =	sld [smem:$0x3F91];
	s0 =	simm.s32 @p1 $0x1  }
0x15: {  	[smem:$0x3FAE] =	sst s0;
	s0 =	simm.s32 @!p2 $0x0  }
0x16: {  	s3 =	sld [smem:$0x3FDB];
	s0 =	simm.s32 @p2 $0x1  }
0x17: {  	s4 =	simm.s32 $0x1BF5;
	[smem:$0x3FB0] =	sst s0  }
0x18: {  	s0 =	sld [smem:$0x3F93];
	_ =	swait.ge [sflag:s4], $0x0  }
0x19: {  	s7 =	sld [smem:$0x3F94]  }
0x1a: {  	s8 =	sadd.s32 $0xFFFFE003, lr  }
0x1b: {  	s9 =	sadd.s32 $0xFFFFFEF7, lr;
	s5 =	simm.s32 $0xFFFFFFFF;
	p2 =	slt.u32 s8, $0xFFFFF086  }
0x1c: {  	p1 =	slt.u32 s9, $0xF7A;
	s5 =	simm.s32 @!p2 $0x0  }
0x1d: {  	s5 =	simm.s32 @p1 $0x1;
	p0 =	seq.s32 s7, s2  }
0x1e: {  	s7 =	smul.u32 @!p0 $0xF7A, s2;
	p2 =	seq.s32 @!p0 s5, $0x0  }
0x1f: {  	s9 =	smul.u32 $0xF7A, s1;
	s8 =	simm.s32 @!p0 $0x1BF5;
	p2 =	por !p2, p0  }
0x20: {  	[sflag:s8] =	ssyncset.s32 @!p0 $0xFFFFF086;
	s6 =	sadd.s32 @!p0 s3, s7;
	s7 =	simm.s32 @!p0 $0x108  }
0x21: {  	s3 =	sadd.s32 s3, s9;
	s6 =	sadd.s32 @!p0 $0x88, s6;
	s7 =	simm.s32 @p2 $0x1082  }
0x22: {  	[simem:s7], [sflag:s8] =	dma.local @!p0 [hbm:s6], $0xF7A  }
0x23: {  	s9 =	sor.u32 $0xD0000000, s2;
	s6 =	simm.s32 $0x108;
	_ =	swait.ge @!p0 [sflag:s8], $0x0  }
0x24: {  	s3 =	sadd.s32 $0x88, s3;
	s6 =	simm.s32 @!p1 $0x1082;
	[sflag:s4] =	ssyncset.s32 $0xFFFFF086  }
0x25: {  	[simem:s6], [sflag:s4] =	dma.local [hbm:s3], $0xF7A  }
0x26: {  	[smem:$0x3F94] =	sst s1;
	(tag) =	ssettag s2;
	_ =	strace s9  }
0x27: {  	s1 =	sld [smem:$0x3FA4]  }
0x28: {  	s2 =	sld [smem:$0x3FA5]  }
0x29: {  	s4 =	sld [smem:$0x3FA7]  }
0x2a: {  	p0 =	seq.s32 s5, $0x0;
	s5 =	sld [smem:$0x3FA8]  }
0x2b: {  	s6 =	sld [smem:$0x3FA9]  }
0x2c: {  	s7 =	sld [smem:$0x3FAA]  }
0x2d: {  	s3 =	simm.s32 $0x108;
	s8 =	sld [smem:$0x3FAB]  }
0x2e: {  	s3 =	simm.s32 @!p0 $0x1082;
	s9 =	sld [smem:$0x3FAC]  }
0x2f: {  	lr =	sadd.s32 s0, s3;
	s0 =	sld [smem:$0x3FA3]  }
0x30: {  	s3 =	sld [smem:$0x3FA6]  }
0x31: {  	[smem:$0x3FAF] =	sst s10  }
0x32: {  	s10 =	sld [smem:$0x3FAD];
	_ =	sdelay $0x3  }
0x33: {  	p0 =	seq.s32 s10, $0x1;
	s10 =	sld [smem:$0x3FAF];
	_ =	sdelay $0x3  }
0x34: {  	[smem:$0x3FAF] =	sst s10  }
0x35: {  	s10 =	sld [smem:$0x3FAE];
	_ =	sdelay $0x3  }
0x36: {  	p1 =	seq.s32 s10, $0x1;
	s10 =	sld [smem:$0x3FAF];
	_ =	sdelay $0x3  }
0x37: {  	[smem:$0x3FAF] =	sst s10  }
0x38: {  	s10 =	sld [smem:$0x3FB0]  }
0x39: {  	_ = 	snop;
	(pc) =	sbr.ind lr, $3  }
0x3a: {  	_ = 	snop  }
0x3b: {  	_ = 	snop  }
0x3c: {  	p2 =	seq.s32 s10, $0x1;
	s10 =	sld [smem:$0x3FAF]  }
0x3d: {  	_ =	shalt  }
0x3e: {  	_ =	shalt  }
0x3f: {  	_ =	shalt  }
0x40: {  	_ =	shalt  }
0x41: {  	_ =	shalt  }
0x42: {  	_ =	shalt  }
0x43: {  	_ =	shalt  }
0x44: {  	_ =	shalt  }
0x45: {  	_ =	shalt  }
0x46: {  	_ =	shalt  }
0x47: {  	_ =	shalt  }
0x48: {  	_ =	shalt  }
0x49: {  	_ =	shalt  }
0x4a: {  	_ =	shalt  }
0x4b: {  	_ =	shalt  }
0x4c: {  	_ =	shalt  }
0x4d: {  	_ =	shalt  }
0x4e: {  	_ =	shalt  }
0x4f: {  	_ =	shalt  }
0x50: {  	_ =	shalt  }
0x51: {  	_ =	shalt  }
0x52: {  	_ =	shalt  }
0x53: {  	_ =	shalt  }
0x54: {  	_ =	shalt  }
0x55: {  	_ =	shalt  }
0x56: {  	_ =	shalt  }
0x57: {  	_ =	shalt  }
0x58: {  	_ =	shalt  }
0x59: {  	_ =	shalt  }
0x5a: {  	_ =	shalt  }
0x5b: {  	_ =	shalt  }
0x5c: {  	_ =	shalt  }
0x5d: {  	_ =	shalt  }
0x5e: {  	_ =	shalt  }
0x5f: {  	_ =	shalt  }
0x60: {  	_ =	shalt  }
0x61: {  	_ =	shalt  }
0x62: {  	_ =	shalt  }
0x63: {  	_ =	shalt  }
0x64: {  	_ =	shalt  }
0x65: {  	_ =	shalt  }
0x66: {  	_ =	shalt  }
0x67: {  	_ =	shalt  }
0x68: {  	_ =	shalt  }
0x69: {  	_ =	shalt  }
0x6a: {  	_ =	shalt  }
0x6b: {  	_ =	shalt  }
0x6c: {  	_ =	shalt  }
0x6d: {  	_ =	shalt  }
0x6e: {  	_ =	shalt  }
0x6f: {  	_ =	shalt  }
0x70: {  	_ =	shalt  }
0x71: {  	_ =	shalt  }
0x72: {  	_ =	shalt  }
0x73: {  	_ =	shalt  }
0x74: {  	_ =	shalt  }
0x75: {  	_ =	shalt  }
0x76: {  	_ =	shalt  }
0x77: {  	_ =	shalt  }
0x78: {  	_ =	shalt  }
0x79: {  	_ =	shalt  }
0x7a: {  	_ =	shalt  }
0x7b: {  	_ =	shalt  }
0x7c: {  	_ =	shalt  }
0x7d: {  	_ =	shalt  }
0x7e: {  	_ =	shalt  }
0x7f: {  	_ =	shalt  }
0x80: {  	_ =	shalt  }
0x81: {  	_ =	shalt  }
0x82: {  	_ =	shalt  }
0x83: {  	_ =	shalt  }
0x84: {  	_ =	shalt  }
0x85: {  	_ =	shalt  }
0x86: {  	_ =	shalt  }
0x87: {  	_ =	shalt  }
.Lfunc_end0:
.L_simem_size_0:
called_computation.3_lowered:
.L_overlay_start_0:
0x88: {  	s2 =	sld [smem:$0x3FD9]  }
0x89: {  	s3 =	sld [smem:$0x3FFE];
	_ =	sdelay $0x1  }
0x8a: {  	s1 =	srdreg.scid  }
0x8b: {  	s0 =	sand.u32 $0x1, s1  }
0x8c: {  	s17 =	sshll.u32 s0, $0xA;
	s2 =	sadd.s32 s3, s2  }
0x8d: {  	s2 =	sadd.s32 s2, s17  }
0x8e: {  	[smem:$0x3FBB] =	sst s2  }
0x8f: {  	_ = 	snop  }
0x90: {  	s2 =	sld [smem:$0x3FD0];
	(tm) =	ssettm $0x1  }
0x91: {  	s18 =	sld [smem:$0x3FFB];
	_ =	sdelay $0x3  }
0x92: {  	_ =	strace s18  }
0x93: {  	s3 =	sld [smem:$0x3FFC];
	_ =	sdelay $0x3  }
0x94: {  	_ =	strace s3  }
0x95: {  	s3 =	sld [smem:$0x3FFD];
	_ =	sdelay $0x3  }
0x96: {  	_ =	strace s3  }
0x97: {  	_ =	strace $0x8FFFFFFF  }
0x98: {  	s19 =	sld [smem:$0x3FDB];
	_ =	sdelay $0x1  }
0x99: {  	s4 =	simm.s32 $_scs_section_size  }
0x9a: {  	s5 =	simm.s32 $_size__tile_overlayer_lowered;
	s6 =	simm.s32 $_tile_overlayer_lowered  }
0x9b: {  	s22 =	simm.s32 $0x1BFF;
	s21 =	sshll.u32 s6, $0x1;
	s3 =	sadd.s32 s4, s19  }
0x9c: {  	s7 =	simm.s32 $0x0;
	s20 =	sshll.u32 s5, $0x1;
	s5 =	sadd.s32 s21, s3  }
0x9d: {  	[timem:s7], [sflag:s22] =	dma.local [hbm:s5], s20  }
0x9e: {  	_ =	swait.ge [sflag:s22], s20  }
0x9f: {  	s4 =	ssub.s32 $0x0, s20;
	[sflag:s22] =	ssyncset.done $0x0  }
0xa0: {  	[sflag:s22] =	ssyncadd.s32 s4;
	_ =	sdelay $0x1  }
0xa1: {  	s23 =	simm.s32 $0x1B8B  }
0xa2: {  	_ =	swait.ge [sflag:s23], $0x1  }
0xa3: {  	[sflag:s23] =	ssyncset.done $0x0  }
0xa4: {  	s25 =	simm.s32 $0x1B8E;
	s24 =	sld [smem:$0x3FFE];
	[sflag:s23] =	ssyncadd.s32 $0xFFFFFFFF  }
0xa5: {  	s26 =	simm.s32 $execute0_lowered;
	[smem:$0x3FD2] =	sst s25  }
0xa6: {  	s5 =	sshll.u32 s26, $0x1;
	_ =	strace $0x8000004F;
	[dreg:$0x1] =	wrdreg $0xFFFFFFFF  }
0xa7: {  	s28 =	simm.s32 $_size_execute0_lowered;
	s3 =	sadd.s32 s3, s5;
	[dreg:$0x0] =	wrdreg $0x0  }
0xa8: {  	s5 =	sshll.u32 s28, $0x1;
	[dreg:$0x2] =	wrdreg s3  }
0xa9: {  	[dreg:$0x3] =	wrdreg s5  }
0xaa: {  	[dreg:$0x4] =	wrdreg $0xC0  }
0xab: {  	_ =	task [dreg:s7], $0x5FFFF  }
0xac: {  	[dreg:$0x1] =	wrdreg $0xFFFFFFFF  }
0xad: {  	[dreg:$0x0] =	wrdreg $0x60  }
0xae: {  	[dreg:$0x2] =	wrdreg s24  }
0xaf: {  	[dreg:$0x3] =	wrdreg s2  }
0xb0: {  	[dreg:$0x4] =	wrdreg $0xA8000  }
0xb1: {  	[dreg:$0x5] =	wrdreg $0x9  }
0xb2: {  	_ =	task.clear_ibuf [dreg:s7], $0x6FFFF;
	_ =	strace $0x9000004F  }
0xb3: {  	s29 =	simm.s32 $0x9;
	_ =	strace $0x80000051  }
0xb4: {  	_ =	swait.ge [sflag:s29], $0x1  }
0xb5: {  	[sflag:s29] =	ssyncadd.s32 $0xFFFFFFFF  }
0xb6: {  	_ =	strace $0x90000051  }
0xb7: {  	_ =	sfence  }
0xb8: {  	s30 =	sld [smem:$0x0];
	_ =	sdelay $0x2  }
0xb9: {  	s31 =	sshll.u32 s1, $0xD;
	s1 =	sshrl.u32 s1, $0x2  }
0xba: {  	s3 =	sand.u32 $0x4000, s31;
	s1 =	sadd.s32 s1, s30  }
0xbb: {  	s0 =	sor.u32 s3, s0;
	s1 =	sshll.u32 s1, $0x11  }
0xbc: {  	s0 =	sor.u32 s1, s0  }
0xbd: {  	s0 =	sadd.s32 $0x8F2B, s0  }
0xbe: {  	[sflag:s0] =	ssyncadd.remote.s32 $0x1  }
0xbf: {  	_ =	sfence.sel $0xFFFF  }
0xc0: {  	[dreg:$0x0] =	wrdreg $0xFFFFFFFF;
	(pc) =	sbr.abs _section_cstart, $3  }
0xc1: {  	[dreg:$0x1] =	wrdreg $0xFFFFFFFF  }
0xc2: {  	_ =	task.clear_ibuf [dreg:s7], $0x2FFFF;
	_ =	strace $0x9FFFFFFF  }
0xc3: {  	(tm) =	ssettm $0x7FFFFFFF  }
tec
execute0_lowered:
.L_overlay_start_1:
0x0: {  	(tag) =	ssettag $0x1  }
0x1: {  	s6 =	rddreg [dreg:$0x0]  }
0x2: {  	s0 =	srdreg.scid;
	s12 =	rddreg [dreg:$0x1]  }
0x3: {  	s2 =	rddreg [dreg:$0x2];
	s1 =	stileid.u32;
	s3 =	simm.s32 $0x0  }
0x4: {  	s16 =	simm.s32 $0x1400;
	s17 =	simm.s32 $0x80;
	s18 =	simm.s32 $0x6800  }
0x5: {  	s19 =	simm.s32 $0x1;
	s20 =	simm.s32 $0x2;
	s21 =	simm.s32 $0x2700  }
0x6: {  	s22 =	simm.s32 $0x2780;
	s5 =	sand.u32 $0x1, s0;
	s0 =	rddreg [dreg:$0x3]  }
0x7: {  	s28 =	simm.s32 $0x0;
	[smem:$0x7FF] =	sst s3;
	s7 =	smul.u32 $0x4F000, s1  }
0x8: {  	s25 =	smul.u32 $0x2780, s1;
	s31 =	sshll.u32 s1, $0x6;
	s4 =	sshll.u32 s5, $0x4  }
0x9: {  	_ =	strace $0x80000050;
	s8 =	smul.u32 $0x27800, s5;
	s9 =	ssub.s32 $0x2, s5  }
0xa: {  	s5 =	sadd.s32 $0x5000, s6;
	s4 =	sor.u32 s1, s4;
	s10 =	sshrl.u32 s9, $0x1  }
0xb: {  	s7 =	sshrl.u32 s7, $0x2;
	s13 =	smul.u32 $0x500, s4;
	s14 =	sadd.s32 s8, s6  }
0xc: {  	s4 =	sadd.s32 $0x2CA00, s6;
	s15 =	ssub.s32 s9, s10;
	s24 =	sadd.s32 $0xAD400, s14  }
0xd: {  	s14 =	simm.s32 $0x2800;
	s11 =	sadd.s32 s13, s6;
	s6 =	sadd.s32 s7, s2  }
0xe: {  	s12 =	sadd.s32 s12, s13;
	s13 =	smax.u32 s15, $0x1;
	s15 =	simm.s32 $0x3  }
0xf: {  	s24 =	sadd.s32 s25, s24;
	s25 =	sor.u32 $0x1C03, s31;
	s7 =	sadd.s32 $0x4000, s6  }
0x10: {  	s8 =	sadd.s32 $0x8000, s6;
	s9 =	sadd.s32 $0xC000, s6;
	s11 =	sadd.s32 $0x55000, s11  }
0x11: {  	s10 =	sadd.s32 $0x10000, s6;
	s26 =	sadd.s32 $0x280, s12;
	s23 =	sadd.s32 $0x280, s11  }
.LBB2_1:
0x12: {  	[tilespmem:s14], [sflag:$0x3] =	stream.linear.gather [hbm4b:s5+s3], $0x4000, $0x38;
	[tilespmem:$0x1E400] =	vst v63  }
0x13: {  	_ =	swait.ge [sflag:s15], $0x4000  }
0x14: {  	[sflag:s15] =	ssyncset.done $0x0  }
0x15: {  	[sflag:s15] =	ssyncadd.s32 $0xFFFFC000  }
0x16: {  	[spmem:s6] =	stream.linear.scatter [tilespmem:s14], [sflag:$0x3], $0x4000, $0x38;
	[tilespmem:$0x1E400] =	vst v63  }
0x17: {  	_ =	swait.ge [sflag:s15], $0x4000  }
0x18: {  	[sflag:s15] =	ssyncset.done $0x0  }
0x19: {  	[sflag:s15] =	ssyncadd.s32 $0xFFFFC000  }
0x1a: {  	[spmem:s7] =	stream.linear.scatter [tilespmem:s14], [sflag:$0x3], $0x4000, $0x38;
	[tilespmem:$0x1E400] =	vst v63  }
0x1b: {  	_ =	swait.ge [sflag:s15], $0x4000  }
0x1c: {  	[sflag:s15] =	ssyncset.done $0x0  }
0x1d: {  	[sflag:s15] =	ssyncadd.s32 $0xFFFFC000  }
0x1e: {  	[spmem:s8] =	stream.linear.scatter [tilespmem:s14], [sflag:$0x3], $0x4000, $0x38;
	[tilespmem:$0x1E400] =	vst v63  }
0x1f: {  	_ =	swait.ge [sflag:s15], $0x4000  }
0x20: {  	[sflag:s15] =	ssyncset.done $0x0  }
0x21: {  	[sflag:s15] =	ssyncadd.s32 $0xFFFFC000  }
0x22: {  	[spmem:s9] =	stream.linear.scatter [tilespmem:s14], [sflag:$0x3], $0x4000, $0x38;
	[tilespmem:$0x1E400] =	vst v63  }
0x23: {  	_ =	swait.ge [sflag:s15], $0x4000  }
0x24: {  	[sflag:s15] =	ssyncset.done $0x0  }
0x25: {  	[sflag:s15] =	ssyncadd.s32 $0xFFFFC000  }
0x26: {  	[spmem:s10] =	stream.linear.scatter [tilespmem:s14], [sflag:$0x3], $0x3C00, $0x38;
	[tilespmem:$0x1E400] =	vst v63  }
0x27: {  	_ =	swait.ge [sflag:s15], $0x3C00  }
0x28: {  	[sflag:s15] =	ssyncset.done $0x0  }
0x29: {  	[sflag:s15] =	ssyncadd.s32 $0xFFFFC400  }
0x2a: {  	[bflag:$0x0] =	sbarrier.arrive $0xFFFF  }
0x2b: {  	[tilespmem:s3], [sflag:$0x3] =	stream.linear.gather [hbm4b:s11+s3], $0x1400, $0x38;
	[tilespmem:$0x1E400] =	vst v63  }
0x2c: {  	_ =	swait.ge [sflag:s15], $0x1400  }
0x2d: {  	[sflag:s15] =	ssyncset.done $0x0  }
0x2e: {  	[sflag:s15] =	ssyncadd.s32 $0xFFFFEC00  }
0x2f: {  	[tilespmem:s16], [sflag:$0x3] =	stream.linear.gather [hbm4b:s12+s3], $0x1400, $0x38;
	[tilespmem:$0x1E400] =	vst v63  }
0x30: {  	_ =	swait.ge [sflag:s15], $0x1400  }
0x31: {  	[sflag:s15] =	ssyncset.done $0x0  }
0x32: {  	[sflag:s15] =	ssyncadd.s32 $0xFFFFEC00  }
0x33: {  	[tilespmem:s14], [sflag:$0x1] =	stream.indirect.gather [hbm4b:s4+s17], $0x80, s3, s17, $0xb8;
	[tilespmem:$0x1E400] =	vst v63  }
0x34: {  	_ = 	snop  }
0x35: {  	[tilespmem:s18], [sflag:$0x2] =	stream.indirect.gather [hbm4b:s4+s17], $0x80, s17, s17, $0xb8;
	[tilespmem:$0x1E400] =	vst v63  }
0x36: {  	_ =	swait.ge [sflag:s19], $0x4000  }
0x37: {  	[sflag:s19] =	ssyncset.done $0x0  }
0x38: {  	s29 =	simm.s32 $0x1400;
	[sflag:s19] =	ssyncadd.s32 $0xFFFFC000  }
0x39: {  	[spmem:s2] =	stream.indirect.scatter.add.f32 [tilespmem:s14], [sflag:$0x3], $0x80, s29, s17, $0xb8;
	[tilespmem:$0x1E400] =	vst v63  }
0x3a: {  	_ =	swait.ge [sflag:s15], $0x4000  }
0x3b: {  	[sflag:s15] =	ssyncset.done $0x0  }
0x3c: {  	s29 =	simm.s32 $0x100;
	[sflag:s15] =	ssyncadd.s32 $0xFFFFC000  }
0x3d: {  	[tilespmem:s14], [sflag:$0x1] =	stream.indirect.gather [hbm4b:s4+s17], $0x80, s29, s17, $0xb8;
	[tilespmem:$0x1E400] =	vst v63  }
0x3e: {  	_ =	swait.ge [sflag:s20], $0x4000  }
0x3f: {  	[sflag:s20] =	ssyncset.done $0x0  }
0x40: {  	s29 =	simm.s32 $0x1480;
	[sflag:s20] =	ssyncadd.s32 $0xFFFFC000  }
0x41: {  	[spmem:s2] =	stream.indirect.scatter.add.f32 [tilespmem:s18], [sflag:$0x3], $0x80, s29, s17, $0xb8;
	[tilespmem:$0x1E400] =	vst v63  }
0x42: {  	_ =	swait.ge [sflag:s15], $0x4000  }
0x43: {  	[sflag:s15] =	ssyncset.done $0x0  }
0x44: {  	s30 =	simm.s32 $0x180;
	s29 =	simm.s32 $0x400;
	[sflag:s15] =	ssyncadd.s32 $0xFFFFC000  }
.LBB2_2:
0x45: {  	[tilespmem:s18], [sflag:$0x2] =	stream.indirect.gather [hbm4b:s4+s17], $0x80, s30, s17, $0xb8;
	[tilespmem:$0x1E400] =	vst v63  }
0x46: {  	s30 =	smov.u32 s29  }
0x47: {  	p0 =	sne.s32 s29, $0x4800;
	s29 =	sadd.s32 $0x400, s29;
	_ =	swait.ge [sflag:s19], $0x4000  }
0x48: {  	s30 =	sshra.s32 s30, $0x2;
	[sflag:s19] =	ssyncset.done $0x0  }
0x49: {  	s31 =	sadd.s32 $0x1400, s30;
	[sflag:s19] =	ssyncadd.s32 $0xFFFFC000  }
0x4a: {  	[spmem:s2] =	stream.indirect.scatter.add.f32 [tilespmem:s14], [sflag:$0x3], $0x80, s31, s17, $0xb8;
	[tilespmem:$0x1E400] =	vst v63  }
0x4b: {  	_ =	swait.ge [sflag:s15], $0x4000  }
0x4c: {  	[sflag:s15] =	ssyncset.done $0x0  }
0x4d: {  	s31 =	sadd.s32 $0x100, s30;
	[sflag:s15] =	ssyncadd.s32 $0xFFFFC000  }
0x4e: {  	[tilespmem:s14], [sflag:$0x1] =	stream.indirect.gather [hbm4b:s4+s17], $0x80, s31, s17, $0xb8;
	[tilespmem:$0x1E400] =	vst v63  }
0x4f: {  	_ =	swait.ge [sflag:s20], $0x4000  }
0x50: {  	[sflag:s20] =	ssyncset.done $0x0  }
.Ltmp0:
0x51: {  	s31 =	sadd.s32 $0x1480, s30;
	[sflag:s20] =	ssyncadd.s32 $0xFFFFC000;
	(pc) =	sbr.rel @p0 .LBB2_2-.Ltmp0, $4  }
0x52: {  	[spmem:s2] =	stream.indirect.scatter.add.f32 [tilespmem:s18], [sflag:$0x3], $0x80, s31, s17, $0xb8;
	[tilespmem:$0x1E400] =	vst v63  }
0x53: {  	_ =	swait.ge [sflag:s15], $0x4000  }
0x54: {  	[sflag:s15] =	ssyncset.done $0x0  }
0x55: {  	s30 =	sadd.s32 $0x180, s30;
	[sflag:s15] =	ssyncadd.s32 $0xFFFFC000  }
0x56: {  	[tilespmem:s18], [sflag:$0x2] =	stream.indirect.gather [hbm4b:s4+s17], $0x80, s30, s17, $0xb8;
	[tilespmem:$0x1E400] =	vst v63  }
0x57: {  	_ =	swait.ge [sflag:s19], $0x4000  }
0x58: {  	[sflag:s19] =	ssyncset.done $0x0  }
0x59: {  	[sflag:s19] =	ssyncadd.s32 $0xFFFFC000  }
0x5a: {  	[spmem:s2] =	stream.indirect.scatter.add.f32 [tilespmem:s14], [sflag:$0x3], $0x80, s21, s17, $0xb8;
	[tilespmem:$0x1E400] =	vst v63  }
0x5b: {  	_ =	swait.ge [sflag:s15], $0x4000  }
0x5c: {  	[sflag:s15] =	ssyncset.done $0x0  }
0x5d: {  	[sflag:s15] =	ssyncadd.s32 $0xFFFFC000  }
0x5e: {  	_ =	swait.ge [sflag:s20], $0x4000  }
0x5f: {  	[sflag:s20] =	ssyncset.done $0x0  }
0x60: {  	[sflag:s20] =	ssyncadd.s32 $0xFFFFC000  }
0x61: {  	[spmem:s2] =	stream.indirect.scatter.add.f32 [tilespmem:s18], [sflag:$0x3], $0x80, s22, s17, $0xb8;
	[tilespmem:$0x1E400] =	vst v63  }
0x62: {  	_ =	swait.ge [sflag:s15], $0x4000  }
0x63: {  	[sflag:s15] =	ssyncset.done $0x0  }
0x64: {  	s29 =	simm.s32 $0x0;
	[sflag:s15] =	ssyncadd.s32 $0xFFFFC000  }
0x65: {  	[tilespmem:s29], [sflag:$0x3] =	stream.linear.gather [hbm4b:s23+s29], $0x1400, $0x38;
	[tilespmem:$0x1E400] =	vst v63  }
0x66: {  	_ =	swait.ge [sflag:s15], $0x1400  }
0x67: {  	[sflag:s15] =	ssyncset.done $0x0  }
0x68: {  	[sflag:s15] =	ssyncadd.s32 $0xFFFFEC00  }
0x69: {  	[tilespmem:s16], [sflag:$0x3] =	stream.linear.gather [hbm4b:s26+s29], $0x1400, $0x38;
	[tilespmem:$0x1E400] =	vst v63  }
0x6a: {  	_ =	swait.ge [sflag:s15], $0x1400  }
0x6b: {  	[sflag:s15] =	ssyncset.done $0x0  }
0x6c: {  	[sflag:s15] =	ssyncadd.s32 $0xFFFFEC00  }
0x6d: {  	[tilespmem:s14], [sflag:$0x1] =	stream.indirect.gather [hbm4b:s4+s17], $0x80, s29, s17, $0xb8;
	[tilespmem:$0x1E400] =	vst v63  }
0x6e: {  	_ = 	snop  }
0x6f: {  	[tilespmem:s18], [sflag:$0x2] =	stream.indirect.gather [hbm4b:s4+s17], $0x80, s17, s17, $0xb8;
	[tilespmem:$0x1E400] =	vst v63  }
0x70: {  	_ =	swait.ge [sflag:s19], $0x4000  }
0x71: {  	[sflag:s19] =	ssyncset.done $0x0  }
0x72: {  	s29 =	simm.s32 $0x1400;
	[sflag:s19] =	ssyncadd.s32 $0xFFFFC000  }
0x73: {  	[spmem:s2] =	stream.indirect.scatter.add.f32 [tilespmem:s14], [sflag:$0x3], $0x80, s29, s17, $0xb8;
	[tilespmem:$0x1E400] =	vst v63  }
0x74: {  	_ =	swait.ge [sflag:s15], $0x4000  }
0x75: {  	[sflag:s15] =	ssyncset.done $0x0  }
0x76: {  	s29 =	simm.s32 $0x100;
	[sflag:s15] =	ssyncadd.s32 $0xFFFFC000  }
0x77: {  	[tilespmem:s14], [sflag:$0x1] =	stream.indirect.gather [hbm4b:s4+s17], $0x80, s29, s17, $0xb8;
	[tilespmem:$0x1E400] =	vst v63  }
0x78: {  	_ =	swait.ge [sflag:s20], $0x4000  }
0x79: {  	[sflag:s20] =	ssyncset.done $0x0  }
0x7a: {  	s29 =	simm.s32 $0x1480;
	[sflag:s20] =	ssyncadd.s32 $0xFFFFC000  }
0x7b: {  	[spmem:s2] =	stream.indirect.scatter.add.f32 [tilespmem:s18], [sflag:$0x3], $0x80, s29, s17, $0xb8;
	[tilespmem:$0x1E400] =	vst v63  }
0x7c: {  	_ =	swait.ge [sflag:s15], $0x4000  }
0x7d: {  	[sflag:s15] =	ssyncset.done $0x0  }
0x7e: {  	s30 =	simm.s32 $0x180;
	s29 =	simm.s32 $0x400;
	[sflag:s15] =	ssyncadd.s32 $0xFFFFC000  }
.LBB2_4:
0x7f: {  	[tilespmem:s18], [sflag:$0x2] =	stream.indirect.gather [hbm4b:s4+s17], $0x80, s30, s17, $0xb8;
	[tilespmem:$0x1E400] =	vst v63  }
0x80: {  	s30 =	smov.u32 s29  }
0x81: {  	p0 =	sne.s32 s29, $0x4800;
	s29 =	sadd.s32 $0x400, s29;
	_ =	swait.ge [sflag:s19], $0x4000  }
0x82: {  	s30 =	sshra.s32 s30, $0x2;
	[sflag:s19] =	ssyncset.done $0x0  }
0x83: {  	s31 =	sadd.s32 $0x1400, s30;
	[sflag:s19] =	ssyncadd.s32 $0xFFFFC000  }
0x84: {  	[spmem:s2] =	stream.indirect.scatter.add.f32 [tilespmem:s14], [sflag:$0x3], $0x80, s31, s17, $0xb8;
	[tilespmem:$0x1E400] =	vst v63  }
0x85: {  	_ =	swait.ge [sflag:s15], $0x4000  }
0x86: {  	[sflag:s15] =	ssyncset.done $0x0  }
0x87: {  	s31 =	sadd.s32 $0x100, s30;
	[sflag:s15] =	ssyncadd.s32 $0xFFFFC000  }
0x88: {  	[tilespmem:s14], [sflag:$0x1] =	stream.indirect.gather [hbm4b:s4+s17], $0x80, s31, s17, $0xb8;
	[tilespmem:$0x1E400] =	vst v63  }
0x89: {  	_ =	swait.ge [sflag:s20], $0x4000  }
0x8a: {  	[sflag:s20] =	ssyncset.done $0x0  }
.Ltmp1:
0x8b: {  	s31 =	sadd.s32 $0x1480, s30;
	[sflag:s20] =	ssyncadd.s32 $0xFFFFC000;
	(pc) =	sbr.rel @p0 .LBB2_4-.Ltmp1, $4  }
0x8c: {  	[spmem:s2] =	stream.indirect.scatter.add.f32 [tilespmem:s18], [sflag:$0x3], $0x80, s31, s17, $0xb8;
	[tilespmem:$0x1E400] =	vst v63  }
0x8d: {  	_ =	swait.ge [sflag:s15], $0x4000  }
0x8e: {  	[sflag:s15] =	ssyncset.done $0x0  }
0x8f: {  	s30 =	sadd.s32 $0x180, s30;
	[sflag:s15] =	ssyncadd.s32 $0xFFFFC000  }
0x90: {  	[tilespmem:s18], [sflag:$0x2] =	stream.indirect.gather [hbm4b:s4+s17], $0x80, s30, s17, $0xb8;
	[tilespmem:$0x1E400] =	vst v63  }
0x91: {  	_ =	swait.ge [sflag:s19], $0x4000  }
0x92: {  	[sflag:s19] =	ssyncset.done $0x0  }
0x93: {  	[sflag:s19] =	ssyncadd.s32 $0xFFFFC000  }
0x94: {  	[spmem:s2] =	stream.indirect.scatter.add.f32 [tilespmem:s14], [sflag:$0x3], $0x80, s21, s17, $0xb8;
	[tilespmem:$0x1E400] =	vst v63  }
0x95: {  	_ =	swait.ge [sflag:s15], $0x4000  }
0x96: {  	[sflag:s15] =	ssyncset.done $0x0  }
0x97: {  	[sflag:s15] =	ssyncadd.s32 $0xFFFFC000  }
0x98: {  	_ =	swait.ge [sflag:s20], $0x4000  }
0x99: {  	[sflag:s20] =	ssyncset.done $0x0  }
0x9a: {  	[sflag:s20] =	ssyncadd.s32 $0xFFFFC000  }
0x9b: {  	[spmem:s2] =	stream.indirect.scatter.add.f32 [tilespmem:s18], [sflag:$0x3], $0x80, s22, s17, $0xb8;
	[tilespmem:$0x1E400] =	vst v63  }
0x9c: {  	_ =	swait.ge [sflag:s15], $0x4000  }
0x9d: {  	s28 =	sadd.s32 $0x1, s28;
	[sflag:s15] =	ssyncset.done $0x0  }
0x9e: {  	p0 =	sne.s32 s28, s13;
	[sflag:s15] =	ssyncadd.s32 $0xFFFFC000  }
.Ltmp2:
0x9f: {  	s29 =	sshrl.u32 s6, $0x3;
	[bflag:$0x0] =	sbarrier.arrive $0xFFFF;
	(pc) =	sbr.rel @p0 .LBB2_1-.Ltmp2, $4  }
0xa0: {  	[hbm:s24], [sflag:s25] =	dma.local [spmem:s29], $0x2780  }
0xa1: {  	_ =	swait.ge [sflag:s15], $0x2780  }
0xa2: {  	[sflag:s15] =	ssyncset.done $0x0  }
0xa3: {  	[sflag:s15] =	ssyncadd.s32 $0xFFFFD880  }
0xa4: {  	_ =	sfence.sel $0x180000  }
0xa5: {  	[bflag:$0x0] =	sbarrier.arrive $0xFFFF  }
0xa6: {  	p0 =	sne.s32 s1, $0x0;
	_ =	strace $0x90000050  }
0xa7: {  	s0 =	sadd.s32 @!p0 $0x100000, s0;
	[bflag:$0x2] =	sbarrier.arrive $0xFFFF  }
0xa8: {  	[sflag:s0] =	ssyncadd.tile.s32 @!p0 $0x1;
	_ =	shalt  }
.Lfunc_end2:
_tile_overlayer_lowered:
.L_overlay_start_2:
0xa9: {  	(tag) =	ssettag $0x2  }
0xaa: {  	s0 =	rddreg [dreg:$0x0];
	s2 =	stileid.u32  }
0xab: {  	s1 =	rddreg [dreg:$0x1];
	p0 =	sne.s32 s2, $0x0  }
0xac: {  	s3 =	rddreg [dreg:$0x2];
	[bflag:$0x3] =	sbarrier.arrive $0xFFFF;
	s2 =	simm.s32 @!p0 $0x1C03  }
0xad: {  	[timem:s3], [sflag:s2] =	dma.local @!p0 [hbm:s0], s1  }
0xae: {  	s0 =	simm.s32 @!p0 $0x3  }
0xaf: {  	_ =	swait.ge @!p0 [sflag:s0], s1  }
0xb0: {  	s1 =	ssub.s32 @!p0 $0x0, s1;
	[sflag:s0] =	ssyncset.done @!p0 $0x0  }
0xb1: {  	[sflag:s0] =	ssyncadd.s32 @!p0 s1  }
0xb2: {  	[bflag:$0x3] =	sbarrier.arrive $0xFFFF  }
0xb3: {  	_ =	shalt  }

// kernel: kernel.25.cloned.1.call-start
scs
__scs_entry_jumppad:
0x0: {  	(pc) =	sbr.rel $0x88, $3  }
0x1: {  	(tag) =	ssettag $0x0;
	lr =	simm.s32 $0x1  }
0x2: {  	[smem:$0x3F94] =	sst lr;
	_ =	strace $0xD0000000  }
0x3: {  	_ = 	snop  }
0x4: {  	_ = 	snop  }
0x5: {  	_ = 	snop  }
0x6: {  	_ = 	snop  }
0x7: {  	_ = 	snop  }
__scs_overlays_trampoline_lowered:
0x8: {  	[smem:$0x3FA3] =	sst s0  }
0x9: {  	[smem:$0x3FA4] =	sst s1  }
0xa: {  	[smem:$0x3FA5] =	sst s2  }
0xb: {  	[smem:$0x3FA6] =	sst s3  }
0xc: {  	[smem:$0x3FA7] =	sst s4  }
0xd: {  	[smem:$0x3FA8] =	sst s5  }
0xe: {  	[smem:$0x3FA9] =	sst s6  }
0xf: {  	[smem:$0x3FAA] =	sst s7  }
0x10: {  	[smem:$0x3FAB] =	sst s8  }
0x11: {  	[smem:$0x3FAC] =	sst s9;
	s0 =	simm.s32 @!p0 $0x0  }
0x12: {  	s1 =	sld [smem:$0x3F92];
	s0 =	simm.s32 @p0 $0x1  }
0x13: {  	[smem:$0x3FAD] =	sst s0;
	s0 =	simm.s32 @!p1 $0x0  }
0x14: {  	s2 =	sld [smem:$0x3F91];
	s0 =	simm.s32 @p1 $0x1  }
0x15: {  	[smem:$0x3FAE] =	sst s0;
	s0 =	simm.s32 @!p2 $0x0  }
0x16: {  	s3 =	sld [smem:$0x3FDB];
	s0 =	simm.s32 @p2 $0x1  }
0x17: {  	s4 =	simm.s32 $0x1BF5;
	[smem:$0x3FB0] =	sst s0  }
0x18: {  	s0 =	sld [smem:$0x3F93];
	_ =	swait.ge [sflag:s4], $0x0  }
0x19: {  	s7 =	sld [smem:$0x3F94]  }
0x1a: {  	s8 =	sadd.s32 $0xFFFFE003, lr  }
0x1b: {  	s9 =	sadd.s32 $0xFFFFFEF7, lr;
	s5 =	simm.s32 $0xFFFFFFFF;
	p2 =	slt.u32 s8, $0xFFFFF086  }
0x1c: {  	p1 =	slt.u32 s9, $0xF7A;
	s5 =	simm.s32 @!p2 $0x0  }
0x1d: {  	s5 =	simm.s32 @p1 $0x1;
	p0 =	seq.s32 s7, s2  }
0x1e: {  	s7 =	smul.u32 @!p0 $0xF7A, s2;
	p2 =	seq.s32 @!p0 s5, $0x0  }
0x1f: {  	s9 =	smul.u32 $0xF7A, s1;
	s8 =	simm.s32 @!p0 $0x1BF5;
	p2 =	por !p2, p0  }
0x20: {  	[sflag:s8] =	ssyncset.s32 @!p0 $0xFFFFF086;
	s6 =	sadd.s32 @!p0 s3, s7;
	s7 =	simm.s32 @!p0 $0x108  }
0x21: {  	s3 =	sadd.s32 s3, s9;
	s6 =	sadd.s32 @!p0 $0x88, s6;
	s7 =	simm.s32 @p2 $0x1082  }
0x22: {  	[simem:s7], [sflag:s8] =	dma.local @!p0 [hbm:s6], $0xF7A  }
0x23: {  	s9 =	sor.u32 $0xD0000000, s2;
	s6 =	simm.s32 $0x108;
	_ =	swait.ge @!p0 [sflag:s8], $0x0  }
0x24: {  	s3 =	sadd.s32 $0x88, s3;
	s6 =	simm.s32 @!p1 $0x1082;
	[sflag:s4] =	ssyncset.s32 $0xFFFFF086  }
0x25: {  	[simem:s6], [sflag:s4] =	dma.local [hbm:s3], $0xF7A  }
0x26: {  	[smem:$0x3F94] =	sst s1;
	(tag) =	ssettag s2;
	_ =	strace s9  }
0x27: {  	s1 =	sld [smem:$0x3FA4]  }
0x28: {  	s2 =	sld [smem:$0x3FA5]  }
0x29: {  	s4 =	sld [smem:$0x3FA7]  }
0x2a: {  	p0 =	seq.s32 s5, $0x0;
	s5 =	sld [smem:$0x3FA8]  }
0x2b: {  	s6 =	sld [smem:$0x3FA9]  }
0x2c: {  	s7 =	sld [smem:$0x3FAA]  }
0x2d: {  	s3 =	simm.s32 $0x108;
	s8 =	sld [smem:$0x3FAB]  }
0x2e: {  	s3 =	simm.s32 @!p0 $0x1082;
	s9 =	sld [smem:$0x3FAC]  }
0x2f: {  	lr =	sadd.s32 s0, s3;
	s0 =	sld [smem:$0x3FA3]  }
0x30: {  	s3 =	sld [smem:$0x3FA6]  }
0x31: {  	[smem:$0x3FAF] =	sst s10  }
0x32: {  	s10 =	sld [smem:$0x3FAD];
	_ =	sdelay $0x3  }
0x33: {  	p0 =	seq.s32 s10, $0x1;
	s10 =	sld [smem:$0x3FAF];
	_ =	sdelay $0x3  }
0x34: {  	[smem:$0x3FAF] =	sst s10  }
0x35: {  	s10 =	sld [smem:$0x3FAE];
	_ =	sdelay $0x3  }
0x36: {  	p1 =	seq.s32 s10, $0x1;
	s10 =	sld [smem:$0x3FAF];
	_ =	sdelay $0x3  }
0x37: {  	[smem:$0x3FAF] =	sst s10  }
0x38: {  	s10 =	sld [smem:$0x3FB0]  }
0x39: {  	_ = 	snop;
	(pc) =	sbr.ind lr, $3  }
0x3a: {  	_ = 	snop  }
0x3b: {  	_ = 	snop  }
0x3c: {  	p2 =	seq.s32 s10, $0x1;
	s10 =	sld [smem:$0x3FAF]  }
0x3d: {  	_ =	shalt  }
0x3e: {  	_ =	shalt  }
0x3f: {  	_ =	shalt  }
0x40: {  	_ =	shalt  }
0x41: {  	_ =	shalt  }
0x42: {  	_ =	shalt  }
0x43: {  	_ =	shalt  }
0x44: {  	_ =	shalt  }
0x45: {  	_ =	shalt  }
0x46: {  	_ =	shalt  }
0x47: {  	_ =	shalt  }
0x48: {  	_ =	shalt  }
0x49: {  	_ =	shalt  }
0x4a: {  	_ =	shalt  }
0x4b: {  	_ =	shalt  }
0x4c: {  	_ =	shalt  }
0x4d: {  	_ =	shalt  }
0x4e: {  	_ =	shalt  }
0x4f: {  	_ =	shalt  }
0x50: {  	_ =	shalt  }
0x51: {  	_ =	shalt  }
0x52: {  	_ =	shalt  }
0x53: {  	_ =	shalt  }
0x54: {  	_ =	shalt  }
0x55: {  	_ =	shalt  }
0x56: {  	_ =	shalt  }
0x57: {  	_ =	shalt  }
0x58: {  	_ =	shalt  }
0x59: {  	_ =	shalt  }
0x5a: {  	_ =	shalt  }
0x5b: {  	_ =	shalt  }
0x5c: {  	_ =	shalt  }
0x5d: {  	_ =	shalt  }
0x5e: {  	_ =	shalt  }
0x5f: {  	_ =	shalt  }
0x60: {  	_ =	shalt  }
0x61: {  	_ =	shalt  }
0x62: {  	_ =	shalt  }
0x63: {  	_ =	shalt  }
0x64: {  	_ =	shalt  }
0x65: {  	_ =	shalt  }
0x66: {  	_ =	shalt  }
0x67: {  	_ =	shalt  }
0x68: {  	_ =	shalt  }
0x69: {  	_ =	shalt  }
0x6a: {  	_ =	shalt  }
0x6b: {  	_ =	shalt  }
0x6c: {  	_ =	shalt  }
0x6d: {  	_ =	shalt  }
0x6e: {  	_ =	shalt  }
0x6f: {  	_ =	shalt  }
0x70: {  	_ =	shalt  }
0x71: {  	_ =	shalt  }
0x72: {  	_ =	shalt  }
0x73: {  	_ =	shalt  }
0x74: {  	_ =	shalt  }
0x75: {  	_ =	shalt  }
0x76: {  	_ =	shalt  }
0x77: {  	_ =	shalt  }
0x78: {  	_ =	shalt  }
0x79: {  	_ =	shalt  }
0x7a: {  	_ =	shalt  }
0x7b: {  	_ =	shalt  }
0x7c: {  	_ =	shalt  }
0x7d: {  	_ =	shalt  }
0x7e: {  	_ =	shalt  }
0x7f: {  	_ =	shalt  }
0x80: {  	_ =	shalt  }
0x81: {  	_ =	shalt  }
0x82: {  	_ =	shalt  }
0x83: {  	_ =	shalt  }
0x84: {  	_ =	shalt  }
0x85: {  	_ =	shalt  }
0x86: {  	_ =	shalt  }
0x87: {  	_ =	shalt  }
.Lfunc_end0:
.L_simem_size_0:
called_computation.4_lowered:
.L_overlay_start_0:
0x88: {  	s2 =	sld [smem:$0x3FD9]  }
0x89: {  	s3 =	sld [smem:$0x3FFE];
	_ =	sdelay $0x1  }
0x8a: {  	s1 =	srdreg.scid  }
0x8b: {  	s0 =	sand.u32 $0x1, s1  }
0x8c: {  	s17 =	sshll.u32 s0, $0xA;
	s2 =	sadd.s32 s3, s2  }
0x8d: {  	s2 =	sadd.s32 s2, s17  }
0x8e: {  	[smem:$0x3FBB] =	sst s2  }
0x8f: {  	_ = 	snop  }
0x90: {  	s2 =	sld [smem:$0x3FD0];
	(tm) =	ssettm $0x1  }
0x91: {  	s18 =	sld [smem:$0x3FFB];
	_ =	sdelay $0x3  }
0x92: {  	_ =	strace s18  }
0x93: {  	s3 =	sld [smem:$0x3FFC];
	_ =	sdelay $0x3  }
0x94: {  	_ =	strace s3  }
0x95: {  	s3 =	sld [smem:$0x3FFD];
	_ =	sdelay $0x3  }
0x96: {  	_ =	strace s3  }
0x97: {  	_ =	strace $0x8FFFFFFF  }
0x98: {  	s19 =	sld [smem:$0x3FDB];
	_ =	sdelay $0x1  }
0x99: {  	s4 =	simm.s32 $_scs_section_size  }
0x9a: {  	s5 =	simm.s32 $_size__tile_overlayer_lowered;
	s6 =	simm.s32 $_tile_overlayer_lowered  }
0x9b: {  	s22 =	simm.s32 $0x1BFF;
	s21 =	sshll.u32 s6, $0x1;
	s3 =	sadd.s32 s4, s19  }
0x9c: {  	s7 =	simm.s32 $0x0;
	s20 =	sshll.u32 s5, $0x1;
	s5 =	sadd.s32 s21, s3  }
0x9d: {  	[timem:s7], [sflag:s22] =	dma.local [hbm:s5], s20  }
0x9e: {  	_ =	swait.ge [sflag:s22], s20  }
0x9f: {  	s4 =	ssub.s32 $0x0, s20;
	[sflag:s22] =	ssyncset.done $0x0  }
0xa0: {  	[sflag:s22] =	ssyncadd.s32 s4;
	_ =	sdelay $0x1  }
0xa1: {  	s23 =	simm.s32 $0x1B8B  }
0xa2: {  	_ =	swait.ge [sflag:s23], $0x1  }
0xa3: {  	[sflag:s23] =	ssyncset.done $0x0  }
0xa4: {  	s25 =	simm.s32 $0x1B8E;
	s24 =	sld [smem:$0x3FFE];
	[sflag:s23] =	ssyncadd.s32 $0xFFFFFFFF  }
0xa5: {  	s26 =	simm.s32 $execute0_lowered;
	[smem:$0x3FD2] =	sst s25  }
0xa6: {  	s5 =	sshll.u32 s26, $0x1;
	_ =	strace $0x80000052;
	[dreg:$0x1] =	wrdreg $0xFFFFFFFF  }
0xa7: {  	s28 =	simm.s32 $_size_execute0_lowered;
	s3 =	sadd.s32 s3, s5;
	[dreg:$0x0] =	wrdreg $0x0  }
0xa8: {  	s5 =	sshll.u32 s28, $0x1;
	[dreg:$0x2] =	wrdreg s3  }
0xa9: {  	[dreg:$0x3] =	wrdreg s5  }
0xaa: {  	[dreg:$0x4] =	wrdreg $0xC0  }
0xab: {  	_ =	task [dreg:s7], $0x5FFFF  }
0xac: {  	[dreg:$0x1] =	wrdreg $0xFFFFFFFF  }
0xad: {  	[dreg:$0x0] =	wrdreg $0x60  }
0xae: {  	[dreg:$0x2] =	wrdreg s24  }
0xaf: {  	[dreg:$0x3] =	wrdreg s2  }
0xb0: {  	[dreg:$0x4] =	wrdreg $0xA8000  }
0xb1: {  	[dreg:$0x5] =	wrdreg $0x9  }
0xb2: {  	_ =	task.clear_ibuf [dreg:s7], $0x6FFFF;
	_ =	strace $0x90000052  }
0xb3: {  	s29 =	simm.s32 $0x9;
	_ =	strace $0x80000054  }
0xb4: {  	_ =	swait.ge [sflag:s29], $0x1  }
0xb5: {  	[sflag:s29] =	ssyncadd.s32 $0xFFFFFFFF  }
0xb6: {  	_ =	strace $0x90000054  }
0xb7: {  	_ =	sfence  }
0xb8: {  	s30 =	sld [smem:$0x0];
	_ =	sdelay $0x2  }
0xb9: {  	s31 =	sshll.u32 s1, $0xD;
	s1 =	sshrl.u32 s1, $0x2  }
0xba: {  	s3 =	sand.u32 $0x4000, s31;
	s1 =	sadd.s32 s1, s30  }
0xbb: {  	s0 =	sor.u32 s3, s0;
	s1 =	sshll.u32 s1, $0x11  }
0xbc: {  	s0 =	sor.u32 s1, s0  }
0xbd: {  	s0 =	sadd.s32 $0x8F2B, s0  }
0xbe: {  	[sflag:s0] =	ssyncadd.remote.s32 $0x1  }
0xbf: {  	_ =	sfence.sel $0xFFFF  }
0xc0: {  	[dreg:$0x0] =	wrdreg $0xFFFFFFFF;
	(pc) =	sbr.abs _section_cstart, $3  }
0xc1: {  	[dreg:$0x1] =	wrdreg $0xFFFFFFFF  }
0xc2: {  	_ =	task.clear_ibuf [dreg:s7], $0x2FFFF;
	_ =	strace $0x9FFFFFFF  }
0xc3: {  	(tm) =	ssettm $0x7FFFFFFF  }
tec
execute0_lowered:
.L_overlay_start_1:
0x0: {  	(tag) =	ssettag $0x1  }
0x1: {  	s6 =	rddreg [dreg:$0x0]  }
0x2: {  	s0 =	srdreg.scid;
	s12 =	rddreg [dreg:$0x1]  }
0x3: {  	s2 =	rddreg [dreg:$0x2];
	s1 =	stileid.u32;
	s3 =	simm.s32 $0x0  }
0x4: {  	s16 =	simm.s32 $0x1400;
	s17 =	simm.s32 $0x80;
	s18 =	simm.s32 $0x6800  }
0x5: {  	s19 =	simm.s32 $0x1;
	s20 =	simm.s32 $0x2;
	s21 =	simm.s32 $0x2700  }
0x6: {  	s22 =	simm.s32 $0x2780;
	s5 =	sand.u32 $0x1, s0;
	s0 =	rddreg [dreg:$0x3]  }
0x7: {  	s28 =	simm.s32 $0x0;
	[smem:$0x7FF] =	sst s3;
	s7 =	smul.u32 $0x4F000, s1  }
0x8: {  	s25 =	smul.u32 $0x2780, s1;
	s31 =	sshll.u32 s1, $0x6;
	s4 =	sshll.u32 s5, $0x4  }
0x9: {  	_ =	strace $0x80000053;
	s8 =	smul.u32 $0x27800, s5;
	s9 =	ssub.s32 $0x2, s5  }
0xa: {  	s5 =	sadd.s32 $0x5000, s6;
	s4 =	sor.u32 s1, s4;
	s10 =	sshrl.u32 s9, $0x1  }
0xb: {  	s7 =	sshrl.u32 s7, $0x2;
	s13 =	smul.u32 $0x500, s4;
	s14 =	sadd.s32 s8, s6  }
0xc: {  	s4 =	sadd.s32 $0x2CA00, s6;
	s15 =	ssub.s32 s9, s10;
	s24 =	sadd.s32 $0x5F000, s14  }
0xd: {  	s14 =	simm.s32 $0x2800;
	s11 =	sadd.s32 s13, s6;
	s6 =	sadd.s32 s7, s2  }
0xe: {  	s12 =	sadd.s32 s12, s13;
	s13 =	smax.u32 s15, $0x1;
	s15 =	simm.s32 $0x3  }
0xf: {  	s24 =	sadd.s32 s25, s24;
	s25 =	sor.u32 $0x1C03, s31;
	s7 =	sadd.s32 $0x4000, s6  }
0x10: {  	s8 =	sadd.s32 $0x8000, s6;
	s9 =	sadd.s32 $0xC000, s6;
	s11 =	sadd.s32 $0x55000, s11  }
0x11: {  	s10 =	sadd.s32 $0x10000, s6;
	s26 =	sadd.s32 $0x280, s12;
	s23 =	sadd.s32 $0x280, s11  }
.LBB2_1:
0x12: {  	[tilespmem:s14], [sflag:$0x3] =	stream.linear.gather [hbm4b:s5+s3], $0x4000, $0x38;
	[tilespmem:$0x1E400] =	vst v63  }
0x13: {  	_ =	swait.ge [sflag:s15], $0x4000  }
0x14: {  	[sflag:s15] =	ssyncset.done $0x0  }
0x15: {  	[sflag:s15] =	ssyncadd.s32 $0xFFFFC000  }
0x16: {  	[spmem:s6] =	stream.linear.scatter [tilespmem:s14], [sflag:$0x3], $0x4000, $0x38;
	[tilespmem:$0x1E400] =	vst v63  }
0x17: {  	_ =	swait.ge [sflag:s15], $0x4000  }
0x18: {  	[sflag:s15] =	ssyncset.done $0x0  }
0x19: {  	[sflag:s15] =	ssyncadd.s32 $0xFFFFC000  }
0x1a: {  	[spmem:s7] =	stream.linear.scatter [tilespmem:s14], [sflag:$0x3], $0x4000, $0x38;
	[tilespmem:$0x1E400] =	vst v63  }
0x1b: {  	_ =	swait.ge [sflag:s15], $0x4000  }
0x1c: {  	[sflag:s15] =	ssyncset.done $0x0  }
0x1d: {  	[sflag:s15] =	ssyncadd.s32 $0xFFFFC000  }
0x1e: {  	[spmem:s8] =	stream.linear.scatter [tilespmem:s14], [sflag:$0x3], $0x4000, $0x38;
	[tilespmem:$0x1E400] =	vst v63  }
0x1f: {  	_ =	swait.ge [sflag:s15], $0x4000  }
0x20: {  	[sflag:s15] =	ssyncset.done $0x0  }
0x21: {  	[sflag:s15] =	ssyncadd.s32 $0xFFFFC000  }
0x22: {  	[spmem:s9] =	stream.linear.scatter [tilespmem:s14], [sflag:$0x3], $0x4000, $0x38;
	[tilespmem:$0x1E400] =	vst v63  }
0x23: {  	_ =	swait.ge [sflag:s15], $0x4000  }
0x24: {  	[sflag:s15] =	ssyncset.done $0x0  }
0x25: {  	[sflag:s15] =	ssyncadd.s32 $0xFFFFC000  }
0x26: {  	[spmem:s10] =	stream.linear.scatter [tilespmem:s14], [sflag:$0x3], $0x3C00, $0x38;
	[tilespmem:$0x1E400] =	vst v63  }
0x27: {  	_ =	swait.ge [sflag:s15], $0x3C00  }
0x28: {  	[sflag:s15] =	ssyncset.done $0x0  }
0x29: {  	[sflag:s15] =	ssyncadd.s32 $0xFFFFC400  }
0x2a: {  	[bflag:$0x0] =	sbarrier.arrive $0xFFFF  }
0x2b: {  	[tilespmem:s3], [sflag:$0x3] =	stream.linear.gather [hbm4b:s11+s3], $0x1400, $0x38;
	[tilespmem:$0x1E400] =	vst v63  }
0x2c: {  	_ =	swait.ge [sflag:s15], $0x1400  }
0x2d: {  	[sflag:s15] =	ssyncset.done $0x0  }
0x2e: {  	[sflag:s15] =	ssyncadd.s32 $0xFFFFEC00  }
0x2f: {  	[tilespmem:s16], [sflag:$0x3] =	stream.linear.gather [hbm4b:s12+s3], $0x1400, $0x38;
	[tilespmem:$0x1E400] =	vst v63  }
0x30: {  	_ =	swait.ge [sflag:s15], $0x1400  }
0x31: {  	[sflag:s15] =	ssyncset.done $0x0  }
0x32: {  	[sflag:s15] =	ssyncadd.s32 $0xFFFFEC00  }
0x33: {  	[tilespmem:s14], [sflag:$0x1] =	stream.indirect.gather [hbm4b:s4+s17], $0x80, s3, s17, $0xb8;
	[tilespmem:$0x1E400] =	vst v63  }
0x34: {  	_ = 	snop  }
0x35: {  	[tilespmem:s18], [sflag:$0x2] =	stream.indirect.gather [hbm4b:s4+s17], $0x80, s17, s17, $0xb8;
	[tilespmem:$0x1E400] =	vst v63  }
0x36: {  	_ =	swait.ge [sflag:s19], $0x4000  }
0x37: {  	[sflag:s19] =	ssyncset.done $0x0  }
0x38: {  	s29 =	simm.s32 $0x1400;
	[sflag:s19] =	ssyncadd.s32 $0xFFFFC000  }
0x39: {  	[spmem:s2] =	stream.indirect.scatter.add.f32 [tilespmem:s14], [sflag:$0x3], $0x80, s29, s17, $0xb8;
	[tilespmem:$0x1E400] =	vst v63  }
0x3a: {  	_ =	swait.ge [sflag:s15], $0x4000  }
0x3b: {  	[sflag:s15] =	ssyncset.done $0x0  }
0x3c: {  	s29 =	simm.s32 $0x100;
	[sflag:s15] =	ssyncadd.s32 $0xFFFFC000  }
0x3d: {  	[tilespmem:s14], [sflag:$0x1] =	stream.indirect.gather [hbm4b:s4+s17], $0x80, s29, s17, $0xb8;
	[tilespmem:$0x1E400] =	vst v63  }
0x3e: {  	_ =	swait.ge [sflag:s20], $0x4000  }
0x3f: {  	[sflag:s20] =	ssyncset.done $0x0  }
0x40: {  	s29 =	simm.s32 $0x1480;
	[sflag:s20] =	ssyncadd.s32 $0xFFFFC000  }
0x41: {  	[spmem:s2] =	stream.indirect.scatter.add.f32 [tilespmem:s18], [sflag:$0x3], $0x80, s29, s17, $0xb8;
	[tilespmem:$0x1E400] =	vst v63  }
0x42: {  	_ =	swait.ge [sflag:s15], $0x4000  }
0x43: {  	[sflag:s15] =	ssyncset.done $0x0  }
0x44: {  	s30 =	simm.s32 $0x180;
	s29 =	simm.s32 $0x400;
	[sflag:s15] =	ssyncadd.s32 $0xFFFFC000  }
.LBB2_2:
0x45: {  	[tilespmem:s18], [sflag:$0x2] =	stream.indirect.gather [hbm4b:s4+s17], $0x80, s30, s17, $0xb8;
	[tilespmem:$0x1E400] =	vst v63  }
0x46: {  	s30 =	smov.u32 s29  }
0x47: {  	p0 =	sne.s32 s29, $0x4800;
	s29 =	sadd.s32 $0x400, s29;
	_ =	swait.ge [sflag:s19], $0x4000  }
0x48: {  	s30 =	sshra.s32 s30, $0x2;
	[sflag:s19] =	ssyncset.done $0x0  }
0x49: {  	s31 =	sadd.s32 $0x1400, s30;
	[sflag:s19] =	ssyncadd.s32 $0xFFFFC000  }
0x4a: {  	[spmem:s2] =	stream.indirect.scatter.add.f32 [tilespmem:s14], [sflag:$0x3], $0x80, s31, s17, $0xb8;
	[tilespmem:$0x1E400] =	vst v63  }
0x4b: {  	_ =	swait.ge [sflag:s15], $0x4000  }
0x4c: {  	[sflag:s15] =	ssyncset.done $0x0  }
0x4d: {  	s31 =	sadd.s32 $0x100, s30;
	[sflag:s15] =	ssyncadd.s32 $0xFFFFC000  }
0x4e: {  	[tilespmem:s14], [sflag:$0x1] =	stream.indirect.gather [hbm4b:s4+s17], $0x80, s31, s17, $0xb8;
	[tilespmem:$0x1E400] =	vst v63  }
0x4f: {  	_ =	swait.ge [sflag:s20], $0x4000  }
0x50: {  	[sflag:s20] =	ssyncset.done $0x0  }
.Ltmp0:
0x51: {  	s31 =	sadd.s32 $0x1480, s30;
	[sflag:s20] =	ssyncadd.s32 $0xFFFFC000;
	(pc) =	sbr.rel @p0 .LBB2_2-.Ltmp0, $4  }
0x52: {  	[spmem:s2] =	stream.indirect.scatter.add.f32 [tilespmem:s18], [sflag:$0x3], $0x80, s31, s17, $0xb8;
	[tilespmem:$0x1E400] =	vst v63  }
0x53: {  	_ =	swait.ge [sflag:s15], $0x4000  }
0x54: {  	[sflag:s15] =	ssyncset.done $0x0  }
0x55: {  	s30 =	sadd.s32 $0x180, s30;
	[sflag:s15] =	ssyncadd.s32 $0xFFFFC000  }
0x56: {  	[tilespmem:s18], [sflag:$0x2] =	stream.indirect.gather [hbm4b:s4+s17], $0x80, s30, s17, $0xb8;
	[tilespmem:$0x1E400] =	vst v63  }
0x57: {  	_ =	swait.ge [sflag:s19], $0x4000  }
0x58: {  	[sflag:s19] =	ssyncset.done $0x0  }
0x59: {  	[sflag:s19] =	ssyncadd.s32 $0xFFFFC000  }
0x5a: {  	[spmem:s2] =	stream.indirect.scatter.add.f32 [tilespmem:s14], [sflag:$0x3], $0x80, s21, s17, $0xb8;
	[tilespmem:$0x1E400] =	vst v63  }
0x5b: {  	_ =	swait.ge [sflag:s15], $0x4000  }
0x5c: {  	[sflag:s15] =	ssyncset.done $0x0  }
0x5d: {  	[sflag:s15] =	ssyncadd.s32 $0xFFFFC000  }
0x5e: {  	_ =	swait.ge [sflag:s20], $0x4000  }
0x5f: {  	[sflag:s20] =	ssyncset.done $0x0  }
0x60: {  	[sflag:s20] =	ssyncadd.s32 $0xFFFFC000  }
0x61: {  	[spmem:s2] =	stream.indirect.scatter.add.f32 [tilespmem:s18], [sflag:$0x3], $0x80, s22, s17, $0xb8;
	[tilespmem:$0x1E400] =	vst v63  }
0x62: {  	_ =	swait.ge [sflag:s15], $0x4000  }
0x63: {  	[sflag:s15] =	ssyncset.done $0x0  }
0x64: {  	s29 =	simm.s32 $0x0;
	[sflag:s15] =	ssyncadd.s32 $0xFFFFC000  }
0x65: {  	[tilespmem:s29], [sflag:$0x3] =	stream.linear.gather [hbm4b:s23+s29], $0x1400, $0x38;
	[tilespmem:$0x1E400] =	vst v63  }
0x66: {  	_ =	swait.ge [sflag:s15], $0x1400  }
0x67: {  	[sflag:s15] =	ssyncset.done $0x0  }
0x68: {  	[sflag:s15] =	ssyncadd.s32 $0xFFFFEC00  }
0x69: {  	[tilespmem:s16], [sflag:$0x3] =	stream.linear.gather [hbm4b:s26+s29], $0x1400, $0x38;
	[tilespmem:$0x1E400] =	vst v63  }
0x6a: {  	_ =	swait.ge [sflag:s15], $0x1400  }
0x6b: {  	[sflag:s15] =	ssyncset.done $0x0  }
0x6c: {  	[sflag:s15] =	ssyncadd.s32 $0xFFFFEC00  }
0x6d: {  	[tilespmem:s14], [sflag:$0x1] =	stream.indirect.gather [hbm4b:s4+s17], $0x80, s29, s17, $0xb8;
	[tilespmem:$0x1E400] =	vst v63  }
0x6e: {  	_ = 	snop  }
0x6f: {  	[tilespmem:s18], [sflag:$0x2] =	stream.indirect.gather [hbm4b:s4+s17], $0x80, s17, s17, $0xb8;
	[tilespmem:$0x1E400] =	vst v63  }
0x70: {  	_ =	swait.ge [sflag:s19], $0x4000  }
0x71: {  	[sflag:s19] =	ssyncset.done $0x0  }
0x72: {  	s29 =	simm.s32 $0x1400;
	[sflag:s19] =	ssyncadd.s32 $0xFFFFC000  }
0x73: {  	[spmem:s2] =	stream.indirect.scatter.add.f32 [tilespmem:s14], [sflag:$0x3], $0x80, s29, s17, $0xb8;
	[tilespmem:$0x1E400] =	vst v63  }
0x74: {  	_ =	swait.ge [sflag:s15], $0x4000  }
0x75: {  	[sflag:s15] =	ssyncset.done $0x0  }
0x76: {  	s29 =	simm.s32 $0x100;
	[sflag:s15] =	ssyncadd.s32 $0xFFFFC000  }
0x77: {  	[tilespmem:s14], [sflag:$0x1] =	stream.indirect.gather [hbm4b:s4+s17], $0x80, s29, s17, $0xb8;
	[tilespmem:$0x1E400] =	vst v63  }
0x78: {  	_ =	swait.ge [sflag:s20], $0x4000  }
0x79: {  	[sflag:s20] =	ssyncset.done $0x0  }
0x7a: {  	s29 =	simm.s32 $0x1480;
	[sflag:s20] =	ssyncadd.s32 $0xFFFFC000  }
0x7b: {  	[spmem:s2] =	stream.indirect.scatter.add.f32 [tilespmem:s18], [sflag:$0x3], $0x80, s29, s17, $0xb8;
	[tilespmem:$0x1E400] =	vst v63  }
0x7c: {  	_ =	swait.ge [sflag:s15], $0x4000  }
0x7d: {  	[sflag:s15] =	ssyncset.done $0x0  }
0x7e: {  	s30 =	simm.s32 $0x180;
	s29 =	simm.s32 $0x400;
	[sflag:s15] =	ssyncadd.s32 $0xFFFFC000  }
.LBB2_4:
0x7f: {  	[tilespmem:s18], [sflag:$0x2] =	stream.indirect.gather [hbm4b:s4+s17], $0x80, s30, s17, $0xb8;
	[tilespmem:$0x1E400] =	vst v63  }
0x80: {  	s30 =	smov.u32 s29  }
0x81: {  	p0 =	sne.s32 s29, $0x4800;
	s29 =	sadd.s32 $0x400, s29;
	_ =	swait.ge [sflag:s19], $0x4000  }
0x82: {  	s30 =	sshra.s32 s30, $0x2;
	[sflag:s19] =	ssyncset.done $0x0  }
0x83: {  	s31 =	sadd.s32 $0x1400, s30;
	[sflag:s19] =	ssyncadd.s32 $0xFFFFC000  }
0x84: {  	[spmem:s2] =	stream.indirect.scatter.add.f32 [tilespmem:s14], [sflag:$0x3], $0x80, s31, s17, $0xb8;
	[tilespmem:$0x1E400] =	vst v63  }
0x85: {  	_ =	swait.ge [sflag:s15], $0x4000  }
0x86: {  	[sflag:s15] =	ssyncset.done $0x0  }
0x87: {  	s31 =	sadd.s32 $0x100, s30;
	[sflag:s15] =	ssyncadd.s32 $0xFFFFC000  }
0x88: {  	[tilespmem:s14], [sflag:$0x1] =	stream.indirect.gather [hbm4b:s4+s17], $0x80, s31, s17, $0xb8;
	[tilespmem:$0x1E400] =	vst v63  }
0x89: {  	_ =	swait.ge [sflag:s20], $0x4000  }
0x8a: {  	[sflag:s20] =	ssyncset.done $0x0  }
.Ltmp1:
0x8b: {  	s31 =	sadd.s32 $0x1480, s30;
	[sflag:s20] =	ssyncadd.s32 $0xFFFFC000;
	(pc) =	sbr.rel @p0 .LBB2_4-.Ltmp1, $4  }
0x8c: {  	[spmem:s2] =	stream.indirect.scatter.add.f32 [tilespmem:s18], [sflag:$0x3], $0x80, s31, s17, $0xb8;
	[tilespmem:$0x1E400] =	vst v63  }
0x8d: {  	_ =	swait.ge [sflag:s15], $0x4000  }
0x8e: {  	[sflag:s15] =	ssyncset.done $0x0  }
0x8f: {  	s30 =	sadd.s32 $0x180, s30;
	[sflag:s15] =	ssyncadd.s32 $0xFFFFC000  }
0x90: {  	[tilespmem:s18], [sflag:$0x2] =	stream.indirect.gather [hbm4b:s4+s17], $0x80, s30, s17, $0xb8;
	[tilespmem:$0x1E400] =	vst v63  }
0x91: {  	_ =	swait.ge [sflag:s19], $0x4000  }
0x92: {  	[sflag:s19] =	ssyncset.done $0x0  }
0x93: {  	[sflag:s19] =	ssyncadd.s32 $0xFFFFC000  }
0x94: {  	[spmem:s2] =	stream.indirect.scatter.add.f32 [tilespmem:s14], [sflag:$0x3], $0x80, s21, s17, $0xb8;
	[tilespmem:$0x1E400] =	vst v63  }
0x95: {  	_ =	swait.ge [sflag:s15], $0x4000  }
0x96: {  	[sflag:s15] =	ssyncset.done $0x0  }
0x97: {  	[sflag:s15] =	ssyncadd.s32 $0xFFFFC000  }
0x98: {  	_ =	swait.ge [sflag:s20], $0x4000  }
0x99: {  	[sflag:s20] =	ssyncset.done $0x0  }
0x9a: {  	[sflag:s20] =	ssyncadd.s32 $0xFFFFC000  }
0x9b: {  	[spmem:s2] =	stream.indirect.scatter.add.f32 [tilespmem:s18], [sflag:$0x3], $0x80, s22, s17, $0xb8;
	[tilespmem:$0x1E400] =	vst v63  }
0x9c: {  	_ =	swait.ge [sflag:s15], $0x4000  }
0x9d: {  	s28 =	sadd.s32 $0x1, s28;
	[sflag:s15] =	ssyncset.done $0x0  }
0x9e: {  	p0 =	sne.s32 s28, s13;
	[sflag:s15] =	ssyncadd.s32 $0xFFFFC000  }
.Ltmp2:
0x9f: {  	s29 =	sshrl.u32 s6, $0x3;
	[bflag:$0x0] =	sbarrier.arrive $0xFFFF;
	(pc) =	sbr.rel @p0 .LBB2_1-.Ltmp2, $4  }
0xa0: {  	[hbm:s24], [sflag:s25] =	dma.local [spmem:s29], $0x2780  }
0xa1: {  	_ =	swait.ge [sflag:s15], $0x2780  }
0xa2: {  	[sflag:s15] =	ssyncset.done $0x0  }
0xa3: {  	[sflag:s15] =	ssyncadd.s32 $0xFFFFD880  }
0xa4: {  	_ =	sfence.sel $0x180000  }
0xa5: {  	[bflag:$0x0] =	sbarrier.arrive $0xFFFF  }
0xa6: {  	p0 =	sne.s32 s1, $0x0;
	_ =	strace $0x90000053  }
0xa7: {  	s0 =	sadd.s32 @!p0 $0x100000, s0;
	[bflag:$0x2] =	sbarrier.arrive $0xFFFF  }
0xa8: {  	[sflag:s0] =	ssyncadd.tile.s32 @!p0 $0x1;
	_ =	shalt  }
.Lfunc_end2:
_tile_overlayer_lowered:
.L_overlay_start_2:
0xa9: {  	(tag) =	ssettag $0x2  }
0xaa: {  	s0 =	rddreg [dreg:$0x0];
	s2 =	stileid.u32  }
0xab: {  	s1 =	rddreg [dreg:$0x1];
	p0 =	sne.s32 s2, $0x0  }
0xac: {  	s3 =	rddreg [dreg:$0x2];
	[bflag:$0x3] =	sbarrier.arrive $0xFFFF;
	s2 =	simm.s32 @!p0 $0x1C03  }
0xad: {  	[timem:s3], [sflag:s2] =	dma.local @!p0 [hbm:s0], s1  }
0xae: {  	s0 =	simm.s32 @!p0 $0x3  }
0xaf: {  	_ =	swait.ge @!p0 [sflag:s0], s1  }
0xb0: {  	s1 =	ssub.s32 @!p0 $0x0, s1;
	[sflag:s0] =	ssyncset.done @!p0 $0x0  }
0xb1: {  	[sflag:s0] =	ssyncadd.s32 @!p0 s1  }
0xb2: {  	[bflag:$0x3] =	sbarrier.arrive $0xFFFF  }
0xb3: {  	_ =	shalt  }

</sc_bundles>
